<compile_context>
chip_gen: v7x
topology: tpu7x:2x2x1
jax: 0.10.2.dev20260603
libtpu: 0.0.44.dev20260713+nightly
codegen_flags: <defaults>
</compile_context>

<pallas_src>
import functools

import jax
import jax.numpy as jnp
from jax import lax
from jax.experimental import pallas as pl
from jax.experimental.pallas import tpu as pltpu
from jax.experimental.pallas import tpu_sc as plsc

NB = 1024
SCALE = NB / 16.0
K0 = NB // 2
ROW = 4 * NB
NH = 1
EPS = 1e-6

NC, NS, L = 2, 16, 16
NW = NC * NS

S = 7
B = 8
P = 512 * 512
QS = 4
TASK = P // QS
CH = 8192


def _phase1(logits1, target1):
    mesh = plsc.VectorSubcoreMesh(
        core_axis_name="c", subcore_axis_name="s",
        num_cores=NC, num_subcores=NS)

    nchunk = TASK // CH

    @functools.partial(
        pl.kernel,
        out_type=jax.ShapeDtypeStruct((NW * NH * S * ROW,), jnp.float32),
        mesh=mesh,
        scratch_types=[
            pltpu.VMEM((TASK,), jnp.float32),
            pltpu.VMEM((CH,), jnp.float32),
            pltpu.VMEM((CH,), jnp.float32),
            pltpu.VMEM((NH * S * ROW,), jnp.float32),
            pltpu.SemaphoreType.DMA,
            pltpu.SemaphoreType.DMA,
            pltpu.SemaphoreType.DMA,
        ],
        compiler_params=pltpu.CompilerParams(
            needs_layout_passes=False, use_tc_tiling_on_sc=False),
    )
    def k(log_hbm, tgt_hbm, parts_hbm, tgt_v, buf_a, buf_b, hist,
          sem_t, sem_a, sem_b):
        wid = lax.axis_index("s") * NC + lax.axis_index("c")
        b = wid // QS
        q = wid % QS

        def log_off(s):
            return (s * B + b) * P + q * TASK

        pltpu.async_copy(tgt_hbm.at[pl.ds(b * P + q * TASK, TASK)],
                         tgt_v, sem_t)
        pltpu.async_copy(log_hbm.at[pl.ds(log_off(0), CH)], buf_a, sem_a)

        zero = jnp.zeros((L,), jnp.float32)
        ones = jnp.ones((L,), jnp.float32)

        @plsc.parallel_loop(0, NH * S * ROW, L)
        def _zero_body(kk):
            hist[pl.ds(kk, L)] = zero

        pltpu.make_async_copy(tgt_hbm.at[pl.ds(0, TASK)], tgt_v, sem_t).wait()

        def process(buf, c, s):
            t_base = c * CH

            @plsc.parallel_loop(0, CH, NH * L, unroll=8)
            def _body(i):
                for h in range(NH):
                    base = h * (S * ROW) + s * ROW
                    bias = float(K0 + NB + base)
                    lo = float(base + NB)
                    hi = float(base + 2 * NB - 1)
                    x = buf[pl.ds(i + h * L, L)]
                    t = tgt_v[pl.ds(t_base + i + h * L, L)]
                    e = 1.0 - x * (2.0 * t - 1.0)
                    a = jnp.minimum(jnp.maximum(e * SCALE + bias, lo), hi)
                    ic = (a - t * float(NB)).astype(jnp.int32)
                    plsc.addupdate_scatter(hist, [ic], ones)
                    plsc.addupdate_scatter(hist, [ic + 2 * NB], e)

        for s in range(S):
            def body2(c2, carry, s=s):
                c_even = c2 * 2
                pltpu.make_async_copy(
                    log_hbm.at[pl.ds(0, CH)], buf_a, sem_a).wait()
                pltpu.async_copy(
                    log_hbm.at[pl.ds(log_off(s) + (c_even + 1) * CH, CH)],
                    buf_b, sem_b)
                process(buf_a, c_even, s)
                pltpu.make_async_copy(
                    log_hbm.at[pl.ds(0, CH)], buf_b, sem_b).wait()
                nxt_same = log_off(s) + (c_even + 2) * CH
                nxt_s = log_off(s + 1) if s < S - 1 else log_off(s)
                nxt = jnp.where(c_even + 2 >= nchunk, nxt_s, nxt_same)
                pltpu.async_copy(log_hbm.at[pl.ds(nxt, CH)], buf_a, sem_a)
                process(buf_b, c_even + 1, s)
                return carry

            lax.fori_loop(0, nchunk // 2, body2, 0)

        pltpu.make_async_copy(log_hbm.at[pl.ds(0, CH)], buf_a, sem_a).wait()

        pltpu.sync_copy(
            hist, parts_hbm.at[pl.ds(wid * (NH * S * ROW), NH * S * ROW)])

    return k(logits1, target1)


def _cumsum_last(x):
    n = x.shape[-1]
    sh = 1
    while sh < n:
        shifted = jnp.concatenate(
            [jnp.zeros_like(x[..., :sh]), x[..., :-sh]], axis=-1)
        x = x + shifted
        sh *= 2
    return x


def _finalize(parts):
    def body(p_ref, out_ref):
        xs = jnp.sum(p_ref[...], axis=1)
        Hp = xs[..., 0 * NB:1 * NB]
        Hn = xs[..., 1 * NB:2 * NB]
        Ep = xs[..., 2 * NB:3 * NB]
        En = xs[..., 3 * NB:4 * NB]
        g = jnp.sum(Hp[:, 0, :], axis=-1)[:, None]
        gb = g[:, :, None]
        vmask = (lax.broadcasted_iota(jnp.int32, (1, 1, NB), 2) >= K0
                 ).astype(jnp.float32)
        Epv = Ep * vmask
        Env = En * vmask
        cn = _cumsum_last(Hn)
        cp = _cumsum_last(Hp)
        SAn = cn[..., NB - 1:NB] - cn
        SAp = cp[..., NB - 1:NB] - cp
        inv0 = 1.0 / (gb + SAn + EPS)
        s_pos = jnp.sum(Epv * inv0, axis=-1)
        d = (inv0 - 1.0 / (gb + SAn + Hn + EPS)) / jnp.maximum(Hn, 1.0)
        s_neg = jnp.sum(Env * (gb - SAp - Hp) * d, axis=-1)
        lh = jnp.mean(s_pos + s_neg, axis=0)
        ep = Ep / jnp.maximum(Hp, 1.0)
        en = En / jnp.maximum(Hn, 1.0)
        pp = jnp.sum(Hp * jax.nn.sigmoid(1.0 - ep), axis=-1)
        pn = jnp.sum(Hn * jax.nn.sigmoid(en - 1.0), axis=-1)
        inter = jnp.sum(pp, axis=0)
        probs = inter + jnp.sum(pn, axis=0)
        tsum = jnp.sum(g)
        dl = 1.0 - (2.0 * inter + 1.0) / (probs + tsum + 1.0)
        comb = lh + dl
        comb = jnp.where(jnp.isnan(comb) | jnp.isinf(comb), 0.0, comb)
        out_ref[...] = (jnp.sum(comb) + comb[0]).reshape(1, 1)

    return pl.pallas_call(
        body, out_shape=jax.ShapeDtypeStruct((1, 1), jnp.float32))(parts)


def kernel(outputs, target):
    logits1 = outputs.astype(jnp.float32).reshape(S * B * P)
    target1 = target.astype(jnp.float32).reshape(B * P)
    parts = _phase1(logits1, target1)
    total = _finalize(parts.reshape(B, QS * NH, S, ROW))
    return total[0, 0]

# --- scband reference (transcript-rebuilt; emitter-appended) ---
"""Pipeline reference for scband-u2-net-lovasz-loss-15109694947717 (READ-ONLY COPY).

The authoritative reference and input builder live on the scoring server;
editing this copy changes nothing except your own understanding.
"""

import jax, jax.numpy as jnp
import numpy as np


def _lovasz_hinge_flat(logits, labels):
    # logits, labels: [P] fp32, labels in {0,1}
    signs = 2.0 * labels - 1.0
    errors = 1.0 - logits * signs
    perm = jnp.argsort(-errors)  # descending sort of errors
    errors_sorted = errors[perm]
    gt_sorted = labels[perm]
    gts = jnp.sum(gt_sorted)
    intersection = gts - jnp.cumsum(gt_sorted)
    union = gts + jnp.cumsum(1.0 - gt_sorted)
    jaccard = 1.0 - intersection / (union + 1e-06)
    grad = jnp.concatenate([jaccard[:1], jaccard[1:] - jaccard[:-1]])
    # gts == 0 -> gradient is all zeros (matches torch early-return gt_sorted*0)
    grad = jnp.where(gts == 0.0, jnp.zeros_like(grad), grad)
    return jnp.dot(jax.nn.relu(errors_sorted), grad)


def _dice_loss(logits, target):
    probs = jax.nn.sigmoid(logits.astype(jnp.float32))
    target = target.astype(jnp.float32)
    smooth = 1.0
    intersection = jnp.sum(probs * target)
    return 1.0 - (2.0 * intersection + smooth) / (jnp.sum(probs) + jnp.sum(target) + smooth)


def setup_inputs(seed: int = 0) -> dict:
    key = jax.random.key(seed)
    k1, k2 = jax.random.split(key)
    outputs = jax.random.normal(k1, (7, 8, 1, 512, 512), dtype=jnp.float32)
    target = jax.random.randint(k2, (8, 1, 512, 512), 0, 2).astype(jnp.float32)
    return {"outputs": outputs, "target": target}


def reference(outputs, target):
    # outputs: [7, B, 1, H, W] (stack of d0..d6), target: [B, 1, H, W]
    B = target.shape[0]
    tgt_img = target.astype(jnp.float32)
    tgt_flat = tgt_img.reshape(B, -1)
    total = jnp.array(0.0, dtype=jnp.float32)
    for i in range(outputs.shape[0]):
        logit = outputs[i].astype(jnp.float32)
        # per_image=True: lovasz per image then mean
        lh = jnp.mean(jax.vmap(_lovasz_hinge_flat)(logit.reshape(B, -1), tgt_flat))
        dl = _dice_loss(logit, tgt_img)
        combined = lh + dl
        combined = jnp.where(jnp.isnan(combined) | jnp.isinf(combined), jnp.array(0.0, jnp.float32), combined)
        weight = 2.0 if i == 0 else 1.0
        total = total + weight * combined
    return total

if __name__ == "__main__":
    import jax
    _d = setup_inputs()
    print(jax.jit(kernel)(*tuple(_d.values())))

</pallas_src>

<mosaic_0001>
#map = affine_map<(d0, d1) -> (0)>
module attributes {stable_mosaic.version = 14 : i64} {
  func.func @k(%arg0: i32, %arg1: i32, %arg2: memref<14680064xf32, #tpu.memory_space<hbm>>, %arg3: memref<2097152xf32, #tpu.memory_space<hbm>>, %arg4: memref<917504xf32, #tpu.memory_space<hbm>>, %arg5: memref<65536xf32, #tpu.memory_space<vmem>>, %arg6: memref<8192xf32, #tpu.memory_space<vmem>>, %arg7: memref<8192xf32, #tpu.memory_space<vmem>>, %arg8: memref<28672xf32, #tpu.memory_space<vmem>>, %arg9: memref<!tpu.dma_semaphore, #tpu.memory_space<semaphore_mem>>, %arg10: memref<!tpu.dma_semaphore, #tpu.memory_space<semaphore_mem>>, %arg11: memref<!tpu.dma_semaphore, #tpu.memory_space<semaphore_mem>>) attributes {dimension_semantics = [#tpu.dimension_semantics<core_parallel>, #tpu.dimension_semantics<subcore_parallel>], iteration_bounds = array<i64: 2, 16>, scalar_prefetch = 0 : i64, scratch_operands = 7 : i64, tpu.core_type = #tpu.core_type<sc_vector_subcore>, window_params = [{transform_indices = #map}, {transform_indices = #map}, {transform_indices = #map}]} {
    %mul3A = arith.constant 2 : i32
    %mul3A_0 = arith.muli %arg1, %mul3A : i32
    %add3A = arith.addi %mul3A_0, %arg0 : i32
    %jit3A = arith.constant 4 : i32
    %div3A = arith.divsi %add3A, %jit3A : i32
    %sign3A = arith.constant 0 : i32
    %sign3A_1 = arith.cmpi sgt, %add3A, %sign3A : i32
    %sign3A_2 = arith.extui %sign3A_1 : i1 to i32
    %sign3A_3 = arith.constant 0 : i32
    %sign3A_4 = arith.cmpi slt, %add3A, %sign3A_3 : i32
    %sign3A_5 = arith.extui %sign3A_4 : i1 to i32
    %sign3A_6 = arith.subi %sign3A_2, %sign3A_5 : i32
    %sign3A_7 = arith.constant 0 : i32
    %sign3A_8 = arith.cmpi sgt, %jit3A, %sign3A_7 : i32
    %sign3A_9 = arith.extui %sign3A_8 : i1 to i32
    %sign3A_10 = arith.constant 0 : i32
    %sign3A_11 = arith.cmpi slt, %jit3A, %sign3A_10 : i32
    %sign3A_12 = arith.extui %sign3A_11 : i1 to i32
    %sign3A_13 = arith.subi %sign3A_9, %sign3A_12 : i32
    %ne3A = arith.cmpi ne, %sign3A_6, %sign3A_13 : i32
    %rem3A = arith.remsi %add3A, %jit3A : i32
    %ne3A_14 = arith.constant 0 : i32
    %ne3A_15 = arith.cmpi ne, %rem3A, %ne3A_14 : i32
    %and3A = arith.andi %ne3A, %ne3A_15 : i1
    %sub3A = arith.constant 1 : i32
    %sub3A_16 = arith.subi %div3A, %sub3A : i32
    %select_n3A = arith.select %and3A, %sub3A_16, %div3A : i32
    %jit3A_17 = arith.constant 4 : i32
    %eq3A = arith.constant 0 : i32
    %eq3A_18 = arith.cmpi eq, %jit3A_17, %eq3A : i32
    %jit3A_19 = arith.constant 1 : i32
    %select_n3A_20 = arith.select %eq3A_18, %jit3A_19, %jit3A_17 : i32
    %rem3A_21 = arith.remsi %add3A, %select_n3A_20 : i32
    %ne3A_22 = arith.constant 0 : i32
    %ne3A_23 = arith.cmpi ne, %rem3A_21, %ne3A_22 : i32
    %lt3A = arith.constant 0 : i32
    %lt3A_24 = arith.cmpi slt, %rem3A_21, %lt3A : i32
    %lt3A_25 = arith.constant 0 : i32
    %lt3A_26 = arith.cmpi slt, %select_n3A_20, %lt3A_25 : i32
    %ne3A_27 = arith.xori %lt3A_24, %lt3A_26 : i1
    %and3A_28 = arith.andi %ne3A_27, %ne3A_23 : i1
    %add3A_29 = arith.addi %rem3A_21, %select_n3A_20 : i32
    %select_n3A_30 = arith.select %and3A_28, %add3A_29, %rem3A_21 : i32
    %mul3A_31 = arith.constant 262144 : i32
    %mul3A_32 = arith.muli %select_n3A, %mul3A_31 : i32
    %mul3A_33 = arith.constant 65536 : i32
    %mul3A_34 = arith.muli %select_n3A_30, %mul3A_33 : i32
    %add3A_35 = arith.addi %mul3A_32, %mul3A_34 : i32
    %dma_start3A = tpu.memref_slice %arg3[%add3A_35] : memref<2097152xf32, #tpu.memory_space<hbm>> -> memref<65536xf32, #tpu.memory_space<hbm>>
    %dma_start3A_36 = tpu.memref_slice %arg3[%add3A_35] : memref<2097152xf32, #tpu.memory_space<hbm>> -> memref<65536xf32, #tpu.memory_space<hbm>>
    tpu.enqueue_dma source(%dma_start3A_36 : memref<65536xf32, #tpu.memory_space<hbm>>) target(%arg5 : memref<65536xf32, #tpu.memory_space<vmem>>) target_semaphore(%arg9 : memref<!tpu.dma_semaphore, #tpu.memory_space<semaphore_mem>>)
    %add3A_37 = arith.constant 0 : i32
    %add3A_38 = arith.addi %add3A_37, %select_n3A : i32
    %mul3A_39 = arith.constant 262144 : i32
    %mul3A_40 = arith.muli %add3A_38, %mul3A_39 : i32
    %mul3A_41 = arith.constant 65536 : i32
    %mul3A_42 = arith.muli %select_n3A_30, %mul3A_41 : i32
    %add3A_43 = arith.addi %mul3A_40, %mul3A_42 : i32
    %dma_start3A_44 = tpu.memref_slice %arg2[%add3A_43] : memref<14680064xf32, #tpu.memory_space<hbm>> -> memref<8192xf32, #tpu.memory_space<hbm>>
    %dma_start3A_45 = tpu.memref_slice %arg2[%add3A_43] : memref<14680064xf32, #tpu.memory_space<hbm>> -> memref<8192xf32, #tpu.memory_space<hbm>>
    tpu.enqueue_dma source(%dma_start3A_45 : memref<8192xf32, #tpu.memory_space<hbm>>) target(%arg6 : memref<8192xf32, #tpu.memory_space<vmem>>) target_semaphore(%arg10 : memref<!tpu.dma_semaphore, #tpu.memory_space<semaphore_mem>>)
    %broadcast_in_dim3A = arith.constant 0.000000e+00 : f32
    %broadcast_in_dim3A_46 = vector.broadcast %broadcast_in_dim3A : f32 to vector<16xf32>
    %broadcast_in_dim3A_47 = arith.constant 1.000000e+00 : f32
    %broadcast_in_dim3A_48 = vector.broadcast %broadcast_in_dim3A_47 : f32 to vector<16xf32>
    %parallel_loop3A = arith.constant 0 : i32
    %parallel_loop3A_49 = arith.constant 28672 : i32
    %parallel_loop3A_50 = arith.constant 16 : i32
    scf.for %parallel_loop3A_101 = %parallel_loop3A to %parallel_loop3A_49 step %parallel_loop3A_50  : i32 {
      %parallel_loop3A_102 = arith.index_cast %parallel_loop3A_101 : i32 to index
      %parallel_loop3A_103 = tpu.vector_load %arg8[%parallel_loop3A_102] {strides = array<i32>} : memref<28672xf32, #tpu.memory_space<vmem>>, vector<16xf32>,
      tpu.vector_store %arg8[%parallel_loop3A_102], %broadcast_in_dim3A_46 {strides = array<i32>} : memref<28672xf32, #tpu.memory_space<vmem>>, vector<16xf32>,
    } {sc.loop_unroll_factor = 1 : i64, sc.parallel_access}
    %dma_wait3A = arith.constant 0 : i32
    %dma_wait3A_51 = tpu.memref_slice %arg3[%dma_wait3A] : memref<2097152xf32, #tpu.memory_space<hbm>> -> memref<65536xf32, #tpu.memory_space<hbm>>
    %dma_wait3A_52 = arith.constant 0 : i32
    %dma_wait3A_53 = tpu.memref_slice %arg3[%dma_wait3A_52] : memref<2097152xf32, #tpu.memory_space<hbm>> -> memref<65536xf32, #tpu.memory_space<hbm>>
    tpu.wait_dma2 semaphore(%arg9 : memref<!tpu.dma_semaphore, #tpu.memory_space<semaphore_mem>>) src(%dma_wait3A_53 : memref<65536xf32, #tpu.memory_space<hbm>>) dst(%arg5 : memref<65536xf32, #tpu.memory_space<vmem>>)
    %scan3A = arith.constant 0 : i32
    %scan3A_54 = arith.constant 0 : i32
    %scan3A_55 = arith.constant 4 : i32
    %scan3A_56 = arith.addi %scan3A_54, %scan3A_55 : i32
    %scan3A_57 = arith.constant 1 : i32
    scf.for %scan3A_101 = %scan3A_54 to %scan3A_56 step %scan3A_57  : i32 {
      %mul3A_102 = arith.constant 2 : i32
      %mul3A_103 = arith.muli %scan3A_101, %mul3A_102 : i32
      %dma_wait3A_104 = arith.constant 0 : i32
      %dma_wait3A_105 = tpu.memref_slice %arg2[%dma_wait3A_104] : memref<14680064xf32, #tpu.memory_space<hbm>> -> memref<8192xf32, #tpu.memory_space<hbm>>
      %dma_wait3A_106 = arith.constant 0 : i32
      %dma_wait3A_107 = tpu.memref_slice %arg2[%dma_wait3A_106] : memref<14680064xf32, #tpu.memory_space<hbm>> -> memref<8192xf32, #tpu.memory_space<hbm>>
      tpu.wait_dma2 semaphore(%arg10 : memref<!tpu.dma_semaphore, #tpu.memory_space<semaphore_mem>>) src(%dma_wait3A_107 : memref<8192xf32, #tpu.memory_space<hbm>>) dst(%arg6 : memref<8192xf32, #tpu.memory_space<vmem>>)
      %add3A_108 = arith.constant 0 : i32
      %add3A_109 = arith.addi %add3A_108, %select_n3A : i32
      %mul3A_110 = arith.constant 262144 : i32
      %mul3A_111 = arith.muli %add3A_109, %mul3A_110 : i32
      %mul3A_112 = arith.constant 65536 : i32
      %mul3A_113 = arith.muli %select_n3A_30, %mul3A_112 : i32
      %add3A_114 = arith.addi %mul3A_111, %mul3A_113 : i32
      %add3A_115 = arith.constant 1 : i32
      %add3A_116 = arith.addi %mul3A_103, %add3A_115 : i32
      %mul3A_117 = arith.constant 8192 : i32
      %mul3A_118 = arith.muli %add3A_116, %mul3A_117 : i32
      %add3A_119 = arith.addi %add3A_114, %mul3A_118 : i32
      %dma_start3A_120 = tpu.memref_slice %arg2[%add3A_119] : memref<14680064xf32, #tpu.memory_space<hbm>> -> memref<8192xf32, #tpu.memory_space<hbm>>
      %dma_start3A_121 = tpu.memref_slice %arg2[%add3A_119] : memref<14680064xf32, #tpu.memory_space<hbm>> -> memref<8192xf32, #tpu.memory_space<hbm>>
      tpu.enqueue_dma source(%dma_start3A_121 : memref<8192xf32, #tpu.memory_space<hbm>>) target(%arg7 : memref<8192xf32, #tpu.memory_space<vmem>>) target_semaphore(%arg11 : memref<!tpu.dma_semaphore, #tpu.memory_space<semaphore_mem>>)
      %mul3A_122 = arith.constant 8192 : i32
      %mul3A_123 = arith.muli %mul3A_103, %mul3A_122 : i32
      %parallel_loop3A_124 = arith.constant 0 : i32
      %parallel_loop3A_125 = arith.constant 8192 : i32
      %parallel_loop3A_126 = arith.constant 16 : i32
      scf.for %parallel_loop3A_163 = %parallel_loop3A_124 to %parallel_loop3A_125 step %parallel_loop3A_126  : i32 {
        %parallel_loop3A_164 = arith.constant 0 : i32
        %parallel_loop3A_165 = arith.addi %parallel_loop3A_163, %parallel_loop3A_164 : i32
        %parallel_loop3A_166 = arith.index_cast %parallel_loop3A_165 : i32 to index
        %parallel_loop3A_167 = tpu.vector_load %arg6[%parallel_loop3A_166] {strides = array<i32>} : memref<8192xf32, #tpu.memory_space<vmem>>, vector<16xf32>,
        %parallel_loop3A_168 = arith.addi %mul3A_123, %parallel_loop3A_163 : i32
        %parallel_loop3A_169 = arith.constant 0 : i32
        %parallel_loop3A_170 = arith.addi %parallel_loop3A_168, %parallel_loop3A_169 : i32
        %parallel_loop3A_171 = arith.index_cast %parallel_loop3A_170 : i32 to index
        %parallel_loop3A_172 = tpu.vector_load %arg5[%parallel_loop3A_171] {strides = array<i32>} : memref<65536xf32, #tpu.memory_space<vmem>>, vector<16xf32>,
        %parallel_loop3A_173 = arith.constant 2.000000e+00 : f32
        %parallel_loop3A_174 = vector.broadcast %parallel_loop3A_173 : f32 to vector<16xf32>
        %parallel_loop3A_175 = arith.mulf %parallel_loop3A_174, %parallel_loop3A_172 : vector<16xf32>
        %parallel_loop3A_176 = arith.constant 1.000000e+00 : f32
        %parallel_loop3A_177 = vector.broadcast %parallel_loop3A_176 : f32 to vector<16xf32>
        %parallel_loop3A_178 = arith.subf %parallel_loop3A_175, %parallel_loop3A_177 : vector<16xf32>
        %parallel_loop3A_179 = arith.mulf %parallel_loop3A_167, %parallel_loop3A_178 : vector<16xf32>
        %parallel_loop3A_180 = arith.constant 1.000000e+00 : f32
        %parallel_loop3A_181 = vector.broadcast %parallel_loop3A_180 : f32 to vector<16xf32>
        %parallel_loop3A_182 = arith.subf %parallel_loop3A_181, %parallel_loop3A_179 : vector<16xf32>
        %parallel_loop3A_183 = arith.constant 6.400000e+01 : f32
        %parallel_loop3A_184 = vector.broadcast %parallel_loop3A_183 : f32 to vector<16xf32>
        %parallel_loop3A_185 = arith.mulf %parallel_loop3A_182, %parallel_loop3A_184 : vector<16xf32>
        %parallel_loop3A_186 = arith.constant 1.536000e+03 : f32
        %parallel_loop3A_187 = vector.broadcast %parallel_loop3A_186 : f32 to vector<16xf32>
        %parallel_loop3A_188 = arith.addf %parallel_loop3A_185, %parallel_loop3A_187 : vector<16xf32>
        %parallel_loop3A_189 = arith.constant 1.024000e+03 : f32
        %parallel_loop3A_190 = vector.broadcast %parallel_loop3A_189 : f32 to vector<16xf32>
        %parallel_loop3A_191 = arith.maximumf %parallel_loop3A_188, %parallel_loop3A_190 : vector<16xf32>
        %parallel_loop3A_192 = arith.constant 2.047000e+03 : f32
        %parallel_loop3A_193 = vector.broadcast %parallel_loop3A_192 : f32 to vector<16xf32>
        %parallel_loop3A_194 = arith.minimumf %parallel_loop3A_191, %parallel_loop3A_193 : vector<16xf32>
        %parallel_loop3A_195 = arith.constant 1.024000e+03 : f32
        %parallel_loop3A_196 = vector.broadcast %parallel_loop3A_195 : f32 to vector<16xf32>
        %parallel_loop3A_197 = arith.mulf %parallel_loop3A_172, %parallel_loop3A_196 : vector<16xf32>
        %parallel_loop3A_198 = arith.subf %parallel_loop3A_194, %parallel_loop3A_197 : vector<16xf32>
        %parallel_loop3A_199 = arith.fptosi %parallel_loop3A_198 : vector<16xf32> to vector<16xi32>
        tpu.vector_store_idx %arg8[%parallel_loop3A_199], %broadcast_in_dim3A_48 {add = true} : memref<28672xf32, #tpu.memory_space<vmem>>[vector<16xi32>], vector<16xf32>,
        %parallel_loop3A_200 = arith.constant 2048 : i32
        %parallel_loop3A_201 = vector.broadcast %parallel_loop3A_200 : i32 to vector<16xi32>
        %parallel_loop3A_202 = arith.addi %parallel_loop3A_199, %parallel_loop3A_201 : vector<16xi32>
        tpu.vector_store_idx %arg8[%parallel_loop3A_202], %parallel_loop3A_182 {add = true} : memref<28672xf32, #tpu.memory_space<vmem>>[vector<16xi32>], vector<16xf32>,
      } {sc.loop_unroll_factor = 8 : i64, sc.parallel_access}
      %dma_wait3A_127 = arith.constant 0 : i32
      %dma_wait3A_128 = tpu.memref_slice %arg2[%dma_wait3A_127] : memref<14680064xf32, #tpu.memory_space<hbm>> -> memref<8192xf32, #tpu.memory_space<hbm>>
      %dma_wait3A_129 = arith.constant 0 : i32
      %dma_wait3A_130 = tpu.memref_slice %arg2[%dma_wait3A_129] : memref<14680064xf32, #tpu.memory_space<hbm>> -> memref<8192xf32, #tpu.memory_space<hbm>>
      tpu.wait_dma2 semaphore(%arg11 : memref<!tpu.dma_semaphore, #tpu.memory_space<semaphore_mem>>) src(%dma_wait3A_130 : memref<8192xf32, #tpu.memory_space<hbm>>) dst(%arg7 : memref<8192xf32, #tpu.memory_space<vmem>>)
      %add3A_131 = arith.constant 0 : i32
      %add3A_132 = arith.addi %add3A_131, %select_n3A : i32
      %mul3A_133 = arith.constant 262144 : i32
      %mul3A_134 = arith.muli %add3A_132, %mul3A_133 : i32
      %mul3A_135 = arith.constant 65536 : i32
      %mul3A_136 = arith.muli %select_n3A_30, %mul3A_135 : i32
      %add3A_137 = arith.addi %mul3A_134, %mul3A_136 : i32
      %add3A_138 = arith.constant 2 : i32
      %add3A_139 = arith.addi %mul3A_103, %add3A_138 : i32
      %mul3A_140 = arith.constant 8192 : i32
      %mul3A_141 = arith.muli %add3A_139, %mul3A_140 : i32
      %add3A_142 = arith.addi %add3A_137, %mul3A_141 : i32
      %add3A_143 = arith.constant 8 : i32
      %add3A_144 = arith.addi %add3A_143, %select_n3A : i32
      %mul3A_145 = arith.constant 262144 : i32
      %mul3A_146 = arith.muli %add3A_144, %mul3A_145 : i32
      %mul3A_147 = arith.constant 65536 : i32
      %mul3A_148 = arith.muli %select_n3A_30, %mul3A_147 : i32
      %add3A_149 = arith.addi %mul3A_146, %mul3A_148 : i32
      %add3A_150 = arith.constant 2 : i32
      %add3A_151 = arith.addi %mul3A_103, %add3A_150 : i32
      %ge3A = arith.constant 8 : i32
      %ge3A_152 = arith.cmpi sge, %add3A_151, %ge3A : i32
      %select_n3A_153 = arith.select %ge3A_152, %add3A_149, %add3A_142 : i32
      %dma_start3A_154 = tpu.memref_slice %arg2[%select_n3A_153] : memref<14680064xf32, #tpu.memory_space<hbm>> -> memref<8192xf32, #tpu.memory_space<hbm>>
      %dma_start3A_155 = tpu.memref_slice %arg2[%select_n3A_153] : memref<14680064xf32, #tpu.memory_space<hbm>> -> memref<8192xf32, #tpu.memory_space<hbm>>
      tpu.enqueue_dma source(%dma_start3A_155 : memref<8192xf32, #tpu.memory_space<hbm>>) target(%arg6 : memref<8192xf32, #tpu.memory_space<vmem>>) target_semaphore(%arg10 : memref<!tpu.dma_semaphore, #tpu.memory_space<semaphore_mem>>)
      %add3A_156 = arith.constant 1 : i32
      %add3A_157 = arith.addi %mul3A_103, %add3A_156 : i32
      %mul3A_158 = arith.constant 8192 : i32
      %mul3A_159 = arith.muli %add3A_157, %mul3A_158 : i32
      %parallel_loop3A_160 = arith.constant 0 : i32
      %parallel_loop3A_161 = arith.constant 8192 : i32
      %parallel_loop3A_162 = arith.constant 16 : i32
      scf.for %parallel_loop3A_163 = %parallel_loop3A_160 to %parallel_loop3A_161 step %parallel_loop3A_162  : i32 {
        %parallel_loop3A_164 = arith.constant 0 : i32
        %parallel_loop3A_165 = arith.addi %parallel_loop3A_163, %parallel_loop3A_164 : i32
        %parallel_loop3A_166 = arith.index_cast %parallel_loop3A_165 : i32 to index
        %parallel_loop3A_167 = tpu.vector_load %arg7[%parallel_loop3A_166] {strides = array<i32>} : memref<8192xf32, #tpu.memory_space<vmem>>, vector<16xf32>,
        %parallel_loop3A_168 = arith.addi %mul3A_159, %parallel_loop3A_163 : i32
        %parallel_loop3A_169 = arith.constant 0 : i32
        %parallel_loop3A_170 = arith.addi %parallel_loop3A_168, %parallel_loop3A_169 : i32
        %parallel_loop3A_171 = arith.index_cast %parallel_loop3A_170 : i32 to index
        %parallel_loop3A_172 = tpu.vector_load %arg5[%parallel_loop3A_171] {strides = array<i32>} : memref<65536xf32, #tpu.memory_space<vmem>>, vector<16xf32>,
        %parallel_loop3A_173 = arith.constant 2.000000e+00 : f32
        %parallel_loop3A_174 = vector.broadcast %parallel_loop3A_173 : f32 to vector<16xf32>
        %parallel_loop3A_175 = arith.mulf %parallel_loop3A_174, %parallel_loop3A_172 : vector<16xf32>
        %parallel_loop3A_176 = arith.constant 1.000000e+00 : f32
        %parallel_loop3A_177 = vector.broadcast %parallel_loop3A_176 : f32 to vector<16xf32>
        %parallel_loop3A_178 = arith.subf %parallel_loop3A_175, %parallel_loop3A_177 : vector<16xf32>
        %parallel_loop3A_179 = arith.mulf %parallel_loop3A_167, %parallel_loop3A_178 : vector<16xf32>
        %parallel_loop3A_180 = arith.constant 1.000000e+00 : f32
        %parallel_loop3A_181 = vector.broadcast %parallel_loop3A_180 : f32 to vector<16xf32>
        %parallel_loop3A_182 = arith.subf %parallel_loop3A_181, %parallel_loop3A_179 : vector<16xf32>
        %parallel_loop3A_183 = arith.constant 6.400000e+01 : f32
        %parallel_loop3A_184 = vector.broadcast %parallel_loop3A_183 : f32 to vector<16xf32>
        %parallel_loop3A_185 = arith.mulf %parallel_loop3A_182, %parallel_loop3A_184 : vector<16xf32>
        %parallel_loop3A_186 = arith.constant 1.536000e+03 : f32
        %parallel_loop3A_187 = vector.broadcast %parallel_loop3A_186 : f32 to vector<16xf32>
        %parallel_loop3A_188 = arith.addf %parallel_loop3A_185, %parallel_loop3A_187 : vector<16xf32>
        %parallel_loop3A_189 = arith.constant 1.024000e+03 : f32
        %parallel_loop3A_190 = vector.broadcast %parallel_loop3A_189 : f32 to vector<16xf32>
        %parallel_loop3A_191 = arith.maximumf %parallel_loop3A_188, %parallel_loop3A_190 : vector<16xf32>
        %parallel_loop3A_192 = arith.constant 2.047000e+03 : f32
        %parallel_loop3A_193 = vector.broadcast %parallel_loop3A_192 : f32 to vector<16xf32>
        %parallel_loop3A_194 = arith.minimumf %parallel_loop3A_191, %parallel_loop3A_193 : vector<16xf32>
        %parallel_loop3A_195 = arith.constant 1.024000e+03 : f32
        %parallel_loop3A_196 = vector.broadcast %parallel_loop3A_195 : f32 to vector<16xf32>
        %parallel_loop3A_197 = arith.mulf %parallel_loop3A_172, %parallel_loop3A_196 : vector<16xf32>
        %parallel_loop3A_198 = arith.subf %parallel_loop3A_194, %parallel_loop3A_197 : vector<16xf32>
        %parallel_loop3A_199 = arith.fptosi %parallel_loop3A_198 : vector<16xf32> to vector<16xi32>
        tpu.vector_store_idx %arg8[%parallel_loop3A_199], %broadcast_in_dim3A_48 {add = true} : memref<28672xf32, #tpu.memory_space<vmem>>[vector<16xi32>], vector<16xf32>,
        %parallel_loop3A_200 = arith.constant 2048 : i32
        %parallel_loop3A_201 = vector.broadcast %parallel_loop3A_200 : i32 to vector<16xi32>
        %parallel_loop3A_202 = arith.addi %parallel_loop3A_199, %parallel_loop3A_201 : vector<16xi32>
        tpu.vector_store_idx %arg8[%parallel_loop3A_202], %parallel_loop3A_182 {add = true} : memref<28672xf32, #tpu.memory_space<vmem>>[vector<16xi32>], vector<16xf32>,
      } {sc.loop_unroll_factor = 8 : i64, sc.parallel_access}
    }
    %scan3A_58 = arith.constant 4 : i32
    %scan3A_59 = arith.constant 0 : i32
    %scan3A_60 = arith.constant 0 : i32
    %scan3A_61 = arith.constant 4 : i32
    %scan3A_62 = arith.addi %scan3A_60, %scan3A_61 : i32
    %scan3A_63 = arith.constant 1 : i32
    scf.for %scan3A_101 = %scan3A_60 to %scan3A_62 step %scan3A_63  : i32 {
      %mul3A_102 = arith.constant 2 : i32
      %mul3A_103 = arith.muli %scan3A_101, %mul3A_102 : i32
      %dma_wait3A_104 = arith.constant 0 : i32
      %dma_wait3A_105 = tpu.memref_slice %arg2[%dma_wait3A_104] : memref<14680064xf32, #tpu.memory_space<hbm>> -> memref<8192xf32, #tpu.memory_space<hbm>>
      %dma_wait3A_106 = arith.constant 0 : i32
      %dma_wait3A_107 = tpu.memref_slice %arg2[%dma_wait3A_106] : memref<14680064xf32, #tpu.memory_space<hbm>> -> memref<8192xf32, #tpu.memory_space<hbm>>
      tpu.wait_dma2 semaphore(%arg10 : memref<!tpu.dma_semaphore, #tpu.memory_space<semaphore_mem>>) src(%dma_wait3A_107 : memref<8192xf32, #tpu.memory_space<hbm>>) dst(%arg6 : memref<8192xf32, #tpu.memory_space<vmem>>)
      %add3A_108 = arith.constant 8 : i32
      %add3A_109 = arith.addi %add3A_108, %select_n3A : i32
      %mul3A_110 = arith.constant 262144 : i32
      %mul3A_111 = arith.muli %add3A_109, %mul3A_110 : i32
      %mul3A_112 = arith.constant 65536 : i32
      %mul3A_113 = arith.muli %select_n3A_30, %mul3A_112 : i32
      %add3A_114 = arith.addi %mul3A_111, %mul3A_113 : i32
      %add3A_115 = arith.constant 1 : i32
      %add3A_116 = arith.addi %mul3A_103, %add3A_115 : i32
      %mul3A_117 = arith.constant 8192 : i32
      %mul3A_118 = arith.muli %add3A_116, %mul3A_117 : i32
      %add3A_119 = arith.addi %add3A_114, %mul3A_118 : i32
      %dma_start3A_120 = tpu.memref_slice %arg2[%add3A_119] : memref<14680064xf32, #tpu.memory_space<hbm>> -> memref<8192xf32, #tpu.memory_space<hbm>>
      %dma_start3A_121 = tpu.memref_slice %arg2[%add3A_119] : memref<14680064xf32, #tpu.memory_space<hbm>> -> memref<8192xf32, #tpu.memory_space<hbm>>
      tpu.enqueue_dma source(%dma_start3A_121 : memref<8192xf32, #tpu.memory_space<hbm>>) target(%arg7 : memref<8192xf32, #tpu.memory_space<vmem>>) target_semaphore(%arg11 : memref<!tpu.dma_semaphore, #tpu.memory_space<semaphore_mem>>)
      %mul3A_122 = arith.constant 8192 : i32
      %mul3A_123 = arith.muli %mul3A_103, %mul3A_122 : i32
      %parallel_loop3A_124 = arith.constant 0 : i32
      %parallel_loop3A_125 = arith.constant 8192 : i32
      %parallel_loop3A_126 = arith.constant 16 : i32
      scf.for %parallel_loop3A_163 = %parallel_loop3A_124 to %parallel_loop3A_125 step %parallel_loop3A_126  : i32 {
        %parallel_loop3A_164 = arith.constant 0 : i32
        %parallel_loop3A_165 = arith.addi %parallel_loop3A_163, %parallel_loop3A_164 : i32
        %parallel_loop3A_166 = arith.index_cast %parallel_loop3A_165 : i32 to index
        %parallel_loop3A_167 = tpu.vector_load %arg6[%parallel_loop3A_166] {strides = array<i32>} : memref<8192xf32, #tpu.memory_space<vmem>>, vector<16xf32>,
        %parallel_loop3A_168 = arith.addi %mul3A_123, %parallel_loop3A_163 : i32
        %parallel_loop3A_169 = arith.constant 0 : i32
        %parallel_loop3A_170 = arith.addi %parallel_loop3A_168, %parallel_loop3A_169 : i32
        %parallel_loop3A_171 = arith.index_cast %parallel_loop3A_170 : i32 to index
        %parallel_loop3A_172 = tpu.vector_load %arg5[%parallel_loop3A_171] {strides = array<i32>} : memref<65536xf32, #tpu.memory_space<vmem>>, vector<16xf32>,
        %parallel_loop3A_173 = arith.constant 2.000000e+00 : f32
        %parallel_loop3A_174 = vector.broadcast %parallel_loop3A_173 : f32 to vector<16xf32>
        %parallel_loop3A_175 = arith.mulf %parallel_loop3A_174, %parallel_loop3A_172 : vector<16xf32>
        %parallel_loop3A_176 = arith.constant 1.000000e+00 : f32
        %parallel_loop3A_177 = vector.broadcast %parallel_loop3A_176 : f32 to vector<16xf32>
        %parallel_loop3A_178 = arith.subf %parallel_loop3A_175, %parallel_loop3A_177 : vector<16xf32>
        %parallel_loop3A_179 = arith.mulf %parallel_loop3A_167, %parallel_loop3A_178 : vector<16xf32>
        %parallel_loop3A_180 = arith.constant 1.000000e+00 : f32
        %parallel_loop3A_181 = vector.broadcast %parallel_loop3A_180 : f32 to vector<16xf32>
        %parallel_loop3A_182 = arith.subf %parallel_loop3A_181, %parallel_loop3A_179 : vector<16xf32>
        %parallel_loop3A_183 = arith.constant 6.400000e+01 : f32
        %parallel_loop3A_184 = vector.broadcast %parallel_loop3A_183 : f32 to vector<16xf32>
        %parallel_loop3A_185 = arith.mulf %parallel_loop3A_182, %parallel_loop3A_184 : vector<16xf32>
        %parallel_loop3A_186 = arith.constant 5.632000e+03 : f32
        %parallel_loop3A_187 = vector.broadcast %parallel_loop3A_186 : f32 to vector<16xf32>
        %parallel_loop3A_188 = arith.addf %parallel_loop3A_185, %parallel_loop3A_187 : vector<16xf32>
        %parallel_loop3A_189 = arith.constant 5.120000e+03 : f32
        %parallel_loop3A_190 = vector.broadcast %parallel_loop3A_189 : f32 to vector<16xf32>
        %parallel_loop3A_191 = arith.maximumf %parallel_loop3A_188, %parallel_loop3A_190 : vector<16xf32>
        %parallel_loop3A_192 = arith.constant 6.143000e+03 : f32
        %parallel_loop3A_193 = vector.broadcast %parallel_loop3A_192 : f32 to vector<16xf32>
        %parallel_loop3A_194 = arith.minimumf %parallel_loop3A_191, %parallel_loop3A_193 : vector<16xf32>
        %parallel_loop3A_195 = arith.constant 1.024000e+03 : f32
        %parallel_loop3A_196 = vector.broadcast %parallel_loop3A_195 : f32 to vector<16xf32>
        %parallel_loop3A_197 = arith.mulf %parallel_loop3A_172, %parallel_loop3A_196 : vector<16xf32>
        %parallel_loop3A_198 = arith.subf %parallel_loop3A_194, %parallel_loop3A_197 : vector<16xf32>
        %parallel_loop3A_199 = arith.fptosi %parallel_loop3A_198 : vector<16xf32> to vector<16xi32>
        tpu.vector_store_idx %arg8[%parallel_loop3A_199], %broadcast_in_dim3A_48 {add = true} : memref<28672xf32, #tpu.memory_space<vmem>>[vector<16xi32>], vector<16xf32>,
        %parallel_loop3A_200 = arith.constant 2048 : i32
        %parallel_loop3A_201 = vector.broadcast %parallel_loop3A_200 : i32 to vector<16xi32>
        %parallel_loop3A_202 = arith.addi %parallel_loop3A_199, %parallel_loop3A_201 : vector<16xi32>
        tpu.vector_store_idx %arg8[%parallel_loop3A_202], %parallel_loop3A_182 {add = true} : memref<28672xf32, #tpu.memory_space<vmem>>[vector<16xi32>], vector<16xf32>,
      } {sc.loop_unroll_factor = 8 : i64, sc.parallel_access}
      %dma_wait3A_127 = arith.constant 0 : i32
      %dma_wait3A_128 = tpu.memref_slice %arg2[%dma_wait3A_127] : memref<14680064xf32, #tpu.memory_space<hbm>> -> memref<8192xf32, #tpu.memory_space<hbm>>
      %dma_wait3A_129 = arith.constant 0 : i32
      %dma_wait3A_130 = tpu.memref_slice %arg2[%dma_wait3A_129] : memref<14680064xf32, #tpu.memory_space<hbm>> -> memref<8192xf32, #tpu.memory_space<hbm>>
      tpu.wait_dma2 semaphore(%arg11 : memref<!tpu.dma_semaphore, #tpu.memory_space<semaphore_mem>>) src(%dma_wait3A_130 : memref<8192xf32, #tpu.memory_space<hbm>>) dst(%arg7 : memref<8192xf32, #tpu.memory_space<vmem>>)
      %add3A_131 = arith.constant 8 : i32
      %add3A_132 = arith.addi %add3A_131, %select_n3A : i32
      %mul3A_133 = arith.constant 262144 : i32
      %mul3A_134 = arith.muli %add3A_132, %mul3A_133 : i32
      %mul3A_135 = arith.constant 65536 : i32
      %mul3A_136 = arith.muli %select_n3A_30, %mul3A_135 : i32
      %add3A_137 = arith.addi %mul3A_134, %mul3A_136 : i32
      %add3A_138 = arith.constant 2 : i32
      %add3A_139 = arith.addi %mul3A_103, %add3A_138 : i32
      %mul3A_140 = arith.constant 8192 : i32
      %mul3A_141 = arith.muli %add3A_139, %mul3A_140 : i32
      %add3A_142 = arith.addi %add3A_137, %mul3A_141 : i32
      %add3A_143 = arith.constant 16 : i32
      %add3A_144 = arith.addi %add3A_143, %select_n3A : i32
      %mul3A_145 = arith.constant 262144 : i32
      %mul3A_146 = arith.muli %add3A_144, %mul3A_145 : i32
      %mul3A_147 = arith.constant 65536 : i32
      %mul3A_148 = arith.muli %select_n3A_30, %mul3A_147 : i32
      %add3A_149 = arith.addi %mul3A_146, %mul3A_148 : i32
      %add3A_150 = arith.constant 2 : i32
      %add3A_151 = arith.addi %mul3A_103, %add3A_150 : i32
      %ge3A = arith.constant 8 : i32
      %ge3A_152 = arith.cmpi sge, %add3A_151, %ge3A : i32
      %select_n3A_153 = arith.select %ge3A_152, %add3A_149, %add3A_142 : i32
      %dma_start3A_154 = tpu.memref_slice %arg2[%select_n3A_153] : memref<14680064xf32, #tpu.memory_space<hbm>> -> memref<8192xf32, #tpu.memory_space<hbm>>
      %dma_start3A_155 = tpu.memref_slice %arg2[%select_n3A_153] : memref<14680064xf32, #tpu.memory_space<hbm>> -> memref<8192xf32, #tpu.memory_space<hbm>>
      tpu.enqueue_dma source(%dma_start3A_155 : memref<8192xf32, #tpu.memory_space<hbm>>) target(%arg6 : memref<8192xf32, #tpu.memory_space<vmem>>) target_semaphore(%arg10 : memref<!tpu.dma_semaphore, #tpu.memory_space<semaphore_mem>>)
      %add3A_156 = arith.constant 1 : i32
      %add3A_157 = arith.addi %mul3A_103, %add3A_156 : i32
      %mul3A_158 = arith.constant 8192 : i32
      %mul3A_159 = arith.muli %add3A_157, %mul3A_158 : i32
      %parallel_loop3A_160 = arith.constant 0 : i32
      %parallel_loop3A_161 = arith.constant 8192 : i32
      %parallel_loop3A_162 = arith.constant 16 : i32
      scf.for %parallel_loop3A_163 = %parallel_loop3A_160 to %parallel_loop3A_161 step %parallel_loop3A_162  : i32 {
        %parallel_loop3A_164 = arith.constant 0 : i32
        %parallel_loop3A_165 = arith.addi %parallel_loop3A_163, %parallel_loop3A_164 : i32
        %parallel_loop3A_166 = arith.index_cast %parallel_loop3A_165 : i32 to index
        %parallel_loop3A_167 = tpu.vector_load %arg7[%parallel_loop3A_166] {strides = array<i32>} : memref<8192xf32, #tpu.memory_space<vmem>>, vector<16xf32>,
        %parallel_loop3A_168 = arith.addi %mul3A_159, %parallel_loop3A_163 : i32
        %parallel_loop3A_169 = arith.constant 0 : i32
        %parallel_loop3A_170 = arith.addi %parallel_loop3A_168, %parallel_loop3A_169 : i32
        %parallel_loop3A_171 = arith.index_cast %parallel_loop3A_170 : i32 to index
        %parallel_loop3A_172 = tpu.vector_load %arg5[%parallel_loop3A_171] {strides = array<i32>} : memref<65536xf32, #tpu.memory_space<vmem>>, vector<16xf32>,
        %parallel_loop3A_173 = arith.constant 2.000000e+00 : f32
        %parallel_loop3A_174 = vector.broadcast %parallel_loop3A_173 : f32 to vector<16xf32>
        %parallel_loop3A_175 = arith.mulf %parallel_loop3A_174, %parallel_loop3A_172 : vector<16xf32>
        %parallel_loop3A_176 = arith.constant 1.000000e+00 : f32
        %parallel_loop3A_177 = vector.broadcast %parallel_loop3A_176 : f32 to vector<16xf32>
        %parallel_loop3A_178 = arith.subf %parallel_loop3A_175, %parallel_loop3A_177 : vector<16xf32>
        %parallel_loop3A_179 = arith.mulf %parallel_loop3A_167, %parallel_loop3A_178 : vector<16xf32>
        %parallel_loop3A_180 = arith.constant 1.000000e+00 : f32
        %parallel_loop3A_181 = vector.broadcast %parallel_loop3A_180 : f32 to vector<16xf32>
        %parallel_loop3A_182 = arith.subf %parallel_loop3A_181, %parallel_loop3A_179 : vector<16xf32>
        %parallel_loop3A_183 = arith.constant 6.400000e+01 : f32
        %parallel_loop3A_184 = vector.broadcast %parallel_loop3A_183 : f32 to vector<16xf32>
        %parallel_loop3A_185 = arith.mulf %parallel_loop3A_182, %parallel_loop3A_184 : vector<16xf32>
        %parallel_loop3A_186 = arith.constant 5.632000e+03 : f32
        %parallel_loop3A_187 = vector.broadcast %parallel_loop3A_186 : f32 to vector<16xf32>
        %parallel_loop3A_188 = arith.addf %parallel_loop3A_185, %parallel_loop3A_187 : vector<16xf32>
        %parallel_loop3A_189 = arith.constant 5.120000e+03 : f32
        %parallel_loop3A_190 = vector.broadcast %parallel_loop3A_189 : f32 to vector<16xf32>
        %parallel_loop3A_191 = arith.maximumf %parallel_loop3A_188, %parallel_loop3A_190 : vector<16xf32>
        %parallel_loop3A_192 = arith.constant 6.143000e+03 : f32
        %parallel_loop3A_193 = vector.broadcast %parallel_loop3A_192 : f32 to vector<16xf32>
        %parallel_loop3A_194 = arith.minimumf %parallel_loop3A_191, %parallel_loop3A_193 : vector<16xf32>
        %parallel_loop3A_195 = arith.constant 1.024000e+03 : f32
        %parallel_loop3A_196 = vector.broadcast %parallel_loop3A_195 : f32 to vector<16xf32>
        %parallel_loop3A_197 = arith.mulf %parallel_loop3A_172, %parallel_loop3A_196 : vector<16xf32>
        %parallel_loop3A_198 = arith.subf %parallel_loop3A_194, %parallel_loop3A_197 : vector<16xf32>
        %parallel_loop3A_199 = arith.fptosi %parallel_loop3A_198 : vector<16xf32> to vector<16xi32>
        tpu.vector_store_idx %arg8[%parallel_loop3A_199], %broadcast_in_dim3A_48 {add = true} : memref<28672xf32, #tpu.memory_space<vmem>>[vector<16xi32>], vector<16xf32>,
        %parallel_loop3A_200 = arith.constant 2048 : i32
        %parallel_loop3A_201 = vector.broadcast %parallel_loop3A_200 : i32 to vector<16xi32>
        %parallel_loop3A_202 = arith.addi %parallel_loop3A_199, %parallel_loop3A_201 : vector<16xi32>
        tpu.vector_store_idx %arg8[%parallel_loop3A_202], %parallel_loop3A_182 {add = true} : memref<28672xf32, #tpu.memory_space<vmem>>[vector<16xi32>], vector<16xf32>,
      } {sc.loop_unroll_factor = 8 : i64, sc.parallel_access}
    }
    %scan3A_64 = arith.constant 4 : i32
    %scan3A_65 = arith.constant 0 : i32
    %scan3A_66 = arith.constant 0 : i32
    %scan3A_67 = arith.constant 4 : i32
    %scan3A_68 = arith.addi %scan3A_66, %scan3A_67 : i32
    %scan3A_69 = arith.constant 1 : i32
    scf.for %scan3A_101 = %scan3A_66 to %scan3A_68 step %scan3A_69  : i32 {
      %mul3A_102 = arith.constant 2 : i32
      %mul3A_103 = arith.muli %scan3A_101, %mul3A_102 : i32
      %dma_wait3A_104 = arith.constant 0 : i32
      %dma_wait3A_105 = tpu.memref_slice %arg2[%dma_wait3A_104] : memref<14680064xf32, #tpu.memory_space<hbm>> -> memref<8192xf32, #tpu.memory_space<hbm>>
      %dma_wait3A_106 = arith.constant 0 : i32
      %dma_wait3A_107 = tpu.memref_slice %arg2[%dma_wait3A_106] : memref<14680064xf32, #tpu.memory_space<hbm>> -> memref<8192xf32, #tpu.memory_space<hbm>>
      tpu.wait_dma2 semaphore(%arg10 : memref<!tpu.dma_semaphore, #tpu.memory_space<semaphore_mem>>) src(%dma_wait3A_107 : memref<8192xf32, #tpu.memory_space<hbm>>) dst(%arg6 : memref<8192xf32, #tpu.memory_space<vmem>>)
      %add3A_108 = arith.constant 16 : i32
      %add3A_109 = arith.addi %add3A_108, %select_n3A : i32
      %mul3A_110 = arith.constant 262144 : i32
      %mul3A_111 = arith.muli %add3A_109, %mul3A_110 : i32
      %mul3A_112 = arith.constant 65536 : i32
      %mul3A_113 = arith.muli %select_n3A_30, %mul3A_112 : i32
      %add3A_114 = arith.addi %mul3A_111, %mul3A_113 : i32
      %add3A_115 = arith.constant 1 : i32
      %add3A_116 = arith.addi %mul3A_103, %add3A_115 : i32
      %mul3A_117 = arith.constant 8192 : i32
      %mul3A_118 = arith.muli %add3A_116, %mul3A_117 : i32
      %add3A_119 = arith.addi %add3A_114, %mul3A_118 : i32
      %dma_start3A_120 = tpu.memref_slice %arg2[%add3A_119] : memref<14680064xf32, #tpu.memory_space<hbm>> -> memref<8192xf32, #tpu.memory_space<hbm>>
      %dma_start3A_121 = tpu.memref_slice %arg2[%add3A_119] : memref<14680064xf32, #tpu.memory_space<hbm>> -> memref<8192xf32, #tpu.memory_space<hbm>>
      tpu.enqueue_dma source(%dma_start3A_121 : memref<8192xf32, #tpu.memory_space<hbm>>) target(%arg7 : memref<8192xf32, #tpu.memory_space<vmem>>) target_semaphore(%arg11 : memref<!tpu.dma_semaphore, #tpu.memory_space<semaphore_mem>>)
      %mul3A_122 = arith.constant 8192 : i32
      %mul3A_123 = arith.muli %mul3A_103, %mul3A_122 : i32
      %parallel_loop3A_124 = arith.constant 0 : i32
      %parallel_loop3A_125 = arith.constant 8192 : i32
      %parallel_loop3A_126 = arith.constant 16 : i32
      scf.for %parallel_loop3A_163 = %parallel_loop3A_124 to %parallel_loop3A_125 step %parallel_loop3A_126  : i32 {
        %parallel_loop3A_164 = arith.constant 0 : i32
        %parallel_loop3A_165 = arith.addi %parallel_loop3A_163, %parallel_loop3A_164 : i32
        %parallel_loop3A_166 = arith.index_cast %parallel_loop3A_165 : i32 to index
        %parallel_loop3A_167 = tpu.vector_load %arg6[%parallel_loop3A_166] {strides = array<i32>} : memref<8192xf32, #tpu.memory_space<vmem>>, vector<16xf32>,
        %parallel_loop3A_168 = arith.addi %mul3A_123, %parallel_loop3A_163 : i32
        %parallel_loop3A_169 = arith.constant 0 : i32
        %parallel_loop3A_170 = arith.addi %parallel_loop3A_168, %parallel_loop3A_169 : i32
        %parallel_loop3A_171 = arith.index_cast %parallel_loop3A_170 : i32 to index
        %parallel_loop3A_172 = tpu.vector_load %arg5[%parallel_loop3A_171] {strides = array<i32>} : memref<65536xf32, #tpu.memory_space<vmem>>, vector<16xf32>,
        %parallel_loop3A_173 = arith.constant 2.000000e+00 : f32
        %parallel_loop3A_174 = vector.broadcast %parallel_loop3A_173 : f32 to vector<16xf32>
        %parallel_loop3A_175 = arith.mulf %parallel_loop3A_174, %parallel_loop3A_172 : vector<16xf32>
        %parallel_loop3A_176 = arith.constant 1.000000e+00 : f32
        %parallel_loop3A_177 = vector.broadcast %parallel_loop3A_176 : f32 to vector<16xf32>
        %parallel_loop3A_178 = arith.subf %parallel_loop3A_175, %parallel_loop3A_177 : vector<16xf32>
        %parallel_loop3A_179 = arith.mulf %parallel_loop3A_167, %parallel_loop3A_178 : vector<16xf32>
        %parallel_loop3A_180 = arith.constant 1.000000e+00 : f32
        %parallel_loop3A_181 = vector.broadcast %parallel_loop3A_180 : f32 to vector<16xf32>
        %parallel_loop3A_182 = arith.subf %parallel_loop3A_181, %parallel_loop3A_179 : vector<16xf32>
        %parallel_loop3A_183 = arith.constant 6.400000e+01 : f32
        %parallel_loop3A_184 = vector.broadcast %parallel_loop3A_183 : f32 to vector<16xf32>
        %parallel_loop3A_185 = arith.mulf %parallel_loop3A_182, %parallel_loop3A_184 : vector<16xf32>
        %parallel_loop3A_186 = arith.constant 9.728000e+03 : f32
        %parallel_loop3A_187 = vector.broadcast %parallel_loop3A_186 : f32 to vector<16xf32>
        %parallel_loop3A_188 = arith.addf %parallel_loop3A_185, %parallel_loop3A_187 : vector<16xf32>
        %parallel_loop3A_189 = arith.constant 9.216000e+03 : f32
        %parallel_loop3A_190 = vector.broadcast %parallel_loop3A_189 : f32 to vector<16xf32>
        %parallel_loop3A_191 = arith.maximumf %parallel_loop3A_188, %parallel_loop3A_190 : vector<16xf32>
        %parallel_loop3A_192 = arith.constant 1.023900e+04 : f32
        %parallel_loop3A_193 = vector.broadcast %parallel_loop3A_192 : f32 to vector<16xf32>
        %parallel_loop3A_194 = arith.minimumf %parallel_loop3A_191, %parallel_loop3A_193 : vector<16xf32>
        %parallel_loop3A_195 = arith.constant 1.024000e+03 : f32
        %parallel_loop3A_196 = vector.broadcast %parallel_loop3A_195 : f32 to vector<16xf32>
        %parallel_loop3A_197 = arith.mulf %parallel_loop3A_172, %parallel_loop3A_196 : vector<16xf32>
        %parallel_loop3A_198 = arith.subf %parallel_loop3A_194, %parallel_loop3A_197 : vector<16xf32>
        %parallel_loop3A_199 = arith.fptosi %parallel_loop3A_198 : vector<16xf32> to vector<16xi32>
        tpu.vector_store_idx %arg8[%parallel_loop3A_199], %broadcast_in_dim3A_48 {add = true} : memref<28672xf32, #tpu.memory_space<vmem>>[vector<16xi32>], vector<16xf32>,
        %parallel_loop3A_200 = arith.constant 2048 : i32
        %parallel_loop3A_201 = vector.broadcast %parallel_loop3A_200 : i32 to vector<16xi32>
        %parallel_loop3A_202 = arith.addi %parallel_loop3A_199, %parallel_loop3A_201 : vector<16xi32>
        tpu.vector_store_idx %arg8[%parallel_loop3A_202], %parallel_loop3A_182 {add = true} : memref<28672xf32, #tpu.memory_space<vmem>>[vector<16xi32>], vector<16xf32>,
      } {sc.loop_unroll_factor = 8 : i64, sc.parallel_access}
      %dma_wait3A_127 = arith.constant 0 : i32
      %dma_wait3A_128 = tpu.memref_slice %arg2[%dma_wait3A_127] : memref<14680064xf32, #tpu.memory_space<hbm>> -> memref<8192xf32, #tpu.memory_space<hbm>>
      %dma_wait3A_129 = arith.constant 0 : i32
      %dma_wait3A_130 = tpu.memref_slice %arg2[%dma_wait3A_129] : memref<14680064xf32, #tpu.memory_space<hbm>> -> memref<8192xf32, #tpu.memory_space<hbm>>
      tpu.wait_dma2 semaphore(%arg11 : memref<!tpu.dma_semaphore, #tpu.memory_space<semaphore_mem>>) src(%dma_wait3A_130 : memref<8192xf32, #tpu.memory_space<hbm>>) dst(%arg7 : memref<8192xf32, #tpu.memory_space<vmem>>)
      %add3A_131 = arith.constant 16 : i32
      %add3A_132 = arith.addi %add3A_131, %select_n3A : i32
      %mul3A_133 = arith.constant 262144 : i32
      %mul3A_134 = arith.muli %add3A_132, %mul3A_133 : i32
      %mul3A_135 = arith.constant 65536 : i32
      %mul3A_136 = arith.muli %select_n3A_30, %mul3A_135 : i32
      %add3A_137 = arith.addi %mul3A_134, %mul3A_136 : i32
      %add3A_138 = arith.constant 2 : i32
      %add3A_139 = arith.addi %mul3A_103, %add3A_138 : i32
      %mul3A_140 = arith.constant 8192 : i32
      %mul3A_141 = arith.muli %add3A_139, %mul3A_140 : i32
      %add3A_142 = arith.addi %add3A_137, %mul3A_141 : i32
      %add3A_143 = arith.constant 24 : i32
      %add3A_144 = arith.addi %add3A_143, %select_n3A : i32
      %mul3A_145 = arith.constant 262144 : i32
      %mul3A_146 = arith.muli %add3A_144, %mul3A_145 : i32
      %mul3A_147 = arith.constant 65536 : i32
      %mul3A_148 = arith.muli %select_n3A_30, %mul3A_147 : i32
      %add3A_149 = arith.addi %mul3A_146, %mul3A_148 : i32
      %add3A_150 = arith.constant 2 : i32
      %add3A_151 = arith.addi %mul3A_103, %add3A_150 : i32
      %ge3A = arith.constant 8 : i32
      %ge3A_152 = arith.cmpi sge, %add3A_151, %ge3A : i32
      %select_n3A_153 = arith.select %ge3A_152, %add3A_149, %add3A_142 : i32
      %dma_start3A_154 = tpu.memref_slice %arg2[%select_n3A_153] : memref<14680064xf32, #tpu.memory_space<hbm>> -> memref<8192xf32, #tpu.memory_space<hbm>>
      %dma_start3A_155 = tpu.memref_slice %arg2[%select_n3A_153] : memref<14680064xf32, #tpu.memory_space<hbm>> -> memref<8192xf32, #tpu.memory_space<hbm>>
      tpu.enqueue_dma source(%dma_start3A_155 : memref<8192xf32, #tpu.memory_space<hbm>>) target(%arg6 : memref<8192xf32, #tpu.memory_space<vmem>>) target_semaphore(%arg10 : memref<!tpu.dma_semaphore, #tpu.memory_space<semaphore_mem>>)
      %add3A_156 = arith.constant 1 : i32
      %add3A_157 = arith.addi %mul3A_103, %add3A_156 : i32
      %mul3A_158 = arith.constant 8192 : i32
      %mul3A_159 = arith.muli %add3A_157, %mul3A_158 : i32
      %parallel_loop3A_160 = arith.constant 0 : i32
      %parallel_loop3A_161 = arith.constant 8192 : i32
      %parallel_loop3A_162 = arith.constant 16 : i32
      scf.for %parallel_loop3A_163 = %parallel_loop3A_160 to %parallel_loop3A_161 step %parallel_loop3A_162  : i32 {
        %parallel_loop3A_164 = arith.constant 0 : i32
        %parallel_loop3A_165 = arith.addi %parallel_loop3A_163, %parallel_loop3A_164 : i32
        %parallel_loop3A_166 = arith.index_cast %parallel_loop3A_165 : i32 to index
        %parallel_loop3A_167 = tpu.vector_load %arg7[%parallel_loop3A_166] {strides = array<i32>} : memref<8192xf32, #tpu.memory_space<vmem>>, vector<16xf32>,
        %parallel_loop3A_168 = arith.addi %mul3A_159, %parallel_loop3A_163 : i32
        %parallel_loop3A_169 = arith.constant 0 : i32
        %parallel_loop3A_170 = arith.addi %parallel_loop3A_168, %parallel_loop3A_169 : i32
        %parallel_loop3A_171 = arith.index_cast %parallel_loop3A_170 : i32 to index
        %parallel_loop3A_172 = tpu.vector_load %arg5[%parallel_loop3A_171] {strides = array<i32>} : memref<65536xf32, #tpu.memory_space<vmem>>, vector<16xf32>,
        %parallel_loop3A_173 = arith.constant 2.000000e+00 : f32
        %parallel_loop3A_174 = vector.broadcast %parallel_loop3A_173 : f32 to vector<16xf32>
        %parallel_loop3A_175 = arith.mulf %parallel_loop3A_174, %parallel_loop3A_172 : vector<16xf32>
        %parallel_loop3A_176 = arith.constant 1.000000e+00 : f32
        %parallel_loop3A_177 = vector.broadcast %parallel_loop3A_176 : f32 to vector<16xf32>
        %parallel_loop3A_178 = arith.subf %parallel_loop3A_175, %parallel_loop3A_177 : vector<16xf32>
        %parallel_loop3A_179 = arith.mulf %parallel_loop3A_167, %parallel_loop3A_178 : vector<16xf32>
        %parallel_loop3A_180 = arith.constant 1.000000e+00 : f32
        %parallel_loop3A_181 = vector.broadcast %parallel_loop3A_180 : f32 to vector<16xf32>
        %parallel_loop3A_182 = arith.subf %parallel_loop3A_181, %parallel_loop3A_179 : vector<16xf32>
        %parallel_loop3A_183 = arith.constant 6.400000e+01 : f32
        %parallel_loop3A_184 = vector.broadcast %parallel_loop3A_183 : f32 to vector<16xf32>
        %parallel_loop3A_185 = arith.mulf %parallel_loop3A_182, %parallel_loop3A_184 : vector<16xf32>
        %parallel_loop3A_186 = arith.constant 9.728000e+03 : f32
        %parallel_loop3A_187 = vector.broadcast %parallel_loop3A_186 : f32 to vector<16xf32>
        %parallel_loop3A_188 = arith.addf %parallel_loop3A_185, %parallel_loop3A_187 : vector<16xf32>
        %parallel_loop3A_189 = arith.constant 9.216000e+03 : f32
        %parallel_loop3A_190 = vector.broadcast %parallel_loop3A_189 : f32 to vector<16xf32>
        %parallel_loop3A_191 = arith.maximumf %parallel_loop3A_188, %parallel_loop3A_190 : vector<16xf32>
        %parallel_loop3A_192 = arith.constant 1.023900e+04 : f32
        %parallel_loop3A_193 = vector.broadcast %parallel_loop3A_192 : f32 to vector<16xf32>
        %parallel_loop3A_194 = arith.minimumf %parallel_loop3A_191, %parallel_loop3A_193 : vector<16xf32>
        %parallel_loop3A_195 = arith.constant 1.024000e+03 : f32
        %parallel_loop3A_196 = vector.broadcast %parallel_loop3A_195 : f32 to vector<16xf32>
        %parallel_loop3A_197 = arith.mulf %parallel_loop3A_172, %parallel_loop3A_196 : vector<16xf32>
        %parallel_loop3A_198 = arith.subf %parallel_loop3A_194, %parallel_loop3A_197 : vector<16xf32>
        %parallel_loop3A_199 = arith.fptosi %parallel_loop3A_198 : vector<16xf32> to vector<16xi32>
        tpu.vector_store_idx %arg8[%parallel_loop3A_199], %broadcast_in_dim3A_48 {add = true} : memref<28672xf32, #tpu.memory_space<vmem>>[vector<16xi32>], vector<16xf32>,
        %parallel_loop3A_200 = arith.constant 2048 : i32
        %parallel_loop3A_201 = vector.broadcast %parallel_loop3A_200 : i32 to vector<16xi32>
        %parallel_loop3A_202 = arith.addi %parallel_loop3A_199, %parallel_loop3A_201 : vector<16xi32>
        tpu.vector_store_idx %arg8[%parallel_loop3A_202], %parallel_loop3A_182 {add = true} : memref<28672xf32, #tpu.memory_space<vmem>>[vector<16xi32>], vector<16xf32>,
      } {sc.loop_unroll_factor = 8 : i64, sc.parallel_access}
    }
    %scan3A_70 = arith.constant 4 : i32
    %scan3A_71 = arith.constant 0 : i32
    %scan3A_72 = arith.constant 0 : i32
    %scan3A_73 = arith.constant 4 : i32
    %scan3A_74 = arith.addi %scan3A_72, %scan3A_73 : i32
    %scan3A_75 = arith.constant 1 : i32
    scf.for %scan3A_101 = %scan3A_72 to %scan3A_74 step %scan3A_75  : i32 {
      %mul3A_102 = arith.constant 2 : i32
      %mul3A_103 = arith.muli %scan3A_101, %mul3A_102 : i32
      %dma_wait3A_104 = arith.constant 0 : i32
      %dma_wait3A_105 = tpu.memref_slice %arg2[%dma_wait3A_104] : memref<14680064xf32, #tpu.memory_space<hbm>> -> memref<8192xf32, #tpu.memory_space<hbm>>
      %dma_wait3A_106 = arith.constant 0 : i32
      %dma_wait3A_107 = tpu.memref_slice %arg2[%dma_wait3A_106] : memref<14680064xf32, #tpu.memory_space<hbm>> -> memref<8192xf32, #tpu.memory_space<hbm>>
      tpu.wait_dma2 semaphore(%arg10 : memref<!tpu.dma_semaphore, #tpu.memory_space<semaphore_mem>>) src(%dma_wait3A_107 : memref<8192xf32, #tpu.memory_space<hbm>>) dst(%arg6 : memref<8192xf32, #tpu.memory_space<vmem>>)
      %add3A_108 = arith.constant 24 : i32
      %add3A_109 = arith.addi %add3A_108, %select_n3A : i32
      %mul3A_110 = arith.constant 262144 : i32
      %mul3A_111 = arith.muli %add3A_109, %mul3A_110 : i32
      %mul3A_112 = arith.constant 65536 : i32
      %mul3A_113 = arith.muli %select_n3A_30, %mul3A_112 : i32
      %add3A_114 = arith.addi %mul3A_111, %mul3A_113 : i32
      %add3A_115 = arith.constant 1 : i32
      %add3A_116 = arith.addi %mul3A_103, %add3A_115 : i32
      %mul3A_117 = arith.constant 8192 : i32
      %mul3A_118 = arith.muli %add3A_116, %mul3A_117 : i32
      %add3A_119 = arith.addi %add3A_114, %mul3A_118 : i32
      %dma_start3A_120 = tpu.memref_slice %arg2[%add3A_119] : memref<14680064xf32, #tpu.memory_space<hbm>> -> memref<8192xf32, #tpu.memory_space<hbm>>
      %dma_start3A_121 = tpu.memref_slice %arg2[%add3A_119] : memref<14680064xf32, #tpu.memory_space<hbm>> -> memref<8192xf32, #tpu.memory_space<hbm>>
      tpu.enqueue_dma source(%dma_start3A_121 : memref<8192xf32, #tpu.memory_space<hbm>>) target(%arg7 : memref<8192xf32, #tpu.memory_space<vmem>>) target_semaphore(%arg11 : memref<!tpu.dma_semaphore, #tpu.memory_space<semaphore_mem>>)
      %mul3A_122 = arith.constant 8192 : i32
      %mul3A_123 = arith.muli %mul3A_103, %mul3A_122 : i32
      %parallel_loop3A_124 = arith.constant 0 : i32
      %parallel_loop3A_125 = arith.constant 8192 : i32
      %parallel_loop3A_126 = arith.constant 16 : i32
      scf.for %parallel_loop3A_163 = %parallel_loop3A_124 to %parallel_loop3A_125 step %parallel_loop3A_126  : i32 {
        %parallel_loop3A_164 = arith.constant 0 : i32
        %parallel_loop3A_165 = arith.addi %parallel_loop3A_163, %parallel_loop3A_164 : i32
        %parallel_loop3A_166 = arith.index_cast %parallel_loop3A_165 : i32 to index
        %parallel_loop3A_167 = tpu.vector_load %arg6[%parallel_loop3A_166] {strides = array<i32>} : memref<8192xf32, #tpu.memory_space<vmem>>, vector<16xf32>,
        %parallel_loop3A_168 = arith.addi %mul3A_123, %parallel_loop3A_163 : i32
        %parallel_loop3A_169 = arith.constant 0 : i32
        %parallel_loop3A_170 = arith.addi %parallel_loop3A_168, %parallel_loop3A_169 : i32
        %parallel_loop3A_171 = arith.index_cast %parallel_loop3A_170 : i32 to index
        %parallel_loop3A_172 = tpu.vector_load %arg5[%parallel_loop3A_171] {strides = array<i32>} : memref<65536xf32, #tpu.memory_space<vmem>>, vector<16xf32>,
        %parallel_loop3A_173 = arith.constant 2.000000e+00 : f32
        %parallel_loop3A_174 = vector.broadcast %parallel_loop3A_173 : f32 to vector<16xf32>
        %parallel_loop3A_175 = arith.mulf %parallel_loop3A_174, %parallel_loop3A_172 : vector<16xf32>
        %parallel_loop3A_176 = arith.constant 1.000000e+00 : f32
        %parallel_loop3A_177 = vector.broadcast %parallel_loop3A_176 : f32 to vector<16xf32>
        %parallel_loop3A_178 = arith.subf %parallel_loop3A_175, %parallel_loop3A_177 : vector<16xf32>
        %parallel_loop3A_179 = arith.mulf %parallel_loop3A_167, %parallel_loop3A_178 : vector<16xf32>
        %parallel_loop3A_180 = arith.constant 1.000000e+00 : f32
        %parallel_loop3A_181 = vector.broadcast %parallel_loop3A_180 : f32 to vector<16xf32>
        %parallel_loop3A_182 = arith.subf %parallel_loop3A_181, %parallel_loop3A_179 : vector<16xf32>
        %parallel_loop3A_183 = arith.constant 6.400000e+01 : f32
        %parallel_loop3A_184 = vector.broadcast %parallel_loop3A_183 : f32 to vector<16xf32>
        %parallel_loop3A_185 = arith.mulf %parallel_loop3A_182, %parallel_loop3A_184 : vector<16xf32>
        %parallel_loop3A_186 = arith.constant 1.382400e+04 : f32
        %parallel_loop3A_187 = vector.broadcast %parallel_loop3A_186 : f32 to vector<16xf32>
        %parallel_loop3A_188 = arith.addf %parallel_loop3A_185, %parallel_loop3A_187 : vector<16xf32>
        %parallel_loop3A_189 = arith.constant 1.331200e+04 : f32
        %parallel_loop3A_190 = vector.broadcast %parallel_loop3A_189 : f32 to vector<16xf32>
        %parallel_loop3A_191 = arith.maximumf %parallel_loop3A_188, %parallel_loop3A_190 : vector<16xf32>
        %parallel_loop3A_192 = arith.constant 1.433500e+04 : f32
        %parallel_loop3A_193 = vector.broadcast %parallel_loop3A_192 : f32 to vector<16xf32>
        %parallel_loop3A_194 = arith.minimumf %parallel_loop3A_191, %parallel_loop3A_193 : vector<16xf32>
        %parallel_loop3A_195 = arith.constant 1.024000e+03 : f32
        %parallel_loop3A_196 = vector.broadcast %parallel_loop3A_195 : f32 to vector<16xf32>
        %parallel_loop3A_197 = arith.mulf %parallel_loop3A_172, %parallel_loop3A_196 : vector<16xf32>
        %parallel_loop3A_198 = arith.subf %parallel_loop3A_194, %parallel_loop3A_197 : vector<16xf32>
        %parallel_loop3A_199 = arith.fptosi %parallel_loop3A_198 : vector<16xf32> to vector<16xi32>
        tpu.vector_store_idx %arg8[%parallel_loop3A_199], %broadcast_in_dim3A_48 {add = true} : memref<28672xf32, #tpu.memory_space<vmem>>[vector<16xi32>], vector<16xf32>,
        %parallel_loop3A_200 = arith.constant 2048 : i32
        %parallel_loop3A_201 = vector.broadcast %parallel_loop3A_200 : i32 to vector<16xi32>
        %parallel_loop3A_202 = arith.addi %parallel_loop3A_199, %parallel_loop3A_201 : vector<16xi32>
        tpu.vector_store_idx %arg8[%parallel_loop3A_202], %parallel_loop3A_182 {add = true} : memref<28672xf32, #tpu.memory_space<vmem>>[vector<16xi32>], vector<16xf32>,
      } {sc.loop_unroll_factor = 8 : i64, sc.parallel_access}
      %dma_wait3A_127 = arith.constant 0 : i32
      %dma_wait3A_128 = tpu.memref_slice %arg2[%dma_wait3A_127] : memref<14680064xf32, #tpu.memory_space<hbm>> -> memref<8192xf32, #tpu.memory_space<hbm>>
      %dma_wait3A_129 = arith.constant 0 : i32
      %dma_wait3A_130 = tpu.memref_slice %arg2[%dma_wait3A_129] : memref<14680064xf32, #tpu.memory_space<hbm>> -> memref<8192xf32, #tpu.memory_space<hbm>>
      tpu.wait_dma2 semaphore(%arg11 : memref<!tpu.dma_semaphore, #tpu.memory_space<semaphore_mem>>) src(%dma_wait3A_130 : memref<8192xf32, #tpu.memory_space<hbm>>) dst(%arg7 : memref<8192xf32, #tpu.memory_space<vmem>>)
      %add3A_131 = arith.constant 24 : i32
      %add3A_132 = arith.addi %add3A_131, %select_n3A : i32
      %mul3A_133 = arith.constant 262144 : i32
      %mul3A_134 = arith.muli %add3A_132, %mul3A_133 : i32
      %mul3A_135 = arith.constant 65536 : i32
      %mul3A_136 = arith.muli %select_n3A_30, %mul3A_135 : i32
      %add3A_137 = arith.addi %mul3A_134, %mul3A_136 : i32
      %add3A_138 = arith.constant 2 : i32
      %add3A_139 = arith.addi %mul3A_103, %add3A_138 : i32
      %mul3A_140 = arith.constant 8192 : i32
      %mul3A_141 = arith.muli %add3A_139, %mul3A_140 : i32
      %add3A_142 = arith.addi %add3A_137, %mul3A_141 : i32
      %add3A_143 = arith.constant 32 : i32
      %add3A_144 = arith.addi %add3A_143, %select_n3A : i32
      %mul3A_145 = arith.constant 262144 : i32
      %mul3A_146 = arith.muli %add3A_144, %mul3A_145 : i32
      %mul3A_147 = arith.constant 65536 : i32
      %mul3A_148 = arith.muli %select_n3A_30, %mul3A_147 : i32
      %add3A_149 = arith.addi %mul3A_146, %mul3A_148 : i32
      %add3A_150 = arith.constant 2 : i32
      %add3A_151 = arith.addi %mul3A_103, %add3A_150 : i32
      %ge3A = arith.constant 8 : i32
      %ge3A_152 = arith.cmpi sge, %add3A_151, %ge3A : i32
      %select_n3A_153 = arith.select %ge3A_152, %add3A_149, %add3A_142 : i32
      %dma_start3A_154 = tpu.memref_slice %arg2[%select_n3A_153] : memref<14680064xf32, #tpu.memory_space<hbm>> -> memref<8192xf32, #tpu.memory_space<hbm>>
      %dma_start3A_155 = tpu.memref_slice %arg2[%select_n3A_153] : memref<14680064xf32, #tpu.memory_space<hbm>> -> memref<8192xf32, #tpu.memory_space<hbm>>
      tpu.enqueue_dma source(%dma_start3A_155 : memref<8192xf32, #tpu.memory_space<hbm>>) target(%arg6 : memref<8192xf32, #tpu.memory_space<vmem>>) target_semaphore(%arg10 : memref<!tpu.dma_semaphore, #tpu.memory_space<semaphore_mem>>)
      %add3A_156 = arith.constant 1 : i32
      %add3A_157 = arith.addi %mul3A_103, %add3A_156 : i32
      %mul3A_158 = arith.constant 8192 : i32
      %mul3A_159 = arith.muli %add3A_157, %mul3A_158 : i32
      %parallel_loop3A_160 = arith.constant 0 : i32
      %parallel_loop3A_161 = arith.constant 8192 : i32
      %parallel_loop3A_162 = arith.constant 16 : i32
      scf.for %parallel_loop3A_163 = %parallel_loop3A_160 to %parallel_loop3A_161 step %parallel_loop3A_162  : i32 {
        %parallel_loop3A_164 = arith.constant 0 : i32
        %parallel_loop3A_165 = arith.addi %parallel_loop3A_163, %parallel_loop3A_164 : i32
        %parallel_loop3A_166 = arith.index_cast %parallel_loop3A_165 : i32 to index
        %parallel_loop3A_167 = tpu.vector_load %arg7[%parallel_loop3A_166] {strides = array<i32>} : memref<8192xf32, #tpu.memory_space<vmem>>, vector<16xf32>,
        %parallel_loop3A_168 = arith.addi %mul3A_159, %parallel_loop3A_163 : i32
        %parallel_loop3A_169 = arith.constant 0 : i32
        %parallel_loop3A_170 = arith.addi %parallel_loop3A_168, %parallel_loop3A_169 : i32
        %parallel_loop3A_171 = arith.index_cast %parallel_loop3A_170 : i32 to index
        %parallel_loop3A_172 = tpu.vector_load %arg5[%parallel_loop3A_171] {strides = array<i32>} : memref<65536xf32, #tpu.memory_space<vmem>>, vector<16xf32>,
        %parallel_loop3A_173 = arith.constant 2.000000e+00 : f32
        %parallel_loop3A_174 = vector.broadcast %parallel_loop3A_173 : f32 to vector<16xf32>
        %parallel_loop3A_175 = arith.mulf %parallel_loop3A_174, %parallel_loop3A_172 : vector<16xf32>
        %parallel_loop3A_176 = arith.constant 1.000000e+00 : f32
        %parallel_loop3A_177 = vector.broadcast %parallel_loop3A_176 : f32 to vector<16xf32>
        %parallel_loop3A_178 = arith.subf %parallel_loop3A_175, %parallel_loop3A_177 : vector<16xf32>
        %parallel_loop3A_179 = arith.mulf %parallel_loop3A_167, %parallel_loop3A_178 : vector<16xf32>
        %parallel_loop3A_180 = arith.constant 1.000000e+00 : f32
        %parallel_loop3A_181 = vector.broadcast %parallel_loop3A_180 : f32 to vector<16xf32>
        %parallel_loop3A_182 = arith.subf %parallel_loop3A_181, %parallel_loop3A_179 : vector<16xf32>
        %parallel_loop3A_183 = arith.constant 6.400000e+01 : f32
        %parallel_loop3A_184 = vector.broadcast %parallel_loop3A_183 : f32 to vector<16xf32>
        %parallel_loop3A_185 = arith.mulf %parallel_loop3A_182, %parallel_loop3A_184 : vector<16xf32>
        %parallel_loop3A_186 = arith.constant 1.382400e+04 : f32
        %parallel_loop3A_187 = vector.broadcast %parallel_loop3A_186 : f32 to vector<16xf32>
        %parallel_loop3A_188 = arith.addf %parallel_loop3A_185, %parallel_loop3A_187 : vector<16xf32>
        %parallel_loop3A_189 = arith.constant 1.331200e+04 : f32
        %parallel_loop3A_190 = vector.broadcast %parallel_loop3A_189 : f32 to vector<16xf32>
        %parallel_loop3A_191 = arith.maximumf %parallel_loop3A_188, %parallel_loop3A_190 : vector<16xf32>
        %parallel_loop3A_192 = arith.constant 1.433500e+04 : f32
        %parallel_loop3A_193 = vector.broadcast %parallel_loop3A_192 : f32 to vector<16xf32>
        %parallel_loop3A_194 = arith.minimumf %parallel_loop3A_191, %parallel_loop3A_193 : vector<16xf32>
        %parallel_loop3A_195 = arith.constant 1.024000e+03 : f32
        %parallel_loop3A_196 = vector.broadcast %parallel_loop3A_195 : f32 to vector<16xf32>
        %parallel_loop3A_197 = arith.mulf %parallel_loop3A_172, %parallel_loop3A_196 : vector<16xf32>
        %parallel_loop3A_198 = arith.subf %parallel_loop3A_194, %parallel_loop3A_197 : vector<16xf32>
        %parallel_loop3A_199 = arith.fptosi %parallel_loop3A_198 : vector<16xf32> to vector<16xi32>
        tpu.vector_store_idx %arg8[%parallel_loop3A_199], %broadcast_in_dim3A_48 {add = true} : memref<28672xf32, #tpu.memory_space<vmem>>[vector<16xi32>], vector<16xf32>,
        %parallel_loop3A_200 = arith.constant 2048 : i32
        %parallel_loop3A_201 = vector.broadcast %parallel_loop3A_200 : i32 to vector<16xi32>
        %parallel_loop3A_202 = arith.addi %parallel_loop3A_199, %parallel_loop3A_201 : vector<16xi32>
        tpu.vector_store_idx %arg8[%parallel_loop3A_202], %parallel_loop3A_182 {add = true} : memref<28672xf32, #tpu.memory_space<vmem>>[vector<16xi32>], vector<16xf32>,
      } {sc.loop_unroll_factor = 8 : i64, sc.parallel_access}
    }
    %scan3A_76 = arith.constant 4 : i32
    %scan3A_77 = arith.constant 0 : i32
    %scan3A_78 = arith.constant 0 : i32
    %scan3A_79 = arith.constant 4 : i32
    %scan3A_80 = arith.addi %scan3A_78, %scan3A_79 : i32
    %scan3A_81 = arith.constant 1 : i32
    scf.for %scan3A_101 = %scan3A_78 to %scan3A_80 step %scan3A_81  : i32 {
      %mul3A_102 = arith.constant 2 : i32
      %mul3A_103 = arith.muli %scan3A_101, %mul3A_102 : i32
      %dma_wait3A_104 = arith.constant 0 : i32
      %dma_wait3A_105 = tpu.memref_slice %arg2[%dma_wait3A_104] : memref<14680064xf32, #tpu.memory_space<hbm>> -> memref<8192xf32, #tpu.memory_space<hbm>>
      %dma_wait3A_106 = arith.constant 0 : i32
      %dma_wait3A_107 = tpu.memref_slice %arg2[%dma_wait3A_106] : memref<14680064xf32, #tpu.memory_space<hbm>> -> memref<8192xf32, #tpu.memory_space<hbm>>
      tpu.wait_dma2 semaphore(%arg10 : memref<!tpu.dma_semaphore, #tpu.memory_space<semaphore_mem>>) src(%dma_wait3A_107 : memref<8192xf32, #tpu.memory_space<hbm>>) dst(%arg6 : memref<8192xf32, #tpu.memory_space<vmem>>)
      %add3A_108 = arith.constant 32 : i32
      %add3A_109 = arith.addi %add3A_108, %select_n3A : i32
      %mul3A_110 = arith.constant 262144 : i32
      %mul3A_111 = arith.muli %add3A_109, %mul3A_110 : i32
      %mul3A_112 = arith.constant 65536 : i32
      %mul3A_113 = arith.muli %select_n3A_30, %mul3A_112 : i32
      %add3A_114 = arith.addi %mul3A_111, %mul3A_113 : i32
      %add3A_115 = arith.constant 1 : i32
      %add3A_116 = arith.addi %mul3A_103, %add3A_115 : i32
      %mul3A_117 = arith.constant 8192 : i32
      %mul3A_118 = arith.muli %add3A_116, %mul3A_117 : i32
      %add3A_119 = arith.addi %add3A_114, %mul3A_118 : i32
      %dma_start3A_120 = tpu.memref_slice %arg2[%add3A_119] : memref<14680064xf32, #tpu.memory_space<hbm>> -> memref<8192xf32, #tpu.memory_space<hbm>>
      %dma_start3A_121 = tpu.memref_slice %arg2[%add3A_119] : memref<14680064xf32, #tpu.memory_space<hbm>> -> memref<8192xf32, #tpu.memory_space<hbm>>
      tpu.enqueue_dma source(%dma_start3A_121 : memref<8192xf32, #tpu.memory_space<hbm>>) target(%arg7 : memref<8192xf32, #tpu.memory_space<vmem>>) target_semaphore(%arg11 : memref<!tpu.dma_semaphore, #tpu.memory_space<semaphore_mem>>)
      %mul3A_122 = arith.constant 8192 : i32
      %mul3A_123 = arith.muli %mul3A_103, %mul3A_122 : i32
      %parallel_loop3A_124 = arith.constant 0 : i32
      %parallel_loop3A_125 = arith.constant 8192 : i32
      %parallel_loop3A_126 = arith.constant 16 : i32
      scf.for %parallel_loop3A_163 = %parallel_loop3A_124 to %parallel_loop3A_125 step %parallel_loop3A_126  : i32 {
        %parallel_loop3A_164 = arith.constant 0 : i32
        %parallel_loop3A_165 = arith.addi %parallel_loop3A_163, %parallel_loop3A_164 : i32
        %parallel_loop3A_166 = arith.index_cast %parallel_loop3A_165 : i32 to index
        %parallel_loop3A_167 = tpu.vector_load %arg6[%parallel_loop3A_166] {strides = array<i32>} : memref<8192xf32, #tpu.memory_space<vmem>>, vector<16xf32>,
        %parallel_loop3A_168 = arith.addi %mul3A_123, %parallel_loop3A_163 : i32
        %parallel_loop3A_169 = arith.constant 0 : i32
        %parallel_loop3A_170 = arith.addi %parallel_loop3A_168, %parallel_loop3A_169 : i32
        %parallel_loop3A_171 = arith.index_cast %parallel_loop3A_170 : i32 to index
        %parallel_loop3A_172 = tpu.vector_load %arg5[%parallel_loop3A_171] {strides = array<i32>} : memref<65536xf32, #tpu.memory_space<vmem>>, vector<16xf32>,
        %parallel_loop3A_173 = arith.constant 2.000000e+00 : f32
        %parallel_loop3A_174 = vector.broadcast %parallel_loop3A_173 : f32 to vector<16xf32>
        %parallel_loop3A_175 = arith.mulf %parallel_loop3A_174, %parallel_loop3A_172 : vector<16xf32>
        %parallel_loop3A_176 = arith.constant 1.000000e+00 : f32
        %parallel_loop3A_177 = vector.broadcast %parallel_loop3A_176 : f32 to vector<16xf32>
        %parallel_loop3A_178 = arith.subf %parallel_loop3A_175, %parallel_loop3A_177 : vector<16xf32>
        %parallel_loop3A_179 = arith.mulf %parallel_loop3A_167, %parallel_loop3A_178 : vector<16xf32>
        %parallel_loop3A_180 = arith.constant 1.000000e+00 : f32
        %parallel_loop3A_181 = vector.broadcast %parallel_loop3A_180 : f32 to vector<16xf32>
        %parallel_loop3A_182 = arith.subf %parallel_loop3A_181, %parallel_loop3A_179 : vector<16xf32>
        %parallel_loop3A_183 = arith.constant 6.400000e+01 : f32
        %parallel_loop3A_184 = vector.broadcast %parallel_loop3A_183 : f32 to vector<16xf32>
        %parallel_loop3A_185 = arith.mulf %parallel_loop3A_182, %parallel_loop3A_184 : vector<16xf32>
        %parallel_loop3A_186 = arith.constant 1.792000e+04 : f32
        %parallel_loop3A_187 = vector.broadcast %parallel_loop3A_186 : f32 to vector<16xf32>
        %parallel_loop3A_188 = arith.addf %parallel_loop3A_185, %parallel_loop3A_187 : vector<16xf32>
        %parallel_loop3A_189 = arith.constant 1.740800e+04 : f32
        %parallel_loop3A_190 = vector.broadcast %parallel_loop3A_189 : f32 to vector<16xf32>
        %parallel_loop3A_191 = arith.maximumf %parallel_loop3A_188, %parallel_loop3A_190 : vector<16xf32>
        %parallel_loop3A_192 = arith.constant 1.843100e+04 : f32
        %parallel_loop3A_193 = vector.broadcast %parallel_loop3A_192 : f32 to vector<16xf32>
        %parallel_loop3A_194 = arith.minimumf %parallel_loop3A_191, %parallel_loop3A_193 : vector<16xf32>
        %parallel_loop3A_195 = arith.constant 1.024000e+03 : f32
        %parallel_loop3A_196 = vector.broadcast %parallel_loop3A_195 : f32 to vector<16xf32>
        %parallel_loop3A_197 = arith.mulf %parallel_loop3A_172, %parallel_loop3A_196 : vector<16xf32>
        %parallel_loop3A_198 = arith.subf %parallel_loop3A_194, %parallel_loop3A_197 : vector<16xf32>
        %parallel_loop3A_199 = arith.fptosi %parallel_loop3A_198 : vector<16xf32> to vector<16xi32>
        tpu.vector_store_idx %arg8[%parallel_loop3A_199], %broadcast_in_dim3A_48 {add = true} : memref<28672xf32, #tpu.memory_space<vmem>>[vector<16xi32>], vector<16xf32>,
        %parallel_loop3A_200 = arith.constant 2048 : i32
        %parallel_loop3A_201 = vector.broadcast %parallel_loop3A_200 : i32 to vector<16xi32>
        %parallel_loop3A_202 = arith.addi %parallel_loop3A_199, %parallel_loop3A_201 : vector<16xi32>
        tpu.vector_store_idx %arg8[%parallel_loop3A_202], %parallel_loop3A_182 {add = true} : memref<28672xf32, #tpu.memory_space<vmem>>[vector<16xi32>], vector<16xf32>,
      } {sc.loop_unroll_factor = 8 : i64, sc.parallel_access}
      %dma_wait3A_127 = arith.constant 0 : i32
      %dma_wait3A_128 = tpu.memref_slice %arg2[%dma_wait3A_127] : memref<14680064xf32, #tpu.memory_space<hbm>> -> memref<8192xf32, #tpu.memory_space<hbm>>
      %dma_wait3A_129 = arith.constant 0 : i32
      %dma_wait3A_130 = tpu.memref_slice %arg2[%dma_wait3A_129] : memref<14680064xf32, #tpu.memory_space<hbm>> -> memref<8192xf32, #tpu.memory_space<hbm>>
      tpu.wait_dma2 semaphore(%arg11 : memref<!tpu.dma_semaphore, #tpu.memory_space<semaphore_mem>>) src(%dma_wait3A_130 : memref<8192xf32, #tpu.memory_space<hbm>>) dst(%arg7 : memref<8192xf32, #tpu.memory_space<vmem>>)
      %add3A_131 = arith.constant 32 : i32
      %add3A_132 = arith.addi %add3A_131, %select_n3A : i32
      %mul3A_133 = arith.constant 262144 : i32
      %mul3A_134 = arith.muli %add3A_132, %mul3A_133 : i32
      %mul3A_135 = arith.constant 65536 : i32
      %mul3A_136 = arith.muli %select_n3A_30, %mul3A_135 : i32
      %add3A_137 = arith.addi %mul3A_134, %mul3A_136 : i32
      %add3A_138 = arith.constant 2 : i32
      %add3A_139 = arith.addi %mul3A_103, %add3A_138 : i32
      %mul3A_140 = arith.constant 8192 : i32
      %mul3A_141 = arith.muli %add3A_139, %mul3A_140 : i32
      %add3A_142 = arith.addi %add3A_137, %mul3A_141 : i32
      %add3A_143 = arith.constant 40 : i32
      %add3A_144 = arith.addi %add3A_143, %select_n3A : i32
      %mul3A_145 = arith.constant 262144 : i32
      %mul3A_146 = arith.muli %add3A_144, %mul3A_145 : i32
      %mul3A_147 = arith.constant 65536 : i32
      %mul3A_148 = arith.muli %select_n3A_30, %mul3A_147 : i32
      %add3A_149 = arith.addi %mul3A_146, %mul3A_148 : i32
      %add3A_150 = arith.constant 2 : i32
      %add3A_151 = arith.addi %mul3A_103, %add3A_150 : i32
      %ge3A = arith.constant 8 : i32
      %ge3A_152 = arith.cmpi sge, %add3A_151, %ge3A : i32
      %select_n3A_153 = arith.select %ge3A_152, %add3A_149, %add3A_142 : i32
      %dma_start3A_154 = tpu.memref_slice %arg2[%select_n3A_153] : memref<14680064xf32, #tpu.memory_space<hbm>> -> memref<8192xf32, #tpu.memory_space<hbm>>
      %dma_start3A_155 = tpu.memref_slice %arg2[%select_n3A_153] : memref<14680064xf32, #tpu.memory_space<hbm>> -> memref<8192xf32, #tpu.memory_space<hbm>>
      tpu.enqueue_dma source(%dma_start3A_155 : memref<8192xf32, #tpu.memory_space<hbm>>) target(%arg6 : memref<8192xf32, #tpu.memory_space<vmem>>) target_semaphore(%arg10 : memref<!tpu.dma_semaphore, #tpu.memory_space<semaphore_mem>>)
      %add3A_156 = arith.constant 1 : i32
      %add3A_157 = arith.addi %mul3A_103, %add3A_156 : i32
      %mul3A_158 = arith.constant 8192 : i32
      %mul3A_159 = arith.muli %add3A_157, %mul3A_158 : i32
      %parallel_loop3A_160 = arith.constant 0 : i32
      %parallel_loop3A_161 = arith.constant 8192 : i32
      %parallel_loop3A_162 = arith.constant 16 : i32
      scf.for %parallel_loop3A_163 = %parallel_loop3A_160 to %parallel_loop3A_161 step %parallel_loop3A_162  : i32 {
        %parallel_loop3A_164 = arith.constant 0 : i32
        %parallel_loop3A_165 = arith.addi %parallel_loop3A_163, %parallel_loop3A_164 : i32
        %parallel_loop3A_166 = arith.index_cast %parallel_loop3A_165 : i32 to index
        %parallel_loop3A_167 = tpu.vector_load %arg7[%parallel_loop3A_166] {strides = array<i32>} : memref<8192xf32, #tpu.memory_space<vmem>>, vector<16xf32>,
        %parallel_loop3A_168 = arith.addi %mul3A_159, %parallel_loop3A_163 : i32
        %parallel_loop3A_169 = arith.constant 0 : i32
        %parallel_loop3A_170 = arith.addi %parallel_loop3A_168, %parallel_loop3A_169 : i32
        %parallel_loop3A_171 = arith.index_cast %parallel_loop3A_170 : i32 to index
        %parallel_loop3A_172 = tpu.vector_load %arg5[%parallel_loop3A_171] {strides = array<i32>} : memref<65536xf32, #tpu.memory_space<vmem>>, vector<16xf32>,
        %parallel_loop3A_173 = arith.constant 2.000000e+00 : f32
        %parallel_loop3A_174 = vector.broadcast %parallel_loop3A_173 : f32 to vector<16xf32>
        %parallel_loop3A_175 = arith.mulf %parallel_loop3A_174, %parallel_loop3A_172 : vector<16xf32>
        %parallel_loop3A_176 = arith.constant 1.000000e+00 : f32
        %parallel_loop3A_177 = vector.broadcast %parallel_loop3A_176 : f32 to vector<16xf32>
        %parallel_loop3A_178 = arith.subf %parallel_loop3A_175, %parallel_loop3A_177 : vector<16xf32>
        %parallel_loop3A_179 = arith.mulf %parallel_loop3A_167, %parallel_loop3A_178 : vector<16xf32>
        %parallel_loop3A_180 = arith.constant 1.000000e+00 : f32
        %parallel_loop3A_181 = vector.broadcast %parallel_loop3A_180 : f32 to vector<16xf32>
        %parallel_loop3A_182 = arith.subf %parallel_loop3A_181, %parallel_loop3A_179 : vector<16xf32>
        %parallel_loop3A_183 = arith.constant 6.400000e+01 : f32
        %parallel_loop3A_184 = vector.broadcast %parallel_loop3A_183 : f32 to vector<16xf32>
        %parallel_loop3A_185 = arith.mulf %parallel_loop3A_182, %parallel_loop3A_184 : vector<16xf32>
        %parallel_loop3A_186 = arith.constant 1.792000e+04 : f32
        %parallel_loop3A_187 = vector.broadcast %parallel_loop3A_186 : f32 to vector<16xf32>
        %parallel_loop3A_188 = arith.addf %parallel_loop3A_185, %parallel_loop3A_187 : vector<16xf32>
        %parallel_loop3A_189 = arith.constant 1.740800e+04 : f32
        %parallel_loop3A_190 = vector.broadcast %parallel_loop3A_189 : f32 to vector<16xf32>
        %parallel_loop3A_191 = arith.maximumf %parallel_loop3A_188, %parallel_loop3A_190 : vector<16xf32>
        %parallel_loop3A_192 = arith.constant 1.843100e+04 : f32
        %parallel_loop3A_193 = vector.broadcast %parallel_loop3A_192 : f32 to vector<16xf32>
        %parallel_loop3A_194 = arith.minimumf %parallel_loop3A_191, %parallel_loop3A_193 : vector<16xf32>
        %parallel_loop3A_195 = arith.constant 1.024000e+03 : f32
        %parallel_loop3A_196 = vector.broadcast %parallel_loop3A_195 : f32 to vector<16xf32>
        %parallel_loop3A_197 = arith.mulf %parallel_loop3A_172, %parallel_loop3A_196 : vector<16xf32>
        %parallel_loop3A_198 = arith.subf %parallel_loop3A_194, %parallel_loop3A_197 : vector<16xf32>
        %parallel_loop3A_199 = arith.fptosi %parallel_loop3A_198 : vector<16xf32> to vector<16xi32>
        tpu.vector_store_idx %arg8[%parallel_loop3A_199], %broadcast_in_dim3A_48 {add = true} : memref<28672xf32, #tpu.memory_space<vmem>>[vector<16xi32>], vector<16xf32>,
        %parallel_loop3A_200 = arith.constant 2048 : i32
        %parallel_loop3A_201 = vector.broadcast %parallel_loop3A_200 : i32 to vector<16xi32>
        %parallel_loop3A_202 = arith.addi %parallel_loop3A_199, %parallel_loop3A_201 : vector<16xi32>
        tpu.vector_store_idx %arg8[%parallel_loop3A_202], %parallel_loop3A_182 {add = true} : memref<28672xf32, #tpu.memory_space<vmem>>[vector<16xi32>], vector<16xf32>,
      } {sc.loop_unroll_factor = 8 : i64, sc.parallel_access}
    }
    %scan3A_82 = arith.constant 4 : i32
    %scan3A_83 = arith.constant 0 : i32
    %scan3A_84 = arith.constant 0 : i32
    %scan3A_85 = arith.constant 4 : i32
    %scan3A_86 = arith.addi %scan3A_84, %scan3A_85 : i32
    %scan3A_87 = arith.constant 1 : i32
    scf.for %scan3A_101 = %scan3A_84 to %scan3A_86 step %scan3A_87  : i32 {
      %mul3A_102 = arith.constant 2 : i32
      %mul3A_103 = arith.muli %scan3A_101, %mul3A_102 : i32
      %dma_wait3A_104 = arith.constant 0 : i32
      %dma_wait3A_105 = tpu.memref_slice %arg2[%dma_wait3A_104] : memref<14680064xf32, #tpu.memory_space<hbm>> -> memref<8192xf32, #tpu.memory_space<hbm>>
      %dma_wait3A_106 = arith.constant 0 : i32
      %dma_wait3A_107 = tpu.memref_slice %arg2[%dma_wait3A_106] : memref<14680064xf32, #tpu.memory_space<hbm>> -> memref<8192xf32, #tpu.memory_space<hbm>>
      tpu.wait_dma2 semaphore(%arg10 : memref<!tpu.dma_semaphore, #tpu.memory_space<semaphore_mem>>) src(%dma_wait3A_107 : memref<8192xf32, #tpu.memory_space<hbm>>) dst(%arg6 : memref<8192xf32, #tpu.memory_space<vmem>>)
      %add3A_108 = arith.constant 40 : i32
      %add3A_109 = arith.addi %add3A_108, %select_n3A : i32
      %mul3A_110 = arith.constant 262144 : i32
      %mul3A_111 = arith.muli %add3A_109, %mul3A_110 : i32
      %mul3A_112 = arith.constant 65536 : i32
      %mul3A_113 = arith.muli %select_n3A_30, %mul3A_112 : i32
      %add3A_114 = arith.addi %mul3A_111, %mul3A_113 : i32
      %add3A_115 = arith.constant 1 : i32
      %add3A_116 = arith.addi %mul3A_103, %add3A_115 : i32
      %mul3A_117 = arith.constant 8192 : i32
      %mul3A_118 = arith.muli %add3A_116, %mul3A_117 : i32
      %add3A_119 = arith.addi %add3A_114, %mul3A_118 : i32
      %dma_start3A_120 = tpu.memref_slice %arg2[%add3A_119] : memref<14680064xf32, #tpu.memory_space<hbm>> -> memref<8192xf32, #tpu.memory_space<hbm>>
      %dma_start3A_121 = tpu.memref_slice %arg2[%add3A_119] : memref<14680064xf32, #tpu.memory_space<hbm>> -> memref<8192xf32, #tpu.memory_space<hbm>>
      tpu.enqueue_dma source(%dma_start3A_121 : memref<8192xf32, #tpu.memory_space<hbm>>) target(%arg7 : memref<8192xf32, #tpu.memory_space<vmem>>) target_semaphore(%arg11 : memref<!tpu.dma_semaphore, #tpu.memory_space<semaphore_mem>>)
      %mul3A_122 = arith.constant 8192 : i32
      %mul3A_123 = arith.muli %mul3A_103, %mul3A_122 : i32
      %parallel_loop3A_124 = arith.constant 0 : i32
      %parallel_loop3A_125 = arith.constant 8192 : i32
      %parallel_loop3A_126 = arith.constant 16 : i32
      scf.for %parallel_loop3A_163 = %parallel_loop3A_124 to %parallel_loop3A_125 step %parallel_loop3A_126  : i32 {
        %parallel_loop3A_164 = arith.constant 0 : i32
        %parallel_loop3A_165 = arith.addi %parallel_loop3A_163, %parallel_loop3A_164 : i32
        %parallel_loop3A_166 = arith.index_cast %parallel_loop3A_165 : i32 to index
        %parallel_loop3A_167 = tpu.vector_load %arg6[%parallel_loop3A_166] {strides = array<i32>} : memref<8192xf32, #tpu.memory_space<vmem>>, vector<16xf32>,
        %parallel_loop3A_168 = arith.addi %mul3A_123, %parallel_loop3A_163 : i32
        %parallel_loop3A_169 = arith.constant 0 : i32
        %parallel_loop3A_170 = arith.addi %parallel_loop3A_168, %parallel_loop3A_169 : i32
        %parallel_loop3A_171 = arith.index_cast %parallel_loop3A_170 : i32 to index
        %parallel_loop3A_172 = tpu.vector_load %arg5[%parallel_loop3A_171] {strides = array<i32>} : memref<65536xf32, #tpu.memory_space<vmem>>, vector<16xf32>,
        %parallel_loop3A_173 = arith.constant 2.000000e+00 : f32
        %parallel_loop3A_174 = vector.broadcast %parallel_loop3A_173 : f32 to vector<16xf32>
        %parallel_loop3A_175 = arith.mulf %parallel_loop3A_174, %parallel_loop3A_172 : vector<16xf32>
        %parallel_loop3A_176 = arith.constant 1.000000e+00 : f32
        %parallel_loop3A_177 = vector.broadcast %parallel_loop3A_176 : f32 to vector<16xf32>
        %parallel_loop3A_178 = arith.subf %parallel_loop3A_175, %parallel_loop3A_177 : vector<16xf32>
        %parallel_loop3A_179 = arith.mulf %parallel_loop3A_167, %parallel_loop3A_178 : vector<16xf32>
        %parallel_loop3A_180 = arith.constant 1.000000e+00 : f32
        %parallel_loop3A_181 = vector.broadcast %parallel_loop3A_180 : f32 to vector<16xf32>
        %parallel_loop3A_182 = arith.subf %parallel_loop3A_181, %parallel_loop3A_179 : vector<16xf32>
        %parallel_loop3A_183 = arith.constant 6.400000e+01 : f32
        %parallel_loop3A_184 = vector.broadcast %parallel_loop3A_183 : f32 to vector<16xf32>
        %parallel_loop3A_185 = arith.mulf %parallel_loop3A_182, %parallel_loop3A_184 : vector<16xf32>
        %parallel_loop3A_186 = arith.constant 2.201600e+04 : f32
        %parallel_loop3A_187 = vector.broadcast %parallel_loop3A_186 : f32 to vector<16xf32>
        %parallel_loop3A_188 = arith.addf %parallel_loop3A_185, %parallel_loop3A_187 : vector<16xf32>
        %parallel_loop3A_189 = arith.constant 2.150400e+04 : f32
        %parallel_loop3A_190 = vector.broadcast %parallel_loop3A_189 : f32 to vector<16xf32>
        %parallel_loop3A_191 = arith.maximumf %parallel_loop3A_188, %parallel_loop3A_190 : vector<16xf32>
        %parallel_loop3A_192 = arith.constant 2.252700e+04 : f32
        %parallel_loop3A_193 = vector.broadcast %parallel_loop3A_192 : f32 to vector<16xf32>
        %parallel_loop3A_194 = arith.minimumf %parallel_loop3A_191, %parallel_loop3A_193 : vector<16xf32>
        %parallel_loop3A_195 = arith.constant 1.024000e+03 : f32
        %parallel_loop3A_196 = vector.broadcast %parallel_loop3A_195 : f32 to vector<16xf32>
        %parallel_loop3A_197 = arith.mulf %parallel_loop3A_172, %parallel_loop3A_196 : vector<16xf32>
        %parallel_loop3A_198 = arith.subf %parallel_loop3A_194, %parallel_loop3A_197 : vector<16xf32>
        %parallel_loop3A_199 = arith.fptosi %parallel_loop3A_198 : vector<16xf32> to vector<16xi32>
        tpu.vector_store_idx %arg8[%parallel_loop3A_199], %broadcast_in_dim3A_48 {add = true} : memref<28672xf32, #tpu.memory_space<vmem>>[vector<16xi32>], vector<16xf32>,
        %parallel_loop3A_200 = arith.constant 2048 : i32
        %parallel_loop3A_201 = vector.broadcast %parallel_loop3A_200 : i32 to vector<16xi32>
        %parallel_loop3A_202 = arith.addi %parallel_loop3A_199, %parallel_loop3A_201 : vector<16xi32>
        tpu.vector_store_idx %arg8[%parallel_loop3A_202], %parallel_loop3A_182 {add = true} : memref<28672xf32, #tpu.memory_space<vmem>>[vector<16xi32>], vector<16xf32>,
      } {sc.loop_unroll_factor = 8 : i64, sc.parallel_access}
      %dma_wait3A_127 = arith.constant 0 : i32
      %dma_wait3A_128 = tpu.memref_slice %arg2[%dma_wait3A_127] : memref<14680064xf32, #tpu.memory_space<hbm>> -> memref<8192xf32, #tpu.memory_space<hbm>>
      %dma_wait3A_129 = arith.constant 0 : i32
      %dma_wait3A_130 = tpu.memref_slice %arg2[%dma_wait3A_129] : memref<14680064xf32, #tpu.memory_space<hbm>> -> memref<8192xf32, #tpu.memory_space<hbm>>
      tpu.wait_dma2 semaphore(%arg11 : memref<!tpu.dma_semaphore, #tpu.memory_space<semaphore_mem>>) src(%dma_wait3A_130 : memref<8192xf32, #tpu.memory_space<hbm>>) dst(%arg7 : memref<8192xf32, #tpu.memory_space<vmem>>)
      %add3A_131 = arith.constant 40 : i32
      %add3A_132 = arith.addi %add3A_131, %select_n3A : i32
      %mul3A_133 = arith.constant 262144 : i32
      %mul3A_134 = arith.muli %add3A_132, %mul3A_133 : i32
      %mul3A_135 = arith.constant 65536 : i32
      %mul3A_136 = arith.muli %select_n3A_30, %mul3A_135 : i32
      %add3A_137 = arith.addi %mul3A_134, %mul3A_136 : i32
      %add3A_138 = arith.constant 2 : i32
      %add3A_139 = arith.addi %mul3A_103, %add3A_138 : i32
      %mul3A_140 = arith.constant 8192 : i32
      %mul3A_141 = arith.muli %add3A_139, %mul3A_140 : i32
      %add3A_142 = arith.addi %add3A_137, %mul3A_141 : i32
      %add3A_143 = arith.constant 48 : i32
      %add3A_144 = arith.addi %add3A_143, %select_n3A : i32
      %mul3A_145 = arith.constant 262144 : i32
      %mul3A_146 = arith.muli %add3A_144, %mul3A_145 : i32
      %mul3A_147 = arith.constant 65536 : i32
      %mul3A_148 = arith.muli %select_n3A_30, %mul3A_147 : i32
      %add3A_149 = arith.addi %mul3A_146, %mul3A_148 : i32
      %add3A_150 = arith.constant 2 : i32
      %add3A_151 = arith.addi %mul3A_103, %add3A_150 : i32
      %ge3A = arith.constant 8 : i32
      %ge3A_152 = arith.cmpi sge, %add3A_151, %ge3A : i32
      %select_n3A_153 = arith.select %ge3A_152, %add3A_149, %add3A_142 : i32
      %dma_start3A_154 = tpu.memref_slice %arg2[%select_n3A_153] : memref<14680064xf32, #tpu.memory_space<hbm>> -> memref<8192xf32, #tpu.memory_space<hbm>>
      %dma_start3A_155 = tpu.memref_slice %arg2[%select_n3A_153] : memref<14680064xf32, #tpu.memory_space<hbm>> -> memref<8192xf32, #tpu.memory_space<hbm>>
      tpu.enqueue_dma source(%dma_start3A_155 : memref<8192xf32, #tpu.memory_space<hbm>>) target(%arg6 : memref<8192xf32, #tpu.memory_space<vmem>>) target_semaphore(%arg10 : memref<!tpu.dma_semaphore, #tpu.memory_space<semaphore_mem>>)
      %add3A_156 = arith.constant 1 : i32
      %add3A_157 = arith.addi %mul3A_103, %add3A_156 : i32
      %mul3A_158 = arith.constant 8192 : i32
      %mul3A_159 = arith.muli %add3A_157, %mul3A_158 : i32
      %parallel_loop3A_160 = arith.constant 0 : i32
      %parallel_loop3A_161 = arith.constant 8192 : i32
      %parallel_loop3A_162 = arith.constant 16 : i32
      scf.for %parallel_loop3A_163 = %parallel_loop3A_160 to %parallel_loop3A_161 step %parallel_loop3A_162  : i32 {
        %parallel_loop3A_164 = arith.constant 0 : i32
        %parallel_loop3A_165 = arith.addi %parallel_loop3A_163, %parallel_loop3A_164 : i32
        %parallel_loop3A_166 = arith.index_cast %parallel_loop3A_165 : i32 to index
        %parallel_loop3A_167 = tpu.vector_load %arg7[%parallel_loop3A_166] {strides = array<i32>} : memref<8192xf32, #tpu.memory_space<vmem>>, vector<16xf32>,
        %parallel_loop3A_168 = arith.addi %mul3A_159, %parallel_loop3A_163 : i32
        %parallel_loop3A_169 = arith.constant 0 : i32
        %parallel_loop3A_170 = arith.addi %parallel_loop3A_168, %parallel_loop3A_169 : i32
        %parallel_loop3A_171 = arith.index_cast %parallel_loop3A_170 : i32 to index
        %parallel_loop3A_172 = tpu.vector_load %arg5[%parallel_loop3A_171] {strides = array<i32>} : memref<65536xf32, #tpu.memory_space<vmem>>, vector<16xf32>,
        %parallel_loop3A_173 = arith.constant 2.000000e+00 : f32
        %parallel_loop3A_174 = vector.broadcast %parallel_loop3A_173 : f32 to vector<16xf32>
        %parallel_loop3A_175 = arith.mulf %parallel_loop3A_174, %parallel_loop3A_172 : vector<16xf32>
        %parallel_loop3A_176 = arith.constant 1.000000e+00 : f32
        %parallel_loop3A_177 = vector.broadcast %parallel_loop3A_176 : f32 to vector<16xf32>
        %parallel_loop3A_178 = arith.subf %parallel_loop3A_175, %parallel_loop3A_177 : vector<16xf32>
        %parallel_loop3A_179 = arith.mulf %parallel_loop3A_167, %parallel_loop3A_178 : vector<16xf32>
        %parallel_loop3A_180 = arith.constant 1.000000e+00 : f32
        %parallel_loop3A_181 = vector.broadcast %parallel_loop3A_180 : f32 to vector<16xf32>
        %parallel_loop3A_182 = arith.subf %parallel_loop3A_181, %parallel_loop3A_179 : vector<16xf32>
        %parallel_loop3A_183 = arith.constant 6.400000e+01 : f32
        %parallel_loop3A_184 = vector.broadcast %parallel_loop3A_183 : f32 to vector<16xf32>
        %parallel_loop3A_185 = arith.mulf %parallel_loop3A_182, %parallel_loop3A_184 : vector<16xf32>
        %parallel_loop3A_186 = arith.constant 2.201600e+04 : f32
        %parallel_loop3A_187 = vector.broadcast %parallel_loop3A_186 : f32 to vector<16xf32>
        %parallel_loop3A_188 = arith.addf %parallel_loop3A_185, %parallel_loop3A_187 : vector<16xf32>
        %parallel_loop3A_189 = arith.constant 2.150400e+04 : f32
        %parallel_loop3A_190 = vector.broadcast %parallel_loop3A_189 : f32 to vector<16xf32>
        %parallel_loop3A_191 = arith.maximumf %parallel_loop3A_188, %parallel_loop3A_190 : vector<16xf32>
        %parallel_loop3A_192 = arith.constant 2.252700e+04 : f32
        %parallel_loop3A_193 = vector.broadcast %parallel_loop3A_192 : f32 to vector<16xf32>
        %parallel_loop3A_194 = arith.minimumf %parallel_loop3A_191, %parallel_loop3A_193 : vector<16xf32>
        %parallel_loop3A_195 = arith.constant 1.024000e+03 : f32
        %parallel_loop3A_196 = vector.broadcast %parallel_loop3A_195 : f32 to vector<16xf32>
        %parallel_loop3A_197 = arith.mulf %parallel_loop3A_172, %parallel_loop3A_196 : vector<16xf32>
        %parallel_loop3A_198 = arith.subf %parallel_loop3A_194, %parallel_loop3A_197 : vector<16xf32>
        %parallel_loop3A_199 = arith.fptosi %parallel_loop3A_198 : vector<16xf32> to vector<16xi32>
        tpu.vector_store_idx %arg8[%parallel_loop3A_199], %broadcast_in_dim3A_48 {add = true} : memref<28672xf32, #tpu.memory_space<vmem>>[vector<16xi32>], vector<16xf32>,
        %parallel_loop3A_200 = arith.constant 2048 : i32
        %parallel_loop3A_201 = vector.broadcast %parallel_loop3A_200 : i32 to vector<16xi32>
        %parallel_loop3A_202 = arith.addi %parallel_loop3A_199, %parallel_loop3A_201 : vector<16xi32>
        tpu.vector_store_idx %arg8[%parallel_loop3A_202], %parallel_loop3A_182 {add = true} : memref<28672xf32, #tpu.memory_space<vmem>>[vector<16xi32>], vector<16xf32>,
      } {sc.loop_unroll_factor = 8 : i64, sc.parallel_access}
    }
    %scan3A_88 = arith.constant 4 : i32
    %scan3A_89 = arith.constant 0 : i32
    %scan3A_90 = arith.constant 0 : i32
    %scan3A_91 = arith.constant 4 : i32
    %scan3A_92 = arith.addi %scan3A_90, %scan3A_91 : i32
    %scan3A_93 = arith.constant 1 : i32
    scf.for %scan3A_101 = %scan3A_90 to %scan3A_92 step %scan3A_93  : i32 {
      %mul3A_102 = arith.constant 2 : i32
      %mul3A_103 = arith.muli %scan3A_101, %mul3A_102 : i32
      %dma_wait3A_104 = arith.constant 0 : i32
      %dma_wait3A_105 = tpu.memref_slice %arg2[%dma_wait3A_104] : memref<14680064xf32, #tpu.memory_space<hbm>> -> memref<8192xf32, #tpu.memory_space<hbm>>
      %dma_wait3A_106 = arith.constant 0 : i32
      %dma_wait3A_107 = tpu.memref_slice %arg2[%dma_wait3A_106] : memref<14680064xf32, #tpu.memory_space<hbm>> -> memref<8192xf32, #tpu.memory_space<hbm>>
      tpu.wait_dma2 semaphore(%arg10 : memref<!tpu.dma_semaphore, #tpu.memory_space<semaphore_mem>>) src(%dma_wait3A_107 : memref<8192xf32, #tpu.memory_space<hbm>>) dst(%arg6 : memref<8192xf32, #tpu.memory_space<vmem>>)
      %add3A_108 = arith.constant 48 : i32
      %add3A_109 = arith.addi %add3A_108, %select_n3A : i32
      %mul3A_110 = arith.constant 262144 : i32
      %mul3A_111 = arith.muli %add3A_109, %mul3A_110 : i32
      %mul3A_112 = arith.constant 65536 : i32
      %mul3A_113 = arith.muli %select_n3A_30, %mul3A_112 : i32
      %add3A_114 = arith.addi %mul3A_111, %mul3A_113 : i32
      %add3A_115 = arith.constant 1 : i32
      %add3A_116 = arith.addi %mul3A_103, %add3A_115 : i32
      %mul3A_117 = arith.constant 8192 : i32
      %mul3A_118 = arith.muli %add3A_116, %mul3A_117 : i32
      %add3A_119 = arith.addi %add3A_114, %mul3A_118 : i32
      %dma_start3A_120 = tpu.memref_slice %arg2[%add3A_119] : memref<14680064xf32, #tpu.memory_space<hbm>> -> memref<8192xf32, #tpu.memory_space<hbm>>
      %dma_start3A_121 = tpu.memref_slice %arg2[%add3A_119] : memref<14680064xf32, #tpu.memory_space<hbm>> -> memref<8192xf32, #tpu.memory_space<hbm>>
      tpu.enqueue_dma source(%dma_start3A_121 : memref<8192xf32, #tpu.memory_space<hbm>>) target(%arg7 : memref<8192xf32, #tpu.memory_space<vmem>>) target_semaphore(%arg11 : memref<!tpu.dma_semaphore, #tpu.memory_space<semaphore_mem>>)
      %mul3A_122 = arith.constant 8192 : i32
      %mul3A_123 = arith.muli %mul3A_103, %mul3A_122 : i32
      %parallel_loop3A_124 = arith.constant 0 : i32
      %parallel_loop3A_125 = arith.constant 8192 : i32
      %parallel_loop3A_126 = arith.constant 16 : i32
      scf.for %parallel_loop3A_163 = %parallel_loop3A_124 to %parallel_loop3A_125 step %parallel_loop3A_126  : i32 {
        %parallel_loop3A_164 = arith.constant 0 : i32
        %parallel_loop3A_165 = arith.addi %parallel_loop3A_163, %parallel_loop3A_164 : i32
        %parallel_loop3A_166 = arith.index_cast %parallel_loop3A_165 : i32 to index
        %parallel_loop3A_167 = tpu.vector_load %arg6[%parallel_loop3A_166] {strides = array<i32>} : memref<8192xf32, #tpu.memory_space<vmem>>, vector<16xf32>,
        %parallel_loop3A_168 = arith.addi %mul3A_123, %parallel_loop3A_163 : i32
        %parallel_loop3A_169 = arith.constant 0 : i32
        %parallel_loop3A_170 = arith.addi %parallel_loop3A_168, %parallel_loop3A_169 : i32
        %parallel_loop3A_171 = arith.index_cast %parallel_loop3A_170 : i32 to index
        %parallel_loop3A_172 = tpu.vector_load %arg5[%parallel_loop3A_171] {strides = array<i32>} : memref<65536xf32, #tpu.memory_space<vmem>>, vector<16xf32>,
        %parallel_loop3A_173 = arith.constant 2.000000e+00 : f32
        %parallel_loop3A_174 = vector.broadcast %parallel_loop3A_173 : f32 to vector<16xf32>
        %parallel_loop3A_175 = arith.mulf %parallel_loop3A_174, %parallel_loop3A_172 : vector<16xf32>
        %parallel_loop3A_176 = arith.constant 1.000000e+00 : f32
        %parallel_loop3A_177 = vector.broadcast %parallel_loop3A_176 : f32 to vector<16xf32>
        %parallel_loop3A_178 = arith.subf %parallel_loop3A_175, %parallel_loop3A_177 : vector<16xf32>
        %parallel_loop3A_179 = arith.mulf %parallel_loop3A_167, %parallel_loop3A_178 : vector<16xf32>
        %parallel_loop3A_180 = arith.constant 1.000000e+00 : f32
        %parallel_loop3A_181 = vector.broadcast %parallel_loop3A_180 : f32 to vector<16xf32>
        %parallel_loop3A_182 = arith.subf %parallel_loop3A_181, %parallel_loop3A_179 : vector<16xf32>
        %parallel_loop3A_183 = arith.constant 6.400000e+01 : f32
        %parallel_loop3A_184 = vector.broadcast %parallel_loop3A_183 : f32 to vector<16xf32>
        %parallel_loop3A_185 = arith.mulf %parallel_loop3A_182, %parallel_loop3A_184 : vector<16xf32>
        %parallel_loop3A_186 = arith.constant 2.611200e+04 : f32
        %parallel_loop3A_187 = vector.broadcast %parallel_loop3A_186 : f32 to vector<16xf32>
        %parallel_loop3A_188 = arith.addf %parallel_loop3A_185, %parallel_loop3A_187 : vector<16xf32>
        %parallel_loop3A_189 = arith.constant 2.560000e+04 : f32
        %parallel_loop3A_190 = vector.broadcast %parallel_loop3A_189 : f32 to vector<16xf32>
        %parallel_loop3A_191 = arith.maximumf %parallel_loop3A_188, %parallel_loop3A_190 : vector<16xf32>
        %parallel_loop3A_192 = arith.constant 2.662300e+04 : f32
        %parallel_loop3A_193 = vector.broadcast %parallel_loop3A_192 : f32 to vector<16xf32>
        %parallel_loop3A_194 = arith.minimumf %parallel_loop3A_191, %parallel_loop3A_193 : vector<16xf32>
        %parallel_loop3A_195 = arith.constant 1.024000e+03 : f32
        %parallel_loop3A_196 = vector.broadcast %parallel_loop3A_195 : f32 to vector<16xf32>
        %parallel_loop3A_197 = arith.mulf %parallel_loop3A_172, %parallel_loop3A_196 : vector<16xf32>
        %parallel_loop3A_198 = arith.subf %parallel_loop3A_194, %parallel_loop3A_197 : vector<16xf32>
        %parallel_loop3A_199 = arith.fptosi %parallel_loop3A_198 : vector<16xf32> to vector<16xi32>
        tpu.vector_store_idx %arg8[%parallel_loop3A_199], %broadcast_in_dim3A_48 {add = true} : memref<28672xf32, #tpu.memory_space<vmem>>[vector<16xi32>], vector<16xf32>,
        %parallel_loop3A_200 = arith.constant 2048 : i32
        %parallel_loop3A_201 = vector.broadcast %parallel_loop3A_200 : i32 to vector<16xi32>
        %parallel_loop3A_202 = arith.addi %parallel_loop3A_199, %parallel_loop3A_201 : vector<16xi32>
        tpu.vector_store_idx %arg8[%parallel_loop3A_202], %parallel_loop3A_182 {add = true} : memref<28672xf32, #tpu.memory_space<vmem>>[vector<16xi32>], vector<16xf32>,
      } {sc.loop_unroll_factor = 8 : i64, sc.parallel_access}
      %dma_wait3A_127 = arith.constant 0 : i32
      %dma_wait3A_128 = tpu.memref_slice %arg2[%dma_wait3A_127] : memref<14680064xf32, #tpu.memory_space<hbm>> -> memref<8192xf32, #tpu.memory_space<hbm>>
      %dma_wait3A_129 = arith.constant 0 : i32
      %dma_wait3A_130 = tpu.memref_slice %arg2[%dma_wait3A_129] : memref<14680064xf32, #tpu.memory_space<hbm>> -> memref<8192xf32, #tpu.memory_space<hbm>>
      tpu.wait_dma2 semaphore(%arg11 : memref<!tpu.dma_semaphore, #tpu.memory_space<semaphore_mem>>) src(%dma_wait3A_130 : memref<8192xf32, #tpu.memory_space<hbm>>) dst(%arg7 : memref<8192xf32, #tpu.memory_space<vmem>>)
      %add3A_131 = arith.constant 48 : i32
      %add3A_132 = arith.addi %add3A_131, %select_n3A : i32
      %mul3A_133 = arith.constant 262144 : i32
      %mul3A_134 = arith.muli %add3A_132, %mul3A_133 : i32
      %mul3A_135 = arith.constant 65536 : i32
      %mul3A_136 = arith.muli %select_n3A_30, %mul3A_135 : i32
      %add3A_137 = arith.addi %mul3A_134, %mul3A_136 : i32
      %add3A_138 = arith.constant 2 : i32
      %add3A_139 = arith.addi %mul3A_103, %add3A_138 : i32
      %mul3A_140 = arith.constant 8192 : i32
      %mul3A_141 = arith.muli %add3A_139, %mul3A_140 : i32
      %add3A_142 = arith.addi %add3A_137, %mul3A_141 : i32
      %add3A_143 = arith.constant 48 : i32
      %add3A_144 = arith.addi %add3A_143, %select_n3A : i32
      %mul3A_145 = arith.constant 262144 : i32
      %mul3A_146 = arith.muli %add3A_144, %mul3A_145 : i32
      %mul3A_147 = arith.constant 65536 : i32
      %mul3A_148 = arith.muli %select_n3A_30, %mul3A_147 : i32
      %add3A_149 = arith.addi %mul3A_146, %mul3A_148 : i32
      %add3A_150 = arith.constant 2 : i32
      %add3A_151 = arith.addi %mul3A_103, %add3A_150 : i32
      %ge3A = arith.constant 8 : i32
      %ge3A_152 = arith.cmpi sge, %add3A_151, %ge3A : i32
      %select_n3A_153 = arith.select %ge3A_152, %add3A_149, %add3A_142 : i32
      %dma_start3A_154 = tpu.memref_slice %arg2[%select_n3A_153] : memref<14680064xf32, #tpu.memory_space<hbm>> -> memref<8192xf32, #tpu.memory_space<hbm>>
      %dma_start3A_155 = tpu.memref_slice %arg2[%select_n3A_153] : memref<14680064xf32, #tpu.memory_space<hbm>> -> memref<8192xf32, #tpu.memory_space<hbm>>
      tpu.enqueue_dma source(%dma_start3A_155 : memref<8192xf32, #tpu.memory_space<hbm>>) target(%arg6 : memref<8192xf32, #tpu.memory_space<vmem>>) target_semaphore(%arg10 : memref<!tpu.dma_semaphore, #tpu.memory_space<semaphore_mem>>)
      %add3A_156 = arith.constant 1 : i32
      %add3A_157 = arith.addi %mul3A_103, %add3A_156 : i32
      %mul3A_158 = arith.constant 8192 : i32
      %mul3A_159 = arith.muli %add3A_157, %mul3A_158 : i32
      %parallel_loop3A_160 = arith.constant 0 : i32
      %parallel_loop3A_161 = arith.constant 8192 : i32
      %parallel_loop3A_162 = arith.constant 16 : i32
      scf.for %parallel_loop3A_163 = %parallel_loop3A_160 to %parallel_loop3A_161 step %parallel_loop3A_162  : i32 {
        %parallel_loop3A_164 = arith.constant 0 : i32
        %parallel_loop3A_165 = arith.addi %parallel_loop3A_163, %parallel_loop3A_164 : i32
        %parallel_loop3A_166 = arith.index_cast %parallel_loop3A_165 : i32 to index
        %parallel_loop3A_167 = tpu.vector_load %arg7[%parallel_loop3A_166] {strides = array<i32>} : memref<8192xf32, #tpu.memory_space<vmem>>, vector<16xf32>,
        %parallel_loop3A_168 = arith.addi %mul3A_159, %parallel_loop3A_163 : i32
        %parallel_loop3A_169 = arith.constant 0 : i32
        %parallel_loop3A_170 = arith.addi %parallel_loop3A_168, %parallel_loop3A_169 : i32
        %parallel_loop3A_171 = arith.index_cast %parallel_loop3A_170 : i32 to index
        %parallel_loop3A_172 = tpu.vector_load %arg5[%parallel_loop3A_171] {strides = array<i32>} : memref<65536xf32, #tpu.memory_space<vmem>>, vector<16xf32>,
        %parallel_loop3A_173 = arith.constant 2.000000e+00 : f32
        %parallel_loop3A_174 = vector.broadcast %parallel_loop3A_173 : f32 to vector<16xf32>
        %parallel_loop3A_175 = arith.mulf %parallel_loop3A_174, %parallel_loop3A_172 : vector<16xf32>
        %parallel_loop3A_176 = arith.constant 1.000000e+00 : f32
        %parallel_loop3A_177 = vector.broadcast %parallel_loop3A_176 : f32 to vector<16xf32>
        %parallel_loop3A_178 = arith.subf %parallel_loop3A_175, %parallel_loop3A_177 : vector<16xf32>
        %parallel_loop3A_179 = arith.mulf %parallel_loop3A_167, %parallel_loop3A_178 : vector<16xf32>
        %parallel_loop3A_180 = arith.constant 1.000000e+00 : f32
        %parallel_loop3A_181 = vector.broadcast %parallel_loop3A_180 : f32 to vector<16xf32>
        %parallel_loop3A_182 = arith.subf %parallel_loop3A_181, %parallel_loop3A_179 : vector<16xf32>
        %parallel_loop3A_183 = arith.constant 6.400000e+01 : f32
        %parallel_loop3A_184 = vector.broadcast %parallel_loop3A_183 : f32 to vector<16xf32>
        %parallel_loop3A_185 = arith.mulf %parallel_loop3A_182, %parallel_loop3A_184 : vector<16xf32>
        %parallel_loop3A_186 = arith.constant 2.611200e+04 : f32
        %parallel_loop3A_187 = vector.broadcast %parallel_loop3A_186 : f32 to vector<16xf32>
        %parallel_loop3A_188 = arith.addf %parallel_loop3A_185, %parallel_loop3A_187 : vector<16xf32>
        %parallel_loop3A_189 = arith.constant 2.560000e+04 : f32
        %parallel_loop3A_190 = vector.broadcast %parallel_loop3A_189 : f32 to vector<16xf32>
        %parallel_loop3A_191 = arith.maximumf %parallel_loop3A_188, %parallel_loop3A_190 : vector<16xf32>
        %parallel_loop3A_192 = arith.constant 2.662300e+04 : f32
        %parallel_loop3A_193 = vector.broadcast %parallel_loop3A_192 : f32 to vector<16xf32>
        %parallel_loop3A_194 = arith.minimumf %parallel_loop3A_191, %parallel_loop3A_193 : vector<16xf32>
        %parallel_loop3A_195 = arith.constant 1.024000e+03 : f32
        %parallel_loop3A_196 = vector.broadcast %parallel_loop3A_195 : f32 to vector<16xf32>
        %parallel_loop3A_197 = arith.mulf %parallel_loop3A_172, %parallel_loop3A_196 : vector<16xf32>
        %parallel_loop3A_198 = arith.subf %parallel_loop3A_194, %parallel_loop3A_197 : vector<16xf32>
        %parallel_loop3A_199 = arith.fptosi %parallel_loop3A_198 : vector<16xf32> to vector<16xi32>
        tpu.vector_store_idx %arg8[%parallel_loop3A_199], %broadcast_in_dim3A_48 {add = true} : memref<28672xf32, #tpu.memory_space<vmem>>[vector<16xi32>], vector<16xf32>,
        %parallel_loop3A_200 = arith.constant 2048 : i32
        %parallel_loop3A_201 = vector.broadcast %parallel_loop3A_200 : i32 to vector<16xi32>
        %parallel_loop3A_202 = arith.addi %parallel_loop3A_199, %parallel_loop3A_201 : vector<16xi32>
        tpu.vector_store_idx %arg8[%parallel_loop3A_202], %parallel_loop3A_182 {add = true} : memref<28672xf32, #tpu.memory_space<vmem>>[vector<16xi32>], vector<16xf32>,
      } {sc.loop_unroll_factor = 8 : i64, sc.parallel_access}
    }
    %scan3A_94 = arith.constant 4 : i32
    %dma_wait3A_95 = arith.constant 0 : i32
    %dma_wait3A_96 = tpu.memref_slice %arg2[%dma_wait3A_95] : memref<14680064xf32, #tpu.memory_space<hbm>> -> memref<8192xf32, #tpu.memory_space<hbm>>
    %dma_wait3A_97 = arith.constant 0 : i32
    %dma_wait3A_98 = tpu.memref_slice %arg2[%dma_wait3A_97] : memref<14680064xf32, #tpu.memory_space<hbm>> -> memref<8192xf32, #tpu.memory_space<hbm>>
    tpu.wait_dma2 semaphore(%arg10 : memref<!tpu.dma_semaphore, #tpu.memory_space<semaphore_mem>>) src(%dma_wait3A_98 : memref<8192xf32, #tpu.memory_space<hbm>>) dst(%arg6 : memref<8192xf32, #tpu.memory_space<vmem>>)
    %mul3A_99 = arith.constant 28672 : i32
    %mul3A_100 = arith.muli %add3A, %mul3A_99 : i32
    "tpu.region"() ({
      %run_scoped3A = tpu.sem_alloc : memref<!tpu.dma_semaphore, #tpu.memory_space<semaphore_mem>>
      %dma_start3A_101 = tpu.memref_slice %arg4[%mul3A_100] : memref<917504xf32, #tpu.memory_space<hbm>> -> memref<28672xf32, #tpu.memory_space<hbm>>
      %dma_start3A_102 = tpu.memref_slice %arg4[%mul3A_100] : memref<917504xf32, #tpu.memory_space<hbm>> -> memref<28672xf32, #tpu.memory_space<hbm>>
      tpu.enqueue_dma source(%arg8 : memref<28672xf32, #tpu.memory_space<vmem>>) target(%dma_start3A_102 : memref<28672xf32, #tpu.memory_space<hbm>>) target_semaphore(%run_scoped3A : memref<!tpu.dma_semaphore, #tpu.memory_space<semaphore_mem>>)
      %dma_wait3A_103 = tpu.memref_slice %arg4[%mul3A_100] : memref<917504xf32, #tpu.memory_space<hbm>> -> memref<28672xf32, #tpu.memory_space<hbm>>
      %dma_wait3A_104 = tpu.memref_slice %arg4[%mul3A_100] : memref<917504xf32, #tpu.memory_space<hbm>> -> memref<28672xf32, #tpu.memory_space<hbm>>
      tpu.wait_dma2 semaphore(%run_scoped3A : memref<!tpu.dma_semaphore, #tpu.memory_space<semaphore_mem>>) src(%arg8 : memref<28672xf32, #tpu.memory_space<vmem>>) dst(%dma_wait3A_104 : memref<28672xf32, #tpu.memory_space<hbm>>)
      tpu.yield
    }) : () -> ()
    return
  }
}

module attributes {stable_mosaic.version = 14 : i64} {
  func.func @body(%arg0: memref<8x4x7x4096xf32, #tpu.memory_space<vmem>>, %arg1: memref<1x1xf32, #tpu.memory_space<vmem>>) attributes {dimension_semantics = [], scalar_prefetch = 0 : i64, scratch_operands = 0 : i64, tpu.core_type = #tpu.core_type<tc>} {
    %get3A = arith.constant 0 : index
    %get3A_0 = arith.constant 0 : index
    %get3A_1 = arith.constant 0 : index
    %get3A_2 = arith.constant 0 : index
    %get3A_3 = vector.load %arg0[%get3A, %get3A_0, %get3A_1, %get3A_2] : memref<8x4x7x4096xf32, #tpu.memory_space<vmem>>, vector<8x4x7x4096xf32>
    %reduce_sum3A = arith.constant dense<0.000000e+00> : vector<8x7x4096xf32>
    %reduce_sum3A_4 = vector.multi_reduction <add>, %get3A_3, %reduce_sum3A [1] : vector<8x4x7x4096xf32> to vector<8x7x4096xf32>
    %slice3A = vector.extract_strided_slice %reduce_sum3A_4 {offsets = [0, 0, 0], sizes = [8, 7, 1024], strides = [1, 1, 1]} : vector<8x7x4096xf32> to vector<8x7x1024xf32>
    %slice3A_5 = vector.extract_strided_slice %reduce_sum3A_4 {offsets = [0, 0, 1024], sizes = [8, 7, 1024], strides = [1, 1, 1]} : vector<8x7x4096xf32> to vector<8x7x1024xf32>
    %slice3A_6 = vector.extract_strided_slice %reduce_sum3A_4 {offsets = [0, 0, 2048], sizes = [8, 7, 1024], strides = [1, 1, 1]} : vector<8x7x4096xf32> to vector<8x7x1024xf32>
    %slice3A_7 = vector.extract_strided_slice %reduce_sum3A_4 {offsets = [0, 0, 3072], sizes = [8, 7, 1024], strides = [1, 1, 1]} : vector<8x7x4096xf32> to vector<8x7x1024xf32>
    %slice3A_8 = vector.extract_strided_slice %slice3A {offsets = [0, 0, 0], sizes = [8, 1, 1024], strides = [1, 1, 1]} : vector<8x7x1024xf32> to vector<8x1x1024xf32>
    %squeeze3A = vector.shape_cast %slice3A_8 : vector<8x1x1024xf32> to vector<8x1024xf32>
    %reduce_sum3A_9 = arith.constant dense<0.000000e+00> : vector<8xf32>
    %reduce_sum3A_10 = vector.multi_reduction <add>, %squeeze3A, %reduce_sum3A_9 [1] : vector<8x1024xf32> to vector<8xf32>
    %broadcast_in_dim3A = vector.shape_cast %reduce_sum3A_10 : vector<8xf32> to vector<8x1xf32>
    %broadcast_in_dim3A_11 = vector.shape_cast %broadcast_in_dim3A : vector<8x1xf32> to vector<8x1x1xf32>
    %iota3A = tpu.iota {dimensions = array<i32: 2>} : vector<1x1x1024xi32>
    %ge3A = arith.constant 512 : i32
    %ge3A_12 = vector.broadcast %ge3A : i32 to vector<1x1x1024xi32>
    %ge3A_13 = arith.cmpi sge, %iota3A, %ge3A_12 : vector<1x1x1024xi32>
    %convert_element_type3A = arith.extui %ge3A_13 : vector<1x1x1024xi1> to vector<1x1x1024xi32>
    %convert_element_type3A_14 = arith.sitofp %convert_element_type3A : vector<1x1x1024xi32> to vector<1x1x1024xf32>
    %mul3A = vector.broadcast %convert_element_type3A_14 : vector<1x1x1024xf32> to vector<8x7x1024xf32>
    %mul3A_15 = arith.mulf %slice3A_6, %mul3A : vector<8x7x1024xf32>
    %mul3A_16 = vector.broadcast %convert_element_type3A_14 : vector<1x1x1024xf32> to vector<8x7x1024xf32>
    %mul3A_17 = arith.mulf %slice3A_7, %mul3A_16 : vector<8x7x1024xf32>
    %broadcast_in_dim3A_18 = arith.constant 0.000000e+00 : f32
    %broadcast_in_dim3A_19 = vector.broadcast %broadcast_in_dim3A_18 : f32 to vector<8x7x1xf32>
    %slice3A_20 = vector.extract_strided_slice %slice3A_5 {offsets = [0, 0, 0], sizes = [8, 7, 1023], strides = [1, 1, 1]} : vector<8x7x1024xf32> to vector<8x7x1023xf32>
    %concatenate3A = tpu.concatenate %broadcast_in_dim3A_19, %slice3A_20 in 2 : vector<8x7x1xf32>, vector<8x7x1023xf32> -> vector<8x7x1024xf32>
    %add3A = arith.addf %slice3A_5, %concatenate3A : vector<8x7x1024xf32>
    %broadcast_in_dim3A_21 = arith.constant 0.000000e+00 : f32
    %broadcast_in_dim3A_22 = vector.broadcast %broadcast_in_dim3A_21 : f32 to vector<8x7x2xf32>
    %slice3A_23 = vector.extract_strided_slice %add3A {offsets = [0, 0, 0], sizes = [8, 7, 1022], strides = [1, 1, 1]} : vector<8x7x1024xf32> to vector<8x7x1022xf32>
    %concatenate3A_24 = tpu.concatenate %broadcast_in_dim3A_22, %slice3A_23 in 2 : vector<8x7x2xf32>, vector<8x7x1022xf32> -> vector<8x7x1024xf32>
    %add3A_25 = arith.addf %add3A, %concatenate3A_24 : vector<8x7x1024xf32>
    %broadcast_in_dim3A_26 = arith.constant 0.000000e+00 : f32
    %broadcast_in_dim3A_27 = vector.broadcast %broadcast_in_dim3A_26 : f32 to vector<8x7x4xf32>
    %slice3A_28 = vector.extract_strided_slice %add3A_25 {offsets = [0, 0, 0], sizes = [8, 7, 1020], strides = [1, 1, 1]} : vector<8x7x1024xf32> to vector<8x7x1020xf32>
    %concatenate3A_29 = tpu.concatenate %broadcast_in_dim3A_27, %slice3A_28 in 2 : vector<8x7x4xf32>, vector<8x7x1020xf32> -> vector<8x7x1024xf32>
    %add3A_30 = arith.addf %add3A_25, %concatenate3A_29 : vector<8x7x1024xf32>
    %broadcast_in_dim3A_31 = arith.constant 0.000000e+00 : f32
    %broadcast_in_dim3A_32 = vector.broadcast %broadcast_in_dim3A_31 : f32 to vector<8x7x8xf32>
    %slice3A_33 = vector.extract_strided_slice %add3A_30 {offsets = [0, 0, 0], sizes = [8, 7, 1016], strides = [1, 1, 1]} : vector<8x7x1024xf32> to vector<8x7x1016xf32>
    %concatenate3A_34 = tpu.concatenate %broadcast_in_dim3A_32, %slice3A_33 in 2 : vector<8x7x8xf32>, vector<8x7x1016xf32> -> vector<8x7x1024xf32>
    %add3A_35 = arith.addf %add3A_30, %concatenate3A_34 : vector<8x7x1024xf32>
    %broadcast_in_dim3A_36 = arith.constant 0.000000e+00 : f32
    %broadcast_in_dim3A_37 = vector.broadcast %broadcast_in_dim3A_36 : f32 to vector<8x7x16xf32>
    %slice3A_38 = vector.extract_strided_slice %add3A_35 {offsets = [0, 0, 0], sizes = [8, 7, 1008], strides = [1, 1, 1]} : vector<8x7x1024xf32> to vector<8x7x1008xf32>
    %concatenate3A_39 = tpu.concatenate %broadcast_in_dim3A_37, %slice3A_38 in 2 : vector<8x7x16xf32>, vector<8x7x1008xf32> -> vector<8x7x1024xf32>
    %add3A_40 = arith.addf %add3A_35, %concatenate3A_39 : vector<8x7x1024xf32>
    %broadcast_in_dim3A_41 = arith.constant 0.000000e+00 : f32
    %broadcast_in_dim3A_42 = vector.broadcast %broadcast_in_dim3A_41 : f32 to vector<8x7x32xf32>
    %slice3A_43 = vector.extract_strided_slice %add3A_40 {offsets = [0, 0, 0], sizes = [8, 7, 992], strides = [1, 1, 1]} : vector<8x7x1024xf32> to vector<8x7x992xf32>
    %concatenate3A_44 = tpu.concatenate %broadcast_in_dim3A_42, %slice3A_43 in 2 : vector<8x7x32xf32>, vector<8x7x992xf32> -> vector<8x7x1024xf32>
    %add3A_45 = arith.addf %add3A_40, %concatenate3A_44 : vector<8x7x1024xf32>
    %broadcast_in_dim3A_46 = arith.constant 0.000000e+00 : f32
    %broadcast_in_dim3A_47 = vector.broadcast %broadcast_in_dim3A_46 : f32 to vector<8x7x64xf32>
    %slice3A_48 = vector.extract_strided_slice %add3A_45 {offsets = [0, 0, 0], sizes = [8, 7, 960], strides = [1, 1, 1]} : vector<8x7x1024xf32> to vector<8x7x960xf32>
    %concatenate3A_49 = tpu.concatenate %broadcast_in_dim3A_47, %slice3A_48 in 2 : vector<8x7x64xf32>, vector<8x7x960xf32> -> vector<8x7x1024xf32>
    %add3A_50 = arith.addf %add3A_45, %concatenate3A_49 : vector<8x7x1024xf32>
    %broadcast_in_dim3A_51 = arith.constant 0.000000e+00 : f32
    %broadcast_in_dim3A_52 = vector.broadcast %broadcast_in_dim3A_51 : f32 to vector<8x7x128xf32>
    %slice3A_53 = vector.extract_strided_slice %add3A_50 {offsets = [0, 0, 0], sizes = [8, 7, 896], strides = [1, 1, 1]} : vector<8x7x1024xf32> to vector<8x7x896xf32>
    %concatenate3A_54 = tpu.concatenate %broadcast_in_dim3A_52, %slice3A_53 in 2 : vector<8x7x128xf32>, vector<8x7x896xf32> -> vector<8x7x1024xf32>
    %add3A_55 = arith.addf %add3A_50, %concatenate3A_54 : vector<8x7x1024xf32>
    %broadcast_in_dim3A_56 = arith.constant 0.000000e+00 : f32
    %broadcast_in_dim3A_57 = vector.broadcast %broadcast_in_dim3A_56 : f32 to vector<8x7x256xf32>
    %slice3A_58 = vector.extract_strided_slice %add3A_55 {offsets = [0, 0, 0], sizes = [8, 7, 768], strides = [1, 1, 1]} : vector<8x7x1024xf32> to vector<8x7x768xf32>
    %concatenate3A_59 = tpu.concatenate %broadcast_in_dim3A_57, %slice3A_58 in 2 : vector<8x7x256xf32>, vector<8x7x768xf32> -> vector<8x7x1024xf32>
    %add3A_60 = arith.addf %add3A_55, %concatenate3A_59 : vector<8x7x1024xf32>
    %broadcast_in_dim3A_61 = arith.constant 0.000000e+00 : f32
    %broadcast_in_dim3A_62 = vector.broadcast %broadcast_in_dim3A_61 : f32 to vector<8x7x512xf32>
    %slice3A_63 = vector.extract_strided_slice %add3A_60 {offsets = [0, 0, 0], sizes = [8, 7, 512], strides = [1, 1, 1]} : vector<8x7x1024xf32> to vector<8x7x512xf32>
    %concatenate3A_64 = tpu.concatenate %broadcast_in_dim3A_62, %slice3A_63 in 2 : vector<8x7x512xf32>, vector<8x7x512xf32> -> vector<8x7x1024xf32>
    %add3A_65 = arith.addf %add3A_60, %concatenate3A_64 : vector<8x7x1024xf32>
    %broadcast_in_dim3A_66 = arith.constant 0.000000e+00 : f32
    %broadcast_in_dim3A_67 = vector.broadcast %broadcast_in_dim3A_66 : f32 to vector<8x7x1xf32>
    %slice3A_68 = vector.extract_strided_slice %slice3A {offsets = [0, 0, 0], sizes = [8, 7, 1023], strides = [1, 1, 1]} : vector<8x7x1024xf32> to vector<8x7x1023xf32>
    %concatenate3A_69 = tpu.concatenate %broadcast_in_dim3A_67, %slice3A_68 in 2 : vector<8x7x1xf32>, vector<8x7x1023xf32> -> vector<8x7x1024xf32>
    %add3A_70 = arith.addf %slice3A, %concatenate3A_69 : vector<8x7x1024xf32>
    %broadcast_in_dim3A_71 = arith.constant 0.000000e+00 : f32
    %broadcast_in_dim3A_72 = vector.broadcast %broadcast_in_dim3A_71 : f32 to vector<8x7x2xf32>
    %slice3A_73 = vector.extract_strided_slice %add3A_70 {offsets = [0, 0, 0], sizes = [8, 7, 1022], strides = [1, 1, 1]} : vector<8x7x1024xf32> to vector<8x7x1022xf32>
    %concatenate3A_74 = tpu.concatenate %broadcast_in_dim3A_72, %slice3A_73 in 2 : vector<8x7x2xf32>, vector<8x7x1022xf32> -> vector<8x7x1024xf32>
    %add3A_75 = arith.addf %add3A_70, %concatenate3A_74 : vector<8x7x1024xf32>
    %broadcast_in_dim3A_76 = arith.constant 0.000000e+00 : f32
    %broadcast_in_dim3A_77 = vector.broadcast %broadcast_in_dim3A_76 : f32 to vector<8x7x4xf32>
    %slice3A_78 = vector.extract_strided_slice %add3A_75 {offsets = [0, 0, 0], sizes = [8, 7, 1020], strides = [1, 1, 1]} : vector<8x7x1024xf32> to vector<8x7x1020xf32>
    %concatenate3A_79 = tpu.concatenate %broadcast_in_dim3A_77, %slice3A_78 in 2 : vector<8x7x4xf32>, vector<8x7x1020xf32> -> vector<8x7x1024xf32>
    %add3A_80 = arith.addf %add3A_75, %concatenate3A_79 : vector<8x7x1024xf32>
    %broadcast_in_dim3A_81 = arith.constant 0.000000e+00 : f32
    %broadcast_in_dim3A_82 = vector.broadcast %broadcast_in_dim3A_81 : f32 to vector<8x7x8xf32>
    %slice3A_83 = vector.extract_strided_slice %add3A_80 {offsets = [0, 0, 0], sizes = [8, 7, 1016], strides = [1, 1, 1]} : vector<8x7x1024xf32> to vector<8x7x1016xf32>
    %concatenate3A_84 = tpu.concatenate %broadcast_in_dim3A_82, %slice3A_83 in 2 : vector<8x7x8xf32>, vector<8x7x1016xf32> -> vector<8x7x1024xf32>
    %add3A_85 = arith.addf %add3A_80, %concatenate3A_84 : vector<8x7x1024xf32>
    %broadcast_in_dim3A_86 = arith.constant 0.000000e+00 : f32
    %broadcast_in_dim3A_87 = vector.broadcast %broadcast_in_dim3A_86 : f32 to vector<8x7x16xf32>
    %slice3A_88 = vector.extract_strided_slice %add3A_85 {offsets = [0, 0, 0], sizes = [8, 7, 1008], strides = [1, 1, 1]} : vector<8x7x1024xf32> to vector<8x7x1008xf32>
    %concatenate3A_89 = tpu.concatenate %broadcast_in_dim3A_87, %slice3A_88 in 2 : vector<8x7x16xf32>, vector<8x7x1008xf32> -> vector<8x7x1024xf32>
    %add3A_90 = arith.addf %add3A_85, %concatenate3A_89 : vector<8x7x1024xf32>
    %broadcast_in_dim3A_91 = arith.constant 0.000000e+00 : f32
    %broadcast_in_dim3A_92 = vector.broadcast %broadcast_in_dim3A_91 : f32 to vector<8x7x32xf32>
    %slice3A_93 = vector.extract_strided_slice %add3A_90 {offsets = [0, 0, 0], sizes = [8, 7, 992], strides = [1, 1, 1]} : vector<8x7x1024xf32> to vector<8x7x992xf32>
    %concatenate3A_94 = tpu.concatenate %broadcast_in_dim3A_92, %slice3A_93 in 2 : vector<8x7x32xf32>, vector<8x7x992xf32> -> vector<8x7x1024xf32>
    %add3A_95 = arith.addf %add3A_90, %concatenate3A_94 : vector<8x7x1024xf32>
    %broadcast_in_dim3A_96 = arith.constant 0.000000e+00 : f32
    %broadcast_in_dim3A_97 = vector.broadcast %broadcast_in_dim3A_96 : f32 to vector<8x7x64xf32>
    %slice3A_98 = vector.extract_strided_slice %add3A_95 {offsets = [0, 0, 0], sizes = [8, 7, 960], strides = [1, 1, 1]} : vector<8x7x1024xf32> to vector<8x7x960xf32>
    %concatenate3A_99 = tpu.concatenate %broadcast_in_dim3A_97, %slice3A_98 in 2 : vector<8x7x64xf32>, vector<8x7x960xf32> -> vector<8x7x1024xf32>
    %add3A_100 = arith.addf %add3A_95, %concatenate3A_99 : vector<8x7x1024xf32>
    %broadcast_in_dim3A_101 = arith.constant 0.000000e+00 : f32
    %broadcast_in_dim3A_102 = vector.broadcast %broadcast_in_dim3A_101 : f32 to vector<8x7x128xf32>
    %slice3A_103 = vector.extract_strided_slice %add3A_100 {offsets = [0, 0, 0], sizes = [8, 7, 896], strides = [1, 1, 1]} : vector<8x7x1024xf32> to vector<8x7x896xf32>
    %concatenate3A_104 = tpu.concatenate %broadcast_in_dim3A_102, %slice3A_103 in 2 : vector<8x7x128xf32>, vector<8x7x896xf32> -> vector<8x7x1024xf32>
    %add3A_105 = arith.addf %add3A_100, %concatenate3A_104 : vector<8x7x1024xf32>
    %broadcast_in_dim3A_106 = arith.constant 0.000000e+00 : f32
    %broadcast_in_dim3A_107 = vector.broadcast %broadcast_in_dim3A_106 : f32 to vector<8x7x256xf32>
    %slice3A_108 = vector.extract_strided_slice %add3A_105 {offsets = [0, 0, 0], sizes = [8, 7, 768], strides = [1, 1, 1]} : vector<8x7x1024xf32> to vector<8x7x768xf32>
    %concatenate3A_109 = tpu.concatenate %broadcast_in_dim3A_107, %slice3A_108 in 2 : vector<8x7x256xf32>, vector<8x7x768xf32> -> vector<8x7x1024xf32>
    %add3A_110 = arith.addf %add3A_105, %concatenate3A_109 : vector<8x7x1024xf32>
    %broadcast_in_dim3A_111 = arith.constant 0.000000e+00 : f32
    %broadcast_in_dim3A_112 = vector.broadcast %broadcast_in_dim3A_111 : f32 to vector<8x7x512xf32>
    %slice3A_113 = vector.extract_strided_slice %add3A_110 {offsets = [0, 0, 0], sizes = [8, 7, 512], strides = [1, 1, 1]} : vector<8x7x1024xf32> to vector<8x7x512xf32>
    %concatenate3A_114 = tpu.concatenate %broadcast_in_dim3A_112, %slice3A_113 in 2 : vector<8x7x512xf32>, vector<8x7x512xf32> -> vector<8x7x1024xf32>
    %add3A_115 = arith.addf %add3A_110, %concatenate3A_114 : vector<8x7x1024xf32>
    %slice3A_116 = vector.extract_strided_slice %add3A_65 {offsets = [0, 0, 1023], sizes = [8, 7, 1], strides = [1, 1, 1]} : vector<8x7x1024xf32> to vector<8x7x1xf32>
    %sub3A = vector.broadcast %slice3A_116 : vector<8x7x1xf32> to vector<8x7x1024xf32>
    %sub3A_117 = arith.subf %sub3A, %add3A_65 : vector<8x7x1024xf32>
    %slice3A_118 = vector.extract_strided_slice %add3A_115 {offsets = [0, 0, 1023], sizes = [8, 7, 1], strides = [1, 1, 1]} : vector<8x7x1024xf32> to vector<8x7x1xf32>
    %sub3A_119 = vector.broadcast %slice3A_118 : vector<8x7x1xf32> to vector<8x7x1024xf32>
    %sub3A_120 = arith.subf %sub3A_119, %add3A_115 : vector<8x7x1024xf32>
    %add3A_121 = vector.broadcast %broadcast_in_dim3A_11 : vector<8x1x1xf32> to vector<8x7x1024xf32>
    %add3A_122 = arith.addf %add3A_121, %sub3A_117 : vector<8x7x1024xf32>
    %add3A_123 = arith.constant 9.99999997E-7 : f32
    %add3A_124 = vector.broadcast %add3A_123 : f32 to vector<8x7x1024xf32>
    %add3A_125 = arith.addf %add3A_122, %add3A_124 : vector<8x7x1024xf32>
    %div3A = arith.constant 1.000000e+00 : f32
    %div3A_126 = vector.broadcast %div3A : f32 to vector<8x7x1024xf32>
    %div3A_127 = arith.divf %div3A_126, %add3A_125 : vector<8x7x1024xf32>
    %mul3A_128 = arith.mulf %mul3A_15, %div3A_127 : vector<8x7x1024xf32>
    %reduce_sum3A_129 = arith.constant dense<0.000000e+00> : vector<8x7xf32>
    %reduce_sum3A_130 = vector.multi_reduction <add>, %mul3A_128, %reduce_sum3A_129 [2] : vector<8x7x1024xf32> to vector<8x7xf32>
    %add3A_131 = vector.broadcast %broadcast_in_dim3A_11 : vector<8x1x1xf32> to vector<8x7x1024xf32>
    %add3A_132 = arith.addf %add3A_131, %sub3A_117 : vector<8x7x1024xf32>
    %add3A_133 = arith.addf %add3A_132, %slice3A_5 : vector<8x7x1024xf32>
    %add3A_134 = arith.constant 9.99999997E-7 : f32
    %add3A_135 = vector.broadcast %add3A_134 : f32 to vector<8x7x1024xf32>
    %add3A_136 = arith.addf %add3A_133, %add3A_135 : vector<8x7x1024xf32>
    %div3A_137 = arith.constant 1.000000e+00 : f32
    %div3A_138 = vector.broadcast %div3A_137 : f32 to vector<8x7x1024xf32>
    %div3A_139 = arith.divf %div3A_138, %add3A_136 : vector<8x7x1024xf32>
    %sub3A_140 = arith.subf %div3A_127, %div3A_139 : vector<8x7x1024xf32>
    %max3A = arith.constant 1.000000e+00 : f32
    %max3A_141 = vector.broadcast %max3A : f32 to vector<8x7x1024xf32>
    %max3A_142 = arith.maximumf %slice3A_5, %max3A_141 : vector<8x7x1024xf32>
    %div3A_143 = arith.divf %sub3A_140, %max3A_142 : vector<8x7x1024xf32>
    %sub3A_144 = vector.broadcast %broadcast_in_dim3A_11 : vector<8x1x1xf32> to vector<8x7x1024xf32>
    %sub3A_145 = arith.subf %sub3A_144, %sub3A_120 : vector<8x7x1024xf32>
    %sub3A_146 = arith.subf %sub3A_145, %slice3A : vector<8x7x1024xf32>
    %mul3A_147 = arith.mulf %mul3A_17, %sub3A_146 : vector<8x7x1024xf32>
    %mul3A_148 = arith.mulf %mul3A_147, %div3A_143 : vector<8x7x1024xf32>
    %reduce_sum3A_149 = arith.constant dense<0.000000e+00> : vector<8x7xf32>
    %reduce_sum3A_150 = vector.multi_reduction <add>, %mul3A_148, %reduce_sum3A_149 [2] : vector<8x7x1024xf32> to vector<8x7xf32>
    %add3A_151 = arith.addf %reduce_sum3A_130, %reduce_sum3A_150 : vector<8x7xf32>
    %reduce_sum3A_152 = arith.constant dense<0.000000e+00> : vector<7xf32>
    %reduce_sum3A_153 = vector.multi_reduction <add>, %add3A_151, %reduce_sum3A_152 [0] : vector<8x7xf32> to vector<7xf32>
    %div3A_154 = arith.constant 8.000000e+00 : f32
    %div3A_155 = vector.broadcast %div3A_154 : f32 to vector<7xf32>
    %div3A_156 = arith.divf %reduce_sum3A_153, %div3A_155 : vector<7xf32>
    %max3A_157 = arith.constant 1.000000e+00 : f32
    %max3A_158 = vector.broadcast %max3A_157 : f32 to vector<8x7x1024xf32>
    %max3A_159 = arith.maximumf %slice3A, %max3A_158 : vector<8x7x1024xf32>
    %div3A_160 = arith.divf %slice3A_6, %max3A_159 : vector<8x7x1024xf32>
    %max3A_161 = arith.constant 1.000000e+00 : f32
    %max3A_162 = vector.broadcast %max3A_161 : f32 to vector<8x7x1024xf32>
    %max3A_163 = arith.maximumf %slice3A_5, %max3A_162 : vector<8x7x1024xf32>
    %div3A_164 = arith.divf %slice3A_7, %max3A_163 : vector<8x7x1024xf32>
    %sub3A_165 = arith.constant 1.000000e+00 : f32
    %sub3A_166 = vector.broadcast %sub3A_165 : f32 to vector<8x7x1024xf32>
    %sub3A_167 = arith.subf %sub3A_166, %div3A_160 : vector<8x7x1024xf32>
    %logistic3A = arith.negf %sub3A_167 : vector<8x7x1024xf32>
    %logistic3A_168 = math.exp %logistic3A : vector<8x7x1024xf32>
    %logistic3A_169 = arith.constant 1.000000e+00 : f32
    %logistic3A_170 = vector.broadcast %logistic3A_169 : f32 to vector<8x7x1024xf32>
    %logistic3A_171 = arith.addf %logistic3A_170, %logistic3A_168 : vector<8x7x1024xf32>
    %logistic3A_172 = arith.divf %logistic3A_170, %logistic3A_171 : vector<8x7x1024xf32>
    %mul3A_173 = arith.mulf %slice3A, %logistic3A_172 : vector<8x7x1024xf32>
    %reduce_sum3A_174 = arith.constant dense<0.000000e+00> : vector<8x7xf32>
    %reduce_sum3A_175 = vector.multi_reduction <add>, %mul3A_173, %reduce_sum3A_174 [2] : vector<8x7x1024xf32> to vector<8x7xf32>
    %sub3A_176 = arith.constant 1.000000e+00 : f32
    %sub3A_177 = vector.broadcast %sub3A_176 : f32 to vector<8x7x1024xf32>
    %sub3A_178 = arith.subf %div3A_164, %sub3A_177 : vector<8x7x1024xf32>
    %logistic3A_179 = arith.negf %sub3A_178 : vector<8x7x1024xf32>
    %logistic3A_180 = math.exp %logistic3A_179 : vector<8x7x1024xf32>
    %logistic3A_181 = arith.constant 1.000000e+00 : f32
    %logistic3A_182 = vector.broadcast %logistic3A_181 : f32 to vector<8x7x1024xf32>
    %logistic3A_183 = arith.addf %logistic3A_182, %logistic3A_180 : vector<8x7x1024xf32>
    %logistic3A_184 = arith.divf %logistic3A_182, %logistic3A_183 : vector<8x7x1024xf32>
    %mul3A_185 = arith.mulf %slice3A_5, %logistic3A_184 : vector<8x7x1024xf32>
    %reduce_sum3A_186 = arith.constant dense<0.000000e+00> : vector<8x7xf32>
    %reduce_sum3A_187 = vector.multi_reduction <add>, %mul3A_185, %reduce_sum3A_186 [2] : vector<8x7x1024xf32> to vector<8x7xf32>
    %reduce_sum3A_188 = arith.constant dense<0.000000e+00> : vector<7xf32>
    %reduce_sum3A_189 = vector.multi_reduction <add>, %reduce_sum3A_175, %reduce_sum3A_188 [0] : vector<8x7xf32> to vector<7xf32>
    %reduce_sum3A_190 = arith.constant dense<0.000000e+00> : vector<7xf32>
    %reduce_sum3A_191 = vector.multi_reduction <add>, %reduce_sum3A_187, %reduce_sum3A_190 [0] : vector<8x7xf32> to vector<7xf32>
    %add3A_192 = arith.addf %reduce_sum3A_189, %reduce_sum3A_191 : vector<7xf32>
    %reduce_sum3A_193 = vector.shape_cast %broadcast_in_dim3A : vector<8x1xf32> to vector<1x8x1xf32>
    %reduce_sum3A_194 = arith.constant dense<0.000000e+00> : vector<1xf32>
    %reduce_sum3A_195 = vector.multi_reduction <add>, %reduce_sum3A_193, %reduce_sum3A_194 [1, 2] : vector<1x8x1xf32> to vector<1xf32>
    %reduce_sum3A_196 = vector.shape_cast %reduce_sum3A_195 : vector<1xf32> to vector<1x1x1xf32>
    %reduce_sum3A_197 = vector.extract %reduce_sum3A_196[0, 0, 0] : f32 from vector<1x1x1xf32>
    %mul3A_198 = arith.constant 2.000000e+00 : f32
    %mul3A_199 = vector.broadcast %mul3A_198 : f32 to vector<7xf32>
    %mul3A_200 = arith.mulf %mul3A_199, %reduce_sum3A_189 : vector<7xf32>
    %add3A_201 = arith.constant 1.000000e+00 : f32
    %add3A_202 = vector.broadcast %add3A_201 : f32 to vector<7xf32>
    %add3A_203 = arith.addf %mul3A_200, %add3A_202 : vector<7xf32>
    %add3A_204 = vector.broadcast %reduce_sum3A_197 : f32 to vector<7xf32>
    %add3A_205 = arith.addf %add3A_192, %add3A_204 : vector<7xf32>
    %add3A_206 = arith.constant 1.000000e+00 : f32
    %add3A_207 = vector.broadcast %add3A_206 : f32 to vector<7xf32>
    %add3A_208 = arith.addf %add3A_205, %add3A_207 : vector<7xf32>
    %div3A_209 = arith.divf %add3A_203, %add3A_208 : vector<7xf32>
    %sub3A_210 = arith.constant 1.000000e+00 : f32
    %sub3A_211 = vector.broadcast %sub3A_210 : f32 to vector<7xf32>
    %sub3A_212 = arith.subf %sub3A_211, %div3A_209 : vector<7xf32>
    %add3A_213 = arith.addf %div3A_156, %sub3A_212 : vector<7xf32>
    %ne3A = arith.cmpf one, %add3A_213, %add3A_213 : vector<7xf32>
    %abs3A = math.absf %add3A_213 : vector<7xf32>
    %eq3A = arith.constant 0x7F800000 : f32
    %eq3A_214 = vector.broadcast %eq3A : f32 to vector<7xf32>
    %eq3A_215 = arith.cmpf oeq, %abs3A, %eq3A_214 : vector<7xf32>
    %or3A = arith.ori %ne3A, %eq3A_215 : vector<7xi1>
    %jit3A = arith.constant 0.000000e+00 : f32
    %broadcast_in_dim3A_216 = vector.broadcast %jit3A : f32 to vector<7xf32>
    %select_n3A = arith.select %or3A, %broadcast_in_dim3A_216, %add3A_213 : vector<7xi1>, vector<7xf32>
    %reduce_sum3A_217 = vector.shape_cast %select_n3A : vector<7xf32> to vector<1x7xf32>
    %reduce_sum3A_218 = arith.constant dense<0.000000e+00> : vector<1xf32>
    %reduce_sum3A_219 = vector.multi_reduction <add>, %reduce_sum3A_217, %reduce_sum3A_218 [1] : vector<1x7xf32> to vector<1xf32>
    %reduce_sum3A_220 = vector.shape_cast %reduce_sum3A_219 : vector<1xf32> to vector<1x1xf32>
    %reduce_sum3A_221 = vector.extract %reduce_sum3A_220[0, 0] : f32 from vector<1x1xf32>
    %slice3A_222 = vector.extract_strided_slice %select_n3A {offsets = [0], sizes = [1], strides = [1]} : vector<7xf32> to vector<1xf32>
    %squeeze3A_223 = vector.extract %slice3A_222[0] : f32 from vector<1xf32>
    %add3A_224 = arith.addf %reduce_sum3A_221, %squeeze3A_223 : f32
    %reshape3A = vector.broadcast %add3A_224 : f32 to vector<1x1xf32>
    %swap3A = arith.constant 0 : index
    %swap3A_225 = arith.constant 0 : index
    %swap3A_226 = vector.load %arg1[%swap3A, %swap3A_225] : memref<1x1xf32, #tpu.memory_space<vmem>>, vector<1x1xf32>
    tpu.vector_store %arg1[%swap3A, %swap3A_225], %reshape3A {strides = array<i32>} : memref<1x1xf32, #tpu.memory_space<vmem>>, vector<1x1xf32>,
    return
  }
}

</mosaic_0001>

<sc_bundles>
// kernel: kernel.4.cloned.1.call-start
scs
__scs_entry_jumppad:
0x0: {  	(pc) =	sbr.rel $0x88, $3  }
0x1: {  	(tag) =	ssettag $0x0;
	lr =	simm.s32 $0x1  }
0x2: {  	[smem:$0x3F9F] =	sst lr;
	_ =	strace $0xD0000000  }
0x3: {  	_ = 	snop  }
0x4: {  	_ = 	snop  }
0x5: {  	_ = 	snop  }
0x6: {  	_ = 	snop  }
0x7: {  	_ = 	snop  }
__scs_overlays_trampoline_lowered:
0x8: {  	[smem:$0x3FAE] =	sst s0  }
0x9: {  	[smem:$0x3FAF] =	sst s1  }
0xa: {  	[smem:$0x3FB0] =	sst s2  }
0xb: {  	[smem:$0x3FB1] =	sst s3  }
0xc: {  	[smem:$0x3FB2] =	sst s4  }
0xd: {  	[smem:$0x3FB3] =	sst s5  }
0xe: {  	[smem:$0x3FB4] =	sst s6  }
0xf: {  	[smem:$0x3FB5] =	sst s7  }
0x10: {  	[smem:$0x3FB6] =	sst s8  }
0x11: {  	[smem:$0x3FB7] =	sst s9;
	s0 =	simm.s32 @!p0 $0x0  }
0x12: {  	s1 =	sld [smem:$0x3F9D];
	s0 =	simm.s32 @p0 $0x1  }
0x13: {  	[smem:$0x3FB8] =	sst s0;
	s0 =	simm.s32 @!p1 $0x0  }
0x14: {  	s2 =	sld [smem:$0x3F9C];
	s0 =	simm.s32 @p1 $0x1  }
0x15: {  	[smem:$0x3FB9] =	sst s0;
	s0 =	simm.s32 @!p2 $0x0  }
0x16: {  	s3 =	sld [smem:$0x3FDB];
	s0 =	simm.s32 @p2 $0x1  }
0x17: {  	s4 =	simm.s32 $0x1BF5;
	[smem:$0x3FBB] =	sst s0  }
0x18: {  	s0 =	sld [smem:$0x3F9E];
	_ =	swait.ge [sflag:s4], $0x0  }
0x19: {  	s7 =	sld [smem:$0x3F9F]  }
0x1a: {  	s8 =	sadd.s32 $0xFFFFE003, lr  }
0x1b: {  	s9 =	sadd.s32 $0xFFFFFEF7, lr;
	s5 =	simm.s32 $0xFFFFFFFF;
	p2 =	slt.u32 s8, $0xFFFFF086  }
0x1c: {  	p1 =	slt.u32 s9, $0xF7A;
	s5 =	simm.s32 @!p2 $0x0  }
0x1d: {  	s5 =	simm.s32 @p1 $0x1;
	p0 =	seq.s32 s7, s2  }
0x1e: {  	s7 =	smul.u32 @!p0 $0xF7A, s2;
	p2 =	seq.s32 @!p0 s5, $0x0  }
0x1f: {  	s9 =	smul.u32 $0xF7A, s1;
	s8 =	simm.s32 @!p0 $0x1BF5;
	p2 =	por !p2, p0  }
0x20: {  	[sflag:s8] =	ssyncset.s32 @!p0 $0xFFFFF086;
	s6 =	sadd.s32 @!p0 s3, s7;
	s7 =	simm.s32 @!p0 $0x108  }
0x21: {  	s3 =	sadd.s32 s3, s9;
	s6 =	sadd.s32 @!p0 $0x88, s6;
	s7 =	simm.s32 @p2 $0x1082  }
0x22: {  	[simem:s7], [sflag:s8] =	dma.local @!p0 [hbm:s6], $0xF7A  }
0x23: {  	s9 =	sor.u32 $0xD0000000, s2;
	s6 =	simm.s32 $0x108;
	_ =	swait.ge @!p0 [sflag:s8], $0x0  }
0x24: {  	s3 =	sadd.s32 $0x88, s3;
	s6 =	simm.s32 @!p1 $0x1082;
	[sflag:s4] =	ssyncset.s32 $0xFFFFF086  }
0x25: {  	[simem:s6], [sflag:s4] =	dma.local [hbm:s3], $0xF7A  }
0x26: {  	[smem:$0x3F9F] =	sst s1;
	(tag) =	ssettag s2;
	_ =	strace s9  }
0x27: {  	s1 =	sld [smem:$0x3FAF]  }
0x28: {  	s2 =	sld [smem:$0x3FB0]  }
0x29: {  	s4 =	sld [smem:$0x3FB2]  }
0x2a: {  	p0 =	seq.s32 s5, $0x0;
	s5 =	sld [smem:$0x3FB3]  }
0x2b: {  	s6 =	sld [smem:$0x3FB4]  }
0x2c: {  	s7 =	sld [smem:$0x3FB5]  }
0x2d: {  	s3 =	simm.s32 $0x108;
	s8 =	sld [smem:$0x3FB6]  }
0x2e: {  	s3 =	simm.s32 @!p0 $0x1082;
	s9 =	sld [smem:$0x3FB7]  }
0x2f: {  	lr =	sadd.s32 s0, s3;
	s0 =	sld [smem:$0x3FAE]  }
0x30: {  	s3 =	sld [smem:$0x3FB1]  }
0x31: {  	[smem:$0x3FBA] =	sst s10  }
0x32: {  	s10 =	sld [smem:$0x3FB8];
	_ =	sdelay $0x3  }
0x33: {  	p0 =	seq.s32 s10, $0x1;
	s10 =	sld [smem:$0x3FBA];
	_ =	sdelay $0x3  }
0x34: {  	[smem:$0x3FBA] =	sst s10  }
0x35: {  	s10 =	sld [smem:$0x3FB9];
	_ =	sdelay $0x3  }
0x36: {  	p1 =	seq.s32 s10, $0x1;
	s10 =	sld [smem:$0x3FBA];
	_ =	sdelay $0x3  }
0x37: {  	[smem:$0x3FBA] =	sst s10  }
0x38: {  	s10 =	sld [smem:$0x3FBB]  }
0x39: {  	_ = 	snop;
	(pc) =	sbr.ind lr, $3  }
0x3a: {  	_ = 	snop  }
0x3b: {  	_ = 	snop  }
0x3c: {  	p2 =	seq.s32 s10, $0x1;
	s10 =	sld [smem:$0x3FBA]  }
0x3d: {  	_ =	shalt  }
0x3e: {  	_ =	shalt  }
0x3f: {  	_ =	shalt  }
0x40: {  	_ =	shalt  }
0x41: {  	_ =	shalt  }
0x42: {  	_ =	shalt  }
0x43: {  	_ =	shalt  }
0x44: {  	_ =	shalt  }
0x45: {  	_ =	shalt  }
0x46: {  	_ =	shalt  }
0x47: {  	_ =	shalt  }
0x48: {  	_ =	shalt  }
0x49: {  	_ =	shalt  }
0x4a: {  	_ =	shalt  }
0x4b: {  	_ =	shalt  }
0x4c: {  	_ =	shalt  }
0x4d: {  	_ =	shalt  }
0x4e: {  	_ =	shalt  }
0x4f: {  	_ =	shalt  }
0x50: {  	_ =	shalt  }
0x51: {  	_ =	shalt  }
0x52: {  	_ =	shalt  }
0x53: {  	_ =	shalt  }
0x54: {  	_ =	shalt  }
0x55: {  	_ =	shalt  }
0x56: {  	_ =	shalt  }
0x57: {  	_ =	shalt  }
0x58: {  	_ =	shalt  }
0x59: {  	_ =	shalt  }
0x5a: {  	_ =	shalt  }
0x5b: {  	_ =	shalt  }
0x5c: {  	_ =	shalt  }
0x5d: {  	_ =	shalt  }
0x5e: {  	_ =	shalt  }
0x5f: {  	_ =	shalt  }
0x60: {  	_ =	shalt  }
0x61: {  	_ =	shalt  }
0x62: {  	_ =	shalt  }
0x63: {  	_ =	shalt  }
0x64: {  	_ =	shalt  }
0x65: {  	_ =	shalt  }
0x66: {  	_ =	shalt  }
0x67: {  	_ =	shalt  }
0x68: {  	_ =	shalt  }
0x69: {  	_ =	shalt  }
0x6a: {  	_ =	shalt  }
0x6b: {  	_ =	shalt  }
0x6c: {  	_ =	shalt  }
0x6d: {  	_ =	shalt  }
0x6e: {  	_ =	shalt  }
0x6f: {  	_ =	shalt  }
0x70: {  	_ =	shalt  }
0x71: {  	_ =	shalt  }
0x72: {  	_ =	shalt  }
0x73: {  	_ =	shalt  }
0x74: {  	_ =	shalt  }
0x75: {  	_ =	shalt  }
0x76: {  	_ =	shalt  }
0x77: {  	_ =	shalt  }
0x78: {  	_ =	shalt  }
0x79: {  	_ =	shalt  }
0x7a: {  	_ =	shalt  }
0x7b: {  	_ =	shalt  }
0x7c: {  	_ =	shalt  }
0x7d: {  	_ =	shalt  }
0x7e: {  	_ =	shalt  }
0x7f: {  	_ =	shalt  }
0x80: {  	_ =	shalt  }
0x81: {  	_ =	shalt  }
0x82: {  	_ =	shalt  }
0x83: {  	_ =	shalt  }
0x84: {  	_ =	shalt  }
0x85: {  	_ =	shalt  }
0x86: {  	_ =	shalt  }
0x87: {  	_ =	shalt  }
.Lfunc_end0:
.L_simem_size_0:
called_computation.1_lowered:
.L_overlay_start_0:
0x88: {  	s2 =	sld [smem:$0x3FD9]  }
0x89: {  	s3 =	sld [smem:$0x3FFE];
	_ =	sdelay $0x1  }
0x8a: {  	s1 =	srdreg.scid  }
0x8b: {  	s0 =	sand.u32 $0x1, s1  }
0x8c: {  	s16 =	sshll.u32 s0, $0xA;
	s2 =	sadd.s32 s3, s2  }
0x8d: {  	s2 =	sadd.s32 s2, s16  }
0x8e: {  	[smem:$0x3FC6] =	sst s2  }
0x8f: {  	_ = 	snop  }
0x90: {  	(tm) =	ssettm $0x1  }
0x91: {  	s17 =	sld [smem:$0x3FFB];
	_ =	sdelay $0x3  }
0x92: {  	_ =	strace s17  }
0x93: {  	s2 =	sld [smem:$0x3FFC];
	_ =	sdelay $0x3  }
0x94: {  	_ =	strace s2  }
0x95: {  	s2 =	sld [smem:$0x3FFD];
	_ =	sdelay $0x3  }
0x96: {  	_ =	strace s2  }
0x97: {  	_ =	strace $0x8FFFFFFF  }
0x98: {  	s18 =	sld [smem:$0x3FDB];
	_ =	sdelay $0x1  }
0x99: {  	s19 =	simm.s32 $_scs_section_size  }
0x9a: {  	s4 =	simm.s32 $_size__tile_overlayer_lowered;
	s5 =	simm.s32 $_tile_overlayer_lowered  }
0x9b: {  	s22 =	simm.s32 $0x1BFF;
	s21 =	sshll.u32 s5, $0x1;
	s2 =	sadd.s32 s19, s18  }
0x9c: {  	s6 =	simm.s32 $0x0;
	s20 =	sshll.u32 s4, $0x1;
	s4 =	sadd.s32 s21, s2  }
0x9d: {  	[timem:s6], [sflag:s22] =	dma.local [hbm:s4], s20  }
0x9e: {  	_ =	swait.ge [sflag:s22], s20  }
0x9f: {  	s3 =	ssub.s32 $0x0, s20;
	[sflag:s22] =	ssyncset.done $0x0  }
0xa0: {  	[sflag:s22] =	ssyncadd.s32 s3;
	_ =	sdelay $0x1  }
0xa1: {  	s23 =	simm.s32 $0x1B8B  }
0xa2: {  	_ =	swait.ge [sflag:s23], $0x1  }
0xa3: {  	[sflag:s23] =	ssyncset.done $0x0  }
0xa4: {  	s25 =	simm.s32 $0x1B8E;
	s24 =	sld [smem:$0x3FFE];
	[sflag:s23] =	ssyncadd.s32 $0xFFFFFFFF  }
0xa5: {  	s26 =	simm.s32 $execute0_lowered;
	[smem:$0x3FD2] =	sst s25  }
0xa6: {  	s4 =	sshll.u32 s26, $0x1;
	_ =	strace $0x80000049;
	[dreg:$0x1] =	wrdreg $0xFFFFFFFF  }
0xa7: {  	s28 =	simm.s32 $_size_execute0_lowered;
	s2 =	sadd.s32 s2, s4;
	[dreg:$0x0] =	wrdreg $0x0  }
0xa8: {  	s4 =	sshll.u32 s28, $0x1;
	[dreg:$0x2] =	wrdreg s2  }
0xa9: {  	[dreg:$0x3] =	wrdreg s4  }
0xaa: {  	[dreg:$0x4] =	wrdreg $0xC0  }
0xab: {  	_ =	task [dreg:s6], $0x5FFFF  }
0xac: {  	[dreg:$0x1] =	wrdreg $0xFFFFFFFF  }
0xad: {  	[dreg:$0x0] =	wrdreg $0x60  }
0xae: {  	[dreg:$0x2] =	wrdreg s24  }
0xaf: {  	[dreg:$0x3] =	wrdreg $0x9  }
0xb0: {  	_ =	task.clear_ibuf [dreg:s6], $0x4FFFF;
	_ =	strace $0x90000049  }
0xb1: {  	s29 =	simm.s32 $0x9;
	_ =	strace $0x8000004B  }
0xb2: {  	_ =	swait.ge [sflag:s29], $0x1  }
0xb3: {  	[sflag:s29] =	ssyncadd.s32 $0xFFFFFFFF  }
0xb4: {  	_ =	strace $0x9000004B  }
0xb5: {  	_ =	sfence  }
0xb6: {  	s30 =	sld [smem:$0x0];
	_ =	sdelay $0x2  }
0xb7: {  	s31 =	sshll.u32 s1, $0xD;
	s1 =	sshrl.u32 s1, $0x2  }
0xb8: {  	s3 =	sand.u32 $0x4000, s31;
	s1 =	sadd.s32 s1, s30  }
0xb9: {  	s0 =	sor.u32 s3, s0;
	s1 =	sshll.u32 s1, $0x11  }
0xba: {  	s0 =	sor.u32 s1, s0  }
0xbb: {  	s0 =	sadd.s32 $0x8F2B, s0  }
0xbc: {  	[sflag:s0] =	ssyncadd.remote.s32 $0x1  }
0xbd: {  	_ =	sfence.sel $0xFFFF  }
0xbe: {  	[dreg:$0x0] =	wrdreg $0xFFFFFFFF;
	(pc) =	sbr.abs _section_cstart, $3  }
0xbf: {  	[dreg:$0x1] =	wrdreg $0xFFFFFFFF  }
0xc0: {  	_ =	task.clear_ibuf [dreg:s6], $0x2FFFF;
	_ =	strace $0x9FFFFFFF  }
0xc1: {  	(tm) =	ssettm $0x7FFFFFFF  }
tec
execute0_lowered:
.L_overlay_start_1:
0x0: {  	(tag) =	ssettag $0x1  }
0x1: {  	s0 =	srdreg.scid  }
0x2: {  	s5 =	stileid.u32;
	s1 =	rddreg [dreg:$0x0];
	s2 =	simm.s32 $0x0  }
0x3: {  	s21 =	simm.s32 $0x10000;
	s22 =	simm.s32 $0x1;
	s23 =	simm.s32 $0x2  }
0x4: {  	s28 =	simm.s32 $0x4;
	s29 =	simm.s32 $0x0;
	s0 =	sand.u32 $0x1, s0  }
0x5: {  	s3 =	sshll.u32 s5, $0x1;
	[smem:$0x7FF] =	sst s2;
	s24 =	sshll.u32 s5, $0x11  }
0x6: {  	s4 =	sor.u32 s0, s3;
	_ =	strace $0x8000004A;
	s3 =	sand.u32 $0x1C0000, s24  }
0x7: {  	s0 =	ssub.s32 $0x2, s0;
	s24 =	simm.s32 $0x12000;
	s25 =	sshll.u32 s4, $0x10  }
0x8: {  	s26 =	smul.u32 $0xE00, s4;
	s7 =	sshrl.u32 s0, $0x1;
	s5 =	sand.u32 $0x30000, s25  }
0x9: {  	s4 =	sadd.s32 $0xA00, s1;
	s0 =	ssub.s32 s0, s7;
	s3 =	sor.u32 s3, s5  }
0xa: {  	s25 =	simm.s32 $0x14000;
	s20 =	smax.u32 s0, $0x1;
	s6 =	sshrl.u32 s3, $0x3  }
0xb: {  	s7 =	sor.u32 $0x200000, s3;
	s9 =	sor.u32 $0x400000, s3;
	s10 =	sor.u32 $0x204000, s3  }
0xc: {  	s11 =	sor.u32 $0x600000, s3;
	s12 =	sor.u32 $0x404000, s3;
	s13 =	sor.u32 $0x800000, s3  }
0xd: {  	s14 =	sor.u32 $0x604000, s3;
	s15 =	sor.u32 $0xA00000, s3;
	s16 =	sor.u32 $0x804000, s3  }
0xe: {  	s17 =	sor.u32 $0xC00000, s3;
	s8 =	sadd.s32 s6, s1;
	s31 =	sadd.s32 s4, s6  }
0xf: {  	s1 =	sadd.s32 s26, s1;
	s30 =	sadd.s32 $0x1C0A00, s8;
	[dreg:$0x3] =	wrdreg s31  }
0x10: {  	s18 =	sor.u32 $0xA04000, s3;
	s1 =	sadd.s32 $0x200A00, s1;
	[dreg:$0x2] =	wrdreg s30  }
0x11: {  	v0 =	vimm.f32 $0.0e+00;
	v1 =	vimm.f32 $1.000000000e+00;
	s26 =	simm.s32 $0x3;
	s8 =	sor.u32 $0x4000, s3;
	[dreg:$0x4] =	wrdreg s1  }
.LBB2_1:
0x12: {  	s0 =	rddreg [dreg:$0x2]  }
0x13: {  	[tilespmem:s2], [sflag:$0x1] =	stream.linear.gather [hbm4b:s0+s2], $0x10000, $0x38;
	[tilespmem:$0x1B000] =	vst v63  }
0x14: {  	s31 =	rddreg [dreg:$0x3]  }
0x15: {  	[tilespmem:s21], [sflag:$0x2] =	stream.linear.gather [hbm4b:s31+s2], $0x2000, $0x38;
	[tilespmem:$0x1B000] =	vst v63  }
0x16: {  	s1 =	simm.s32 $0x14000;
	s0 =	simm.s32 $0x0;
	[tilespmem:s25+$0x0] =	vst v0  }
.LBB2_2:
0x17: {  	s0 =	sadd.s32 $0x10, s0  }
0x18: {  	p0 =	slt.u32 s0, $0x6FF0  }
.Ltmp0:
0x19: {  	_ = 	snop;
	(pc) =	sbr.rel @p0 .LBB2_2-.Ltmp0, $3  }
0x1a: {  	_ =	sdelay $0x1  }
0x1b: {  	s1 =	sadd.s32 $0x10, s1  }
0x1c: {  	[tilespmem:s1+$0x0] =	vst v0  }
0x1d: {  	_ =	swait.ge [sflag:s22], $0x10000  }
0x1e: {  	s30 =	simm.s32 $0x0;
	[sflag:s22] =	ssyncset.done $0x0  }
0x1f: {  	s1 =	simm.s32 $0x40;
	s31 =	simm.s32 $0x2070;
	[sflag:s22] =	ssyncadd.s32 $0xFFFF0000  }
.LBB2_4:
0x20: {  	s0 =	sshll.u32 s30, $0xE  }
0x21: {  	s5 =	sor.u32 s3, s0  }
0x22: {  	_ =	swait.ge [sflag:s23], $0x2000;
	s5 =	sor.u32 $0x2000, s5  }
0x23: {  	[sflag:s23] =	ssyncset.done $0x0;
	s5 =	sshrl.u32 s5, $0x3  }
0x24: {  	[sflag:s23] =	ssyncadd.s32 $0xFFFFE000;
	s5 =	sadd.s32 s4, s5  }
0x25: {  	[tilespmem:s24], [sflag:$0x3] =	stream.linear.gather [hbm4b:s5+s2], $0x2000, $0x38;
	[tilespmem:$0x1B000] =	vst v63  }
0x26: {  	v5 =	vld [tilespmem:s1+$0x0]  }
0x27: {  	s5 =	simm.s32 $0x10040;
	v9 =	vld [tilespmem:s1+$0x30]  }
0x28: {  	v2 =	vld [tilespmem:s5+$0x0]  }
0x29: {  	v10 =	vld [tilespmem:s1+$0x10]  }
0x2a: {  	v11 =	vld [tilespmem:s1+$0xFFFFFFF0]  }
0x2b: {  	v13 =	vld [tilespmem:s1+$0xFFFFFFD0];
	v4 =	vadd.f32 v5, v5  }
0x2c: {  	v12 =	vld [tilespmem:s1+$0xFFFFFFE0]  }
0x2d: {  	v3 =	vld [tilespmem:s5+$0xFFFFFFF0];
	v7 =	vadd.f32 $-1.000000000e+00, v4  }
0x2e: {  	v6 =	vld [tilespmem:s5+$0x30]  }
0x2f: {  	v8 =	vadd.f32 v9, v9;
	v15 =	vadd.f32 v11, v11;
	v4 =	vld [tilespmem:s1+$0xFFFFFFC0];
	v2 =	vmul.f32 v7, v2  }
0x30: {  	v14 =	vld [tilespmem:s5+$0x10];
	v17 =	vadd.f32 v10, v10;
	v18 =	vadd.f32 v13, v13  }
0x31: {  	v21 =	vadd.f32 v12, v12;
	v2 =	vsub.f32 $1.000000000e+00, v2  }
0x32: {  	v11 =	vmul.f32 $1.024000000e+03, v11;
	v15 =	vadd.f32 $-1.000000000e+00, v15;
	v7 =	vadd.f32 $-1.000000000e+00, v8;
	v8 =	vld [tilespmem:s5+$0xFFFFFFD0]  }
0x33: {  	v18 =	vadd.f32 $-1.000000000e+00, v18;
	v17 =	vadd.f32 $-1.000000000e+00, v17;
	v20 =	vmul.f32 $6.400000000e+01, v2  }
0x34: {  	v16 =	vld [tilespmem:s5+$0xFFFFFFC0];
	v15 =	vmul.f32 v15, v3;
	v6 =	vmul.f32 v7, v6;
	v19 =	vadd.f32 v4, v4  }
0x35: {  	v14 =	vmul.f32 v17, v14;
	v17 =	vmul.f32 $1.024000000e+03, v10;
	v20 =	vadd.f32 $1.536000000e+03, v20  }
0x36: {  	v7 =	vmul.f32 $1.024000000e+03, v12;
	v3 =	vsub.f32 $1.000000000e+00, v6;
	v19 =	vadd.f32 $-1.000000000e+00, v19  }
0x37: {  	v18 =	vmul.f32 v18, v8;
	v8 =	vsub.f32 $1.000000000e+00, v15;
	v6 =	vmax.f32 v20, $1.024000000e+03  }
0x38: {  	v20 =	vmul.f32 $1.024000000e+03, v5;
	v15 =	vmin.f32 v6, $2.047000000e+03;
	v6 =	vsub.f32 $1.000000000e+00, v14  }
0x39: {  	v19 =	vmul.f32 v19, v16;
	v10 =	vsub.f32 $1.000000000e+00, v18;
	v12 =	vmul.f32 $6.400000000e+01, v8  }
0x3a: {  	v22 =	vld [tilespmem:s5+$0xFFFFFFE0];
	v21 =	vadd.f32 $-1.000000000e+00, v21;
	v14 =	vsub.f32 v15, v20;
	v15 =	vmul.f32 $6.400000000e+01, v6  }
0x3b: {  	v5 =	vsub.f32 $1.000000000e+00, v19;
	v19 =	vmul.f32 $6.400000000e+01, v10;
	v20 =	vadd.f32 $1.536000000e+03, v12  }
0x3c: {  	v16 =	vmul.f32 $6.400000000e+01, v3;
	v18 =	vmul.f32 $1.024000000e+03, v13;
	v13 =	vadd.f32 $1.536000000e+03, v15  }
0x3d: {  	v12 =	vmul.f32 $1.024000000e+03, v9;
	v19 =	vadd.f32 $1.536000000e+03, v19;
	v20 =	vmax.f32 v20, $1.024000000e+03  }
0x3e: {  	v15 =	vmul.f32 $6.400000000e+01, v5;
	v23 =	vmin.f32 v20, $2.047000000e+03;
	v24 =	vmax.f32 v13, $1.024000000e+03;
	v13 =	vld [tilespmem:s1+$0x20]  }
0x3f: {  	s6 =	simm.s32 $0x0;
	s19 =	sadd.s32 $0x80, s1;
	v9 =	vld [tilespmem:s5+$0x20];
	v20 =	vmul.f32 v21, v22;
	v21 =	vsub.f32 v23, v11;
	v22 =	vmin.f32 v24, $2.047000000e+03  }
.LBB2_5:
0x40: {  	v11 =	vld [tilespmem:s19+$0x30];
	s6 =	sadd.s32 $0x80, s6;
	v19 =	vmax.f32 v19, $1.024000000e+03;
	v17 =	vsub.f32 v22, v17;
	v16 =	vadd.f32 $1.536000000e+03, v16;
	s5 =	sadd.s32 $0x80, s5  }
0x41: {  	v22 =	vld [tilespmem:s5+$0x20];
	p0 =	slt.u32 s6, $0x1F80;
	v19 =	vmin.f32 v19, $2.047000000e+03;
	v20 =	vsub.f32 $1.000000000e+00, v20;
	v21 =	vtrunc.f32 v21  }
0x42: {  	v23 =	vld [tilespmem:s5+$0xFFFFFFF0];
	v18 =	vsub.f32 v19, v18;
	v19 =	vcvt.f32.s32 v21;
	v17 =	vtrunc.f32 v17  }
0x43: {  	v16 =	vmax.f32 v16, $1.024000000e+03;
	v21 =	vld [tilespmem:s5+$0x10];
	v17 =	vcvt.f32.s32 v17;
	v24 =	vadd.f32 v13, v13  }
0x44: {  	v26 =	vmul.f32 $6.400000000e+01, v20;
	v25 =	vld [tilespmem:s5+$0x0];
	v18 =	vtrunc.f32 v18;
	v27 =	vadd.s32 $0x800, v19  }
0x45: {  	v28 =	vld [tilespmem:s5+$0xFFFFFFC0];
	v29 =	vadd.f32 v11, v11;
	v30 =	vadd.s32 $0x800, v17;
	v24 =	vadd.f32 $-1.000000000e+00, v24  }
0x46: {  	v16 =	vmin.f32 v16, $2.047000000e+03;
	v18 =	vcvt.f32.s32 v18;
	v26 =	vadd.f32 $1.536000000e+03, v26;
	v31 =	vld [tilespmem:s5+$0x30]  }
0x47: {  	v14 =	vtrunc.f32 v14;
	v32 =	vld [tilespmem:s19+$0x10];
	v29 =	vadd.f32 $-1.000000000e+00, v29;
	v24 =	vmul.f32 v24, v9;
	v9 =	vmovc v22  }
0x48: {  	v14 =	vcvt.f32.s32 v14;
	v33 =	vadd.s32 $0x800, v18;
	v26 =	vmax.f32 v26, $1.024000000e+03;
	v22 =	vld [tilespmem:s19+$0x0]  }
0x49: {  	v12 =	vsub.f32 v16, v12;
	v26 =	vmin.f32 v26, $2.047000000e+03;
	v34 =	vld [tilespmem:s19+$0xFFFFFFE0];
	v24 =	vsub.f32 $1.000000000e+00, v24  }
0x4a: {  	v13 =	vmul.f32 $1.024000000e+03, v13;
	v7 =	vsub.f32 v26, v7;
	v26 =	vadd.s32 $0x800, v14;
	v16 =	vld [tilespmem:s5+$0xFFFFFFD0]  }
0x4b: {  	v15 =	vadd.f32 $1.536000000e+03, v15;
	v29 =	vmul.f32 v29, v31;
	[tilespmem:v19+s25+$0x0] =	vst.idx.add.f32.msk $0xffff, v1;
	v19 =	vmul.f32 $6.400000000e+01, v24  }
0x4c: {  	v35 =	vmul.f32 $1.024000000e+03, v4;
	v4 =	vtrunc.f32 v7;
	v31 =	vld [tilespmem:s19+$0xFFFFFFF0]  }
0x4d: {  	v15 =	vmax.f32 v15, $1.024000000e+03;
	v36 =	vcvt.f32.s32 v4;
	v7 =	vadd.f32 v22, v22;
	[tilespmem:v17+s25+$0x0] =	vst.idx.add.f32.msk $0xffff, v1  }
0x4e: {  	v15 =	vmin.f32 v15, $2.047000000e+03;
	v12 =	vtrunc.f32 v12;
	v17 =	vadd.f32 $1.536000000e+03, v19;
	v4 =	vld [tilespmem:s19+$0xFFFFFFC0]  }
0x4f: {  	v15 =	vsub.f32 v15, v35;
	v35 =	vadd.s32 $0x800, v36;
	v19 =	vld [tilespmem:s19+$0xFFFFFFD0];
	v37 =	vadd.f32 $-1.000000000e+00, v7  }
0x50: {  	v12 =	vcvt.f32.s32 v12;
	v7 =	vmul.f32 $1.024000000e+03, v34;
	v17 =	vmax.f32 v17, $1.024000000e+03;
	[tilespmem:v18+s25+$0x0] =	vst.idx.add.f32.msk $0xffff, v1  }
0x51: {  	v15 =	vtrunc.f32 v15;
	v18 =	vmul.f32 v37, v25;
	[tilespmem:v27+s25+$0x0] =	vst.idx.add.f32.msk $0xffff, v8;
	v8 =	vmin.f32 v17, $2.047000000e+03  }
0x52: {  	v15 =	vcvt.f32.s32 v15;
	v17 =	vadd.f32 v31, v31;
	[tilespmem:v33+s25+$0x0] =	vst.idx.add.f32.msk $0xffff, v10;
	v8 =	vsub.f32 v8, v13  }
0x53: {  	v13 =	vadd.f32 v32, v32;
	v10 =	vsub.f32 $1.000000000e+00, v18;
	[tilespmem:v14+s25+$0x0] =	vst.idx.add.f32.msk $0xffff, v1;
	v14 =	vadd.s32 $0x800, v12  }
0x54: {  	v25 =	vadd.s32 $0x800, v15;
	v17 =	vadd.f32 $-1.000000000e+00, v17;
	v18 =	vadd.f32 v19, v19;
	[tilespmem:v30+s25+$0x0] =	vst.idx.add.f32.msk $0xffff, v6  }
0x55: {  	v6 =	vadd.f32 v4, v4;
	v8 =	vtrunc.f32 v8;
	v27 =	vld [tilespmem:s5+$0xFFFFFFE0];
	v30 =	vmul.f32 $6.400000000e+01, v10  }
0x56: {  	v13 =	vadd.f32 $-1.000000000e+00, v13;
	v17 =	vmul.f32 v17, v23;
	v18 =	vadd.f32 $-1.000000000e+00, v18;
	[tilespmem:v12+s25+$0x0] =	vst.idx.add.f32.msk $0xffff, v1  }
0x57: {  	v23 =	vcvt.f32.s32 v8;
	v6 =	vadd.f32 $-1.000000000e+00, v6;
	v12 =	vadd.f32 $1.536000000e+03, v30;
	[tilespmem:v26+s25+$0x0] =	vst.idx.add.f32.msk $0xffff, v2;
	v2 =	vmovc v10  }
0x58: {  	v13 =	vmul.f32 v13, v21;
	v10 =	vmul.f32 v18, v16;
	v18 =	vsub.f32 $1.000000000e+00, v29;
	[tilespmem:v36+s25+$0x0] =	vst.idx.add.f32.msk $0xffff, v1  }
0x59: {  	v21 =	vmul.f32 v6, v28;
	v6 =	vmax.f32 v12, $1.024000000e+03;
	v12 =	vmul.f32 $1.024000000e+03, v22;
	[tilespmem:v15+s25+$0x0] =	vst.idx.add.f32.msk $0xffff, v1  }
0x5a: {  	v8 =	vsub.f32 $1.000000000e+00, v17;
	v15 =	vmin.f32 v6, $2.047000000e+03;
	[tilespmem:v35+s25+$0x0] =	vst.idx.add.f32.msk $0xffff, v20;
	v20 =	vadd.s32 $0x800, v23  }
0x5b: {  	v17 =	vmul.f32 $1.024000000e+03, v32;
	v6 =	vsub.f32 $1.000000000e+00, v13;
	v16 =	vmul.f32 $6.400000000e+01, v18;
	[tilespmem:v25+s25+$0x0] =	vst.idx.add.f32.msk $0xffff, v5  }
0x5c: {  	v22 =	vmul.f32 $6.400000000e+01, v8;
	v10 =	vsub.f32 $1.000000000e+00, v10;
	v13 =	vadd.f32 v34, v34;
	[tilespmem:v14+s25+$0x0] =	vst.idx.add.f32.msk $0xffff, v3;
	v3 =	vmovc v18  }
0x5d: {  	v5 =	vsub.f32 $1.000000000e+00, v21;
	v14 =	vsub.f32 v15, v12;
	v15 =	vmul.f32 $6.400000000e+01, v6;
	[tilespmem:v23+s25+$0x0] =	vst.idx.add.f32.msk $0xffff, v1  }
.Ltmp1:
0x5e: {  	v22 =	vadd.f32 $1.536000000e+03, v22;
	v21 =	vmul.f32 $6.400000000e+01, v10;
	v12 =	vmul.f32 $1.024000000e+03, v11;
	(pc) =	sbr.rel @p0 .LBB2_5-.Ltmp1, $4  }
0x5f: {  	v18 =	vmul.f32 $1.024000000e+03, v19;
	v11 =	vmul.f32 $1.024000000e+03, v31;
	v23 =	vadd.f32 $1.536000000e+03, v15;
	[tilespmem:v20+s25+$0x0] =	vst.idx.add.f32.msk $0xffff, v24  }
0x60: {  	v19 =	vadd.f32 $1.536000000e+03, v21;
	v20 =	vadd.f32 $-1.000000000e+00, v13;
	v13 =	vmax.f32 v22, $1.024000000e+03  }
0x61: {  	v15 =	vmul.f32 $6.400000000e+01, v5;
	v21 =	vmin.f32 v13, $2.047000000e+03;
	v22 =	vmax.f32 v23, $1.024000000e+03;
	v13 =	vld [tilespmem:s19+$0x20]  }
0x62: {  	v20 =	vmul.f32 v20, v27;
	v21 =	vsub.f32 v21, v11;
	v22 =	vmin.f32 v22, $2.047000000e+03;
	s19 =	sadd.s32 $0x80, s19  }
0x63: {  	_ = 	snop  }
0x64: {  	v11 =	vmax.f32 v19, $1.024000000e+03  }
0x65: {  	v17 =	vsub.f32 v22, v17;
	v16 =	vadd.f32 $1.536000000e+03, v16;
	v11 =	vmin.f32 v11, $2.047000000e+03  }
0x66: {  	v14 =	vtrunc.f32 v14;
	v11 =	vsub.f32 v11, v18;
	v18 =	vadd.f32 v13, v13  }
0x67: {  	v15 =	vadd.f32 $1.536000000e+03, v15;
	v4 =	vmul.f32 $1.024000000e+03, v4;
	v19 =	vsub.f32 $1.000000000e+00, v20  }
0x68: {  	v20 =	vtrunc.f32 v21;
	v14 =	vcvt.f32.s32 v14;
	v18 =	vadd.f32 $-1.000000000e+00, v18  }
0x69: {  	v17 =	vtrunc.f32 v17;
	v20 =	vcvt.f32.s32 v20;
	v16 =	vmax.f32 v16, $1.024000000e+03  }
0x6a: {  	v15 =	vmax.f32 v15, $1.024000000e+03;
	v17 =	vcvt.f32.s32 v17;
	v9 =	vmul.f32 v18, v9  }
0x6b: {  	v21 =	vmul.f32 $6.400000000e+01, v19;
	v16 =	vmin.f32 v16, $2.047000000e+03;
	v11 =	vtrunc.f32 v11  }
0x6c: {  	v15 =	vmin.f32 v15, $2.047000000e+03;
	v11 =	vcvt.f32.s32 v11;
	v9 =	vsub.f32 $1.000000000e+00, v9  }
0x6d: {  	v22 =	vadd.s32 $0x800, v20;
	v12 =	vsub.f32 v16, v12;
	v21 =	vadd.f32 $1.536000000e+03, v21  }
0x6e: {  	v4 =	vsub.f32 v15, v4;
	v15 =	vadd.s32 $0x800, v14;
	v16 =	vmul.f32 $6.400000000e+01, v9  }
0x6f: {  	v23 =	vadd.s32 $0x800, v17;
	v12 =	vtrunc.f32 v12;
	v21 =	vmax.f32 v21, $1.024000000e+03;
	[tilespmem:v14+s25+$0x0] =	vst.idx.add.f32.msk $0xffff, v1  }
0x70: {  	v4 =	vtrunc.f32 v4;
	v21 =	vmin.f32 v21, $2.047000000e+03;
	[tilespmem:v20+s25+$0x0] =	vst.idx.add.f32.msk $0xffff, v1;
	v16 =	vadd.f32 $1.536000000e+03, v16  }
0x71: {  	v18 =	vadd.s32 $0x800, v11;
	v12 =	vcvt.f32.s32 v12;
	v7 =	vsub.f32 v21, v7;
	[tilespmem:v17+s25+$0x0] =	vst.idx.add.f32.msk $0xffff, v1  }
0x72: {  	v13 =	vmul.f32 $1.024000000e+03, v13;
	v4 =	vcvt.f32.s32 v4;
	[tilespmem:v11+s25+$0x0] =	vst.idx.add.f32.msk $0xffff, v1;
	v11 =	vmax.f32 v16, $1.024000000e+03  }
0x73: {  	[tilespmem:v22+s25+$0x0] =	vst.idx.add.f32.msk $0xffff, v8;
	v7 =	vtrunc.f32 v7;
	v8 =	vmin.f32 v11, $2.047000000e+03  }
0x74: {  	[tilespmem:v23+s25+$0x0] =	vst.idx.add.f32.msk $0xffff, v6;
	v6 =	vadd.s32 $0x800, v4;
	v7 =	vcvt.f32.s32 v7;
	v8 =	vsub.f32 v8, v13  }
0x75: {  	[tilespmem:v15+s25+$0x0] =	vst.idx.add.f32.msk $0xffff, v2  }
0x76: {  	[tilespmem:v18+s25+$0x0] =	vst.idx.add.f32.msk $0xffff, v10;
	v10 =	vadd.s32 $0x800, v7;
	v8 =	vtrunc.f32 v8  }
0x77: {  	[tilespmem:v12+s25+$0x0] =	vst.idx.add.f32.msk $0xffff, v1;
	v11 =	vadd.s32 $0x800, v12;
	v2 =	vcvt.f32.s32 v8  }
0x78: {  	[tilespmem:v4+s25+$0x0] =	vst.idx.add.f32.msk $0xffff, v1  }
0x79: {  	[tilespmem:v6+s25+$0x0] =	vst.idx.add.f32.msk $0xffff, v5;
	v4 =	vadd.s32 $0x800, v2  }
0x7a: {  	[tilespmem:v7+s25+$0x0] =	vst.idx.add.f32.msk $0xffff, v1  }
0x7b: {  	[tilespmem:v10+s25+$0x0] =	vst.idx.add.f32.msk $0xffff, v19  }
0x7c: {  	[tilespmem:v11+s25+$0x0] =	vst.idx.add.f32.msk $0xffff, v3  }
0x7d: {  	[tilespmem:v2+s25+$0x0] =	vst.idx.add.f32.msk $0xffff, v1  }
0x7e: {  	p0 =	seq.s32 s30, $0x3;
	s0 =	sadd.s32 s0, s8;
	[tilespmem:v4+s25+$0x0] =	vst.idx.add.f32.msk $0xffff, v9  }
0x7f: {  	s0 =	smov.u32 @p0 s7;
	_ =	swait.ge [sflag:s26], $0x2000  }
0x80: {  	s0 =	sshrl.u32 s0, $0x3;
	[sflag:s26] =	ssyncset.done $0x0  }
0x81: {  	s0 =	sadd.s32 s4, s0;
	[sflag:s26] =	ssyncadd.s32 $0xFFFFE000  }
0x82: {  	[tilespmem:s21], [sflag:$0x2] =	stream.linear.gather [hbm4b:s0+s2], $0x2000, $0x38;
	[tilespmem:$0x1B000] =	vst v63  }
0x83: {  	v5 =	vld [tilespmem:s31+$0xFFFFFFD0]  }
0x84: {  	s0 =	simm.s32 $0x12040;
	v9 =	vld [tilespmem:s31+$0x0]  }
0x85: {  	v2 =	vld [tilespmem:s0+$0x0]  }
0x86: {  	v10 =	vld [tilespmem:s31+$0xFFFFFFE0]  }
0x87: {  	v11 =	vld [tilespmem:s31+$0xFFFFFFC0]  }
0x88: {  	v13 =	vld [tilespmem:s31+$0xFFFFFFA0];
	v4 =	vadd.f32 v5, v5  }
0x89: {  	v12 =	vld [tilespmem:s31+$0xFFFFFFB0]  }
0x8a: {  	v3 =	vld [tilespmem:s0+$0xFFFFFFF0];
	v7 =	vadd.f32 $-1.000000000e+00, v4  }
0x8b: {  	v6 =	vld [tilespmem:s0+$0x30]  }
0x8c: {  	v8 =	vadd.f32 v9, v9;
	v15 =	vadd.f32 v11, v11;
	v4 =	vld [tilespmem:s31+$0xFFFFFF90];
	v2 =	vmul.f32 v7, v2  }
0x8d: {  	v14 =	vld [tilespmem:s0+$0x10];
	v17 =	vadd.f32 v10, v10;
	v18 =	vadd.f32 v13, v13  }
0x8e: {  	v21 =	vadd.f32 v12, v12;
	v2 =	vsub.f32 $1.000000000e+00, v2  }
0x8f: {  	v11 =	vmul.f32 $1.024000000e+03, v11;
	v15 =	vadd.f32 $-1.000000000e+00, v15;
	v7 =	vadd.f32 $-1.000000000e+00, v8;
	v8 =	vld [tilespmem:s0+$0xFFFFFFD0]  }
0x90: {  	v18 =	vadd.f32 $-1.000000000e+00, v18;
	v17 =	vadd.f32 $-1.000000000e+00, v17;
	v20 =	vmul.f32 $6.400000000e+01, v2  }
0x91: {  	v16 =	vld [tilespmem:s0+$0xFFFFFFC0];
	v15 =	vmul.f32 v15, v3;
	v6 =	vmul.f32 v7, v6;
	v19 =	vadd.f32 v4, v4  }
0x92: {  	v14 =	vmul.f32 v17, v14;
	v17 =	vmul.f32 $1.024000000e+03, v10;
	v20 =	vadd.f32 $1.536000000e+03, v20  }
0x93: {  	v7 =	vmul.f32 $1.024000000e+03, v12;
	v3 =	vsub.f32 $1.000000000e+00, v6;
	v19 =	vadd.f32 $-1.000000000e+00, v19  }
0x94: {  	v18 =	vmul.f32 v18, v8;
	v8 =	vsub.f32 $1.000000000e+00, v15;
	v6 =	vmax.f32 v20, $1.024000000e+03  }
0x95: {  	v20 =	vmul.f32 $1.024000000e+03, v5;
	v15 =	vmin.f32 v6, $2.047000000e+03;
	v6 =	vsub.f32 $1.000000000e+00, v14  }
0x96: {  	v19 =	vmul.f32 v19, v16;
	v10 =	vsub.f32 $1.000000000e+00, v18;
	v12 =	vmul.f32 $6.400000000e+01, v8  }
0x97: {  	v22 =	vld [tilespmem:s0+$0xFFFFFFE0];
	v21 =	vadd.f32 $-1.000000000e+00, v21;
	v14 =	vsub.f32 v15, v20;
	v15 =	vmul.f32 $6.400000000e+01, v6  }
0x98: {  	v5 =	vsub.f32 $1.000000000e+00, v19;
	v19 =	vmul.f32 $6.400000000e+01, v10;
	v20 =	vadd.f32 $1.536000000e+03, v12  }
0x99: {  	v16 =	vmul.f32 $6.400000000e+01, v3;
	v18 =	vmul.f32 $1.024000000e+03, v13;
	v13 =	vadd.f32 $1.536000000e+03, v15  }
0x9a: {  	v12 =	vmul.f32 $1.024000000e+03, v9;
	v19 =	vadd.f32 $1.536000000e+03, v19;
	v20 =	vmax.f32 v20, $1.024000000e+03  }
0x9b: {  	v15 =	vmul.f32 $6.400000000e+01, v5;
	v23 =	vmin.f32 v20, $2.047000000e+03;
	v24 =	vmax.f32 v13, $1.024000000e+03;
	v13 =	vld [tilespmem:s31+$0xFFFFFFF0]  }
0x9c: {  	s5 =	simm.s32 $0x0;
	s6 =	sadd.s32 $0x80, s31;
	v9 =	vld [tilespmem:s0+$0x20];
	v20 =	vmul.f32 v21, v22;
	v21 =	vsub.f32 v23, v11;
	v22 =	vmin.f32 v24, $2.047000000e+03  }
.LBB2_7:
0x9d: {  	v11 =	vld [tilespmem:s6+$0x0];
	s5 =	sadd.s32 $0x80, s5;
	v19 =	vmax.f32 v19, $1.024000000e+03;
	v17 =	vsub.f32 v22, v17;
	v16 =	vadd.f32 $1.536000000e+03, v16;
	s0 =	sadd.s32 $0x80, s0  }
0x9e: {  	v22 =	vld [tilespmem:s0+$0x20];
	p0 =	slt.u32 s5, $0x1F80;
	v19 =	vmin.f32 v19, $2.047000000e+03;
	v20 =	vsub.f32 $1.000000000e+00, v20;
	v21 =	vtrunc.f32 v21  }
0x9f: {  	v23 =	vld [tilespmem:s0+$0xFFFFFFF0];
	v18 =	vsub.f32 v19, v18;
	v19 =	vcvt.f32.s32 v21;
	v17 =	vtrunc.f32 v17  }
0xa0: {  	v16 =	vmax.f32 v16, $1.024000000e+03;
	v21 =	vld [tilespmem:s0+$0x10];
	v17 =	vcvt.f32.s32 v17;
	v24 =	vadd.f32 v13, v13  }
0xa1: {  	v26 =	vmul.f32 $6.400000000e+01, v20;
	v25 =	vld [tilespmem:s0+$0x0];
	v18 =	vtrunc.f32 v18;
	v27 =	vadd.s32 $0x800, v19  }
0xa2: {  	v28 =	vld [tilespmem:s0+$0xFFFFFFC0];
	v29 =	vadd.f32 v11, v11;
	v30 =	vadd.s32 $0x800, v17;
	v24 =	vadd.f32 $-1.000000000e+00, v24  }
0xa3: {  	v16 =	vmin.f32 v16, $2.047000000e+03;
	v18 =	vcvt.f32.s32 v18;
	v26 =	vadd.f32 $1.536000000e+03, v26;
	v31 =	vld [tilespmem:s0+$0x30]  }
0xa4: {  	v14 =	vtrunc.f32 v14;
	v32 =	vld [tilespmem:s6+$0xFFFFFFE0];
	v29 =	vadd.f32 $-1.000000000e+00, v29;
	v24 =	vmul.f32 v24, v9;
	v9 =	vmovc v22  }
0xa5: {  	v14 =	vcvt.f32.s32 v14;
	v33 =	vadd.s32 $0x800, v18;
	v26 =	vmax.f32 v26, $1.024000000e+03;
	v22 =	vld [tilespmem:s6+$0xFFFFFFD0]  }
0xa6: {  	v12 =	vsub.f32 v16, v12;
	v26 =	vmin.f32 v26, $2.047000000e+03;
	v34 =	vld [tilespmem:s6+$0xFFFFFFB0];
	v24 =	vsub.f32 $1.000000000e+00, v24  }
0xa7: {  	v13 =	vmul.f32 $1.024000000e+03, v13;
	v7 =	vsub.f32 v26, v7;
	v26 =	vadd.s32 $0x800, v14;
	v16 =	vld [tilespmem:s0+$0xFFFFFFD0]  }
0xa8: {  	v15 =	vadd.f32 $1.536000000e+03, v15;
	v29 =	vmul.f32 v29, v31;
	[tilespmem:v19+s25+$0x0] =	vst.idx.add.f32.msk $0xffff, v1;
	v19 =	vmul.f32 $6.400000000e+01, v24  }
0xa9: {  	v35 =	vmul.f32 $1.024000000e+03, v4;
	v4 =	vtrunc.f32 v7;
	v31 =	vld [tilespmem:s6+$0xFFFFFFC0]  }
0xaa: {  	v15 =	vmax.f32 v15, $1.024000000e+03;
	v36 =	vcvt.f32.s32 v4;
	v7 =	vadd.f32 v22, v22;
	[tilespmem:v17+s25+$0x0] =	vst.idx.add.f32.msk $0xffff, v1  }
0xab: {  	v15 =	vmin.f32 v15, $2.047000000e+03;
	v12 =	vtrunc.f32 v12;
	v17 =	vadd.f32 $1.536000000e+03, v19;
	v4 =	vld [tilespmem:s6+$0xFFFFFF90]  }
0xac: {  	v15 =	vsub.f32 v15, v35;
	v35 =	vadd.s32 $0x800, v36;
	v19 =	vld [tilespmem:s6+$0xFFFFFFA0];
	v37 =	vadd.f32 $-1.000000000e+00, v7  }
0xad: {  	v12 =	vcvt.f32.s32 v12;
	v7 =	vmul.f32 $1.024000000e+03, v34;
	v17 =	vmax.f32 v17, $1.024000000e+03;
	[tilespmem:v18+s25+$0x0] =	vst.idx.add.f32.msk $0xffff, v1  }
0xae: {  	v15 =	vtrunc.f32 v15;
	v18 =	vmul.f32 v37, v25;
	[tilespmem:v27+s25+$0x0] =	vst.idx.add.f32.msk $0xffff, v8;
	v8 =	vmin.f32 v17, $2.047000000e+03  }
0xaf: {  	v15 =	vcvt.f32.s32 v15;
	v17 =	vadd.f32 v31, v31;
	[tilespmem:v33+s25+$0x0] =	vst.idx.add.f32.msk $0xffff, v10;
	v8 =	vsub.f32 v8, v13  }
0xb0: {  	v13 =	vadd.f32 v32, v32;
	v10 =	vsub.f32 $1.000000000e+00, v18;
	[tilespmem:v14+s25+$0x0] =	vst.idx.add.f32.msk $0xffff, v1;
	v14 =	vadd.s32 $0x800, v12  }
0xb1: {  	v25 =	vadd.s32 $0x800, v15;
	v17 =	vadd.f32 $-1.000000000e+00, v17;
	v18 =	vadd.f32 v19, v19;
	[tilespmem:v30+s25+$0x0] =	vst.idx.add.f32.msk $0xffff, v6  }
0xb2: {  	v6 =	vadd.f32 v4, v4;
	v8 =	vtrunc.f32 v8;
	v27 =	vld [tilespmem:s0+$0xFFFFFFE0];
	v30 =	vmul.f32 $6.400000000e+01, v10  }
0xb3: {  	v13 =	vadd.f32 $-1.000000000e+00, v13;
	v17 =	vmul.f32 v17, v23;
	v18 =	vadd.f32 $-1.000000000e+00, v18;
	[tilespmem:v12+s25+$0x0] =	vst.idx.add.f32.msk $0xffff, v1  }
0xb4: {  	v23 =	vcvt.f32.s32 v8;
	v6 =	vadd.f32 $-1.000000000e+00, v6;
	v12 =	vadd.f32 $1.536000000e+03, v30;
	[tilespmem:v26+s25+$0x0] =	vst.idx.add.f32.msk $0xffff, v2;
	v2 =	vmovc v10  }
0xb5: {  	v13 =	vmul.f32 v13, v21;
	v10 =	vmul.f32 v18, v16;
	v18 =	vsub.f32 $1.000000000e+00, v29;
	[tilespmem:v36+s25+$0x0] =	vst.idx.add.f32.msk $0xffff, v1  }
0xb6: {  	v21 =	vmul.f32 v6, v28;
	v6 =	vmax.f32 v12, $1.024000000e+03;
	v12 =	vmul.f32 $1.024000000e+03, v22;
	[tilespmem:v15+s25+$0x0] =	vst.idx.add.f32.msk $0xffff, v1  }
0xb7: {  	v8 =	vsub.f32 $1.000000000e+00, v17;
	v15 =	vmin.f32 v6, $2.047000000e+03;
	[tilespmem:v35+s25+$0x0] =	vst.idx.add.f32.msk $0xffff, v20;
	v20 =	vadd.s32 $0x800, v23  }
0xb8: {  	v17 =	vmul.f32 $1.024000000e+03, v32;
	v6 =	vsub.f32 $1.000000000e+00, v13;
	v16 =	vmul.f32 $6.400000000e+01, v18;
	[tilespmem:v25+s25+$0x0] =	vst.idx.add.f32.msk $0xffff, v5  }
0xb9: {  	v22 =	vmul.f32 $6.400000000e+01, v8;
	v10 =	vsub.f32 $1.000000000e+00, v10;
	v13 =	vadd.f32 v34, v34;
	[tilespmem:v14+s25+$0x0] =	vst.idx.add.f32.msk $0xffff, v3;
	v3 =	vmovc v18  }
0xba: {  	v5 =	vsub.f32 $1.000000000e+00, v21;
	v14 =	vsub.f32 v15, v12;
	v15 =	vmul.f32 $6.400000000e+01, v6;
	[tilespmem:v23+s25+$0x0] =	vst.idx.add.f32.msk $0xffff, v1  }
.Ltmp2:
0xbb: {  	v22 =	vadd.f32 $1.536000000e+03, v22;
	v21 =	vmul.f32 $6.400000000e+01, v10;
	v12 =	vmul.f32 $1.024000000e+03, v11;
	(pc) =	sbr.rel @p0 .LBB2_7-.Ltmp2, $4  }
0xbc: {  	v18 =	vmul.f32 $1.024000000e+03, v19;
	v11 =	vmul.f32 $1.024000000e+03, v31;
	v23 =	vadd.f32 $1.536000000e+03, v15;
	[tilespmem:v20+s25+$0x0] =	vst.idx.add.f32.msk $0xffff, v24  }
0xbd: {  	v19 =	vadd.f32 $1.536000000e+03, v21;
	v20 =	vadd.f32 $-1.000000000e+00, v13;
	v13 =	vmax.f32 v22, $1.024000000e+03  }
0xbe: {  	v15 =	vmul.f32 $6.400000000e+01, v5;
	v21 =	vmin.f32 v13, $2.047000000e+03;
	v22 =	vmax.f32 v23, $1.024000000e+03;
	v13 =	vld [tilespmem:s6+$0xFFFFFFF0]  }
0xbf: {  	v20 =	vmul.f32 v20, v27;
	v21 =	vsub.f32 v21, v11;
	v22 =	vmin.f32 v22, $2.047000000e+03;
	s6 =	sadd.s32 $0x80, s6  }
0xc0: {  	_ = 	snop  }
0xc1: {  	v11 =	vmax.f32 v19, $1.024000000e+03  }
0xc2: {  	v17 =	vsub.f32 v22, v17;
	v16 =	vadd.f32 $1.536000000e+03, v16;
	v14 =	vtrunc.f32 v14  }
0xc3: {  	v15 =	vadd.f32 $1.536000000e+03, v15;
	v4 =	vmul.f32 $1.024000000e+03, v4;
	v51 =	vadd.f32 v13, v13  }
0xc4: {  	v11 =	vmin.f32 v11, $2.047000000e+03;
	v49 =	vsub.f32 $1.000000000e+00, v20;
	v50 =	vtrunc.f32 v21  }
0xc5: {  	v14 =	vcvt.f32.s32 v14;
	v11 =	vsub.f32 v11, v18;
	v18 =	vadd.f32 $-1.000000000e+00, v51  }
0xc6: {  	v17 =	vtrunc.f32 v17;
	v20 =	vcvt.f32.s32 v50;
	v16 =	vmax.f32 v16, $1.024000000e+03  }
0xc7: {  	v15 =	vmax.f32 v15, $1.024000000e+03;
	v17 =	vcvt.f32.s32 v17;
	v9 =	vmul.f32 v18, v9  }
0xc8: {  	v52 =	vmul.f32 $6.400000000e+01, v49;
	v16 =	vmin.f32 v16, $2.047000000e+03;
	v15 =	vmin.f32 v15, $2.047000000e+03  }
0xc9: {  	v56 =	vadd.s32 $0x800, v14;
	v57 =	vmul.f32 $1.024000000e+03, v13;
	v9 =	vsub.f32 $1.000000000e+00, v9  }
0xca: {  	v11 =	vtrunc.f32 v11;
	v53 =	vadd.s32 $0x800, v20;
	v12 =	vsub.f32 v16, v12  }
0xcb: {  	v4 =	vsub.f32 v15, v4;
	v21 =	vadd.f32 $1.536000000e+03, v52;
	v55 =	vmul.f32 $6.400000000e+01, v9  }
0xcc: {  	v11 =	vcvt.f32.s32 v11;
	v23 =	vadd.s32 $0x800, v17;
	v12 =	vtrunc.f32 v12;
	[tilespmem:v14+s25+$0x0] =	vst.idx.add.f32.msk $0xffff, v1  }
0xcd: {  	v4 =	vtrunc.f32 v4;
	v21 =	vmax.f32 v21, $1.024000000e+03;
	[tilespmem:v20+s25+$0x0] =	vst.idx.add.f32.msk $0xffff, v1;
	v16 =	vadd.f32 $1.536000000e+03, v55  }
0xce: {  	v54 =	vadd.s32 $0x800, v11;
	v12 =	vcvt.f32.s32 v12;
	v21 =	vmin.f32 v21, $2.047000000e+03;
	[tilespmem:v56+s25+$0x0] =	vst.idx.add.f32.msk $0xffff, v2  }
0xcf: {  	v4 =	vcvt.f32.s32 v4;
	v7 =	vsub.f32 v21, v7;
	[tilespmem:v17+s25+$0x0] =	vst.idx.add.f32.msk $0xffff, v1;
	v58 =	vmax.f32 v16, $1.024000000e+03  }
0xd0: {  	[tilespmem:v53+s25+$0x0] =	vst.idx.add.f32.msk $0xffff, v8;
	v59 =	vmin.f32 v58, $2.047000000e+03  }
0xd1: {  	v61 =	vadd.s32 $0x800, v4;
	[tilespmem:v23+s25+$0x0] =	vst.idx.add.f32.msk $0xffff, v6;
	v7 =	vtrunc.f32 v7;
	v8 =	vsub.f32 v59, v57  }
0xd2: {  	v62 =	vadd.s32 $0x800, v12;
	[tilespmem:v11+s25+$0x0] =	vst.idx.add.f32.msk $0xffff, v1;
	v7 =	vcvt.f32.s32 v7  }
0xd3: {  	[tilespmem:v54+s25+$0x0] =	vst.idx.add.f32.msk $0xffff, v10;
	v8 =	vtrunc.f32 v8  }
0xd4: {  	[tilespmem:v12+s25+$0x0] =	vst.idx.add.f32.msk $0xffff, v1;
	v60 =	vadd.s32 $0x800, v7;
	v2 =	vcvt.f32.s32 v8  }
0xd5: {  	s30 =	sadd.s32 $0x1, s30;
	[tilespmem:v4+s25+$0x0] =	vst.idx.add.f32.msk $0xffff, v1  }
0xd6: {  	p0 =	sne.s32 s30, $0x4;
	[tilespmem:v61+s25+$0x0] =	vst.idx.add.f32.msk $0xffff, v5;
	v63 =	vadd.s32 $0x800, v2  }
.Ltmp3:
0xd7: {  	[tilespmem:v62+s25+$0x0] =	vst.idx.add.f32.msk $0xffff, v3;
	(pc) =	sbr.rel @p0 .LBB2_4-.Ltmp3, $4  }
0xd8: {  	[tilespmem:v7+s25+$0x0] =	vst.idx.add.f32.msk $0xffff, v1  }
0xd9: {  	[tilespmem:v60+s25+$0x0] =	vst.idx.add.f32.msk $0xffff, v49  }
0xda: {  	[tilespmem:v2+s25+$0x0] =	vst.idx.add.f32.msk $0xffff, v1  }
0xdb: {  	s1 =	sadd.s32 $0x4000, s1;
	s31 =	sadd.s32 $0x4000, s31;
	[tilespmem:v63+s25+$0x0] =	vst.idx.add.f32.msk $0xffff, v9  }
0xdc: {  	s30 =	simm.s32 $0x0;
	s1 =	simm.s32 $0x40;
	s31 =	simm.s32 $0x2070  }
.LBB2_10:
0xdd: {  	s0 =	sshll.u32 s30, $0xE  }
0xde: {  	s5 =	sor.u32 s7, s0  }
0xdf: {  	_ =	swait.ge [sflag:s23], $0x2000;
	s5 =	sor.u32 $0x2000, s5  }
0xe0: {  	[sflag:s23] =	ssyncset.done $0x0;
	s5 =	sshrl.u32 s5, $0x3  }
0xe1: {  	[sflag:s23] =	ssyncadd.s32 $0xFFFFE000;
	s5 =	sadd.s32 s4, s5  }
0xe2: {  	[tilespmem:s24], [sflag:$0x3] =	stream.linear.gather [hbm4b:s5+s2], $0x2000, $0x38;
	[tilespmem:$0x1B000] =	vst v63  }
0xe3: {  	v5 =	vld [tilespmem:s1+$0x0]  }
0xe4: {  	s5 =	simm.s32 $0x10040;
	v9 =	vld [tilespmem:s1+$0x30]  }
0xe5: {  	v2 =	vld [tilespmem:s5+$0x0]  }
0xe6: {  	v10 =	vld [tilespmem:s1+$0x10]  }
0xe7: {  	v11 =	vld [tilespmem:s1+$0xFFFFFFF0]  }
0xe8: {  	v13 =	vld [tilespmem:s1+$0xFFFFFFD0];
	v4 =	vadd.f32 v5, v5  }
0xe9: {  	v12 =	vld [tilespmem:s1+$0xFFFFFFE0]  }
0xea: {  	v3 =	vld [tilespmem:s5+$0xFFFFFFF0];
	v7 =	vadd.f32 $-1.000000000e+00, v4  }
0xeb: {  	v6 =	vld [tilespmem:s5+$0x30]  }
0xec: {  	v8 =	vadd.f32 v9, v9;
	v15 =	vadd.f32 v11, v11;
	v4 =	vld [tilespmem:s1+$0xFFFFFFC0];
	v2 =	vmul.f32 v7, v2  }
0xed: {  	v14 =	vld [tilespmem:s5+$0x10];
	v17 =	vadd.f32 v10, v10;
	v18 =	vadd.f32 v13, v13  }
0xee: {  	v21 =	vadd.f32 v12, v12;
	v2 =	vsub.f32 $1.000000000e+00, v2  }
0xef: {  	v11 =	vmul.f32 $1.024000000e+03, v11;
	v15 =	vadd.f32 $-1.000000000e+00, v15;
	v7 =	vadd.f32 $-1.000000000e+00, v8;
	v8 =	vld [tilespmem:s5+$0xFFFFFFD0]  }
0xf0: {  	v18 =	vadd.f32 $-1.000000000e+00, v18;
	v17 =	vadd.f32 $-1.000000000e+00, v17;
	v20 =	vmul.f32 $6.400000000e+01, v2  }
0xf1: {  	v16 =	vld [tilespmem:s5+$0xFFFFFFC0];
	v15 =	vmul.f32 v15, v3;
	v6 =	vmul.f32 v7, v6;
	v19 =	vadd.f32 v4, v4  }
0xf2: {  	v14 =	vmul.f32 v17, v14;
	v17 =	vmul.f32 $1.024000000e+03, v10;
	v20 =	vadd.f32 $5.632000000e+03, v20  }
0xf3: {  	v7 =	vmul.f32 $1.024000000e+03, v12;
	v3 =	vsub.f32 $1.000000000e+00, v6;
	v19 =	vadd.f32 $-1.000000000e+00, v19  }
0xf4: {  	v18 =	vmul.f32 v18, v8;
	v8 =	vsub.f32 $1.000000000e+00, v15;
	v6 =	vmax.f32 v20, $5.120000000e+03  }
0xf5: {  	v20 =	vmul.f32 $1.024000000e+03, v5;
	v15 =	vmin.f32 v6, $6.143000000e+03;
	v6 =	vsub.f32 $1.000000000e+00, v14  }
0xf6: {  	v19 =	vmul.f32 v19, v16;
	v10 =	vsub.f32 $1.000000000e+00, v18;
	v12 =	vmul.f32 $6.400000000e+01, v8  }
0xf7: {  	v22 =	vld [tilespmem:s5+$0xFFFFFFE0];
	v21 =	vadd.f32 $-1.000000000e+00, v21;
	v14 =	vsub.f32 v15, v20;
	v15 =	vmul.f32 $6.400000000e+01, v6  }
0xf8: {  	v5 =	vsub.f32 $1.000000000e+00, v19;
	v19 =	vmul.f32 $6.400000000e+01, v10;
	v20 =	vadd.f32 $5.632000000e+03, v12  }
0xf9: {  	v16 =	vmul.f32 $6.400000000e+01, v3;
	v18 =	vmul.f32 $1.024000000e+03, v13;
	v13 =	vadd.f32 $5.632000000e+03, v15  }
0xfa: {  	v12 =	vmul.f32 $1.024000000e+03, v9;
	v19 =	vadd.f32 $5.632000000e+03, v19;
	v20 =	vmax.f32 v20, $5.120000000e+03  }
0xfb: {  	v15 =	vmul.f32 $6.400000000e+01, v5;
	v23 =	vmin.f32 v20, $6.143000000e+03;
	v24 =	vmax.f32 v13, $5.120000000e+03;
	v13 =	vld [tilespmem:s1+$0x20]  }
0xfc: {  	s6 =	simm.s32 $0x0;
	s19 =	sadd.s32 $0x80, s1;
	v9 =	vld [tilespmem:s5+$0x20];
	v20 =	vmul.f32 v21, v22;
	v21 =	vsub.f32 v23, v11;
	v22 =	vmin.f32 v24, $6.143000000e+03  }
.LBB2_11:
0xfd: {  	v11 =	vld [tilespmem:s19+$0x30];
	s6 =	sadd.s32 $0x80, s6;
	v19 =	vmax.f32 v19, $5.120000000e+03;
	v17 =	vsub.f32 v22, v17;
	v16 =	vadd.f32 $5.632000000e+03, v16;
	s5 =	sadd.s32 $0x80, s5  }
0xfe: {  	v22 =	vld [tilespmem:s5+$0x20];
	p0 =	slt.u32 s6, $0x1F80;
	v19 =	vmin.f32 v19, $6.143000000e+03;
	v20 =	vsub.f32 $1.000000000e+00, v20;
	v21 =	vtrunc.f32 v21  }
0xff: {  	v23 =	vld [tilespmem:s5+$0xFFFFFFF0];
	v18 =	vsub.f32 v19, v18;
	v19 =	vcvt.f32.s32 v21;
	v17 =	vtrunc.f32 v17  }
0x100: {  	v16 =	vmax.f32 v16, $5.120000000e+03;
	v21 =	vld [tilespmem:s5+$0x10];
	v17 =	vcvt.f32.s32 v17;
	v24 =	vadd.f32 v13, v13  }
0x101: {  	v26 =	vmul.f32 $6.400000000e+01, v20;
	v25 =	vld [tilespmem:s5+$0x0];
	v18 =	vtrunc.f32 v18;
	v27 =	vadd.s32 $0x800, v19  }
0x102: {  	v28 =	vld [tilespmem:s5+$0xFFFFFFC0];
	v29 =	vadd.f32 v11, v11;
	v30 =	vadd.s32 $0x800, v17;
	v24 =	vadd.f32 $-1.000000000e+00, v24  }
0x103: {  	v16 =	vmin.f32 v16, $6.143000000e+03;
	v18 =	vcvt.f32.s32 v18;
	v26 =	vadd.f32 $5.632000000e+03, v26;
	v31 =	vld [tilespmem:s5+$0x30]  }
0x104: {  	v14 =	vtrunc.f32 v14;
	v32 =	vld [tilespmem:s19+$0x10];
	v29 =	vadd.f32 $-1.000000000e+00, v29;
	v24 =	vmul.f32 v24, v9;
	v9 =	vmovc v22  }
0x105: {  	v14 =	vcvt.f32.s32 v14;
	v33 =	vadd.s32 $0x800, v18;
	v26 =	vmax.f32 v26, $5.120000000e+03;
	v22 =	vld [tilespmem:s19+$0x0]  }
0x106: {  	v12 =	vsub.f32 v16, v12;
	v26 =	vmin.f32 v26, $6.143000000e+03;
	v34 =	vld [tilespmem:s19+$0xFFFFFFE0];
	v24 =	vsub.f32 $1.000000000e+00, v24  }
0x107: {  	v13 =	vmul.f32 $1.024000000e+03, v13;
	v7 =	vsub.f32 v26, v7;
	v26 =	vadd.s32 $0x800, v14;
	v16 =	vld [tilespmem:s5+$0xFFFFFFD0]  }
0x108: {  	v15 =	vadd.f32 $5.632000000e+03, v15;
	v29 =	vmul.f32 v29, v31;
	[tilespmem:v19+s25+$0x0] =	vst.idx.add.f32.msk $0xffff, v1;
	v19 =	vmul.f32 $6.400000000e+01, v24  }
0x109: {  	v35 =	vmul.f32 $1.024000000e+03, v4;
	v4 =	vtrunc.f32 v7;
	v31 =	vld [tilespmem:s19+$0xFFFFFFF0]  }
0x10a: {  	v15 =	vmax.f32 v15, $5.120000000e+03;
	v36 =	vcvt.f32.s32 v4;
	v7 =	vadd.f32 v22, v22;
	[tilespmem:v17+s25+$0x0] =	vst.idx.add.f32.msk $0xffff, v1  }
0x10b: {  	v15 =	vmin.f32 v15, $6.143000000e+03;
	v12 =	vtrunc.f32 v12;
	v17 =	vadd.f32 $5.632000000e+03, v19;
	v4 =	vld [tilespmem:s19+$0xFFFFFFC0]  }
0x10c: {  	v15 =	vsub.f32 v15, v35;
	v35 =	vadd.s32 $0x800, v36;
	v19 =	vld [tilespmem:s19+$0xFFFFFFD0];
	v37 =	vadd.f32 $-1.000000000e+00, v7  }
0x10d: {  	v12 =	vcvt.f32.s32 v12;
	v7 =	vmul.f32 $1.024000000e+03, v34;
	v17 =	vmax.f32 v17, $5.120000000e+03;
	[tilespmem:v18+s25+$0x0] =	vst.idx.add.f32.msk $0xffff, v1  }
0x10e: {  	v15 =	vtrunc.f32 v15;
	v18 =	vmul.f32 v37, v25;
	[tilespmem:v27+s25+$0x0] =	vst.idx.add.f32.msk $0xffff, v8;
	v8 =	vmin.f32 v17, $6.143000000e+03  }
0x10f: {  	v15 =	vcvt.f32.s32 v15;
	v17 =	vadd.f32 v31, v31;
	[tilespmem:v33+s25+$0x0] =	vst.idx.add.f32.msk $0xffff, v10;
	v8 =	vsub.f32 v8, v13  }
0x110: {  	v13 =	vadd.f32 v32, v32;
	v10 =	vsub.f32 $1.000000000e+00, v18;
	[tilespmem:v14+s25+$0x0] =	vst.idx.add.f32.msk $0xffff, v1;
	v14 =	vadd.s32 $0x800, v12  }
0x111: {  	v25 =	vadd.s32 $0x800, v15;
	v17 =	vadd.f32 $-1.000000000e+00, v17;
	v18 =	vadd.f32 v19, v19;
	[tilespmem:v30+s25+$0x0] =	vst.idx.add.f32.msk $0xffff, v6  }
0x112: {  	v6 =	vadd.f32 v4, v4;
	v8 =	vtrunc.f32 v8;
	v27 =	vld [tilespmem:s5+$0xFFFFFFE0];
	v30 =	vmul.f32 $6.400000000e+01, v10  }
0x113: {  	v13 =	vadd.f32 $-1.000000000e+00, v13;
	v17 =	vmul.f32 v17, v23;
	v18 =	vadd.f32 $-1.000000000e+00, v18;
	[tilespmem:v12+s25+$0x0] =	vst.idx.add.f32.msk $0xffff, v1  }
0x114: {  	v23 =	vcvt.f32.s32 v8;
	v6 =	vadd.f32 $-1.000000000e+00, v6;
	v12 =	vadd.f32 $5.632000000e+03, v30;
	[tilespmem:v26+s25+$0x0] =	vst.idx.add.f32.msk $0xffff, v2;
	v2 =	vmovc v10  }
0x115: {  	v13 =	vmul.f32 v13, v21;
	v10 =	vmul.f32 v18, v16;
	v18 =	vsub.f32 $1.000000000e+00, v29;
	[tilespmem:v36+s25+$0x0] =	vst.idx.add.f32.msk $0xffff, v1  }
0x116: {  	v21 =	vmul.f32 v6, v28;
	v6 =	vmax.f32 v12, $5.120000000e+03;
	v12 =	vmul.f32 $1.024000000e+03, v22;
	[tilespmem:v15+s25+$0x0] =	vst.idx.add.f32.msk $0xffff, v1  }
0x117: {  	v8 =	vsub.f32 $1.000000000e+00, v17;
	v15 =	vmin.f32 v6, $6.143000000e+03;
	[tilespmem:v35+s25+$0x0] =	vst.idx.add.f32.msk $0xffff, v20;
	v20 =	vadd.s32 $0x800, v23  }
0x118: {  	v17 =	vmul.f32 $1.024000000e+03, v32;
	v6 =	vsub.f32 $1.000000000e+00, v13;
	v16 =	vmul.f32 $6.400000000e+01, v18;
	[tilespmem:v25+s25+$0x0] =	vst.idx.add.f32.msk $0xffff, v5  }
0x119: {  	v22 =	vmul.f32 $6.400000000e+01, v8;
	v10 =	vsub.f32 $1.000000000e+00, v10;
	v13 =	vadd.f32 v34, v34;
	[tilespmem:v14+s25+$0x0] =	vst.idx.add.f32.msk $0xffff, v3;
	v3 =	vmovc v18  }
0x11a: {  	v5 =	vsub.f32 $1.000000000e+00, v21;
	v14 =	vsub.f32 v15, v12;
	v15 =	vmul.f32 $6.400000000e+01, v6;
	[tilespmem:v23+s25+$0x0] =	vst.idx.add.f32.msk $0xffff, v1  }
.Ltmp4:
0x11b: {  	v22 =	vadd.f32 $5.632000000e+03, v22;
	v21 =	vmul.f32 $6.400000000e+01, v10;
	v12 =	vmul.f32 $1.024000000e+03, v11;
	(pc) =	sbr.rel @p0 .LBB2_11-.Ltmp4, $4  }
0x11c: {  	v18 =	vmul.f32 $1.024000000e+03, v19;
	v11 =	vmul.f32 $1.024000000e+03, v31;
	v23 =	vadd.f32 $5.632000000e+03, v15;
	[tilespmem:v20+s25+$0x0] =	vst.idx.add.f32.msk $0xffff, v24  }
0x11d: {  	v19 =	vadd.f32 $5.632000000e+03, v21;
	v20 =	vadd.f32 $-1.000000000e+00, v13;
	v13 =	vmax.f32 v22, $5.120000000e+03  }
0x11e: {  	v15 =	vmul.f32 $6.400000000e+01, v5;
	v21 =	vmin.f32 v13, $6.143000000e+03;
	v22 =	vmax.f32 v23, $5.120000000e+03;
	v13 =	vld [tilespmem:s19+$0x20]  }
0x11f: {  	v20 =	vmul.f32 v20, v27;
	v21 =	vsub.f32 v21, v11;
	v22 =	vmin.f32 v22, $6.143000000e+03;
	s19 =	sadd.s32 $0x80, s19  }
0x120: {  	_ = 	snop  }
0x121: {  	v11 =	vmax.f32 v19, $5.120000000e+03  }
0x122: {  	v17 =	vsub.f32 v22, v17;
	v16 =	vadd.f32 $5.632000000e+03, v16;
	v11 =	vmin.f32 v11, $6.143000000e+03  }
0x123: {  	v14 =	vtrunc.f32 v14;
	v11 =	vsub.f32 v11, v18;
	v18 =	vadd.f32 v13, v13  }
0x124: {  	v15 =	vadd.f32 $5.632000000e+03, v15;
	v4 =	vmul.f32 $1.024000000e+03, v4;
	v19 =	vsub.f32 $1.000000000e+00, v20  }
0x125: {  	v20 =	vtrunc.f32 v21;
	v14 =	vcvt.f32.s32 v14;
	v18 =	vadd.f32 $-1.000000000e+00, v18  }
0x126: {  	v17 =	vtrunc.f32 v17;
	v20 =	vcvt.f32.s32 v20;
	v16 =	vmax.f32 v16, $5.120000000e+03  }
0x127: {  	v15 =	vmax.f32 v15, $5.120000000e+03;
	v17 =	vcvt.f32.s32 v17;
	v9 =	vmul.f32 v18, v9  }
0x128: {  	v21 =	vmul.f32 $6.400000000e+01, v19;
	v16 =	vmin.f32 v16, $6.143000000e+03;
	v11 =	vtrunc.f32 v11  }
0x129: {  	v15 =	vmin.f32 v15, $6.143000000e+03;
	v11 =	vcvt.f32.s32 v11;
	v9 =	vsub.f32 $1.000000000e+00, v9  }
0x12a: {  	v22 =	vadd.s32 $0x800, v20;
	v12 =	vsub.f32 v16, v12;
	v21 =	vadd.f32 $5.632000000e+03, v21  }
0x12b: {  	v4 =	vsub.f32 v15, v4;
	v15 =	vadd.s32 $0x800, v14;
	v16 =	vmul.f32 $6.400000000e+01, v9  }
0x12c: {  	v23 =	vadd.s32 $0x800, v17;
	v12 =	vtrunc.f32 v12;
	v21 =	vmax.f32 v21, $5.120000000e+03;
	[tilespmem:v14+s25+$0x0] =	vst.idx.add.f32.msk $0xffff, v1  }
0x12d: {  	v4 =	vtrunc.f32 v4;
	v21 =	vmin.f32 v21, $6.143000000e+03;
	[tilespmem:v20+s25+$0x0] =	vst.idx.add.f32.msk $0xffff, v1;
	v16 =	vadd.f32 $5.632000000e+03, v16  }
0x12e: {  	v18 =	vadd.s32 $0x800, v11;
	v12 =	vcvt.f32.s32 v12;
	v7 =	vsub.f32 v21, v7;
	[tilespmem:v17+s25+$0x0] =	vst.idx.add.f32.msk $0xffff, v1  }
0x12f: {  	v13 =	vmul.f32 $1.024000000e+03, v13;
	v4 =	vcvt.f32.s32 v4;
	[tilespmem:v11+s25+$0x0] =	vst.idx.add.f32.msk $0xffff, v1;
	v11 =	vmax.f32 v16, $5.120000000e+03  }
0x130: {  	[tilespmem:v22+s25+$0x0] =	vst.idx.add.f32.msk $0xffff, v8;
	v7 =	vtrunc.f32 v7;
	v8 =	vmin.f32 v11, $6.143000000e+03  }
0x131: {  	[tilespmem:v23+s25+$0x0] =	vst.idx.add.f32.msk $0xffff, v6;
	v6 =	vadd.s32 $0x800, v4;
	v7 =	vcvt.f32.s32 v7;
	v8 =	vsub.f32 v8, v13  }
0x132: {  	[tilespmem:v15+s25+$0x0] =	vst.idx.add.f32.msk $0xffff, v2  }
0x133: {  	[tilespmem:v18+s25+$0x0] =	vst.idx.add.f32.msk $0xffff, v10;
	v10 =	vadd.s32 $0x800, v7;
	v8 =	vtrunc.f32 v8  }
0x134: {  	[tilespmem:v12+s25+$0x0] =	vst.idx.add.f32.msk $0xffff, v1;
	v11 =	vadd.s32 $0x800, v12;
	v2 =	vcvt.f32.s32 v8  }
0x135: {  	[tilespmem:v4+s25+$0x0] =	vst.idx.add.f32.msk $0xffff, v1  }
0x136: {  	[tilespmem:v6+s25+$0x0] =	vst.idx.add.f32.msk $0xffff, v5;
	v4 =	vadd.s32 $0x800, v2  }
0x137: {  	[tilespmem:v7+s25+$0x0] =	vst.idx.add.f32.msk $0xffff, v1  }
0x138: {  	[tilespmem:v10+s25+$0x0] =	vst.idx.add.f32.msk $0xffff, v19  }
0x139: {  	[tilespmem:v11+s25+$0x0] =	vst.idx.add.f32.msk $0xffff, v3  }
0x13a: {  	[tilespmem:v2+s25+$0x0] =	vst.idx.add.f32.msk $0xffff, v1  }
0x13b: {  	p0 =	seq.s32 s30, $0x3;
	s0 =	sadd.s32 s0, s10;
	[tilespmem:v4+s25+$0x0] =	vst.idx.add.f32.msk $0xffff, v9  }
0x13c: {  	s0 =	smov.u32 @p0 s9;
	_ =	swait.ge [sflag:s26], $0x2000  }
0x13d: {  	s0 =	sshrl.u32 s0, $0x3;
	[sflag:s26] =	ssyncset.done $0x0  }
0x13e: {  	s0 =	sadd.s32 s4, s0;
	[sflag:s26] =	ssyncadd.s32 $0xFFFFE000  }
0x13f: {  	[tilespmem:s21], [sflag:$0x2] =	stream.linear.gather [hbm4b:s0+s2], $0x2000, $0x38;
	[tilespmem:$0x1B000] =	vst v63  }
0x140: {  	v5 =	vld [tilespmem:s31+$0xFFFFFFD0]  }
0x141: {  	s0 =	simm.s32 $0x12040;
	v9 =	vld [tilespmem:s31+$0x0]  }
0x142: {  	v2 =	vld [tilespmem:s0+$0x0]  }
0x143: {  	v10 =	vld [tilespmem:s31+$0xFFFFFFE0]  }
0x144: {  	v11 =	vld [tilespmem:s31+$0xFFFFFFC0]  }
0x145: {  	v13 =	vld [tilespmem:s31+$0xFFFFFFA0];
	v4 =	vadd.f32 v5, v5  }
0x146: {  	v12 =	vld [tilespmem:s31+$0xFFFFFFB0]  }
0x147: {  	v3 =	vld [tilespmem:s0+$0xFFFFFFF0];
	v7 =	vadd.f32 $-1.000000000e+00, v4  }
0x148: {  	v6 =	vld [tilespmem:s0+$0x30]  }
0x149: {  	v8 =	vadd.f32 v9, v9;
	v15 =	vadd.f32 v11, v11;
	v4 =	vld [tilespmem:s31+$0xFFFFFF90];
	v2 =	vmul.f32 v7, v2  }
0x14a: {  	v14 =	vld [tilespmem:s0+$0x10];
	v17 =	vadd.f32 v10, v10;
	v18 =	vadd.f32 v13, v13  }
0x14b: {  	v21 =	vadd.f32 v12, v12;
	v2 =	vsub.f32 $1.000000000e+00, v2  }
0x14c: {  	v11 =	vmul.f32 $1.024000000e+03, v11;
	v15 =	vadd.f32 $-1.000000000e+00, v15;
	v7 =	vadd.f32 $-1.000000000e+00, v8;
	v8 =	vld [tilespmem:s0+$0xFFFFFFD0]  }
0x14d: {  	v18 =	vadd.f32 $-1.000000000e+00, v18;
	v17 =	vadd.f32 $-1.000000000e+00, v17;
	v20 =	vmul.f32 $6.400000000e+01, v2  }
0x14e: {  	v16 =	vld [tilespmem:s0+$0xFFFFFFC0];
	v15 =	vmul.f32 v15, v3;
	v6 =	vmul.f32 v7, v6;
	v19 =	vadd.f32 v4, v4  }
0x14f: {  	v14 =	vmul.f32 v17, v14;
	v17 =	vmul.f32 $1.024000000e+03, v10;
	v20 =	vadd.f32 $5.632000000e+03, v20  }
0x150: {  	v7 =	vmul.f32 $1.024000000e+03, v12;
	v3 =	vsub.f32 $1.000000000e+00, v6;
	v19 =	vadd.f32 $-1.000000000e+00, v19  }
0x151: {  	v18 =	vmul.f32 v18, v8;
	v8 =	vsub.f32 $1.000000000e+00, v15;
	v6 =	vmax.f32 v20, $5.120000000e+03  }
0x152: {  	v20 =	vmul.f32 $1.024000000e+03, v5;
	v15 =	vmin.f32 v6, $6.143000000e+03;
	v6 =	vsub.f32 $1.000000000e+00, v14  }
0x153: {  	v19 =	vmul.f32 v19, v16;
	v10 =	vsub.f32 $1.000000000e+00, v18;
	v12 =	vmul.f32 $6.400000000e+01, v8  }
0x154: {  	v22 =	vld [tilespmem:s0+$0xFFFFFFE0];
	v21 =	vadd.f32 $-1.000000000e+00, v21;
	v14 =	vsub.f32 v15, v20;
	v15 =	vmul.f32 $6.400000000e+01, v6  }
0x155: {  	v5 =	vsub.f32 $1.000000000e+00, v19;
	v19 =	vmul.f32 $6.400000000e+01, v10;
	v20 =	vadd.f32 $5.632000000e+03, v12  }
0x156: {  	v16 =	vmul.f32 $6.400000000e+01, v3;
	v18 =	vmul.f32 $1.024000000e+03, v13;
	v13 =	vadd.f32 $5.632000000e+03, v15  }
0x157: {  	v12 =	vmul.f32 $1.024000000e+03, v9;
	v19 =	vadd.f32 $5.632000000e+03, v19;
	v20 =	vmax.f32 v20, $5.120000000e+03  }
0x158: {  	v15 =	vmul.f32 $6.400000000e+01, v5;
	v23 =	vmin.f32 v20, $6.143000000e+03;
	v24 =	vmax.f32 v13, $5.120000000e+03;
	v13 =	vld [tilespmem:s31+$0xFFFFFFF0]  }
0x159: {  	s5 =	simm.s32 $0x0;
	s6 =	sadd.s32 $0x80, s31;
	v9 =	vld [tilespmem:s0+$0x20];
	v20 =	vmul.f32 v21, v22;
	v21 =	vsub.f32 v23, v11;
	v22 =	vmin.f32 v24, $6.143000000e+03  }
.LBB2_13:
0x15a: {  	v11 =	vld [tilespmem:s6+$0x0];
	s5 =	sadd.s32 $0x80, s5;
	v19 =	vmax.f32 v19, $5.120000000e+03;
	v17 =	vsub.f32 v22, v17;
	v16 =	vadd.f32 $5.632000000e+03, v16;
	s0 =	sadd.s32 $0x80, s0  }
0x15b: {  	v22 =	vld [tilespmem:s0+$0x20];
	p0 =	slt.u32 s5, $0x1F80;
	v19 =	vmin.f32 v19, $6.143000000e+03;
	v20 =	vsub.f32 $1.000000000e+00, v20;
	v21 =	vtrunc.f32 v21  }
0x15c: {  	v23 =	vld [tilespmem:s0+$0xFFFFFFF0];
	v18 =	vsub.f32 v19, v18;
	v19 =	vcvt.f32.s32 v21;
	v17 =	vtrunc.f32 v17  }
0x15d: {  	v16 =	vmax.f32 v16, $5.120000000e+03;
	v21 =	vld [tilespmem:s0+$0x10];
	v17 =	vcvt.f32.s32 v17;
	v24 =	vadd.f32 v13, v13  }
0x15e: {  	v26 =	vmul.f32 $6.400000000e+01, v20;
	v25 =	vld [tilespmem:s0+$0x0];
	v18 =	vtrunc.f32 v18;
	v27 =	vadd.s32 $0x800, v19  }
0x15f: {  	v28 =	vld [tilespmem:s0+$0xFFFFFFC0];
	v29 =	vadd.f32 v11, v11;
	v30 =	vadd.s32 $0x800, v17;
	v24 =	vadd.f32 $-1.000000000e+00, v24  }
0x160: {  	v16 =	vmin.f32 v16, $6.143000000e+03;
	v18 =	vcvt.f32.s32 v18;
	v26 =	vadd.f32 $5.632000000e+03, v26;
	v31 =	vld [tilespmem:s0+$0x30]  }
0x161: {  	v14 =	vtrunc.f32 v14;
	v32 =	vld [tilespmem:s6+$0xFFFFFFE0];
	v29 =	vadd.f32 $-1.000000000e+00, v29;
	v24 =	vmul.f32 v24, v9;
	v9 =	vmovc v22  }
0x162: {  	v14 =	vcvt.f32.s32 v14;
	v33 =	vadd.s32 $0x800, v18;
	v26 =	vmax.f32 v26, $5.120000000e+03;
	v22 =	vld [tilespmem:s6+$0xFFFFFFD0]  }
0x163: {  	v12 =	vsub.f32 v16, v12;
	v26 =	vmin.f32 v26, $6.143000000e+03;
	v34 =	vld [tilespmem:s6+$0xFFFFFFB0];
	v24 =	vsub.f32 $1.000000000e+00, v24  }
0x164: {  	v13 =	vmul.f32 $1.024000000e+03, v13;
	v7 =	vsub.f32 v26, v7;
	v26 =	vadd.s32 $0x800, v14;
	v16 =	vld [tilespmem:s0+$0xFFFFFFD0]  }
0x165: {  	v15 =	vadd.f32 $5.632000000e+03, v15;
	v29 =	vmul.f32 v29, v31;
	[tilespmem:v19+s25+$0x0] =	vst.idx.add.f32.msk $0xffff, v1;
	v19 =	vmul.f32 $6.400000000e+01, v24  }
0x166: {  	v35 =	vmul.f32 $1.024000000e+03, v4;
	v4 =	vtrunc.f32 v7;
	v31 =	vld [tilespmem:s6+$0xFFFFFFC0]  }
0x167: {  	v15 =	vmax.f32 v15, $5.120000000e+03;
	v36 =	vcvt.f32.s32 v4;
	v7 =	vadd.f32 v22, v22;
	[tilespmem:v17+s25+$0x0] =	vst.idx.add.f32.msk $0xffff, v1  }
0x168: {  	v15 =	vmin.f32 v15, $6.143000000e+03;
	v12 =	vtrunc.f32 v12;
	v17 =	vadd.f32 $5.632000000e+03, v19;
	v4 =	vld [tilespmem:s6+$0xFFFFFF90]  }
0x169: {  	v15 =	vsub.f32 v15, v35;
	v35 =	vadd.s32 $0x800, v36;
	v19 =	vld [tilespmem:s6+$0xFFFFFFA0];
	v37 =	vadd.f32 $-1.000000000e+00, v7  }
0x16a: {  	v12 =	vcvt.f32.s32 v12;
	v7 =	vmul.f32 $1.024000000e+03, v34;
	v17 =	vmax.f32 v17, $5.120000000e+03;
	[tilespmem:v18+s25+$0x0] =	vst.idx.add.f32.msk $0xffff, v1  }
0x16b: {  	v15 =	vtrunc.f32 v15;
	v18 =	vmul.f32 v37, v25;
	[tilespmem:v27+s25+$0x0] =	vst.idx.add.f32.msk $0xffff, v8;
	v8 =	vmin.f32 v17, $6.143000000e+03  }
0x16c: {  	v15 =	vcvt.f32.s32 v15;
	v17 =	vadd.f32 v31, v31;
	[tilespmem:v33+s25+$0x0] =	vst.idx.add.f32.msk $0xffff, v10;
	v8 =	vsub.f32 v8, v13  }
0x16d: {  	v13 =	vadd.f32 v32, v32;
	v10 =	vsub.f32 $1.000000000e+00, v18;
	[tilespmem:v14+s25+$0x0] =	vst.idx.add.f32.msk $0xffff, v1;
	v14 =	vadd.s32 $0x800, v12  }
0x16e: {  	v25 =	vadd.s32 $0x800, v15;
	v17 =	vadd.f32 $-1.000000000e+00, v17;
	v18 =	vadd.f32 v19, v19;
	[tilespmem:v30+s25+$0x0] =	vst.idx.add.f32.msk $0xffff, v6  }
0x16f: {  	v6 =	vadd.f32 v4, v4;
	v8 =	vtrunc.f32 v8;
	v27 =	vld [tilespmem:s0+$0xFFFFFFE0];
	v30 =	vmul.f32 $6.400000000e+01, v10  }
0x170: {  	v13 =	vadd.f32 $-1.000000000e+00, v13;
	v17 =	vmul.f32 v17, v23;
	v18 =	vadd.f32 $-1.000000000e+00, v18;
	[tilespmem:v12+s25+$0x0] =	vst.idx.add.f32.msk $0xffff, v1  }
0x171: {  	v23 =	vcvt.f32.s32 v8;
	v6 =	vadd.f32 $-1.000000000e+00, v6;
	v12 =	vadd.f32 $5.632000000e+03, v30;
	[tilespmem:v26+s25+$0x0] =	vst.idx.add.f32.msk $0xffff, v2;
	v2 =	vmovc v10  }
0x172: {  	v13 =	vmul.f32 v13, v21;
	v10 =	vmul.f32 v18, v16;
	v18 =	vsub.f32 $1.000000000e+00, v29;
	[tilespmem:v36+s25+$0x0] =	vst.idx.add.f32.msk $0xffff, v1  }
0x173: {  	v21 =	vmul.f32 v6, v28;
	v6 =	vmax.f32 v12, $5.120000000e+03;
	v12 =	vmul.f32 $1.024000000e+03, v22;
	[tilespmem:v15+s25+$0x0] =	vst.idx.add.f32.msk $0xffff, v1  }
0x174: {  	v8 =	vsub.f32 $1.000000000e+00, v17;
	v15 =	vmin.f32 v6, $6.143000000e+03;
	[tilespmem:v35+s25+$0x0] =	vst.idx.add.f32.msk $0xffff, v20;
	v20 =	vadd.s32 $0x800, v23  }
0x175: {  	v17 =	vmul.f32 $1.024000000e+03, v32;
	v6 =	vsub.f32 $1.000000000e+00, v13;
	v16 =	vmul.f32 $6.400000000e+01, v18;
	[tilespmem:v25+s25+$0x0] =	vst.idx.add.f32.msk $0xffff, v5  }
0x176: {  	v22 =	vmul.f32 $6.400000000e+01, v8;
	v10 =	vsub.f32 $1.000000000e+00, v10;
	v13 =	vadd.f32 v34, v34;
	[tilespmem:v14+s25+$0x0] =	vst.idx.add.f32.msk $0xffff, v3;
	v3 =	vmovc v18  }
0x177: {  	v5 =	vsub.f32 $1.000000000e+00, v21;
	v14 =	vsub.f32 v15, v12;
	v15 =	vmul.f32 $6.400000000e+01, v6;
	[tilespmem:v23+s25+$0x0] =	vst.idx.add.f32.msk $0xffff, v1  }
.Ltmp5:
0x178: {  	v22 =	vadd.f32 $5.632000000e+03, v22;
	v21 =	vmul.f32 $6.400000000e+01, v10;
	v12 =	vmul.f32 $1.024000000e+03, v11;
	(pc) =	sbr.rel @p0 .LBB2_13-.Ltmp5, $4  }
0x179: {  	v18 =	vmul.f32 $1.024000000e+03, v19;
	v11 =	vmul.f32 $1.024000000e+03, v31;
	v23 =	vadd.f32 $5.632000000e+03, v15;
	[tilespmem:v20+s25+$0x0] =	vst.idx.add.f32.msk $0xffff, v24  }
0x17a: {  	v19 =	vadd.f32 $5.632000000e+03, v21;
	v20 =	vadd.f32 $-1.000000000e+00, v13;
	v13 =	vmax.f32 v22, $5.120000000e+03  }
0x17b: {  	v15 =	vmul.f32 $6.400000000e+01, v5;
	v21 =	vmin.f32 v13, $6.143000000e+03;
	v22 =	vmax.f32 v23, $5.120000000e+03;
	v13 =	vld [tilespmem:s6+$0xFFFFFFF0]  }
0x17c: {  	v20 =	vmul.f32 v20, v27;
	v21 =	vsub.f32 v21, v11;
	v22 =	vmin.f32 v22, $6.143000000e+03;
	s6 =	sadd.s32 $0x80, s6  }
0x17d: {  	_ = 	snop  }
0x17e: {  	v11 =	vmax.f32 v19, $5.120000000e+03  }
0x17f: {  	v17 =	vsub.f32 v22, v17;
	v16 =	vadd.f32 $5.632000000e+03, v16;
	v14 =	vtrunc.f32 v14  }
0x180: {  	v15 =	vadd.f32 $5.632000000e+03, v15;
	v4 =	vmul.f32 $1.024000000e+03, v4;
	v51 =	vadd.f32 v13, v13  }
0x181: {  	v11 =	vmin.f32 v11, $6.143000000e+03;
	v49 =	vsub.f32 $1.000000000e+00, v20;
	v50 =	vtrunc.f32 v21  }
0x182: {  	v14 =	vcvt.f32.s32 v14;
	v11 =	vsub.f32 v11, v18;
	v18 =	vadd.f32 $-1.000000000e+00, v51  }
0x183: {  	v17 =	vtrunc.f32 v17;
	v20 =	vcvt.f32.s32 v50;
	v16 =	vmax.f32 v16, $5.120000000e+03  }
0x184: {  	v15 =	vmax.f32 v15, $5.120000000e+03;
	v17 =	vcvt.f32.s32 v17;
	v9 =	vmul.f32 v18, v9  }
0x185: {  	v52 =	vmul.f32 $6.400000000e+01, v49;
	v16 =	vmin.f32 v16, $6.143000000e+03;
	v15 =	vmin.f32 v15, $6.143000000e+03  }
0x186: {  	v56 =	vadd.s32 $0x800, v14;
	v57 =	vmul.f32 $1.024000000e+03, v13;
	v9 =	vsub.f32 $1.000000000e+00, v9  }
0x187: {  	v11 =	vtrunc.f32 v11;
	v53 =	vadd.s32 $0x800, v20;
	v12 =	vsub.f32 v16, v12  }
0x188: {  	v4 =	vsub.f32 v15, v4;
	v21 =	vadd.f32 $5.632000000e+03, v52;
	v55 =	vmul.f32 $6.400000000e+01, v9  }
0x189: {  	v11 =	vcvt.f32.s32 v11;
	v23 =	vadd.s32 $0x800, v17;
	v12 =	vtrunc.f32 v12;
	[tilespmem:v14+s25+$0x0] =	vst.idx.add.f32.msk $0xffff, v1  }
0x18a: {  	v4 =	vtrunc.f32 v4;
	v21 =	vmax.f32 v21, $5.120000000e+03;
	[tilespmem:v20+s25+$0x0] =	vst.idx.add.f32.msk $0xffff, v1;
	v16 =	vadd.f32 $5.632000000e+03, v55  }
0x18b: {  	v54 =	vadd.s32 $0x800, v11;
	v12 =	vcvt.f32.s32 v12;
	v21 =	vmin.f32 v21, $6.143000000e+03;
	[tilespmem:v56+s25+$0x0] =	vst.idx.add.f32.msk $0xffff, v2  }
0x18c: {  	v4 =	vcvt.f32.s32 v4;
	v7 =	vsub.f32 v21, v7;
	[tilespmem:v17+s25+$0x0] =	vst.idx.add.f32.msk $0xffff, v1;
	v58 =	vmax.f32 v16, $5.120000000e+03  }
0x18d: {  	[tilespmem:v53+s25+$0x0] =	vst.idx.add.f32.msk $0xffff, v8;
	v59 =	vmin.f32 v58, $6.143000000e+03  }
0x18e: {  	v61 =	vadd.s32 $0x800, v4;
	[tilespmem:v23+s25+$0x0] =	vst.idx.add.f32.msk $0xffff, v6;
	v7 =	vtrunc.f32 v7;
	v8 =	vsub.f32 v59, v57  }
0x18f: {  	v62 =	vadd.s32 $0x800, v12;
	[tilespmem:v11+s25+$0x0] =	vst.idx.add.f32.msk $0xffff, v1;
	v7 =	vcvt.f32.s32 v7  }
0x190: {  	[tilespmem:v54+s25+$0x0] =	vst.idx.add.f32.msk $0xffff, v10;
	v8 =	vtrunc.f32 v8  }
0x191: {  	[tilespmem:v12+s25+$0x0] =	vst.idx.add.f32.msk $0xffff, v1;
	v60 =	vadd.s32 $0x800, v7;
	v2 =	vcvt.f32.s32 v8  }
0x192: {  	s30 =	sadd.s32 $0x1, s30;
	[tilespmem:v4+s25+$0x0] =	vst.idx.add.f32.msk $0xffff, v1  }
0x193: {  	p0 =	sne.s32 s30, $0x4;
	[tilespmem:v61+s25+$0x0] =	vst.idx.add.f32.msk $0xffff, v5;
	v63 =	vadd.s32 $0x800, v2  }
.Ltmp6:
0x194: {  	[tilespmem:v62+s25+$0x0] =	vst.idx.add.f32.msk $0xffff, v3;
	(pc) =	sbr.rel @p0 .LBB2_10-.Ltmp6, $4  }
0x195: {  	[tilespmem:v7+s25+$0x0] =	vst.idx.add.f32.msk $0xffff, v1  }
0x196: {  	[tilespmem:v60+s25+$0x0] =	vst.idx.add.f32.msk $0xffff, v49  }
0x197: {  	[tilespmem:v2+s25+$0x0] =	vst.idx.add.f32.msk $0xffff, v1  }
0x198: {  	s1 =	sadd.s32 $0x4000, s1;
	s31 =	sadd.s32 $0x4000, s31;
	[tilespmem:v63+s25+$0x0] =	vst.idx.add.f32.msk $0xffff, v9  }
0x199: {  	s30 =	simm.s32 $0x0;
	s1 =	simm.s32 $0x40;
	s31 =	simm.s32 $0x2070  }
.LBB2_16:
0x19a: {  	s0 =	sshll.u32 s30, $0xE  }
0x19b: {  	s5 =	sor.u32 s9, s0  }
0x19c: {  	_ =	swait.ge [sflag:s23], $0x2000;
	s5 =	sor.u32 $0x2000, s5  }
0x19d: {  	[sflag:s23] =	ssyncset.done $0x0;
	s5 =	sshrl.u32 s5, $0x3  }
0x19e: {  	[sflag:s23] =	ssyncadd.s32 $0xFFFFE000;
	s5 =	sadd.s32 s4, s5  }
0x19f: {  	[tilespmem:s24], [sflag:$0x3] =	stream.linear.gather [hbm4b:s5+s2], $0x2000, $0x38;
	[tilespmem:$0x1B000] =	vst v63  }
0x1a0: {  	v5 =	vld [tilespmem:s1+$0x0]  }
0x1a1: {  	s5 =	simm.s32 $0x10040;
	v9 =	vld [tilespmem:s1+$0x30]  }
0x1a2: {  	v2 =	vld [tilespmem:s5+$0x0]  }
0x1a3: {  	v10 =	vld [tilespmem:s1+$0x10]  }
0x1a4: {  	v11 =	vld [tilespmem:s1+$0xFFFFFFF0]  }
0x1a5: {  	v13 =	vld [tilespmem:s1+$0xFFFFFFD0];
	v4 =	vadd.f32 v5, v5  }
0x1a6: {  	v12 =	vld [tilespmem:s1+$0xFFFFFFE0]  }
0x1a7: {  	v3 =	vld [tilespmem:s5+$0xFFFFFFF0];
	v7 =	vadd.f32 $-1.000000000e+00, v4  }
0x1a8: {  	v6 =	vld [tilespmem:s5+$0x30]  }
0x1a9: {  	v8 =	vadd.f32 v9, v9;
	v15 =	vadd.f32 v11, v11;
	v4 =	vld [tilespmem:s1+$0xFFFFFFC0];
	v2 =	vmul.f32 v7, v2  }
0x1aa: {  	v14 =	vld [tilespmem:s5+$0x10];
	v17 =	vadd.f32 v10, v10;
	v18 =	vadd.f32 v13, v13  }
0x1ab: {  	v21 =	vadd.f32 v12, v12;
	v2 =	vsub.f32 $1.000000000e+00, v2  }
0x1ac: {  	v11 =	vmul.f32 $1.024000000e+03, v11;
	v15 =	vadd.f32 $-1.000000000e+00, v15;
	v7 =	vadd.f32 $-1.000000000e+00, v8;
	v8 =	vld [tilespmem:s5+$0xFFFFFFD0]  }
0x1ad: {  	v18 =	vadd.f32 $-1.000000000e+00, v18;
	v17 =	vadd.f32 $-1.000000000e+00, v17;
	v20 =	vmul.f32 $6.400000000e+01, v2  }
0x1ae: {  	v16 =	vld [tilespmem:s5+$0xFFFFFFC0];
	v15 =	vmul.f32 v15, v3;
	v6 =	vmul.f32 v7, v6;
	v19 =	vadd.f32 v4, v4  }
0x1af: {  	v14 =	vmul.f32 v17, v14;
	v17 =	vmul.f32 $1.024000000e+03, v10;
	v20 =	vadd.f32 $9.728000000e+03, v20  }
0x1b0: {  	v7 =	vmul.f32 $1.024000000e+03, v12;
	v3 =	vsub.f32 $1.000000000e+00, v6;
	v19 =	vadd.f32 $-1.000000000e+00, v19  }
0x1b1: {  	v18 =	vmul.f32 v18, v8;
	v8 =	vsub.f32 $1.000000000e+00, v15;
	v6 =	vmax.f32 v20, $9.216000000e+03  }
0x1b2: {  	v20 =	vmul.f32 $1.024000000e+03, v5;
	v15 =	vmin.f32 v6, $1.023900000e+04;
	v6 =	vsub.f32 $1.000000000e+00, v14  }
0x1b3: {  	v19 =	vmul.f32 v19, v16;
	v10 =	vsub.f32 $1.000000000e+00, v18;
	v12 =	vmul.f32 $6.400000000e+01, v8  }
0x1b4: {  	v22 =	vld [tilespmem:s5+$0xFFFFFFE0];
	v21 =	vadd.f32 $-1.000000000e+00, v21;
	v14 =	vsub.f32 v15, v20;
	v15 =	vmul.f32 $6.400000000e+01, v6  }
0x1b5: {  	v5 =	vsub.f32 $1.000000000e+00, v19;
	v19 =	vmul.f32 $6.400000000e+01, v10;
	v20 =	vadd.f32 $9.728000000e+03, v12  }
0x1b6: {  	v16 =	vmul.f32 $6.400000000e+01, v3;
	v18 =	vmul.f32 $1.024000000e+03, v13;
	v13 =	vadd.f32 $9.728000000e+03, v15  }
0x1b7: {  	v12 =	vmul.f32 $1.024000000e+03, v9;
	v19 =	vadd.f32 $9.728000000e+03, v19;
	v20 =	vmax.f32 v20, $9.216000000e+03  }
0x1b8: {  	v15 =	vmul.f32 $6.400000000e+01, v5;
	v23 =	vmin.f32 v20, $1.023900000e+04;
	v24 =	vmax.f32 v13, $9.216000000e+03;
	v13 =	vld [tilespmem:s1+$0x20]  }
0x1b9: {  	s6 =	simm.s32 $0x0;
	s19 =	sadd.s32 $0x80, s1;
	v9 =	vld [tilespmem:s5+$0x20];
	v20 =	vmul.f32 v21, v22;
	v21 =	vsub.f32 v23, v11;
	v22 =	vmin.f32 v24, $1.023900000e+04  }
.LBB2_17:
0x1ba: {  	v11 =	vld [tilespmem:s19+$0x30];
	s6 =	sadd.s32 $0x80, s6;
	v19 =	vmax.f32 v19, $9.216000000e+03;
	v17 =	vsub.f32 v22, v17;
	v16 =	vadd.f32 $9.728000000e+03, v16;
	s5 =	sadd.s32 $0x80, s5  }
0x1bb: {  	v22 =	vld [tilespmem:s5+$0x20];
	p0 =	slt.u32 s6, $0x1F80;
	v19 =	vmin.f32 v19, $1.023900000e+04;
	v20 =	vsub.f32 $1.000000000e+00, v20;
	v21 =	vtrunc.f32 v21  }
0x1bc: {  	v23 =	vld [tilespmem:s5+$0xFFFFFFF0];
	v18 =	vsub.f32 v19, v18;
	v19 =	vcvt.f32.s32 v21;
	v17 =	vtrunc.f32 v17  }
0x1bd: {  	v16 =	vmax.f32 v16, $9.216000000e+03;
	v21 =	vld [tilespmem:s5+$0x10];
	v17 =	vcvt.f32.s32 v17;
	v24 =	vadd.f32 v13, v13  }
0x1be: {  	v26 =	vmul.f32 $6.400000000e+01, v20;
	v25 =	vld [tilespmem:s5+$0x0];
	v18 =	vtrunc.f32 v18;
	v27 =	vadd.s32 $0x800, v19  }
0x1bf: {  	v28 =	vld [tilespmem:s5+$0xFFFFFFC0];
	v29 =	vadd.f32 v11, v11;
	v30 =	vadd.s32 $0x800, v17;
	v24 =	vadd.f32 $-1.000000000e+00, v24  }
0x1c0: {  	v16 =	vmin.f32 v16, $1.023900000e+04;
	v18 =	vcvt.f32.s32 v18;
	v26 =	vadd.f32 $9.728000000e+03, v26;
	v31 =	vld [tilespmem:s5+$0x30]  }
0x1c1: {  	v14 =	vtrunc.f32 v14;
	v32 =	vld [tilespmem:s19+$0x10];
	v29 =	vadd.f32 $-1.000000000e+00, v29;
	v24 =	vmul.f32 v24, v9;
	v9 =	vmovc v22  }
0x1c2: {  	v14 =	vcvt.f32.s32 v14;
	v33 =	vadd.s32 $0x800, v18;
	v26 =	vmax.f32 v26, $9.216000000e+03;
	v22 =	vld [tilespmem:s19+$0x0]  }
0x1c3: {  	v12 =	vsub.f32 v16, v12;
	v26 =	vmin.f32 v26, $1.023900000e+04;
	v34 =	vld [tilespmem:s19+$0xFFFFFFE0];
	v24 =	vsub.f32 $1.000000000e+00, v24  }
0x1c4: {  	v13 =	vmul.f32 $1.024000000e+03, v13;
	v7 =	vsub.f32 v26, v7;
	v26 =	vadd.s32 $0x800, v14;
	v16 =	vld [tilespmem:s5+$0xFFFFFFD0]  }
0x1c5: {  	v15 =	vadd.f32 $9.728000000e+03, v15;
	v29 =	vmul.f32 v29, v31;
	[tilespmem:v19+s25+$0x0] =	vst.idx.add.f32.msk $0xffff, v1;
	v19 =	vmul.f32 $6.400000000e+01, v24  }
0x1c6: {  	v35 =	vmul.f32 $1.024000000e+03, v4;
	v4 =	vtrunc.f32 v7;
	v31 =	vld [tilespmem:s19+$0xFFFFFFF0]  }
0x1c7: {  	v15 =	vmax.f32 v15, $9.216000000e+03;
	v36 =	vcvt.f32.s32 v4;
	v7 =	vadd.f32 v22, v22;
	[tilespmem:v17+s25+$0x0] =	vst.idx.add.f32.msk $0xffff, v1  }
0x1c8: {  	v15 =	vmin.f32 v15, $1.023900000e+04;
	v12 =	vtrunc.f32 v12;
	v17 =	vadd.f32 $9.728000000e+03, v19;
	v4 =	vld [tilespmem:s19+$0xFFFFFFC0]  }
0x1c9: {  	v15 =	vsub.f32 v15, v35;
	v35 =	vadd.s32 $0x800, v36;
	v19 =	vld [tilespmem:s19+$0xFFFFFFD0];
	v37 =	vadd.f32 $-1.000000000e+00, v7  }
0x1ca: {  	v12 =	vcvt.f32.s32 v12;
	v7 =	vmul.f32 $1.024000000e+03, v34;
	v17 =	vmax.f32 v17, $9.216000000e+03;
	[tilespmem:v18+s25+$0x0] =	vst.idx.add.f32.msk $0xffff, v1  }
0x1cb: {  	v15 =	vtrunc.f32 v15;
	v18 =	vmul.f32 v37, v25;
	[tilespmem:v27+s25+$0x0] =	vst.idx.add.f32.msk $0xffff, v8;
	v8 =	vmin.f32 v17, $1.023900000e+04  }
0x1cc: {  	v15 =	vcvt.f32.s32 v15;
	v17 =	vadd.f32 v31, v31;
	[tilespmem:v33+s25+$0x0] =	vst.idx.add.f32.msk $0xffff, v10;
	v8 =	vsub.f32 v8, v13  }
0x1cd: {  	v13 =	vadd.f32 v32, v32;
	v10 =	vsub.f32 $1.000000000e+00, v18;
	[tilespmem:v14+s25+$0x0] =	vst.idx.add.f32.msk $0xffff, v1;
	v14 =	vadd.s32 $0x800, v12  }
0x1ce: {  	v25 =	vadd.s32 $0x800, v15;
	v17 =	vadd.f32 $-1.000000000e+00, v17;
	v18 =	vadd.f32 v19, v19;
	[tilespmem:v30+s25+$0x0] =	vst.idx.add.f32.msk $0xffff, v6  }
0x1cf: {  	v6 =	vadd.f32 v4, v4;
	v8 =	vtrunc.f32 v8;
	v27 =	vld [tilespmem:s5+$0xFFFFFFE0];
	v30 =	vmul.f32 $6.400000000e+01, v10  }
0x1d0: {  	v13 =	vadd.f32 $-1.000000000e+00, v13;
	v17 =	vmul.f32 v17, v23;
	v18 =	vadd.f32 $-1.000000000e+00, v18;
	[tilespmem:v12+s25+$0x0] =	vst.idx.add.f32.msk $0xffff, v1  }
0x1d1: {  	v23 =	vcvt.f32.s32 v8;
	v6 =	vadd.f32 $-1.000000000e+00, v6;
	v12 =	vadd.f32 $9.728000000e+03, v30;
	[tilespmem:v26+s25+$0x0] =	vst.idx.add.f32.msk $0xffff, v2;
	v2 =	vmovc v10  }
0x1d2: {  	v13 =	vmul.f32 v13, v21;
	v10 =	vmul.f32 v18, v16;
	v18 =	vsub.f32 $1.000000000e+00, v29;
	[tilespmem:v36+s25+$0x0] =	vst.idx.add.f32.msk $0xffff, v1  }
0x1d3: {  	v21 =	vmul.f32 v6, v28;
	v6 =	vmax.f32 v12, $9.216000000e+03;
	v12 =	vmul.f32 $1.024000000e+03, v22;
	[tilespmem:v15+s25+$0x0] =	vst.idx.add.f32.msk $0xffff, v1  }
0x1d4: {  	v8 =	vsub.f32 $1.000000000e+00, v17;
	v15 =	vmin.f32 v6, $1.023900000e+04;
	[tilespmem:v35+s25+$0x0] =	vst.idx.add.f32.msk $0xffff, v20;
	v20 =	vadd.s32 $0x800, v23  }
0x1d5: {  	v17 =	vmul.f32 $1.024000000e+03, v32;
	v6 =	vsub.f32 $1.000000000e+00, v13;
	v16 =	vmul.f32 $6.400000000e+01, v18;
	[tilespmem:v25+s25+$0x0] =	vst.idx.add.f32.msk $0xffff, v5  }
0x1d6: {  	v22 =	vmul.f32 $6.400000000e+01, v8;
	v10 =	vsub.f32 $1.000000000e+00, v10;
	v13 =	vadd.f32 v34, v34;
	[tilespmem:v14+s25+$0x0] =	vst.idx.add.f32.msk $0xffff, v3;
	v3 =	vmovc v18  }
0x1d7: {  	v5 =	vsub.f32 $1.000000000e+00, v21;
	v14 =	vsub.f32 v15, v12;
	v15 =	vmul.f32 $6.400000000e+01, v6;
	[tilespmem:v23+s25+$0x0] =	vst.idx.add.f32.msk $0xffff, v1  }
.Ltmp7:
0x1d8: {  	v22 =	vadd.f32 $9.728000000e+03, v22;
	v21 =	vmul.f32 $6.400000000e+01, v10;
	v12 =	vmul.f32 $1.024000000e+03, v11;
	(pc) =	sbr.rel @p0 .LBB2_17-.Ltmp7, $4  }
0x1d9: {  	v18 =	vmul.f32 $1.024000000e+03, v19;
	v11 =	vmul.f32 $1.024000000e+03, v31;
	v23 =	vadd.f32 $9.728000000e+03, v15;
	[tilespmem:v20+s25+$0x0] =	vst.idx.add.f32.msk $0xffff, v24  }
0x1da: {  	v19 =	vadd.f32 $9.728000000e+03, v21;
	v20 =	vadd.f32 $-1.000000000e+00, v13;
	v13 =	vmax.f32 v22, $9.216000000e+03  }
0x1db: {  	v15 =	vmul.f32 $6.400000000e+01, v5;
	v21 =	vmin.f32 v13, $1.023900000e+04;
	v22 =	vmax.f32 v23, $9.216000000e+03;
	v13 =	vld [tilespmem:s19+$0x20]  }
0x1dc: {  	v20 =	vmul.f32 v20, v27;
	v21 =	vsub.f32 v21, v11;
	v22 =	vmin.f32 v22, $1.023900000e+04;
	s19 =	sadd.s32 $0x80, s19  }
0x1dd: {  	_ = 	snop  }
0x1de: {  	v11 =	vmax.f32 v19, $9.216000000e+03  }
0x1df: {  	v17 =	vsub.f32 v22, v17;
	v16 =	vadd.f32 $9.728000000e+03, v16;
	v11 =	vmin.f32 v11, $1.023900000e+04  }
0x1e0: {  	v14 =	vtrunc.f32 v14;
	v11 =	vsub.f32 v11, v18;
	v18 =	vadd.f32 v13, v13  }
0x1e1: {  	v15 =	vadd.f32 $9.728000000e+03, v15;
	v4 =	vmul.f32 $1.024000000e+03, v4;
	v19 =	vsub.f32 $1.000000000e+00, v20  }
0x1e2: {  	v20 =	vtrunc.f32 v21;
	v14 =	vcvt.f32.s32 v14;
	v18 =	vadd.f32 $-1.000000000e+00, v18  }
0x1e3: {  	v17 =	vtrunc.f32 v17;
	v20 =	vcvt.f32.s32 v20;
	v16 =	vmax.f32 v16, $9.216000000e+03  }
0x1e4: {  	v15 =	vmax.f32 v15, $9.216000000e+03;
	v17 =	vcvt.f32.s32 v17;
	v9 =	vmul.f32 v18, v9  }
0x1e5: {  	v21 =	vmul.f32 $6.400000000e+01, v19;
	v16 =	vmin.f32 v16, $1.023900000e+04;
	v11 =	vtrunc.f32 v11  }
0x1e6: {  	v15 =	vmin.f32 v15, $1.023900000e+04;
	v11 =	vcvt.f32.s32 v11;
	v9 =	vsub.f32 $1.000000000e+00, v9  }
0x1e7: {  	v22 =	vadd.s32 $0x800, v20;
	v12 =	vsub.f32 v16, v12;
	v21 =	vadd.f32 $9.728000000e+03, v21  }
0x1e8: {  	v4 =	vsub.f32 v15, v4;
	v15 =	vadd.s32 $0x800, v14;
	v16 =	vmul.f32 $6.400000000e+01, v9  }
0x1e9: {  	v23 =	vadd.s32 $0x800, v17;
	v12 =	vtrunc.f32 v12;
	v21 =	vmax.f32 v21, $9.216000000e+03;
	[tilespmem:v14+s25+$0x0] =	vst.idx.add.f32.msk $0xffff, v1  }
0x1ea: {  	v4 =	vtrunc.f32 v4;
	v21 =	vmin.f32 v21, $1.023900000e+04;
	[tilespmem:v20+s25+$0x0] =	vst.idx.add.f32.msk $0xffff, v1;
	v16 =	vadd.f32 $9.728000000e+03, v16  }
0x1eb: {  	v18 =	vadd.s32 $0x800, v11;
	v12 =	vcvt.f32.s32 v12;
	v7 =	vsub.f32 v21, v7;
	[tilespmem:v17+s25+$0x0] =	vst.idx.add.f32.msk $0xffff, v1  }
0x1ec: {  	v13 =	vmul.f32 $1.024000000e+03, v13;
	v4 =	vcvt.f32.s32 v4;
	[tilespmem:v11+s25+$0x0] =	vst.idx.add.f32.msk $0xffff, v1;
	v11 =	vmax.f32 v16, $9.216000000e+03  }
0x1ed: {  	[tilespmem:v22+s25+$0x0] =	vst.idx.add.f32.msk $0xffff, v8;
	v7 =	vtrunc.f32 v7;
	v8 =	vmin.f32 v11, $1.023900000e+04  }
0x1ee: {  	[tilespmem:v23+s25+$0x0] =	vst.idx.add.f32.msk $0xffff, v6;
	v6 =	vadd.s32 $0x800, v4;
	v7 =	vcvt.f32.s32 v7;
	v8 =	vsub.f32 v8, v13  }
0x1ef: {  	[tilespmem:v15+s25+$0x0] =	vst.idx.add.f32.msk $0xffff, v2  }
0x1f0: {  	[tilespmem:v18+s25+$0x0] =	vst.idx.add.f32.msk $0xffff, v10;
	v10 =	vadd.s32 $0x800, v7;
	v8 =	vtrunc.f32 v8  }
0x1f1: {  	[tilespmem:v12+s25+$0x0] =	vst.idx.add.f32.msk $0xffff, v1;
	v11 =	vadd.s32 $0x800, v12;
	v2 =	vcvt.f32.s32 v8  }
0x1f2: {  	[tilespmem:v4+s25+$0x0] =	vst.idx.add.f32.msk $0xffff, v1  }
0x1f3: {  	[tilespmem:v6+s25+$0x0] =	vst.idx.add.f32.msk $0xffff, v5;
	v4 =	vadd.s32 $0x800, v2  }
0x1f4: {  	[tilespmem:v7+s25+$0x0] =	vst.idx.add.f32.msk $0xffff, v1  }
0x1f5: {  	[tilespmem:v10+s25+$0x0] =	vst.idx.add.f32.msk $0xffff, v19  }
0x1f6: {  	[tilespmem:v11+s25+$0x0] =	vst.idx.add.f32.msk $0xffff, v3  }
0x1f7: {  	[tilespmem:v2+s25+$0x0] =	vst.idx.add.f32.msk $0xffff, v1  }
0x1f8: {  	p0 =	seq.s32 s30, $0x3;
	s0 =	sadd.s32 s0, s12;
	[tilespmem:v4+s25+$0x0] =	vst.idx.add.f32.msk $0xffff, v9  }
0x1f9: {  	s0 =	smov.u32 @p0 s11;
	_ =	swait.ge [sflag:s26], $0x2000  }
0x1fa: {  	s0 =	sshrl.u32 s0, $0x3;
	[sflag:s26] =	ssyncset.done $0x0  }
0x1fb: {  	s0 =	sadd.s32 s4, s0;
	[sflag:s26] =	ssyncadd.s32 $0xFFFFE000  }
0x1fc: {  	[tilespmem:s21], [sflag:$0x2] =	stream.linear.gather [hbm4b:s0+s2], $0x2000, $0x38;
	[tilespmem:$0x1B000] =	vst v63  }
0x1fd: {  	v5 =	vld [tilespmem:s31+$0xFFFFFFD0]  }
0x1fe: {  	s0 =	simm.s32 $0x12040;
	v9 =	vld [tilespmem:s31+$0x0]  }
0x1ff: {  	v2 =	vld [tilespmem:s0+$0x0]  }
0x200: {  	v10 =	vld [tilespmem:s31+$0xFFFFFFE0]  }
0x201: {  	v11 =	vld [tilespmem:s31+$0xFFFFFFC0]  }
0x202: {  	v13 =	vld [tilespmem:s31+$0xFFFFFFA0];
	v4 =	vadd.f32 v5, v5  }
0x203: {  	v12 =	vld [tilespmem:s31+$0xFFFFFFB0]  }
0x204: {  	v3 =	vld [tilespmem:s0+$0xFFFFFFF0];
	v7 =	vadd.f32 $-1.000000000e+00, v4  }
0x205: {  	v6 =	vld [tilespmem:s0+$0x30]  }
0x206: {  	v8 =	vadd.f32 v9, v9;
	v15 =	vadd.f32 v11, v11;
	v4 =	vld [tilespmem:s31+$0xFFFFFF90];
	v2 =	vmul.f32 v7, v2  }
0x207: {  	v14 =	vld [tilespmem:s0+$0x10];
	v17 =	vadd.f32 v10, v10;
	v18 =	vadd.f32 v13, v13  }
0x208: {  	v21 =	vadd.f32 v12, v12;
	v2 =	vsub.f32 $1.000000000e+00, v2  }
0x209: {  	v11 =	vmul.f32 $1.024000000e+03, v11;
	v15 =	vadd.f32 $-1.000000000e+00, v15;
	v7 =	vadd.f32 $-1.000000000e+00, v8;
	v8 =	vld [tilespmem:s0+$0xFFFFFFD0]  }
0x20a: {  	v18 =	vadd.f32 $-1.000000000e+00, v18;
	v17 =	vadd.f32 $-1.000000000e+00, v17;
	v20 =	vmul.f32 $6.400000000e+01, v2  }
0x20b: {  	v16 =	vld [tilespmem:s0+$0xFFFFFFC0];
	v15 =	vmul.f32 v15, v3;
	v6 =	vmul.f32 v7, v6;
	v19 =	vadd.f32 v4, v4  }
0x20c: {  	v14 =	vmul.f32 v17, v14;
	v17 =	vmul.f32 $1.024000000e+03, v10;
	v20 =	vadd.f32 $9.728000000e+03, v20  }
0x20d: {  	v7 =	vmul.f32 $1.024000000e+03, v12;
	v3 =	vsub.f32 $1.000000000e+00, v6;
	v19 =	vadd.f32 $-1.000000000e+00, v19  }
0x20e: {  	v18 =	vmul.f32 v18, v8;
	v8 =	vsub.f32 $1.000000000e+00, v15;
	v6 =	vmax.f32 v20, $9.216000000e+03  }
0x20f: {  	v20 =	vmul.f32 $1.024000000e+03, v5;
	v15 =	vmin.f32 v6, $1.023900000e+04;
	v6 =	vsub.f32 $1.000000000e+00, v14  }
0x210: {  	v19 =	vmul.f32 v19, v16;
	v10 =	vsub.f32 $1.000000000e+00, v18;
	v12 =	vmul.f32 $6.400000000e+01, v8  }
0x211: {  	v22 =	vld [tilespmem:s0+$0xFFFFFFE0];
	v21 =	vadd.f32 $-1.000000000e+00, v21;
	v14 =	vsub.f32 v15, v20;
	v15 =	vmul.f32 $6.400000000e+01, v6  }
0x212: {  	v5 =	vsub.f32 $1.000000000e+00, v19;
	v19 =	vmul.f32 $6.400000000e+01, v10;
	v20 =	vadd.f32 $9.728000000e+03, v12  }
0x213: {  	v16 =	vmul.f32 $6.400000000e+01, v3;
	v18 =	vmul.f32 $1.024000000e+03, v13;
	v13 =	vadd.f32 $9.728000000e+03, v15  }
0x214: {  	v12 =	vmul.f32 $1.024000000e+03, v9;
	v19 =	vadd.f32 $9.728000000e+03, v19;
	v20 =	vmax.f32 v20, $9.216000000e+03  }
0x215: {  	v15 =	vmul.f32 $6.400000000e+01, v5;
	v23 =	vmin.f32 v20, $1.023900000e+04;
	v24 =	vmax.f32 v13, $9.216000000e+03;
	v13 =	vld [tilespmem:s31+$0xFFFFFFF0]  }
0x216: {  	s5 =	simm.s32 $0x0;
	s6 =	sadd.s32 $0x80, s31;
	v9 =	vld [tilespmem:s0+$0x20];
	v20 =	vmul.f32 v21, v22;
	v21 =	vsub.f32 v23, v11;
	v22 =	vmin.f32 v24, $1.023900000e+04  }
.LBB2_19:
0x217: {  	v11 =	vld [tilespmem:s6+$0x0];
	s5 =	sadd.s32 $0x80, s5;
	v19 =	vmax.f32 v19, $9.216000000e+03;
	v17 =	vsub.f32 v22, v17;
	v16 =	vadd.f32 $9.728000000e+03, v16;
	s0 =	sadd.s32 $0x80, s0  }
0x218: {  	v22 =	vld [tilespmem:s0+$0x20];
	p0 =	slt.u32 s5, $0x1F80;
	v19 =	vmin.f32 v19, $1.023900000e+04;
	v20 =	vsub.f32 $1.000000000e+00, v20;
	v21 =	vtrunc.f32 v21  }
0x219: {  	v23 =	vld [tilespmem:s0+$0xFFFFFFF0];
	v18 =	vsub.f32 v19, v18;
	v19 =	vcvt.f32.s32 v21;
	v17 =	vtrunc.f32 v17  }
0x21a: {  	v16 =	vmax.f32 v16, $9.216000000e+03;
	v21 =	vld [tilespmem:s0+$0x10];
	v17 =	vcvt.f32.s32 v17;
	v24 =	vadd.f32 v13, v13  }
0x21b: {  	v26 =	vmul.f32 $6.400000000e+01, v20;
	v25 =	vld [tilespmem:s0+$0x0];
	v18 =	vtrunc.f32 v18;
	v27 =	vadd.s32 $0x800, v19  }
0x21c: {  	v28 =	vld [tilespmem:s0+$0xFFFFFFC0];
	v29 =	vadd.f32 v11, v11;
	v30 =	vadd.s32 $0x800, v17;
	v24 =	vadd.f32 $-1.000000000e+00, v24  }
0x21d: {  	v16 =	vmin.f32 v16, $1.023900000e+04;
	v18 =	vcvt.f32.s32 v18;
	v26 =	vadd.f32 $9.728000000e+03, v26;
	v31 =	vld [tilespmem:s0+$0x30]  }
0x21e: {  	v14 =	vtrunc.f32 v14;
	v32 =	vld [tilespmem:s6+$0xFFFFFFE0];
	v29 =	vadd.f32 $-1.000000000e+00, v29;
	v24 =	vmul.f32 v24, v9;
	v9 =	vmovc v22  }
0x21f: {  	v14 =	vcvt.f32.s32 v14;
	v33 =	vadd.s32 $0x800, v18;
	v26 =	vmax.f32 v26, $9.216000000e+03;
	v22 =	vld [tilespmem:s6+$0xFFFFFFD0]  }
0x220: {  	v12 =	vsub.f32 v16, v12;
	v26 =	vmin.f32 v26, $1.023900000e+04;
	v34 =	vld [tilespmem:s6+$0xFFFFFFB0];
	v24 =	vsub.f32 $1.000000000e+00, v24  }
0x221: {  	v13 =	vmul.f32 $1.024000000e+03, v13;
	v7 =	vsub.f32 v26, v7;
	v26 =	vadd.s32 $0x800, v14;
	v16 =	vld [tilespmem:s0+$0xFFFFFFD0]  }
0x222: {  	v15 =	vadd.f32 $9.728000000e+03, v15;
	v29 =	vmul.f32 v29, v31;
	[tilespmem:v19+s25+$0x0] =	vst.idx.add.f32.msk $0xffff, v1;
	v19 =	vmul.f32 $6.400000000e+01, v24  }
0x223: {  	v35 =	vmul.f32 $1.024000000e+03, v4;
	v4 =	vtrunc.f32 v7;
	v31 =	vld [tilespmem:s6+$0xFFFFFFC0]  }
0x224: {  	v15 =	vmax.f32 v15, $9.216000000e+03;
	v36 =	vcvt.f32.s32 v4;
	v7 =	vadd.f32 v22, v22;
	[tilespmem:v17+s25+$0x0] =	vst.idx.add.f32.msk $0xffff, v1  }
0x225: {  	v15 =	vmin.f32 v15, $1.023900000e+04;
	v12 =	vtrunc.f32 v12;
	v17 =	vadd.f32 $9.728000000e+03, v19;
	v4 =	vld [tilespmem:s6+$0xFFFFFF90]  }
0x226: {  	v15 =	vsub.f32 v15, v35;
	v35 =	vadd.s32 $0x800, v36;
	v19 =	vld [tilespmem:s6+$0xFFFFFFA0];
	v37 =	vadd.f32 $-1.000000000e+00, v7  }
0x227: {  	v12 =	vcvt.f32.s32 v12;
	v7 =	vmul.f32 $1.024000000e+03, v34;
	v17 =	vmax.f32 v17, $9.216000000e+03;
	[tilespmem:v18+s25+$0x0] =	vst.idx.add.f32.msk $0xffff, v1  }
0x228: {  	v15 =	vtrunc.f32 v15;
	v18 =	vmul.f32 v37, v25;
	[tilespmem:v27+s25+$0x0] =	vst.idx.add.f32.msk $0xffff, v8;
	v8 =	vmin.f32 v17, $1.023900000e+04  }
0x229: {  	v15 =	vcvt.f32.s32 v15;
	v17 =	vadd.f32 v31, v31;
	[tilespmem:v33+s25+$0x0] =	vst.idx.add.f32.msk $0xffff, v10;
	v8 =	vsub.f32 v8, v13  }
0x22a: {  	v13 =	vadd.f32 v32, v32;
	v10 =	vsub.f32 $1.000000000e+00, v18;
	[tilespmem:v14+s25+$0x0] =	vst.idx.add.f32.msk $0xffff, v1;
	v14 =	vadd.s32 $0x800, v12  }
0x22b: {  	v25 =	vadd.s32 $0x800, v15;
	v17 =	vadd.f32 $-1.000000000e+00, v17;
	v18 =	vadd.f32 v19, v19;
	[tilespmem:v30+s25+$0x0] =	vst.idx.add.f32.msk $0xffff, v6  }
0x22c: {  	v6 =	vadd.f32 v4, v4;
	v8 =	vtrunc.f32 v8;
	v27 =	vld [tilespmem:s0+$0xFFFFFFE0];
	v30 =	vmul.f32 $6.400000000e+01, v10  }
0x22d: {  	v13 =	vadd.f32 $-1.000000000e+00, v13;
	v17 =	vmul.f32 v17, v23;
	v18 =	vadd.f32 $-1.000000000e+00, v18;
	[tilespmem:v12+s25+$0x0] =	vst.idx.add.f32.msk $0xffff, v1  }
0x22e: {  	v23 =	vcvt.f32.s32 v8;
	v6 =	vadd.f32 $-1.000000000e+00, v6;
	v12 =	vadd.f32 $9.728000000e+03, v30;
	[tilespmem:v26+s25+$0x0] =	vst.idx.add.f32.msk $0xffff, v2;
	v2 =	vmovc v10  }
0x22f: {  	v13 =	vmul.f32 v13, v21;
	v10 =	vmul.f32 v18, v16;
	v18 =	vsub.f32 $1.000000000e+00, v29;
	[tilespmem:v36+s25+$0x0] =	vst.idx.add.f32.msk $0xffff, v1  }
0x230: {  	v21 =	vmul.f32 v6, v28;
	v6 =	vmax.f32 v12, $9.216000000e+03;
	v12 =	vmul.f32 $1.024000000e+03, v22;
	[tilespmem:v15+s25+$0x0] =	vst.idx.add.f32.msk $0xffff, v1  }
0x231: {  	v8 =	vsub.f32 $1.000000000e+00, v17;
	v15 =	vmin.f32 v6, $1.023900000e+04;
	[tilespmem:v35+s25+$0x0] =	vst.idx.add.f32.msk $0xffff, v20;
	v20 =	vadd.s32 $0x800, v23  }
0x232: {  	v17 =	vmul.f32 $1.024000000e+03, v32;
	v6 =	vsub.f32 $1.000000000e+00, v13;
	v16 =	vmul.f32 $6.400000000e+01, v18;
	[tilespmem:v25+s25+$0x0] =	vst.idx.add.f32.msk $0xffff, v5  }
0x233: {  	v22 =	vmul.f32 $6.400000000e+01, v8;
	v10 =	vsub.f32 $1.000000000e+00, v10;
	v13 =	vadd.f32 v34, v34;
	[tilespmem:v14+s25+$0x0] =	vst.idx.add.f32.msk $0xffff, v3;
	v3 =	vmovc v18  }
0x234: {  	v5 =	vsub.f32 $1.000000000e+00, v21;
	v14 =	vsub.f32 v15, v12;
	v15 =	vmul.f32 $6.400000000e+01, v6;
	[tilespmem:v23+s25+$0x0] =	vst.idx.add.f32.msk $0xffff, v1  }
.Ltmp8:
0x235: {  	v22 =	vadd.f32 $9.728000000e+03, v22;
	v21 =	vmul.f32 $6.400000000e+01, v10;
	v12 =	vmul.f32 $1.024000000e+03, v11;
	(pc) =	sbr.rel @p0 .LBB2_19-.Ltmp8, $4  }
0x236: {  	v18 =	vmul.f32 $1.024000000e+03, v19;
	v11 =	vmul.f32 $1.024000000e+03, v31;
	v23 =	vadd.f32 $9.728000000e+03, v15;
	[tilespmem:v20+s25+$0x0] =	vst.idx.add.f32.msk $0xffff, v24  }
0x237: {  	v19 =	vadd.f32 $9.728000000e+03, v21;
	v20 =	vadd.f32 $-1.000000000e+00, v13;
	v13 =	vmax.f32 v22, $9.216000000e+03  }
0x238: {  	v15 =	vmul.f32 $6.400000000e+01, v5;
	v21 =	vmin.f32 v13, $1.023900000e+04;
	v22 =	vmax.f32 v23, $9.216000000e+03;
	v13 =	vld [tilespmem:s6+$0xFFFFFFF0]  }
0x239: {  	v20 =	vmul.f32 v20, v27;
	v21 =	vsub.f32 v21, v11;
	v22 =	vmin.f32 v22, $1.023900000e+04;
	s6 =	sadd.s32 $0x80, s6  }
0x23a: {  	_ = 	snop  }
0x23b: {  	v11 =	vmax.f32 v19, $9.216000000e+03  }
0x23c: {  	v17 =	vsub.f32 v22, v17;
	v16 =	vadd.f32 $9.728000000e+03, v16;
	v14 =	vtrunc.f32 v14  }
0x23d: {  	v15 =	vadd.f32 $9.728000000e+03, v15;
	v4 =	vmul.f32 $1.024000000e+03, v4;
	v51 =	vadd.f32 v13, v13  }
0x23e: {  	v11 =	vmin.f32 v11, $1.023900000e+04;
	v49 =	vsub.f32 $1.000000000e+00, v20;
	v50 =	vtrunc.f32 v21  }
0x23f: {  	v14 =	vcvt.f32.s32 v14;
	v11 =	vsub.f32 v11, v18;
	v18 =	vadd.f32 $-1.000000000e+00, v51  }
0x240: {  	v17 =	vtrunc.f32 v17;
	v20 =	vcvt.f32.s32 v50;
	v16 =	vmax.f32 v16, $9.216000000e+03  }
0x241: {  	v15 =	vmax.f32 v15, $9.216000000e+03;
	v17 =	vcvt.f32.s32 v17;
	v9 =	vmul.f32 v18, v9  }
0x242: {  	v52 =	vmul.f32 $6.400000000e+01, v49;
	v16 =	vmin.f32 v16, $1.023900000e+04;
	v15 =	vmin.f32 v15, $1.023900000e+04  }
0x243: {  	v56 =	vadd.s32 $0x800, v14;
	v57 =	vmul.f32 $1.024000000e+03, v13;
	v9 =	vsub.f32 $1.000000000e+00, v9  }
0x244: {  	v11 =	vtrunc.f32 v11;
	v53 =	vadd.s32 $0x800, v20;
	v12 =	vsub.f32 v16, v12  }
0x245: {  	v4 =	vsub.f32 v15, v4;
	v21 =	vadd.f32 $9.728000000e+03, v52;
	v55 =	vmul.f32 $6.400000000e+01, v9  }
0x246: {  	v11 =	vcvt.f32.s32 v11;
	v23 =	vadd.s32 $0x800, v17;
	v12 =	vtrunc.f32 v12;
	[tilespmem:v14+s25+$0x0] =	vst.idx.add.f32.msk $0xffff, v1  }
0x247: {  	v4 =	vtrunc.f32 v4;
	v21 =	vmax.f32 v21, $9.216000000e+03;
	[tilespmem:v20+s25+$0x0] =	vst.idx.add.f32.msk $0xffff, v1;
	v16 =	vadd.f32 $9.728000000e+03, v55  }
0x248: {  	v54 =	vadd.s32 $0x800, v11;
	v12 =	vcvt.f32.s32 v12;
	v21 =	vmin.f32 v21, $1.023900000e+04;
	[tilespmem:v56+s25+$0x0] =	vst.idx.add.f32.msk $0xffff, v2  }
0x249: {  	v4 =	vcvt.f32.s32 v4;
	v7 =	vsub.f32 v21, v7;
	[tilespmem:v17+s25+$0x0] =	vst.idx.add.f32.msk $0xffff, v1;
	v58 =	vmax.f32 v16, $9.216000000e+03  }
0x24a: {  	[tilespmem:v53+s25+$0x0] =	vst.idx.add.f32.msk $0xffff, v8;
	v59 =	vmin.f32 v58, $1.023900000e+04  }
0x24b: {  	v61 =	vadd.s32 $0x800, v4;
	[tilespmem:v23+s25+$0x0] =	vst.idx.add.f32.msk $0xffff, v6;
	v7 =	vtrunc.f32 v7;
	v8 =	vsub.f32 v59, v57  }
0x24c: {  	v62 =	vadd.s32 $0x800, v12;
	[tilespmem:v11+s25+$0x0] =	vst.idx.add.f32.msk $0xffff, v1;
	v7 =	vcvt.f32.s32 v7  }
0x24d: {  	[tilespmem:v54+s25+$0x0] =	vst.idx.add.f32.msk $0xffff, v10;
	v8 =	vtrunc.f32 v8  }
0x24e: {  	[tilespmem:v12+s25+$0x0] =	vst.idx.add.f32.msk $0xffff, v1;
	v60 =	vadd.s32 $0x800, v7;
	v2 =	vcvt.f32.s32 v8  }
0x24f: {  	s30 =	sadd.s32 $0x1, s30;
	[tilespmem:v4+s25+$0x0] =	vst.idx.add.f32.msk $0xffff, v1  }
0x250: {  	p0 =	sne.s32 s30, $0x4;
	[tilespmem:v61+s25+$0x0] =	vst.idx.add.f32.msk $0xffff, v5;
	v63 =	vadd.s32 $0x800, v2  }
.Ltmp9:
0x251: {  	[tilespmem:v62+s25+$0x0] =	vst.idx.add.f32.msk $0xffff, v3;
	(pc) =	sbr.rel @p0 .LBB2_16-.Ltmp9, $4  }
0x252: {  	[tilespmem:v7+s25+$0x0] =	vst.idx.add.f32.msk $0xffff, v1  }
0x253: {  	[tilespmem:v60+s25+$0x0] =	vst.idx.add.f32.msk $0xffff, v49  }
0x254: {  	[tilespmem:v2+s25+$0x0] =	vst.idx.add.f32.msk $0xffff, v1  }
0x255: {  	s1 =	sadd.s32 $0x4000, s1;
	s31 =	sadd.s32 $0x4000, s31;
	[tilespmem:v63+s25+$0x0] =	vst.idx.add.f32.msk $0xffff, v9  }
0x256: {  	s30 =	simm.s32 $0x0;
	s1 =	simm.s32 $0x40;
	s31 =	simm.s32 $0x2070  }
.LBB2_22:
0x257: {  	s0 =	sshll.u32 s30, $0xE  }
0x258: {  	s5 =	sor.u32 s11, s0  }
0x259: {  	_ =	swait.ge [sflag:s23], $0x2000;
	s5 =	sor.u32 $0x2000, s5  }
0x25a: {  	[sflag:s23] =	ssyncset.done $0x0;
	s5 =	sshrl.u32 s5, $0x3  }
0x25b: {  	[sflag:s23] =	ssyncadd.s32 $0xFFFFE000;
	s5 =	sadd.s32 s4, s5  }
0x25c: {  	[tilespmem:s24], [sflag:$0x3] =	stream.linear.gather [hbm4b:s5+s2], $0x2000, $0x38;
	[tilespmem:$0x1B000] =	vst v63  }
0x25d: {  	v5 =	vld [tilespmem:s1+$0x0]  }
0x25e: {  	s5 =	simm.s32 $0x10040;
	v9 =	vld [tilespmem:s1+$0x30]  }
0x25f: {  	v2 =	vld [tilespmem:s5+$0x0]  }
0x260: {  	v10 =	vld [tilespmem:s1+$0x10]  }
0x261: {  	v11 =	vld [tilespmem:s1+$0xFFFFFFF0]  }
0x262: {  	v13 =	vld [tilespmem:s1+$0xFFFFFFD0];
	v4 =	vadd.f32 v5, v5  }
0x263: {  	v12 =	vld [tilespmem:s1+$0xFFFFFFE0]  }
0x264: {  	v3 =	vld [tilespmem:s5+$0xFFFFFFF0];
	v7 =	vadd.f32 $-1.000000000e+00, v4  }
0x265: {  	v6 =	vld [tilespmem:s5+$0x30]  }
0x266: {  	v8 =	vadd.f32 v9, v9;
	v15 =	vadd.f32 v11, v11;
	v4 =	vld [tilespmem:s1+$0xFFFFFFC0];
	v2 =	vmul.f32 v7, v2  }
0x267: {  	v14 =	vld [tilespmem:s5+$0x10];
	v17 =	vadd.f32 v10, v10;
	v18 =	vadd.f32 v13, v13  }
0x268: {  	v21 =	vadd.f32 v12, v12;
	v2 =	vsub.f32 $1.000000000e+00, v2  }
0x269: {  	v11 =	vmul.f32 $1.024000000e+03, v11;
	v15 =	vadd.f32 $-1.000000000e+00, v15;
	v7 =	vadd.f32 $-1.000000000e+00, v8;
	v8 =	vld [tilespmem:s5+$0xFFFFFFD0]  }
0x26a: {  	v18 =	vadd.f32 $-1.000000000e+00, v18;
	v17 =	vadd.f32 $-1.000000000e+00, v17;
	v20 =	vmul.f32 $6.400000000e+01, v2  }
0x26b: {  	v16 =	vld [tilespmem:s5+$0xFFFFFFC0];
	v15 =	vmul.f32 v15, v3;
	v6 =	vmul.f32 v7, v6;
	v19 =	vadd.f32 v4, v4  }
0x26c: {  	v14 =	vmul.f32 v17, v14;
	v17 =	vmul.f32 $1.024000000e+03, v10;
	v20 =	vadd.f32 $1.382400000e+04, v20  }
0x26d: {  	v7 =	vmul.f32 $1.024000000e+03, v12;
	v3 =	vsub.f32 $1.000000000e+00, v6;
	v19 =	vadd.f32 $-1.000000000e+00, v19  }
0x26e: {  	v18 =	vmul.f32 v18, v8;
	v8 =	vsub.f32 $1.000000000e+00, v15;
	v6 =	vmax.f32 v20, $1.331200000e+04  }
0x26f: {  	v20 =	vmul.f32 $1.024000000e+03, v5;
	v15 =	vmin.f32 v6, $1.433500000e+04;
	v6 =	vsub.f32 $1.000000000e+00, v14  }
0x270: {  	v19 =	vmul.f32 v19, v16;
	v10 =	vsub.f32 $1.000000000e+00, v18;
	v12 =	vmul.f32 $6.400000000e+01, v8  }
0x271: {  	v22 =	vld [tilespmem:s5+$0xFFFFFFE0];
	v21 =	vadd.f32 $-1.000000000e+00, v21;
	v14 =	vsub.f32 v15, v20;
	v15 =	vmul.f32 $6.400000000e+01, v6  }
0x272: {  	v5 =	vsub.f32 $1.000000000e+00, v19;
	v19 =	vmul.f32 $6.400000000e+01, v10;
	v20 =	vadd.f32 $1.382400000e+04, v12  }
0x273: {  	v16 =	vmul.f32 $6.400000000e+01, v3;
	v18 =	vmul.f32 $1.024000000e+03, v13;
	v13 =	vadd.f32 $1.382400000e+04, v15  }
0x274: {  	v12 =	vmul.f32 $1.024000000e+03, v9;
	v19 =	vadd.f32 $1.382400000e+04, v19;
	v20 =	vmax.f32 v20, $1.331200000e+04  }
0x275: {  	v15 =	vmul.f32 $6.400000000e+01, v5;
	v23 =	vmin.f32 v20, $1.433500000e+04;
	v24 =	vmax.f32 v13, $1.331200000e+04;
	v13 =	vld [tilespmem:s1+$0x20]  }
0x276: {  	s6 =	simm.s32 $0x0;
	s19 =	sadd.s32 $0x80, s1;
	v9 =	vld [tilespmem:s5+$0x20];
	v20 =	vmul.f32 v21, v22;
	v21 =	vsub.f32 v23, v11;
	v22 =	vmin.f32 v24, $1.433500000e+04  }
.LBB2_23:
0x277: {  	v11 =	vld [tilespmem:s19+$0x30];
	s6 =	sadd.s32 $0x80, s6;
	v19 =	vmax.f32 v19, $1.331200000e+04;
	v17 =	vsub.f32 v22, v17;
	v16 =	vadd.f32 $1.382400000e+04, v16;
	s5 =	sadd.s32 $0x80, s5  }
0x278: {  	v22 =	vld [tilespmem:s5+$0x20];
	p0 =	slt.u32 s6, $0x1F80;
	v19 =	vmin.f32 v19, $1.433500000e+04;
	v20 =	vsub.f32 $1.000000000e+00, v20;
	v21 =	vtrunc.f32 v21  }
0x279: {  	v23 =	vld [tilespmem:s5+$0xFFFFFFF0];
	v18 =	vsub.f32 v19, v18;
	v19 =	vcvt.f32.s32 v21;
	v17 =	vtrunc.f32 v17  }
0x27a: {  	v16 =	vmax.f32 v16, $1.331200000e+04;
	v21 =	vld [tilespmem:s5+$0x10];
	v17 =	vcvt.f32.s32 v17;
	v24 =	vadd.f32 v13, v13  }
0x27b: {  	v26 =	vmul.f32 $6.400000000e+01, v20;
	v25 =	vld [tilespmem:s5+$0x0];
	v18 =	vtrunc.f32 v18;
	v27 =	vadd.s32 $0x800, v19  }
0x27c: {  	v28 =	vld [tilespmem:s5+$0xFFFFFFC0];
	v29 =	vadd.f32 v11, v11;
	v30 =	vadd.s32 $0x800, v17;
	v24 =	vadd.f32 $-1.000000000e+00, v24  }
0x27d: {  	v16 =	vmin.f32 v16, $1.433500000e+04;
	v18 =	vcvt.f32.s32 v18;
	v26 =	vadd.f32 $1.382400000e+04, v26;
	v31 =	vld [tilespmem:s5+$0x30]  }
0x27e: {  	v14 =	vtrunc.f32 v14;
	v32 =	vld [tilespmem:s19+$0x10];
	v29 =	vadd.f32 $-1.000000000e+00, v29;
	v24 =	vmul.f32 v24, v9;
	v9 =	vmovc v22  }
0x27f: {  	v14 =	vcvt.f32.s32 v14;
	v33 =	vadd.s32 $0x800, v18;
	v26 =	vmax.f32 v26, $1.331200000e+04;
	v22 =	vld [tilespmem:s19+$0x0]  }
0x280: {  	v12 =	vsub.f32 v16, v12;
	v26 =	vmin.f32 v26, $1.433500000e+04;
	v34 =	vld [tilespmem:s19+$0xFFFFFFE0];
	v24 =	vsub.f32 $1.000000000e+00, v24  }
0x281: {  	v13 =	vmul.f32 $1.024000000e+03, v13;
	v7 =	vsub.f32 v26, v7;
	v26 =	vadd.s32 $0x800, v14;
	v16 =	vld [tilespmem:s5+$0xFFFFFFD0]  }
0x282: {  	v15 =	vadd.f32 $1.382400000e+04, v15;
	v29 =	vmul.f32 v29, v31;
	[tilespmem:v19+s25+$0x0] =	vst.idx.add.f32.msk $0xffff, v1;
	v19 =	vmul.f32 $6.400000000e+01, v24  }
0x283: {  	v35 =	vmul.f32 $1.024000000e+03, v4;
	v4 =	vtrunc.f32 v7;
	v31 =	vld [tilespmem:s19+$0xFFFFFFF0]  }
0x284: {  	v15 =	vmax.f32 v15, $1.331200000e+04;
	v36 =	vcvt.f32.s32 v4;
	v7 =	vadd.f32 v22, v22;
	[tilespmem:v17+s25+$0x0] =	vst.idx.add.f32.msk $0xffff, v1  }
0x285: {  	v15 =	vmin.f32 v15, $1.433500000e+04;
	v12 =	vtrunc.f32 v12;
	v17 =	vadd.f32 $1.382400000e+04, v19;
	v4 =	vld [tilespmem:s19+$0xFFFFFFC0]  }
0x286: {  	v15 =	vsub.f32 v15, v35;
	v35 =	vadd.s32 $0x800, v36;
	v19 =	vld [tilespmem:s19+$0xFFFFFFD0];
	v37 =	vadd.f32 $-1.000000000e+00, v7  }
0x287: {  	v12 =	vcvt.f32.s32 v12;
	v7 =	vmul.f32 $1.024000000e+03, v34;
	v17 =	vmax.f32 v17, $1.331200000e+04;
	[tilespmem:v18+s25+$0x0] =	vst.idx.add.f32.msk $0xffff, v1  }
0x288: {  	v15 =	vtrunc.f32 v15;
	v18 =	vmul.f32 v37, v25;
	[tilespmem:v27+s25+$0x0] =	vst.idx.add.f32.msk $0xffff, v8;
	v8 =	vmin.f32 v17, $1.433500000e+04  }
0x289: {  	v15 =	vcvt.f32.s32 v15;
	v17 =	vadd.f32 v31, v31;
	[tilespmem:v33+s25+$0x0] =	vst.idx.add.f32.msk $0xffff, v10;
	v8 =	vsub.f32 v8, v13  }
0x28a: {  	v13 =	vadd.f32 v32, v32;
	v10 =	vsub.f32 $1.000000000e+00, v18;
	[tilespmem:v14+s25+$0x0] =	vst.idx.add.f32.msk $0xffff, v1;
	v14 =	vadd.s32 $0x800, v12  }
0x28b: {  	v25 =	vadd.s32 $0x800, v15;
	v17 =	vadd.f32 $-1.000000000e+00, v17;
	v18 =	vadd.f32 v19, v19;
	[tilespmem:v30+s25+$0x0] =	vst.idx.add.f32.msk $0xffff, v6  }
0x28c: {  	v6 =	vadd.f32 v4, v4;
	v8 =	vtrunc.f32 v8;
	v27 =	vld [tilespmem:s5+$0xFFFFFFE0];
	v30 =	vmul.f32 $6.400000000e+01, v10  }
0x28d: {  	v13 =	vadd.f32 $-1.000000000e+00, v13;
	v17 =	vmul.f32 v17, v23;
	v18 =	vadd.f32 $-1.000000000e+00, v18;
	[tilespmem:v12+s25+$0x0] =	vst.idx.add.f32.msk $0xffff, v1  }
0x28e: {  	v23 =	vcvt.f32.s32 v8;
	v6 =	vadd.f32 $-1.000000000e+00, v6;
	v12 =	vadd.f32 $1.382400000e+04, v30;
	[tilespmem:v26+s25+$0x0] =	vst.idx.add.f32.msk $0xffff, v2;
	v2 =	vmovc v10  }
0x28f: {  	v13 =	vmul.f32 v13, v21;
	v10 =	vmul.f32 v18, v16;
	v18 =	vsub.f32 $1.000000000e+00, v29;
	[tilespmem:v36+s25+$0x0] =	vst.idx.add.f32.msk $0xffff, v1  }
0x290: {  	v21 =	vmul.f32 v6, v28;
	v6 =	vmax.f32 v12, $1.331200000e+04;
	v12 =	vmul.f32 $1.024000000e+03, v22;
	[tilespmem:v15+s25+$0x0] =	vst.idx.add.f32.msk $0xffff, v1  }
0x291: {  	v8 =	vsub.f32 $1.000000000e+00, v17;
	v15 =	vmin.f32 v6, $1.433500000e+04;
	[tilespmem:v35+s25+$0x0] =	vst.idx.add.f32.msk $0xffff, v20;
	v20 =	vadd.s32 $0x800, v23  }
0x292: {  	v17 =	vmul.f32 $1.024000000e+03, v32;
	v6 =	vsub.f32 $1.000000000e+00, v13;
	v16 =	vmul.f32 $6.400000000e+01, v18;
	[tilespmem:v25+s25+$0x0] =	vst.idx.add.f32.msk $0xffff, v5  }
0x293: {  	v22 =	vmul.f32 $6.400000000e+01, v8;
	v10 =	vsub.f32 $1.000000000e+00, v10;
	v13 =	vadd.f32 v34, v34;
	[tilespmem:v14+s25+$0x0] =	vst.idx.add.f32.msk $0xffff, v3;
	v3 =	vmovc v18  }
0x294: {  	v5 =	vsub.f32 $1.000000000e+00, v21;
	v14 =	vsub.f32 v15, v12;
	v15 =	vmul.f32 $6.400000000e+01, v6;
	[tilespmem:v23+s25+$0x0] =	vst.idx.add.f32.msk $0xffff, v1  }
.Ltmp10:
0x295: {  	v22 =	vadd.f32 $1.382400000e+04, v22;
	v21 =	vmul.f32 $6.400000000e+01, v10;
	v12 =	vmul.f32 $1.024000000e+03, v11;
	(pc) =	sbr.rel @p0 .LBB2_23-.Ltmp10, $4  }
0x296: {  	v18 =	vmul.f32 $1.024000000e+03, v19;
	v11 =	vmul.f32 $1.024000000e+03, v31;
	v23 =	vadd.f32 $1.382400000e+04, v15;
	[tilespmem:v20+s25+$0x0] =	vst.idx.add.f32.msk $0xffff, v24  }
0x297: {  	v19 =	vadd.f32 $1.382400000e+04, v21;
	v20 =	vadd.f32 $-1.000000000e+00, v13;
	v13 =	vmax.f32 v22, $1.331200000e+04  }
0x298: {  	v15 =	vmul.f32 $6.400000000e+01, v5;
	v21 =	vmin.f32 v13, $1.433500000e+04;
	v22 =	vmax.f32 v23, $1.331200000e+04;
	v13 =	vld [tilespmem:s19+$0x20]  }
0x299: {  	v20 =	vmul.f32 v20, v27;
	v21 =	vsub.f32 v21, v11;
	v22 =	vmin.f32 v22, $1.433500000e+04;
	s19 =	sadd.s32 $0x80, s19  }
0x29a: {  	_ = 	snop  }
0x29b: {  	v11 =	vmax.f32 v19, $1.331200000e+04  }
0x29c: {  	v17 =	vsub.f32 v22, v17;
	v16 =	vadd.f32 $1.382400000e+04, v16;
	v11 =	vmin.f32 v11, $1.433500000e+04  }
0x29d: {  	v14 =	vtrunc.f32 v14;
	v11 =	vsub.f32 v11, v18;
	v18 =	vadd.f32 v13, v13  }
0x29e: {  	v15 =	vadd.f32 $1.382400000e+04, v15;
	v4 =	vmul.f32 $1.024000000e+03, v4;
	v19 =	vsub.f32 $1.000000000e+00, v20  }
0x29f: {  	v20 =	vtrunc.f32 v21;
	v14 =	vcvt.f32.s32 v14;
	v18 =	vadd.f32 $-1.000000000e+00, v18  }
0x2a0: {  	v17 =	vtrunc.f32 v17;
	v20 =	vcvt.f32.s32 v20;
	v16 =	vmax.f32 v16, $1.331200000e+04  }
0x2a1: {  	v15 =	vmax.f32 v15, $1.331200000e+04;
	v17 =	vcvt.f32.s32 v17;
	v9 =	vmul.f32 v18, v9  }
0x2a2: {  	v21 =	vmul.f32 $6.400000000e+01, v19;
	v16 =	vmin.f32 v16, $1.433500000e+04;
	v11 =	vtrunc.f32 v11  }
0x2a3: {  	v15 =	vmin.f32 v15, $1.433500000e+04;
	v11 =	vcvt.f32.s32 v11;
	v9 =	vsub.f32 $1.000000000e+00, v9  }
0x2a4: {  	v22 =	vadd.s32 $0x800, v20;
	v12 =	vsub.f32 v16, v12;
	v21 =	vadd.f32 $1.382400000e+04, v21  }
0x2a5: {  	v4 =	vsub.f32 v15, v4;
	v15 =	vadd.s32 $0x800, v14;
	v16 =	vmul.f32 $6.400000000e+01, v9  }
0x2a6: {  	v23 =	vadd.s32 $0x800, v17;
	v12 =	vtrunc.f32 v12;
	v21 =	vmax.f32 v21, $1.331200000e+04;
	[tilespmem:v14+s25+$0x0] =	vst.idx.add.f32.msk $0xffff, v1  }
0x2a7: {  	v4 =	vtrunc.f32 v4;
	v21 =	vmin.f32 v21, $1.433500000e+04;
	[tilespmem:v20+s25+$0x0] =	vst.idx.add.f32.msk $0xffff, v1;
	v16 =	vadd.f32 $1.382400000e+04, v16  }
0x2a8: {  	v18 =	vadd.s32 $0x800, v11;
	v12 =	vcvt.f32.s32 v12;
	v7 =	vsub.f32 v21, v7;
	[tilespmem:v17+s25+$0x0] =	vst.idx.add.f32.msk $0xffff, v1  }
0x2a9: {  	v13 =	vmul.f32 $1.024000000e+03, v13;
	v4 =	vcvt.f32.s32 v4;
	[tilespmem:v11+s25+$0x0] =	vst.idx.add.f32.msk $0xffff, v1;
	v11 =	vmax.f32 v16, $1.331200000e+04  }
0x2aa: {  	[tilespmem:v22+s25+$0x0] =	vst.idx.add.f32.msk $0xffff, v8;
	v7 =	vtrunc.f32 v7;
	v8 =	vmin.f32 v11, $1.433500000e+04  }
0x2ab: {  	[tilespmem:v23+s25+$0x0] =	vst.idx.add.f32.msk $0xffff, v6;
	v6 =	vadd.s32 $0x800, v4;
	v7 =	vcvt.f32.s32 v7;
	v8 =	vsub.f32 v8, v13  }
0x2ac: {  	[tilespmem:v15+s25+$0x0] =	vst.idx.add.f32.msk $0xffff, v2  }
0x2ad: {  	[tilespmem:v18+s25+$0x0] =	vst.idx.add.f32.msk $0xffff, v10;
	v10 =	vadd.s32 $0x800, v7;
	v8 =	vtrunc.f32 v8  }
0x2ae: {  	[tilespmem:v12+s25+$0x0] =	vst.idx.add.f32.msk $0xffff, v1;
	v11 =	vadd.s32 $0x800, v12;
	v2 =	vcvt.f32.s32 v8  }
0x2af: {  	[tilespmem:v4+s25+$0x0] =	vst.idx.add.f32.msk $0xffff, v1  }
0x2b0: {  	[tilespmem:v6+s25+$0x0] =	vst.idx.add.f32.msk $0xffff, v5;
	v4 =	vadd.s32 $0x800, v2  }
0x2b1: {  	[tilespmem:v7+s25+$0x0] =	vst.idx.add.f32.msk $0xffff, v1  }
0x2b2: {  	[tilespmem:v10+s25+$0x0] =	vst.idx.add.f32.msk $0xffff, v19  }
0x2b3: {  	[tilespmem:v11+s25+$0x0] =	vst.idx.add.f32.msk $0xffff, v3  }
0x2b4: {  	[tilespmem:v2+s25+$0x0] =	vst.idx.add.f32.msk $0xffff, v1  }
0x2b5: {  	p0 =	seq.s32 s30, $0x3;
	s0 =	sadd.s32 s0, s14;
	[tilespmem:v4+s25+$0x0] =	vst.idx.add.f32.msk $0xffff, v9  }
0x2b6: {  	s0 =	smov.u32 @p0 s13;
	_ =	swait.ge [sflag:s26], $0x2000  }
0x2b7: {  	s0 =	sshrl.u32 s0, $0x3;
	[sflag:s26] =	ssyncset.done $0x0  }
0x2b8: {  	s0 =	sadd.s32 s4, s0;
	[sflag:s26] =	ssyncadd.s32 $0xFFFFE000  }
0x2b9: {  	[tilespmem:s21], [sflag:$0x2] =	stream.linear.gather [hbm4b:s0+s2], $0x2000, $0x38;
	[tilespmem:$0x1B000] =	vst v63  }
0x2ba: {  	v5 =	vld [tilespmem:s31+$0xFFFFFFD0]  }
0x2bb: {  	s0 =	simm.s32 $0x12040;
	v9 =	vld [tilespmem:s31+$0x0]  }
0x2bc: {  	v2 =	vld [tilespmem:s0+$0x0]  }
0x2bd: {  	v10 =	vld [tilespmem:s31+$0xFFFFFFE0]  }
0x2be: {  	v11 =	vld [tilespmem:s31+$0xFFFFFFC0]  }
0x2bf: {  	v13 =	vld [tilespmem:s31+$0xFFFFFFA0];
	v4 =	vadd.f32 v5, v5  }
0x2c0: {  	v12 =	vld [tilespmem:s31+$0xFFFFFFB0]  }
0x2c1: {  	v3 =	vld [tilespmem:s0+$0xFFFFFFF0];
	v7 =	vadd.f32 $-1.000000000e+00, v4  }
0x2c2: {  	v6 =	vld [tilespmem:s0+$0x30]  }
0x2c3: {  	v8 =	vadd.f32 v9, v9;
	v15 =	vadd.f32 v11, v11;
	v4 =	vld [tilespmem:s31+$0xFFFFFF90];
	v2 =	vmul.f32 v7, v2  }
0x2c4: {  	v14 =	vld [tilespmem:s0+$0x10];
	v17 =	vadd.f32 v10, v10;
	v18 =	vadd.f32 v13, v13  }
0x2c5: {  	v21 =	vadd.f32 v12, v12;
	v2 =	vsub.f32 $1.000000000e+00, v2  }
0x2c6: {  	v11 =	vmul.f32 $1.024000000e+03, v11;
	v15 =	vadd.f32 $-1.000000000e+00, v15;
	v7 =	vadd.f32 $-1.000000000e+00, v8;
	v8 =	vld [tilespmem:s0+$0xFFFFFFD0]  }
0x2c7: {  	v18 =	vadd.f32 $-1.000000000e+00, v18;
	v17 =	vadd.f32 $-1.000000000e+00, v17;
	v20 =	vmul.f32 $6.400000000e+01, v2  }
0x2c8: {  	v16 =	vld [tilespmem:s0+$0xFFFFFFC0];
	v15 =	vmul.f32 v15, v3;
	v6 =	vmul.f32 v7, v6;
	v19 =	vadd.f32 v4, v4  }
0x2c9: {  	v14 =	vmul.f32 v17, v14;
	v17 =	vmul.f32 $1.024000000e+03, v10;
	v20 =	vadd.f32 $1.382400000e+04, v20  }
0x2ca: {  	v7 =	vmul.f32 $1.024000000e+03, v12;
	v3 =	vsub.f32 $1.000000000e+00, v6;
	v19 =	vadd.f32 $-1.000000000e+00, v19  }
0x2cb: {  	v18 =	vmul.f32 v18, v8;
	v8 =	vsub.f32 $1.000000000e+00, v15;
	v6 =	vmax.f32 v20, $1.331200000e+04  }
0x2cc: {  	v20 =	vmul.f32 $1.024000000e+03, v5;
	v15 =	vmin.f32 v6, $1.433500000e+04;
	v6 =	vsub.f32 $1.000000000e+00, v14  }
0x2cd: {  	v19 =	vmul.f32 v19, v16;
	v10 =	vsub.f32 $1.000000000e+00, v18;
	v12 =	vmul.f32 $6.400000000e+01, v8  }
0x2ce: {  	v22 =	vld [tilespmem:s0+$0xFFFFFFE0];
	v21 =	vadd.f32 $-1.000000000e+00, v21;
	v14 =	vsub.f32 v15, v20;
	v15 =	vmul.f32 $6.400000000e+01, v6  }
0x2cf: {  	v5 =	vsub.f32 $1.000000000e+00, v19;
	v19 =	vmul.f32 $6.400000000e+01, v10;
	v20 =	vadd.f32 $1.382400000e+04, v12  }
0x2d0: {  	v16 =	vmul.f32 $6.400000000e+01, v3;
	v18 =	vmul.f32 $1.024000000e+03, v13;
	v13 =	vadd.f32 $1.382400000e+04, v15  }
0x2d1: {  	v12 =	vmul.f32 $1.024000000e+03, v9;
	v19 =	vadd.f32 $1.382400000e+04, v19;
	v20 =	vmax.f32 v20, $1.331200000e+04  }
0x2d2: {  	v15 =	vmul.f32 $6.400000000e+01, v5;
	v23 =	vmin.f32 v20, $1.433500000e+04;
	v24 =	vmax.f32 v13, $1.331200000e+04;
	v13 =	vld [tilespmem:s31+$0xFFFFFFF0]  }
0x2d3: {  	s5 =	simm.s32 $0x0;
	s6 =	sadd.s32 $0x80, s31;
	v9 =	vld [tilespmem:s0+$0x20];
	v20 =	vmul.f32 v21, v22;
	v21 =	vsub.f32 v23, v11;
	v22 =	vmin.f32 v24, $1.433500000e+04  }
.LBB2_25:
0x2d4: {  	v11 =	vld [tilespmem:s6+$0x0];
	s5 =	sadd.s32 $0x80, s5;
	v19 =	vmax.f32 v19, $1.331200000e+04;
	v17 =	vsub.f32 v22, v17;
	v16 =	vadd.f32 $1.382400000e+04, v16;
	s0 =	sadd.s32 $0x80, s0  }
0x2d5: {  	v22 =	vld [tilespmem:s0+$0x20];
	p0 =	slt.u32 s5, $0x1F80;
	v19 =	vmin.f32 v19, $1.433500000e+04;
	v20 =	vsub.f32 $1.000000000e+00, v20;
	v21 =	vtrunc.f32 v21  }
0x2d6: {  	v23 =	vld [tilespmem:s0+$0xFFFFFFF0];
	v18 =	vsub.f32 v19, v18;
	v19 =	vcvt.f32.s32 v21;
	v17 =	vtrunc.f32 v17  }
0x2d7: {  	v16 =	vmax.f32 v16, $1.331200000e+04;
	v21 =	vld [tilespmem:s0+$0x10];
	v17 =	vcvt.f32.s32 v17;
	v24 =	vadd.f32 v13, v13  }
0x2d8: {  	v26 =	vmul.f32 $6.400000000e+01, v20;
	v25 =	vld [tilespmem:s0+$0x0];
	v18 =	vtrunc.f32 v18;
	v27 =	vadd.s32 $0x800, v19  }
0x2d9: {  	v28 =	vld [tilespmem:s0+$0xFFFFFFC0];
	v29 =	vadd.f32 v11, v11;
	v30 =	vadd.s32 $0x800, v17;
	v24 =	vadd.f32 $-1.000000000e+00, v24  }
0x2da: {  	v16 =	vmin.f32 v16, $1.433500000e+04;
	v18 =	vcvt.f32.s32 v18;
	v26 =	vadd.f32 $1.382400000e+04, v26;
	v31 =	vld [tilespmem:s0+$0x30]  }
0x2db: {  	v14 =	vtrunc.f32 v14;
	v32 =	vld [tilespmem:s6+$0xFFFFFFE0];
	v29 =	vadd.f32 $-1.000000000e+00, v29;
	v24 =	vmul.f32 v24, v9;
	v9 =	vmovc v22  }
0x2dc: {  	v14 =	vcvt.f32.s32 v14;
	v33 =	vadd.s32 $0x800, v18;
	v26 =	vmax.f32 v26, $1.331200000e+04;
	v22 =	vld [tilespmem:s6+$0xFFFFFFD0]  }
0x2dd: {  	v12 =	vsub.f32 v16, v12;
	v26 =	vmin.f32 v26, $1.433500000e+04;
	v34 =	vld [tilespmem:s6+$0xFFFFFFB0];
	v24 =	vsub.f32 $1.000000000e+00, v24  }
0x2de: {  	v13 =	vmul.f32 $1.024000000e+03, v13;
	v7 =	vsub.f32 v26, v7;
	v26 =	vadd.s32 $0x800, v14;
	v16 =	vld [tilespmem:s0+$0xFFFFFFD0]  }
0x2df: {  	v15 =	vadd.f32 $1.382400000e+04, v15;
	v29 =	vmul.f32 v29, v31;
	[tilespmem:v19+s25+$0x0] =	vst.idx.add.f32.msk $0xffff, v1;
	v19 =	vmul.f32 $6.400000000e+01, v24  }
0x2e0: {  	v35 =	vmul.f32 $1.024000000e+03, v4;
	v4 =	vtrunc.f32 v7;
	v31 =	vld [tilespmem:s6+$0xFFFFFFC0]  }
0x2e1: {  	v15 =	vmax.f32 v15, $1.331200000e+04;
	v36 =	vcvt.f32.s32 v4;
	v7 =	vadd.f32 v22, v22;
	[tilespmem:v17+s25+$0x0] =	vst.idx.add.f32.msk $0xffff, v1  }
0x2e2: {  	v15 =	vmin.f32 v15, $1.433500000e+04;
	v12 =	vtrunc.f32 v12;
	v17 =	vadd.f32 $1.382400000e+04, v19;
	v4 =	vld [tilespmem:s6+$0xFFFFFF90]  }
0x2e3: {  	v15 =	vsub.f32 v15, v35;
	v35 =	vadd.s32 $0x800, v36;
	v19 =	vld [tilespmem:s6+$0xFFFFFFA0];
	v37 =	vadd.f32 $-1.000000000e+00, v7  }
0x2e4: {  	v12 =	vcvt.f32.s32 v12;
	v7 =	vmul.f32 $1.024000000e+03, v34;
	v17 =	vmax.f32 v17, $1.331200000e+04;
	[tilespmem:v18+s25+$0x0] =	vst.idx.add.f32.msk $0xffff, v1  }
0x2e5: {  	v15 =	vtrunc.f32 v15;
	v18 =	vmul.f32 v37, v25;
	[tilespmem:v27+s25+$0x0] =	vst.idx.add.f32.msk $0xffff, v8;
	v8 =	vmin.f32 v17, $1.433500000e+04  }
0x2e6: {  	v15 =	vcvt.f32.s32 v15;
	v17 =	vadd.f32 v31, v31;
	[tilespmem:v33+s25+$0x0] =	vst.idx.add.f32.msk $0xffff, v10;
	v8 =	vsub.f32 v8, v13  }
0x2e7: {  	v13 =	vadd.f32 v32, v32;
	v10 =	vsub.f32 $1.000000000e+00, v18;
	[tilespmem:v14+s25+$0x0] =	vst.idx.add.f32.msk $0xffff, v1;
	v14 =	vadd.s32 $0x800, v12  }
0x2e8: {  	v25 =	vadd.s32 $0x800, v15;
	v17 =	vadd.f32 $-1.000000000e+00, v17;
	v18 =	vadd.f32 v19, v19;
	[tilespmem:v30+s25+$0x0] =	vst.idx.add.f32.msk $0xffff, v6  }
0x2e9: {  	v6 =	vadd.f32 v4, v4;
	v8 =	vtrunc.f32 v8;
	v27 =	vld [tilespmem:s0+$0xFFFFFFE0];
	v30 =	vmul.f32 $6.400000000e+01, v10  }
0x2ea: {  	v13 =	vadd.f32 $-1.000000000e+00, v13;
	v17 =	vmul.f32 v17, v23;
	v18 =	vadd.f32 $-1.000000000e+00, v18;
	[tilespmem:v12+s25+$0x0] =	vst.idx.add.f32.msk $0xffff, v1  }
0x2eb: {  	v23 =	vcvt.f32.s32 v8;
	v6 =	vadd.f32 $-1.000000000e+00, v6;
	v12 =	vadd.f32 $1.382400000e+04, v30;
	[tilespmem:v26+s25+$0x0] =	vst.idx.add.f32.msk $0xffff, v2;
	v2 =	vmovc v10  }
0x2ec: {  	v13 =	vmul.f32 v13, v21;
	v10 =	vmul.f32 v18, v16;
	v18 =	vsub.f32 $1.000000000e+00, v29;
	[tilespmem:v36+s25+$0x0] =	vst.idx.add.f32.msk $0xffff, v1  }
0x2ed: {  	v21 =	vmul.f32 v6, v28;
	v6 =	vmax.f32 v12, $1.331200000e+04;
	v12 =	vmul.f32 $1.024000000e+03, v22;
	[tilespmem:v15+s25+$0x0] =	vst.idx.add.f32.msk $0xffff, v1  }
0x2ee: {  	v8 =	vsub.f32 $1.000000000e+00, v17;
	v15 =	vmin.f32 v6, $1.433500000e+04;
	[tilespmem:v35+s25+$0x0] =	vst.idx.add.f32.msk $0xffff, v20;
	v20 =	vadd.s32 $0x800, v23  }
0x2ef: {  	v17 =	vmul.f32 $1.024000000e+03, v32;
	v6 =	vsub.f32 $1.000000000e+00, v13;
	v16 =	vmul.f32 $6.400000000e+01, v18;
	[tilespmem:v25+s25+$0x0] =	vst.idx.add.f32.msk $0xffff, v5  }
0x2f0: {  	v22 =	vmul.f32 $6.400000000e+01, v8;
	v10 =	vsub.f32 $1.000000000e+00, v10;
	v13 =	vadd.f32 v34, v34;
	[tilespmem:v14+s25+$0x0] =	vst.idx.add.f32.msk $0xffff, v3;
	v3 =	vmovc v18  }
0x2f1: {  	v5 =	vsub.f32 $1.000000000e+00, v21;
	v14 =	vsub.f32 v15, v12;
	v15 =	vmul.f32 $6.400000000e+01, v6;
	[tilespmem:v23+s25+$0x0] =	vst.idx.add.f32.msk $0xffff, v1  }
.Ltmp11:
0x2f2: {  	v22 =	vadd.f32 $1.382400000e+04, v22;
	v21 =	vmul.f32 $6.400000000e+01, v10;
	v12 =	vmul.f32 $1.024000000e+03, v11;
	(pc) =	sbr.rel @p0 .LBB2_25-.Ltmp11, $4  }
0x2f3: {  	v18 =	vmul.f32 $1.024000000e+03, v19;
	v11 =	vmul.f32 $1.024000000e+03, v31;
	v23 =	vadd.f32 $1.382400000e+04, v15;
	[tilespmem:v20+s25+$0x0] =	vst.idx.add.f32.msk $0xffff, v24  }
0x2f4: {  	v19 =	vadd.f32 $1.382400000e+04, v21;
	v20 =	vadd.f32 $-1.000000000e+00, v13;
	v13 =	vmax.f32 v22, $1.331200000e+04  }
0x2f5: {  	v15 =	vmul.f32 $6.400000000e+01, v5;
	v21 =	vmin.f32 v13, $1.433500000e+04;
	v22 =	vmax.f32 v23, $1.331200000e+04;
	v13 =	vld [tilespmem:s6+$0xFFFFFFF0]  }
0x2f6: {  	v20 =	vmul.f32 v20, v27;
	v21 =	vsub.f32 v21, v11;
	v22 =	vmin.f32 v22, $1.433500000e+04;
	s6 =	sadd.s32 $0x80, s6  }
0x2f7: {  	_ = 	snop  }
0x2f8: {  	v11 =	vmax.f32 v19, $1.331200000e+04  }
0x2f9: {  	v17 =	vsub.f32 v22, v17;
	v16 =	vadd.f32 $1.382400000e+04, v16;
	v14 =	vtrunc.f32 v14  }
0x2fa: {  	v15 =	vadd.f32 $1.382400000e+04, v15;
	v4 =	vmul.f32 $1.024000000e+03, v4;
	v51 =	vadd.f32 v13, v13  }
0x2fb: {  	v11 =	vmin.f32 v11, $1.433500000e+04;
	v49 =	vsub.f32 $1.000000000e+00, v20;
	v50 =	vtrunc.f32 v21  }
0x2fc: {  	v14 =	vcvt.f32.s32 v14;
	v11 =	vsub.f32 v11, v18;
	v18 =	vadd.f32 $-1.000000000e+00, v51  }
0x2fd: {  	v17 =	vtrunc.f32 v17;
	v20 =	vcvt.f32.s32 v50;
	v16 =	vmax.f32 v16, $1.331200000e+04  }
0x2fe: {  	v15 =	vmax.f32 v15, $1.331200000e+04;
	v17 =	vcvt.f32.s32 v17;
	v9 =	vmul.f32 v18, v9  }
0x2ff: {  	v52 =	vmul.f32 $6.400000000e+01, v49;
	v16 =	vmin.f32 v16, $1.433500000e+04;
	v15 =	vmin.f32 v15, $1.433500000e+04  }
0x300: {  	v56 =	vadd.s32 $0x800, v14;
	v57 =	vmul.f32 $1.024000000e+03, v13;
	v9 =	vsub.f32 $1.000000000e+00, v9  }
0x301: {  	v11 =	vtrunc.f32 v11;
	v53 =	vadd.s32 $0x800, v20;
	v12 =	vsub.f32 v16, v12  }
0x302: {  	v4 =	vsub.f32 v15, v4;
	v21 =	vadd.f32 $1.382400000e+04, v52;
	v55 =	vmul.f32 $6.400000000e+01, v9  }
0x303: {  	v11 =	vcvt.f32.s32 v11;
	v23 =	vadd.s32 $0x800, v17;
	v12 =	vtrunc.f32 v12;
	[tilespmem:v14+s25+$0x0] =	vst.idx.add.f32.msk $0xffff, v1  }
0x304: {  	v4 =	vtrunc.f32 v4;
	v21 =	vmax.f32 v21, $1.331200000e+04;
	[tilespmem:v20+s25+$0x0] =	vst.idx.add.f32.msk $0xffff, v1;
	v16 =	vadd.f32 $1.382400000e+04, v55  }
0x305: {  	v54 =	vadd.s32 $0x800, v11;
	v12 =	vcvt.f32.s32 v12;
	v21 =	vmin.f32 v21, $1.433500000e+04;
	[tilespmem:v56+s25+$0x0] =	vst.idx.add.f32.msk $0xffff, v2  }
0x306: {  	v4 =	vcvt.f32.s32 v4;
	v7 =	vsub.f32 v21, v7;
	[tilespmem:v17+s25+$0x0] =	vst.idx.add.f32.msk $0xffff, v1;
	v58 =	vmax.f32 v16, $1.331200000e+04  }
0x307: {  	[tilespmem:v53+s25+$0x0] =	vst.idx.add.f32.msk $0xffff, v8;
	v59 =	vmin.f32 v58, $1.433500000e+04  }
0x308: {  	v61 =	vadd.s32 $0x800, v4;
	[tilespmem:v23+s25+$0x0] =	vst.idx.add.f32.msk $0xffff, v6;
	v7 =	vtrunc.f32 v7;
	v8 =	vsub.f32 v59, v57  }
0x309: {  	v62 =	vadd.s32 $0x800, v12;
	[tilespmem:v11+s25+$0x0] =	vst.idx.add.f32.msk $0xffff, v1;
	v7 =	vcvt.f32.s32 v7  }
0x30a: {  	[tilespmem:v54+s25+$0x0] =	vst.idx.add.f32.msk $0xffff, v10;
	v8 =	vtrunc.f32 v8  }
0x30b: {  	[tilespmem:v12+s25+$0x0] =	vst.idx.add.f32.msk $0xffff, v1;
	v60 =	vadd.s32 $0x800, v7;
	v2 =	vcvt.f32.s32 v8  }
0x30c: {  	s30 =	sadd.s32 $0x1, s30;
	[tilespmem:v4+s25+$0x0] =	vst.idx.add.f32.msk $0xffff, v1  }
0x30d: {  	p0 =	sne.s32 s30, $0x4;
	[tilespmem:v61+s25+$0x0] =	vst.idx.add.f32.msk $0xffff, v5;
	v63 =	vadd.s32 $0x800, v2  }
.Ltmp12:
0x30e: {  	[tilespmem:v62+s25+$0x0] =	vst.idx.add.f32.msk $0xffff, v3;
	(pc) =	sbr.rel @p0 .LBB2_22-.Ltmp12, $4  }
0x30f: {  	[tilespmem:v7+s25+$0x0] =	vst.idx.add.f32.msk $0xffff, v1  }
0x310: {  	[tilespmem:v60+s25+$0x0] =	vst.idx.add.f32.msk $0xffff, v49  }
0x311: {  	[tilespmem:v2+s25+$0x0] =	vst.idx.add.f32.msk $0xffff, v1  }
0x312: {  	s1 =	sadd.s32 $0x4000, s1;
	s31 =	sadd.s32 $0x4000, s31;
	[tilespmem:v63+s25+$0x0] =	vst.idx.add.f32.msk $0xffff, v9  }
0x313: {  	s30 =	simm.s32 $0x0;
	s1 =	simm.s32 $0x40;
	s31 =	simm.s32 $0x2070  }
.LBB2_28:
0x314: {  	s0 =	sshll.u32 s30, $0xE  }
0x315: {  	s5 =	sor.u32 s13, s0  }
0x316: {  	_ =	swait.ge [sflag:s23], $0x2000;
	s5 =	sor.u32 $0x2000, s5  }
0x317: {  	[sflag:s23] =	ssyncset.done $0x0;
	s5 =	sshrl.u32 s5, $0x3  }
0x318: {  	[sflag:s23] =	ssyncadd.s32 $0xFFFFE000;
	s5 =	sadd.s32 s4, s5  }
0x319: {  	[tilespmem:s24], [sflag:$0x3] =	stream.linear.gather [hbm4b:s5+s2], $0x2000, $0x38;
	[tilespmem:$0x1B000] =	vst v63  }
0x31a: {  	v5 =	vld [tilespmem:s1+$0x0]  }
0x31b: {  	s5 =	simm.s32 $0x10040;
	v9 =	vld [tilespmem:s1+$0x30]  }
0x31c: {  	v2 =	vld [tilespmem:s5+$0x0]  }
0x31d: {  	v10 =	vld [tilespmem:s1+$0x10]  }
0x31e: {  	v11 =	vld [tilespmem:s1+$0xFFFFFFF0]  }
0x31f: {  	v13 =	vld [tilespmem:s1+$0xFFFFFFD0];
	v4 =	vadd.f32 v5, v5  }
0x320: {  	v12 =	vld [tilespmem:s1+$0xFFFFFFE0]  }
0x321: {  	v3 =	vld [tilespmem:s5+$0xFFFFFFF0];
	v7 =	vadd.f32 $-1.000000000e+00, v4  }
0x322: {  	v6 =	vld [tilespmem:s5+$0x30]  }
0x323: {  	v8 =	vadd.f32 v9, v9;
	v15 =	vadd.f32 v11, v11;
	v4 =	vld [tilespmem:s1+$0xFFFFFFC0];
	v2 =	vmul.f32 v7, v2  }
0x324: {  	v14 =	vld [tilespmem:s5+$0x10];
	v17 =	vadd.f32 v10, v10;
	v18 =	vadd.f32 v13, v13  }
0x325: {  	v21 =	vadd.f32 v12, v12;
	v2 =	vsub.f32 $1.000000000e+00, v2  }
0x326: {  	v11 =	vmul.f32 $1.024000000e+03, v11;
	v15 =	vadd.f32 $-1.000000000e+00, v15;
	v7 =	vadd.f32 $-1.000000000e+00, v8;
	v8 =	vld [tilespmem:s5+$0xFFFFFFD0]  }
0x327: {  	v18 =	vadd.f32 $-1.000000000e+00, v18;
	v17 =	vadd.f32 $-1.000000000e+00, v17;
	v20 =	vmul.f32 $6.400000000e+01, v2  }
0x328: {  	v16 =	vld [tilespmem:s5+$0xFFFFFFC0];
	v15 =	vmul.f32 v15, v3;
	v6 =	vmul.f32 v7, v6;
	v19 =	vadd.f32 v4, v4  }
0x329: {  	v14 =	vmul.f32 v17, v14;
	v17 =	vmul.f32 $1.024000000e+03, v10;
	v20 =	vadd.f32 $1.792000000e+04, v20  }
0x32a: {  	v7 =	vmul.f32 $1.024000000e+03, v12;
	v3 =	vsub.f32 $1.000000000e+00, v6;
	v19 =	vadd.f32 $-1.000000000e+00, v19  }
0x32b: {  	v18 =	vmul.f32 v18, v8;
	v8 =	vsub.f32 $1.000000000e+00, v15;
	v6 =	vmax.f32 v20, $1.740800000e+04  }
0x32c: {  	v20 =	vmul.f32 $1.024000000e+03, v5;
	v15 =	vmin.f32 v6, $1.843100000e+04;
	v6 =	vsub.f32 $1.000000000e+00, v14  }
0x32d: {  	v19 =	vmul.f32 v19, v16;
	v10 =	vsub.f32 $1.000000000e+00, v18;
	v12 =	vmul.f32 $6.400000000e+01, v8  }
0x32e: {  	v22 =	vld [tilespmem:s5+$0xFFFFFFE0];
	v21 =	vadd.f32 $-1.000000000e+00, v21;
	v14 =	vsub.f32 v15, v20;
	v15 =	vmul.f32 $6.400000000e+01, v6  }
0x32f: {  	v5 =	vsub.f32 $1.000000000e+00, v19;
	v19 =	vmul.f32 $6.400000000e+01, v10;
	v20 =	vadd.f32 $1.792000000e+04, v12  }
0x330: {  	v16 =	vmul.f32 $6.400000000e+01, v3;
	v18 =	vmul.f32 $1.024000000e+03, v13;
	v13 =	vadd.f32 $1.792000000e+04, v15  }
0x331: {  	v12 =	vmul.f32 $1.024000000e+03, v9;
	v19 =	vadd.f32 $1.792000000e+04, v19;
	v20 =	vmax.f32 v20, $1.740800000e+04  }
0x332: {  	v15 =	vmul.f32 $6.400000000e+01, v5;
	v23 =	vmin.f32 v20, $1.843100000e+04;
	v24 =	vmax.f32 v13, $1.740800000e+04;
	v13 =	vld [tilespmem:s1+$0x20]  }
0x333: {  	s6 =	simm.s32 $0x0;
	s19 =	sadd.s32 $0x80, s1;
	v9 =	vld [tilespmem:s5+$0x20];
	v20 =	vmul.f32 v21, v22;
	v21 =	vsub.f32 v23, v11;
	v22 =	vmin.f32 v24, $1.843100000e+04  }
.LBB2_29:
0x334: {  	v11 =	vld [tilespmem:s19+$0x30];
	s6 =	sadd.s32 $0x80, s6;
	v19 =	vmax.f32 v19, $1.740800000e+04;
	v17 =	vsub.f32 v22, v17;
	v16 =	vadd.f32 $1.792000000e+04, v16;
	s5 =	sadd.s32 $0x80, s5  }
0x335: {  	v22 =	vld [tilespmem:s5+$0x20];
	p0 =	slt.u32 s6, $0x1F80;
	v19 =	vmin.f32 v19, $1.843100000e+04;
	v20 =	vsub.f32 $1.000000000e+00, v20;
	v21 =	vtrunc.f32 v21  }
0x336: {  	v23 =	vld [tilespmem:s5+$0xFFFFFFF0];
	v18 =	vsub.f32 v19, v18;
	v19 =	vcvt.f32.s32 v21;
	v17 =	vtrunc.f32 v17  }
0x337: {  	v16 =	vmax.f32 v16, $1.740800000e+04;
	v21 =	vld [tilespmem:s5+$0x10];
	v17 =	vcvt.f32.s32 v17;
	v24 =	vadd.f32 v13, v13  }
0x338: {  	v26 =	vmul.f32 $6.400000000e+01, v20;
	v25 =	vld [tilespmem:s5+$0x0];
	v18 =	vtrunc.f32 v18;
	v27 =	vadd.s32 $0x800, v19  }
0x339: {  	v28 =	vld [tilespmem:s5+$0xFFFFFFC0];
	v29 =	vadd.f32 v11, v11;
	v30 =	vadd.s32 $0x800, v17;
	v24 =	vadd.f32 $-1.000000000e+00, v24  }
0x33a: {  	v16 =	vmin.f32 v16, $1.843100000e+04;
	v18 =	vcvt.f32.s32 v18;
	v26 =	vadd.f32 $1.792000000e+04, v26;
	v31 =	vld [tilespmem:s5+$0x30]  }
0x33b: {  	v14 =	vtrunc.f32 v14;
	v32 =	vld [tilespmem:s19+$0x10];
	v29 =	vadd.f32 $-1.000000000e+00, v29;
	v24 =	vmul.f32 v24, v9;
	v9 =	vmovc v22  }
0x33c: {  	v14 =	vcvt.f32.s32 v14;
	v33 =	vadd.s32 $0x800, v18;
	v26 =	vmax.f32 v26, $1.740800000e+04;
	v22 =	vld [tilespmem:s19+$0x0]  }
0x33d: {  	v12 =	vsub.f32 v16, v12;
	v26 =	vmin.f32 v26, $1.843100000e+04;
	v34 =	vld [tilespmem:s19+$0xFFFFFFE0];
	v24 =	vsub.f32 $1.000000000e+00, v24  }
0x33e: {  	v13 =	vmul.f32 $1.024000000e+03, v13;
	v7 =	vsub.f32 v26, v7;
	v26 =	vadd.s32 $0x800, v14;
	v16 =	vld [tilespmem:s5+$0xFFFFFFD0]  }
0x33f: {  	v15 =	vadd.f32 $1.792000000e+04, v15;
	v29 =	vmul.f32 v29, v31;
	[tilespmem:v19+s25+$0x0] =	vst.idx.add.f32.msk $0xffff, v1;
	v19 =	vmul.f32 $6.400000000e+01, v24  }
0x340: {  	v35 =	vmul.f32 $1.024000000e+03, v4;
	v4 =	vtrunc.f32 v7;
	v31 =	vld [tilespmem:s19+$0xFFFFFFF0]  }
0x341: {  	v15 =	vmax.f32 v15, $1.740800000e+04;
	v36 =	vcvt.f32.s32 v4;
	v7 =	vadd.f32 v22, v22;
	[tilespmem:v17+s25+$0x0] =	vst.idx.add.f32.msk $0xffff, v1  }
0x342: {  	v15 =	vmin.f32 v15, $1.843100000e+04;
	v12 =	vtrunc.f32 v12;
	v17 =	vadd.f32 $1.792000000e+04, v19;
	v4 =	vld [tilespmem:s19+$0xFFFFFFC0]  }
0x343: {  	v15 =	vsub.f32 v15, v35;
	v35 =	vadd.s32 $0x800, v36;
	v19 =	vld [tilespmem:s19+$0xFFFFFFD0];
	v37 =	vadd.f32 $-1.000000000e+00, v7  }
0x344: {  	v12 =	vcvt.f32.s32 v12;
	v7 =	vmul.f32 $1.024000000e+03, v34;
	v17 =	vmax.f32 v17, $1.740800000e+04;
	[tilespmem:v18+s25+$0x0] =	vst.idx.add.f32.msk $0xffff, v1  }
0x345: {  	v15 =	vtrunc.f32 v15;
	v18 =	vmul.f32 v37, v25;
	[tilespmem:v27+s25+$0x0] =	vst.idx.add.f32.msk $0xffff, v8;
	v8 =	vmin.f32 v17, $1.843100000e+04  }
0x346: {  	v15 =	vcvt.f32.s32 v15;
	v17 =	vadd.f32 v31, v31;
	[tilespmem:v33+s25+$0x0] =	vst.idx.add.f32.msk $0xffff, v10;
	v8 =	vsub.f32 v8, v13  }
0x347: {  	v13 =	vadd.f32 v32, v32;
	v10 =	vsub.f32 $1.000000000e+00, v18;
	[tilespmem:v14+s25+$0x0] =	vst.idx.add.f32.msk $0xffff, v1;
	v14 =	vadd.s32 $0x800, v12  }
0x348: {  	v25 =	vadd.s32 $0x800, v15;
	v17 =	vadd.f32 $-1.000000000e+00, v17;
	v18 =	vadd.f32 v19, v19;
	[tilespmem:v30+s25+$0x0] =	vst.idx.add.f32.msk $0xffff, v6  }
0x349: {  	v6 =	vadd.f32 v4, v4;
	v8 =	vtrunc.f32 v8;
	v27 =	vld [tilespmem:s5+$0xFFFFFFE0];
	v30 =	vmul.f32 $6.400000000e+01, v10  }
0x34a: {  	v13 =	vadd.f32 $-1.000000000e+00, v13;
	v17 =	vmul.f32 v17, v23;
	v18 =	vadd.f32 $-1.000000000e+00, v18;
	[tilespmem:v12+s25+$0x0] =	vst.idx.add.f32.msk $0xffff, v1  }
0x34b: {  	v23 =	vcvt.f32.s32 v8;
	v6 =	vadd.f32 $-1.000000000e+00, v6;
	v12 =	vadd.f32 $1.792000000e+04, v30;
	[tilespmem:v26+s25+$0x0] =	vst.idx.add.f32.msk $0xffff, v2;
	v2 =	vmovc v10  }
0x34c: {  	v13 =	vmul.f32 v13, v21;
	v10 =	vmul.f32 v18, v16;
	v18 =	vsub.f32 $1.000000000e+00, v29;
	[tilespmem:v36+s25+$0x0] =	vst.idx.add.f32.msk $0xffff, v1  }
0x34d: {  	v21 =	vmul.f32 v6, v28;
	v6 =	vmax.f32 v12, $1.740800000e+04;
	v12 =	vmul.f32 $1.024000000e+03, v22;
	[tilespmem:v15+s25+$0x0] =	vst.idx.add.f32.msk $0xffff, v1  }
0x34e: {  	v8 =	vsub.f32 $1.000000000e+00, v17;
	v15 =	vmin.f32 v6, $1.843100000e+04;
	[tilespmem:v35+s25+$0x0] =	vst.idx.add.f32.msk $0xffff, v20;
	v20 =	vadd.s32 $0x800, v23  }
0x34f: {  	v17 =	vmul.f32 $1.024000000e+03, v32;
	v6 =	vsub.f32 $1.000000000e+00, v13;
	v16 =	vmul.f32 $6.400000000e+01, v18;
	[tilespmem:v25+s25+$0x0] =	vst.idx.add.f32.msk $0xffff, v5  }
0x350: {  	v22 =	vmul.f32 $6.400000000e+01, v8;
	v10 =	vsub.f32 $1.000000000e+00, v10;
	v13 =	vadd.f32 v34, v34;
	[tilespmem:v14+s25+$0x0] =	vst.idx.add.f32.msk $0xffff, v3;
	v3 =	vmovc v18  }
0x351: {  	v5 =	vsub.f32 $1.000000000e+00, v21;
	v14 =	vsub.f32 v15, v12;
	v15 =	vmul.f32 $6.400000000e+01, v6;
	[tilespmem:v23+s25+$0x0] =	vst.idx.add.f32.msk $0xffff, v1  }
.Ltmp13:
0x352: {  	v22 =	vadd.f32 $1.792000000e+04, v22;
	v21 =	vmul.f32 $6.400000000e+01, v10;
	v12 =	vmul.f32 $1.024000000e+03, v11;
	(pc) =	sbr.rel @p0 .LBB2_29-.Ltmp13, $4  }
0x353: {  	v18 =	vmul.f32 $1.024000000e+03, v19;
	v11 =	vmul.f32 $1.024000000e+03, v31;
	v23 =	vadd.f32 $1.792000000e+04, v15;
	[tilespmem:v20+s25+$0x0] =	vst.idx.add.f32.msk $0xffff, v24  }
0x354: {  	v19 =	vadd.f32 $1.792000000e+04, v21;
	v20 =	vadd.f32 $-1.000000000e+00, v13;
	v13 =	vmax.f32 v22, $1.740800000e+04  }
0x355: {  	v15 =	vmul.f32 $6.400000000e+01, v5;
	v21 =	vmin.f32 v13, $1.843100000e+04;
	v22 =	vmax.f32 v23, $1.740800000e+04;
	v13 =	vld [tilespmem:s19+$0x20]  }
0x356: {  	v20 =	vmul.f32 v20, v27;
	v21 =	vsub.f32 v21, v11;
	v22 =	vmin.f32 v22, $1.843100000e+04;
	s19 =	sadd.s32 $0x80, s19  }
0x357: {  	_ = 	snop  }
0x358: {  	v11 =	vmax.f32 v19, $1.740800000e+04  }
0x359: {  	v17 =	vsub.f32 v22, v17;
	v16 =	vadd.f32 $1.792000000e+04, v16;
	v11 =	vmin.f32 v11, $1.843100000e+04  }
0x35a: {  	v14 =	vtrunc.f32 v14;
	v11 =	vsub.f32 v11, v18;
	v18 =	vadd.f32 v13, v13  }
0x35b: {  	v15 =	vadd.f32 $1.792000000e+04, v15;
	v4 =	vmul.f32 $1.024000000e+03, v4;
	v19 =	vsub.f32 $1.000000000e+00, v20  }
0x35c: {  	v20 =	vtrunc.f32 v21;
	v14 =	vcvt.f32.s32 v14;
	v18 =	vadd.f32 $-1.000000000e+00, v18  }
0x35d: {  	v17 =	vtrunc.f32 v17;
	v20 =	vcvt.f32.s32 v20;
	v16 =	vmax.f32 v16, $1.740800000e+04  }
0x35e: {  	v15 =	vmax.f32 v15, $1.740800000e+04;
	v17 =	vcvt.f32.s32 v17;
	v9 =	vmul.f32 v18, v9  }
0x35f: {  	v21 =	vmul.f32 $6.400000000e+01, v19;
	v16 =	vmin.f32 v16, $1.843100000e+04;
	v11 =	vtrunc.f32 v11  }
0x360: {  	v15 =	vmin.f32 v15, $1.843100000e+04;
	v11 =	vcvt.f32.s32 v11;
	v9 =	vsub.f32 $1.000000000e+00, v9  }
0x361: {  	v22 =	vadd.s32 $0x800, v20;
	v12 =	vsub.f32 v16, v12;
	v21 =	vadd.f32 $1.792000000e+04, v21  }
0x362: {  	v4 =	vsub.f32 v15, v4;
	v15 =	vadd.s32 $0x800, v14;
	v16 =	vmul.f32 $6.400000000e+01, v9  }
0x363: {  	v23 =	vadd.s32 $0x800, v17;
	v12 =	vtrunc.f32 v12;
	v21 =	vmax.f32 v21, $1.740800000e+04;
	[tilespmem:v14+s25+$0x0] =	vst.idx.add.f32.msk $0xffff, v1  }
0x364: {  	v4 =	vtrunc.f32 v4;
	v21 =	vmin.f32 v21, $1.843100000e+04;
	[tilespmem:v20+s25+$0x0] =	vst.idx.add.f32.msk $0xffff, v1;
	v16 =	vadd.f32 $1.792000000e+04, v16  }
0x365: {  	v18 =	vadd.s32 $0x800, v11;
	v12 =	vcvt.f32.s32 v12;
	v7 =	vsub.f32 v21, v7;
	[tilespmem:v17+s25+$0x0] =	vst.idx.add.f32.msk $0xffff, v1  }
0x366: {  	v13 =	vmul.f32 $1.024000000e+03, v13;
	v4 =	vcvt.f32.s32 v4;
	[tilespmem:v11+s25+$0x0] =	vst.idx.add.f32.msk $0xffff, v1;
	v11 =	vmax.f32 v16, $1.740800000e+04  }
0x367: {  	[tilespmem:v22+s25+$0x0] =	vst.idx.add.f32.msk $0xffff, v8;
	v7 =	vtrunc.f32 v7;
	v8 =	vmin.f32 v11, $1.843100000e+04  }
0x368: {  	[tilespmem:v23+s25+$0x0] =	vst.idx.add.f32.msk $0xffff, v6;
	v6 =	vadd.s32 $0x800, v4;
	v7 =	vcvt.f32.s32 v7;
	v8 =	vsub.f32 v8, v13  }
0x369: {  	[tilespmem:v15+s25+$0x0] =	vst.idx.add.f32.msk $0xffff, v2  }
0x36a: {  	[tilespmem:v18+s25+$0x0] =	vst.idx.add.f32.msk $0xffff, v10;
	v10 =	vadd.s32 $0x800, v7;
	v8 =	vtrunc.f32 v8  }
0x36b: {  	[tilespmem:v12+s25+$0x0] =	vst.idx.add.f32.msk $0xffff, v1;
	v11 =	vadd.s32 $0x800, v12;
	v2 =	vcvt.f32.s32 v8  }
0x36c: {  	[tilespmem:v4+s25+$0x0] =	vst.idx.add.f32.msk $0xffff, v1  }
0x36d: {  	[tilespmem:v6+s25+$0x0] =	vst.idx.add.f32.msk $0xffff, v5;
	v4 =	vadd.s32 $0x800, v2  }
0x36e: {  	[tilespmem:v7+s25+$0x0] =	vst.idx.add.f32.msk $0xffff, v1  }
0x36f: {  	[tilespmem:v10+s25+$0x0] =	vst.idx.add.f32.msk $0xffff, v19  }
0x370: {  	[tilespmem:v11+s25+$0x0] =	vst.idx.add.f32.msk $0xffff, v3  }
0x371: {  	[tilespmem:v2+s25+$0x0] =	vst.idx.add.f32.msk $0xffff, v1  }
0x372: {  	p0 =	seq.s32 s30, $0x3;
	s0 =	sadd.s32 s0, s16;
	[tilespmem:v4+s25+$0x0] =	vst.idx.add.f32.msk $0xffff, v9  }
0x373: {  	s0 =	smov.u32 @p0 s15;
	_ =	swait.ge [sflag:s26], $0x2000  }
0x374: {  	s0 =	sshrl.u32 s0, $0x3;
	[sflag:s26] =	ssyncset.done $0x0  }
0x375: {  	s0 =	sadd.s32 s4, s0;
	[sflag:s26] =	ssyncadd.s32 $0xFFFFE000  }
0x376: {  	[tilespmem:s21], [sflag:$0x2] =	stream.linear.gather [hbm4b:s0+s2], $0x2000, $0x38;
	[tilespmem:$0x1B000] =	vst v63  }
0x377: {  	v5 =	vld [tilespmem:s31+$0xFFFFFFD0]  }
0x378: {  	s0 =	simm.s32 $0x12040;
	v9 =	vld [tilespmem:s31+$0x0]  }
0x379: {  	v2 =	vld [tilespmem:s0+$0x0]  }
0x37a: {  	v10 =	vld [tilespmem:s31+$0xFFFFFFE0]  }
0x37b: {  	v11 =	vld [tilespmem:s31+$0xFFFFFFC0]  }
0x37c: {  	v13 =	vld [tilespmem:s31+$0xFFFFFFA0];
	v4 =	vadd.f32 v5, v5  }
0x37d: {  	v12 =	vld [tilespmem:s31+$0xFFFFFFB0]  }
0x37e: {  	v3 =	vld [tilespmem:s0+$0xFFFFFFF0];
	v7 =	vadd.f32 $-1.000000000e+00, v4  }
0x37f: {  	v6 =	vld [tilespmem:s0+$0x30]  }
0x380: {  	v8 =	vadd.f32 v9, v9;
	v15 =	vadd.f32 v11, v11;
	v4 =	vld [tilespmem:s31+$0xFFFFFF90];
	v2 =	vmul.f32 v7, v2  }
0x381: {  	v14 =	vld [tilespmem:s0+$0x10];
	v17 =	vadd.f32 v10, v10;
	v18 =	vadd.f32 v13, v13  }
0x382: {  	v21 =	vadd.f32 v12, v12;
	v2 =	vsub.f32 $1.000000000e+00, v2  }
0x383: {  	v11 =	vmul.f32 $1.024000000e+03, v11;
	v15 =	vadd.f32 $-1.000000000e+00, v15;
	v7 =	vadd.f32 $-1.000000000e+00, v8;
	v8 =	vld [tilespmem:s0+$0xFFFFFFD0]  }
0x384: {  	v18 =	vadd.f32 $-1.000000000e+00, v18;
	v17 =	vadd.f32 $-1.000000000e+00, v17;
	v20 =	vmul.f32 $6.400000000e+01, v2  }
0x385: {  	v16 =	vld [tilespmem:s0+$0xFFFFFFC0];
	v15 =	vmul.f32 v15, v3;
	v6 =	vmul.f32 v7, v6;
	v19 =	vadd.f32 v4, v4  }
0x386: {  	v14 =	vmul.f32 v17, v14;
	v17 =	vmul.f32 $1.024000000e+03, v10;
	v20 =	vadd.f32 $1.792000000e+04, v20  }
0x387: {  	v7 =	vmul.f32 $1.024000000e+03, v12;
	v3 =	vsub.f32 $1.000000000e+00, v6;
	v19 =	vadd.f32 $-1.000000000e+00, v19  }
0x388: {  	v18 =	vmul.f32 v18, v8;
	v8 =	vsub.f32 $1.000000000e+00, v15;
	v6 =	vmax.f32 v20, $1.740800000e+04  }
0x389: {  	v20 =	vmul.f32 $1.024000000e+03, v5;
	v15 =	vmin.f32 v6, $1.843100000e+04;
	v6 =	vsub.f32 $1.000000000e+00, v14  }
0x38a: {  	v19 =	vmul.f32 v19, v16;
	v10 =	vsub.f32 $1.000000000e+00, v18;
	v12 =	vmul.f32 $6.400000000e+01, v8  }
0x38b: {  	v22 =	vld [tilespmem:s0+$0xFFFFFFE0];
	v21 =	vadd.f32 $-1.000000000e+00, v21;
	v14 =	vsub.f32 v15, v20;
	v15 =	vmul.f32 $6.400000000e+01, v6  }
0x38c: {  	v5 =	vsub.f32 $1.000000000e+00, v19;
	v19 =	vmul.f32 $6.400000000e+01, v10;
	v20 =	vadd.f32 $1.792000000e+04, v12  }
0x38d: {  	v16 =	vmul.f32 $6.400000000e+01, v3;
	v18 =	vmul.f32 $1.024000000e+03, v13;
	v13 =	vadd.f32 $1.792000000e+04, v15  }
0x38e: {  	v12 =	vmul.f32 $1.024000000e+03, v9;
	v19 =	vadd.f32 $1.792000000e+04, v19;
	v20 =	vmax.f32 v20, $1.740800000e+04  }
0x38f: {  	v15 =	vmul.f32 $6.400000000e+01, v5;
	v23 =	vmin.f32 v20, $1.843100000e+04;
	v24 =	vmax.f32 v13, $1.740800000e+04;
	v13 =	vld [tilespmem:s31+$0xFFFFFFF0]  }
0x390: {  	s5 =	simm.s32 $0x0;
	s6 =	sadd.s32 $0x80, s31;
	v9 =	vld [tilespmem:s0+$0x20];
	v20 =	vmul.f32 v21, v22;
	v21 =	vsub.f32 v23, v11;
	v22 =	vmin.f32 v24, $1.843100000e+04  }
.LBB2_31:
0x391: {  	v11 =	vld [tilespmem:s6+$0x0];
	s5 =	sadd.s32 $0x80, s5;
	v19 =	vmax.f32 v19, $1.740800000e+04;
	v17 =	vsub.f32 v22, v17;
	v16 =	vadd.f32 $1.792000000e+04, v16;
	s0 =	sadd.s32 $0x80, s0  }
0x392: {  	v22 =	vld [tilespmem:s0+$0x20];
	p0 =	slt.u32 s5, $0x1F80;
	v19 =	vmin.f32 v19, $1.843100000e+04;
	v20 =	vsub.f32 $1.000000000e+00, v20;
	v21 =	vtrunc.f32 v21  }
0x393: {  	v23 =	vld [tilespmem:s0+$0xFFFFFFF0];
	v18 =	vsub.f32 v19, v18;
	v19 =	vcvt.f32.s32 v21;
	v17 =	vtrunc.f32 v17  }
0x394: {  	v16 =	vmax.f32 v16, $1.740800000e+04;
	v21 =	vld [tilespmem:s0+$0x10];
	v17 =	vcvt.f32.s32 v17;
	v24 =	vadd.f32 v13, v13  }
0x395: {  	v26 =	vmul.f32 $6.400000000e+01, v20;
	v25 =	vld [tilespmem:s0+$0x0];
	v18 =	vtrunc.f32 v18;
	v27 =	vadd.s32 $0x800, v19  }
0x396: {  	v28 =	vld [tilespmem:s0+$0xFFFFFFC0];
	v29 =	vadd.f32 v11, v11;
	v30 =	vadd.s32 $0x800, v17;
	v24 =	vadd.f32 $-1.000000000e+00, v24  }
0x397: {  	v16 =	vmin.f32 v16, $1.843100000e+04;
	v18 =	vcvt.f32.s32 v18;
	v26 =	vadd.f32 $1.792000000e+04, v26;
	v31 =	vld [tilespmem:s0+$0x30]  }
0x398: {  	v14 =	vtrunc.f32 v14;
	v32 =	vld [tilespmem:s6+$0xFFFFFFE0];
	v29 =	vadd.f32 $-1.000000000e+00, v29;
	v24 =	vmul.f32 v24, v9;
	v9 =	vmovc v22  }
0x399: {  	v14 =	vcvt.f32.s32 v14;
	v33 =	vadd.s32 $0x800, v18;
	v26 =	vmax.f32 v26, $1.740800000e+04;
	v22 =	vld [tilespmem:s6+$0xFFFFFFD0]  }
0x39a: {  	v12 =	vsub.f32 v16, v12;
	v26 =	vmin.f32 v26, $1.843100000e+04;
	v34 =	vld [tilespmem:s6+$0xFFFFFFB0];
	v24 =	vsub.f32 $1.000000000e+00, v24  }
0x39b: {  	v13 =	vmul.f32 $1.024000000e+03, v13;
	v7 =	vsub.f32 v26, v7;
	v26 =	vadd.s32 $0x800, v14;
	v16 =	vld [tilespmem:s0+$0xFFFFFFD0]  }
0x39c: {  	v15 =	vadd.f32 $1.792000000e+04, v15;
	v29 =	vmul.f32 v29, v31;
	[tilespmem:v19+s25+$0x0] =	vst.idx.add.f32.msk $0xffff, v1;
	v19 =	vmul.f32 $6.400000000e+01, v24  }
0x39d: {  	v35 =	vmul.f32 $1.024000000e+03, v4;
	v4 =	vtrunc.f32 v7;
	v31 =	vld [tilespmem:s6+$0xFFFFFFC0]  }
0x39e: {  	v15 =	vmax.f32 v15, $1.740800000e+04;
	v36 =	vcvt.f32.s32 v4;
	v7 =	vadd.f32 v22, v22;
	[tilespmem:v17+s25+$0x0] =	vst.idx.add.f32.msk $0xffff, v1  }
0x39f: {  	v15 =	vmin.f32 v15, $1.843100000e+04;
	v12 =	vtrunc.f32 v12;
	v17 =	vadd.f32 $1.792000000e+04, v19;
	v4 =	vld [tilespmem:s6+$0xFFFFFF90]  }
0x3a0: {  	v15 =	vsub.f32 v15, v35;
	v35 =	vadd.s32 $0x800, v36;
	v19 =	vld [tilespmem:s6+$0xFFFFFFA0];
	v37 =	vadd.f32 $-1.000000000e+00, v7  }
0x3a1: {  	v12 =	vcvt.f32.s32 v12;
	v7 =	vmul.f32 $1.024000000e+03, v34;
	v17 =	vmax.f32 v17, $1.740800000e+04;
	[tilespmem:v18+s25+$0x0] =	vst.idx.add.f32.msk $0xffff, v1  }
0x3a2: {  	v15 =	vtrunc.f32 v15;
	v18 =	vmul.f32 v37, v25;
	[tilespmem:v27+s25+$0x0] =	vst.idx.add.f32.msk $0xffff, v8;
	v8 =	vmin.f32 v17, $1.843100000e+04  }
0x3a3: {  	v15 =	vcvt.f32.s32 v15;
	v17 =	vadd.f32 v31, v31;
	[tilespmem:v33+s25+$0x0] =	vst.idx.add.f32.msk $0xffff, v10;
	v8 =	vsub.f32 v8, v13  }
0x3a4: {  	v13 =	vadd.f32 v32, v32;
	v10 =	vsub.f32 $1.000000000e+00, v18;
	[tilespmem:v14+s25+$0x0] =	vst.idx.add.f32.msk $0xffff, v1;
	v14 =	vadd.s32 $0x800, v12  }
0x3a5: {  	v25 =	vadd.s32 $0x800, v15;
	v17 =	vadd.f32 $-1.000000000e+00, v17;
	v18 =	vadd.f32 v19, v19;
	[tilespmem:v30+s25+$0x0] =	vst.idx.add.f32.msk $0xffff, v6  }
0x3a6: {  	v6 =	vadd.f32 v4, v4;
	v8 =	vtrunc.f32 v8;
	v27 =	vld [tilespmem:s0+$0xFFFFFFE0];
	v30 =	vmul.f32 $6.400000000e+01, v10  }
0x3a7: {  	v13 =	vadd.f32 $-1.000000000e+00, v13;
	v17 =	vmul.f32 v17, v23;
	v18 =	vadd.f32 $-1.000000000e+00, v18;
	[tilespmem:v12+s25+$0x0] =	vst.idx.add.f32.msk $0xffff, v1  }
0x3a8: {  	v23 =	vcvt.f32.s32 v8;
	v6 =	vadd.f32 $-1.000000000e+00, v6;
	v12 =	vadd.f32 $1.792000000e+04, v30;
	[tilespmem:v26+s25+$0x0] =	vst.idx.add.f32.msk $0xffff, v2;
	v2 =	vmovc v10  }
0x3a9: {  	v13 =	vmul.f32 v13, v21;
	v10 =	vmul.f32 v18, v16;
	v18 =	vsub.f32 $1.000000000e+00, v29;
	[tilespmem:v36+s25+$0x0] =	vst.idx.add.f32.msk $0xffff, v1  }
0x3aa: {  	v21 =	vmul.f32 v6, v28;
	v6 =	vmax.f32 v12, $1.740800000e+04;
	v12 =	vmul.f32 $1.024000000e+03, v22;
	[tilespmem:v15+s25+$0x0] =	vst.idx.add.f32.msk $0xffff, v1  }
0x3ab: {  	v8 =	vsub.f32 $1.000000000e+00, v17;
	v15 =	vmin.f32 v6, $1.843100000e+04;
	[tilespmem:v35+s25+$0x0] =	vst.idx.add.f32.msk $0xffff, v20;
	v20 =	vadd.s32 $0x800, v23  }
0x3ac: {  	v17 =	vmul.f32 $1.024000000e+03, v32;
	v6 =	vsub.f32 $1.000000000e+00, v13;
	v16 =	vmul.f32 $6.400000000e+01, v18;
	[tilespmem:v25+s25+$0x0] =	vst.idx.add.f32.msk $0xffff, v5  }
0x3ad: {  	v22 =	vmul.f32 $6.400000000e+01, v8;
	v10 =	vsub.f32 $1.000000000e+00, v10;
	v13 =	vadd.f32 v34, v34;
	[tilespmem:v14+s25+$0x0] =	vst.idx.add.f32.msk $0xffff, v3;
	v3 =	vmovc v18  }
0x3ae: {  	v5 =	vsub.f32 $1.000000000e+00, v21;
	v14 =	vsub.f32 v15, v12;
	v15 =	vmul.f32 $6.400000000e+01, v6;
	[tilespmem:v23+s25+$0x0] =	vst.idx.add.f32.msk $0xffff, v1  }
.Ltmp14:
0x3af: {  	v22 =	vadd.f32 $1.792000000e+04, v22;
	v21 =	vmul.f32 $6.400000000e+01, v10;
	v12 =	vmul.f32 $1.024000000e+03, v11;
	(pc) =	sbr.rel @p0 .LBB2_31-.Ltmp14, $4  }
0x3b0: {  	v18 =	vmul.f32 $1.024000000e+03, v19;
	v11 =	vmul.f32 $1.024000000e+03, v31;
	v23 =	vadd.f32 $1.792000000e+04, v15;
	[tilespmem:v20+s25+$0x0] =	vst.idx.add.f32.msk $0xffff, v24  }
0x3b1: {  	v19 =	vadd.f32 $1.792000000e+04, v21;
	v20 =	vadd.f32 $-1.000000000e+00, v13;
	v13 =	vmax.f32 v22, $1.740800000e+04  }
0x3b2: {  	v15 =	vmul.f32 $6.400000000e+01, v5;
	v21 =	vmin.f32 v13, $1.843100000e+04;
	v22 =	vmax.f32 v23, $1.740800000e+04;
	v13 =	vld [tilespmem:s6+$0xFFFFFFF0]  }
0x3b3: {  	v20 =	vmul.f32 v20, v27;
	v21 =	vsub.f32 v21, v11;
	v22 =	vmin.f32 v22, $1.843100000e+04;
	s6 =	sadd.s32 $0x80, s6  }
0x3b4: {  	_ = 	snop  }
0x3b5: {  	v11 =	vmax.f32 v19, $1.740800000e+04  }
0x3b6: {  	v17 =	vsub.f32 v22, v17;
	v16 =	vadd.f32 $1.792000000e+04, v16;
	v14 =	vtrunc.f32 v14  }
0x3b7: {  	v15 =	vadd.f32 $1.792000000e+04, v15;
	v4 =	vmul.f32 $1.024000000e+03, v4;
	v51 =	vadd.f32 v13, v13  }
0x3b8: {  	v11 =	vmin.f32 v11, $1.843100000e+04;
	v49 =	vsub.f32 $1.000000000e+00, v20;
	v50 =	vtrunc.f32 v21  }
0x3b9: {  	v14 =	vcvt.f32.s32 v14;
	v11 =	vsub.f32 v11, v18;
	v18 =	vadd.f32 $-1.000000000e+00, v51  }
0x3ba: {  	v17 =	vtrunc.f32 v17;
	v20 =	vcvt.f32.s32 v50;
	v16 =	vmax.f32 v16, $1.740800000e+04  }
0x3bb: {  	v15 =	vmax.f32 v15, $1.740800000e+04;
	v17 =	vcvt.f32.s32 v17;
	v9 =	vmul.f32 v18, v9  }
0x3bc: {  	v52 =	vmul.f32 $6.400000000e+01, v49;
	v16 =	vmin.f32 v16, $1.843100000e+04;
	v15 =	vmin.f32 v15, $1.843100000e+04  }
0x3bd: {  	v56 =	vadd.s32 $0x800, v14;
	v57 =	vmul.f32 $1.024000000e+03, v13;
	v9 =	vsub.f32 $1.000000000e+00, v9  }
0x3be: {  	v11 =	vtrunc.f32 v11;
	v53 =	vadd.s32 $0x800, v20;
	v12 =	vsub.f32 v16, v12  }
0x3bf: {  	v4 =	vsub.f32 v15, v4;
	v21 =	vadd.f32 $1.792000000e+04, v52;
	v55 =	vmul.f32 $6.400000000e+01, v9  }
0x3c0: {  	v11 =	vcvt.f32.s32 v11;
	v23 =	vadd.s32 $0x800, v17;
	v12 =	vtrunc.f32 v12;
	[tilespmem:v14+s25+$0x0] =	vst.idx.add.f32.msk $0xffff, v1  }
0x3c1: {  	v4 =	vtrunc.f32 v4;
	v21 =	vmax.f32 v21, $1.740800000e+04;
	[tilespmem:v20+s25+$0x0] =	vst.idx.add.f32.msk $0xffff, v1;
	v16 =	vadd.f32 $1.792000000e+04, v55  }
0x3c2: {  	v54 =	vadd.s32 $0x800, v11;
	v12 =	vcvt.f32.s32 v12;
	v21 =	vmin.f32 v21, $1.843100000e+04;
	[tilespmem:v56+s25+$0x0] =	vst.idx.add.f32.msk $0xffff, v2  }
0x3c3: {  	v4 =	vcvt.f32.s32 v4;
	v7 =	vsub.f32 v21, v7;
	[tilespmem:v17+s25+$0x0] =	vst.idx.add.f32.msk $0xffff, v1;
	v58 =	vmax.f32 v16, $1.740800000e+04  }
0x3c4: {  	[tilespmem:v53+s25+$0x0] =	vst.idx.add.f32.msk $0xffff, v8;
	v59 =	vmin.f32 v58, $1.843100000e+04  }
0x3c5: {  	v61 =	vadd.s32 $0x800, v4;
	[tilespmem:v23+s25+$0x0] =	vst.idx.add.f32.msk $0xffff, v6;
	v7 =	vtrunc.f32 v7;
	v8 =	vsub.f32 v59, v57  }
0x3c6: {  	v62 =	vadd.s32 $0x800, v12;
	[tilespmem:v11+s25+$0x0] =	vst.idx.add.f32.msk $0xffff, v1;
	v7 =	vcvt.f32.s32 v7  }
0x3c7: {  	[tilespmem:v54+s25+$0x0] =	vst.idx.add.f32.msk $0xffff, v10;
	v8 =	vtrunc.f32 v8  }
0x3c8: {  	[tilespmem:v12+s25+$0x0] =	vst.idx.add.f32.msk $0xffff, v1;
	v60 =	vadd.s32 $0x800, v7;
	v2 =	vcvt.f32.s32 v8  }
0x3c9: {  	s30 =	sadd.s32 $0x1, s30;
	[tilespmem:v4+s25+$0x0] =	vst.idx.add.f32.msk $0xffff, v1  }
0x3ca: {  	p0 =	sne.s32 s30, $0x4;
	[tilespmem:v61+s25+$0x0] =	vst.idx.add.f32.msk $0xffff, v5;
	v63 =	vadd.s32 $0x800, v2  }
.Ltmp15:
0x3cb: {  	[tilespmem:v62+s25+$0x0] =	vst.idx.add.f32.msk $0xffff, v3;
	(pc) =	sbr.rel @p0 .LBB2_28-.Ltmp15, $4  }
0x3cc: {  	[tilespmem:v7+s25+$0x0] =	vst.idx.add.f32.msk $0xffff, v1  }
0x3cd: {  	[tilespmem:v60+s25+$0x0] =	vst.idx.add.f32.msk $0xffff, v49  }
0x3ce: {  	[tilespmem:v2+s25+$0x0] =	vst.idx.add.f32.msk $0xffff, v1  }
0x3cf: {  	s1 =	sadd.s32 $0x4000, s1;
	s31 =	sadd.s32 $0x4000, s31;
	[tilespmem:v63+s25+$0x0] =	vst.idx.add.f32.msk $0xffff, v9  }
0x3d0: {  	s30 =	simm.s32 $0x0;
	s1 =	simm.s32 $0x40;
	s31 =	simm.s32 $0x2070  }
.LBB2_34:
0x3d1: {  	s0 =	sshll.u32 s30, $0xE  }
0x3d2: {  	s5 =	sor.u32 s15, s0  }
0x3d3: {  	_ =	swait.ge [sflag:s23], $0x2000;
	s5 =	sor.u32 $0x2000, s5  }
0x3d4: {  	[sflag:s23] =	ssyncset.done $0x0;
	s5 =	sshrl.u32 s5, $0x3  }
0x3d5: {  	[sflag:s23] =	ssyncadd.s32 $0xFFFFE000;
	s5 =	sadd.s32 s4, s5  }
0x3d6: {  	[tilespmem:s24], [sflag:$0x3] =	stream.linear.gather [hbm4b:s5+s2], $0x2000, $0x38;
	[tilespmem:$0x1B000] =	vst v63  }
0x3d7: {  	v5 =	vld [tilespmem:s1+$0x0]  }
0x3d8: {  	s5 =	simm.s32 $0x10040;
	v9 =	vld [tilespmem:s1+$0x30]  }
0x3d9: {  	v2 =	vld [tilespmem:s5+$0x0]  }
0x3da: {  	v10 =	vld [tilespmem:s1+$0x10]  }
0x3db: {  	v11 =	vld [tilespmem:s1+$0xFFFFFFF0]  }
0x3dc: {  	v13 =	vld [tilespmem:s1+$0xFFFFFFD0];
	v4 =	vadd.f32 v5, v5  }
0x3dd: {  	v12 =	vld [tilespmem:s1+$0xFFFFFFE0]  }
0x3de: {  	v3 =	vld [tilespmem:s5+$0xFFFFFFF0];
	v7 =	vadd.f32 $-1.000000000e+00, v4  }
0x3df: {  	v6 =	vld [tilespmem:s5+$0x30]  }
0x3e0: {  	v8 =	vadd.f32 v9, v9;
	v15 =	vadd.f32 v11, v11;
	v4 =	vld [tilespmem:s1+$0xFFFFFFC0];
	v2 =	vmul.f32 v7, v2  }
0x3e1: {  	v14 =	vld [tilespmem:s5+$0x10];
	v17 =	vadd.f32 v10, v10;
	v18 =	vadd.f32 v13, v13  }
0x3e2: {  	v21 =	vadd.f32 v12, v12;
	v2 =	vsub.f32 $1.000000000e+00, v2  }
0x3e3: {  	v11 =	vmul.f32 $1.024000000e+03, v11;
	v15 =	vadd.f32 $-1.000000000e+00, v15;
	v7 =	vadd.f32 $-1.000000000e+00, v8;
	v8 =	vld [tilespmem:s5+$0xFFFFFFD0]  }
0x3e4: {  	v18 =	vadd.f32 $-1.000000000e+00, v18;
	v17 =	vadd.f32 $-1.000000000e+00, v17;
	v20 =	vmul.f32 $6.400000000e+01, v2  }
0x3e5: {  	v16 =	vld [tilespmem:s5+$0xFFFFFFC0];
	v15 =	vmul.f32 v15, v3;
	v6 =	vmul.f32 v7, v6;
	v19 =	vadd.f32 v4, v4  }
0x3e6: {  	v14 =	vmul.f32 v17, v14;
	v17 =	vmul.f32 $1.024000000e+03, v10;
	v20 =	vadd.f32 $2.201600000e+04, v20  }
0x3e7: {  	v7 =	vmul.f32 $1.024000000e+03, v12;
	v3 =	vsub.f32 $1.000000000e+00, v6;
	v19 =	vadd.f32 $-1.000000000e+00, v19  }
0x3e8: {  	v18 =	vmul.f32 v18, v8;
	v8 =	vsub.f32 $1.000000000e+00, v15;
	v6 =	vmax.f32 v20, $2.150400000e+04  }
0x3e9: {  	v20 =	vmul.f32 $1.024000000e+03, v5;
	v15 =	vmin.f32 v6, $2.252700000e+04;
	v6 =	vsub.f32 $1.000000000e+00, v14  }
0x3ea: {  	v19 =	vmul.f32 v19, v16;
	v10 =	vsub.f32 $1.000000000e+00, v18;
	v12 =	vmul.f32 $6.400000000e+01, v8  }
0x3eb: {  	v22 =	vld [tilespmem:s5+$0xFFFFFFE0];
	v21 =	vadd.f32 $-1.000000000e+00, v21;
	v14 =	vsub.f32 v15, v20;
	v15 =	vmul.f32 $6.400000000e+01, v6  }
0x3ec: {  	v5 =	vsub.f32 $1.000000000e+00, v19;
	v19 =	vmul.f32 $6.400000000e+01, v10;
	v20 =	vadd.f32 $2.201600000e+04, v12  }
0x3ed: {  	v16 =	vmul.f32 $6.400000000e+01, v3;
	v18 =	vmul.f32 $1.024000000e+03, v13;
	v13 =	vadd.f32 $2.201600000e+04, v15  }
0x3ee: {  	v12 =	vmul.f32 $1.024000000e+03, v9;
	v19 =	vadd.f32 $2.201600000e+04, v19;
	v20 =	vmax.f32 v20, $2.150400000e+04  }
0x3ef: {  	v15 =	vmul.f32 $6.400000000e+01, v5;
	v23 =	vmin.f32 v20, $2.252700000e+04;
	v24 =	vmax.f32 v13, $2.150400000e+04;
	v13 =	vld [tilespmem:s1+$0x20]  }
0x3f0: {  	s6 =	simm.s32 $0x0;
	s19 =	sadd.s32 $0x80, s1;
	v9 =	vld [tilespmem:s5+$0x20];
	v20 =	vmul.f32 v21, v22;
	v21 =	vsub.f32 v23, v11;
	v22 =	vmin.f32 v24, $2.252700000e+04  }
.LBB2_35:
0x3f1: {  	v11 =	vld [tilespmem:s19+$0x30];
	s6 =	sadd.s32 $0x80, s6;
	v19 =	vmax.f32 v19, $2.150400000e+04;
	v17 =	vsub.f32 v22, v17;
	v16 =	vadd.f32 $2.201600000e+04, v16;
	s5 =	sadd.s32 $0x80, s5  }
0x3f2: {  	v22 =	vld [tilespmem:s5+$0x20];
	p0 =	slt.u32 s6, $0x1F80;
	v19 =	vmin.f32 v19, $2.252700000e+04;
	v20 =	vsub.f32 $1.000000000e+00, v20;
	v21 =	vtrunc.f32 v21  }
0x3f3: {  	v23 =	vld [tilespmem:s5+$0xFFFFFFF0];
	v18 =	vsub.f32 v19, v18;
	v19 =	vcvt.f32.s32 v21;
	v17 =	vtrunc.f32 v17  }
0x3f4: {  	v16 =	vmax.f32 v16, $2.150400000e+04;
	v21 =	vld [tilespmem:s5+$0x10];
	v17 =	vcvt.f32.s32 v17;
	v24 =	vadd.f32 v13, v13  }
0x3f5: {  	v26 =	vmul.f32 $6.400000000e+01, v20;
	v25 =	vld [tilespmem:s5+$0x0];
	v18 =	vtrunc.f32 v18;
	v27 =	vadd.s32 $0x800, v19  }
0x3f6: {  	v28 =	vld [tilespmem:s5+$0xFFFFFFC0];
	v29 =	vadd.f32 v11, v11;
	v30 =	vadd.s32 $0x800, v17;
	v24 =	vadd.f32 $-1.000000000e+00, v24  }
0x3f7: {  	v16 =	vmin.f32 v16, $2.252700000e+04;
	v18 =	vcvt.f32.s32 v18;
	v26 =	vadd.f32 $2.201600000e+04, v26;
	v31 =	vld [tilespmem:s5+$0x30]  }
0x3f8: {  	v14 =	vtrunc.f32 v14;
	v32 =	vld [tilespmem:s19+$0x10];
	v29 =	vadd.f32 $-1.000000000e+00, v29;
	v24 =	vmul.f32 v24, v9;
	v9 =	vmovc v22  }
0x3f9: {  	v14 =	vcvt.f32.s32 v14;
	v33 =	vadd.s32 $0x800, v18;
	v26 =	vmax.f32 v26, $2.150400000e+04;
	v22 =	vld [tilespmem:s19+$0x0]  }
0x3fa: {  	v12 =	vsub.f32 v16, v12;
	v26 =	vmin.f32 v26, $2.252700000e+04;
	v34 =	vld [tilespmem:s19+$0xFFFFFFE0];
	v24 =	vsub.f32 $1.000000000e+00, v24  }
0x3fb: {  	v13 =	vmul.f32 $1.024000000e+03, v13;
	v7 =	vsub.f32 v26, v7;
	v26 =	vadd.s32 $0x800, v14;
	v16 =	vld [tilespmem:s5+$0xFFFFFFD0]  }
0x3fc: {  	v15 =	vadd.f32 $2.201600000e+04, v15;
	v29 =	vmul.f32 v29, v31;
	[tilespmem:v19+s25+$0x0] =	vst.idx.add.f32.msk $0xffff, v1;
	v19 =	vmul.f32 $6.400000000e+01, v24  }
0x3fd: {  	v35 =	vmul.f32 $1.024000000e+03, v4;
	v4 =	vtrunc.f32 v7;
	v31 =	vld [tilespmem:s19+$0xFFFFFFF0]  }
0x3fe: {  	v15 =	vmax.f32 v15, $2.150400000e+04;
	v36 =	vcvt.f32.s32 v4;
	v7 =	vadd.f32 v22, v22;
	[tilespmem:v17+s25+$0x0] =	vst.idx.add.f32.msk $0xffff, v1  }
0x3ff: {  	v15 =	vmin.f32 v15, $2.252700000e+04;
	v12 =	vtrunc.f32 v12;
	v17 =	vadd.f32 $2.201600000e+04, v19;
	v4 =	vld [tilespmem:s19+$0xFFFFFFC0]  }
0x400: {  	v15 =	vsub.f32 v15, v35;
	v35 =	vadd.s32 $0x800, v36;
	v19 =	vld [tilespmem:s19+$0xFFFFFFD0];
	v37 =	vadd.f32 $-1.000000000e+00, v7  }
0x401: {  	v12 =	vcvt.f32.s32 v12;
	v7 =	vmul.f32 $1.024000000e+03, v34;
	v17 =	vmax.f32 v17, $2.150400000e+04;
	[tilespmem:v18+s25+$0x0] =	vst.idx.add.f32.msk $0xffff, v1  }
0x402: {  	v15 =	vtrunc.f32 v15;
	v18 =	vmul.f32 v37, v25;
	[tilespmem:v27+s25+$0x0] =	vst.idx.add.f32.msk $0xffff, v8;
	v8 =	vmin.f32 v17, $2.252700000e+04  }
0x403: {  	v15 =	vcvt.f32.s32 v15;
	v17 =	vadd.f32 v31, v31;
	[tilespmem:v33+s25+$0x0] =	vst.idx.add.f32.msk $0xffff, v10;
	v8 =	vsub.f32 v8, v13  }
0x404: {  	v13 =	vadd.f32 v32, v32;
	v10 =	vsub.f32 $1.000000000e+00, v18;
	[tilespmem:v14+s25+$0x0] =	vst.idx.add.f32.msk $0xffff, v1;
	v14 =	vadd.s32 $0x800, v12  }
0x405: {  	v25 =	vadd.s32 $0x800, v15;
	v17 =	vadd.f32 $-1.000000000e+00, v17;
	v18 =	vadd.f32 v19, v19;
	[tilespmem:v30+s25+$0x0] =	vst.idx.add.f32.msk $0xffff, v6  }
0x406: {  	v6 =	vadd.f32 v4, v4;
	v8 =	vtrunc.f32 v8;
	v27 =	vld [tilespmem:s5+$0xFFFFFFE0];
	v30 =	vmul.f32 $6.400000000e+01, v10  }
0x407: {  	v13 =	vadd.f32 $-1.000000000e+00, v13;
	v17 =	vmul.f32 v17, v23;
	v18 =	vadd.f32 $-1.000000000e+00, v18;
	[tilespmem:v12+s25+$0x0] =	vst.idx.add.f32.msk $0xffff, v1  }
0x408: {  	v23 =	vcvt.f32.s32 v8;
	v6 =	vadd.f32 $-1.000000000e+00, v6;
	v12 =	vadd.f32 $2.201600000e+04, v30;
	[tilespmem:v26+s25+$0x0] =	vst.idx.add.f32.msk $0xffff, v2;
	v2 =	vmovc v10  }
0x409: {  	v13 =	vmul.f32 v13, v21;
	v10 =	vmul.f32 v18, v16;
	v18 =	vsub.f32 $1.000000000e+00, v29;
	[tilespmem:v36+s25+$0x0] =	vst.idx.add.f32.msk $0xffff, v1  }
0x40a: {  	v21 =	vmul.f32 v6, v28;
	v6 =	vmax.f32 v12, $2.150400000e+04;
	v12 =	vmul.f32 $1.024000000e+03, v22;
	[tilespmem:v15+s25+$0x0] =	vst.idx.add.f32.msk $0xffff, v1  }
0x40b: {  	v8 =	vsub.f32 $1.000000000e+00, v17;
	v15 =	vmin.f32 v6, $2.252700000e+04;
	[tilespmem:v35+s25+$0x0] =	vst.idx.add.f32.msk $0xffff, v20;
	v20 =	vadd.s32 $0x800, v23  }
0x40c: {  	v17 =	vmul.f32 $1.024000000e+03, v32;
	v6 =	vsub.f32 $1.000000000e+00, v13;
	v16 =	vmul.f32 $6.400000000e+01, v18;
	[tilespmem:v25+s25+$0x0] =	vst.idx.add.f32.msk $0xffff, v5  }
0x40d: {  	v22 =	vmul.f32 $6.400000000e+01, v8;
	v10 =	vsub.f32 $1.000000000e+00, v10;
	v13 =	vadd.f32 v34, v34;
	[tilespmem:v14+s25+$0x0] =	vst.idx.add.f32.msk $0xffff, v3;
	v3 =	vmovc v18  }
0x40e: {  	v5 =	vsub.f32 $1.000000000e+00, v21;
	v14 =	vsub.f32 v15, v12;
	v15 =	vmul.f32 $6.400000000e+01, v6;
	[tilespmem:v23+s25+$0x0] =	vst.idx.add.f32.msk $0xffff, v1  }
.Ltmp16:
0x40f: {  	v22 =	vadd.f32 $2.201600000e+04, v22;
	v21 =	vmul.f32 $6.400000000e+01, v10;
	v12 =	vmul.f32 $1.024000000e+03, v11;
	(pc) =	sbr.rel @p0 .LBB2_35-.Ltmp16, $4  }
0x410: {  	v18 =	vmul.f32 $1.024000000e+03, v19;
	v11 =	vmul.f32 $1.024000000e+03, v31;
	v23 =	vadd.f32 $2.201600000e+04, v15;
	[tilespmem:v20+s25+$0x0] =	vst.idx.add.f32.msk $0xffff, v24  }
0x411: {  	v19 =	vadd.f32 $2.201600000e+04, v21;
	v20 =	vadd.f32 $-1.000000000e+00, v13;
	v13 =	vmax.f32 v22, $2.150400000e+04  }
0x412: {  	v15 =	vmul.f32 $6.400000000e+01, v5;
	v21 =	vmin.f32 v13, $2.252700000e+04;
	v22 =	vmax.f32 v23, $2.150400000e+04;
	v13 =	vld [tilespmem:s19+$0x20]  }
0x413: {  	v20 =	vmul.f32 v20, v27;
	v21 =	vsub.f32 v21, v11;
	v22 =	vmin.f32 v22, $2.252700000e+04;
	s19 =	sadd.s32 $0x80, s19  }
0x414: {  	_ = 	snop  }
0x415: {  	v11 =	vmax.f32 v19, $2.150400000e+04  }
0x416: {  	v17 =	vsub.f32 v22, v17;
	v16 =	vadd.f32 $2.201600000e+04, v16;
	v11 =	vmin.f32 v11, $2.252700000e+04  }
0x417: {  	v14 =	vtrunc.f32 v14;
	v11 =	vsub.f32 v11, v18;
	v18 =	vadd.f32 v13, v13  }
0x418: {  	v15 =	vadd.f32 $2.201600000e+04, v15;
	v4 =	vmul.f32 $1.024000000e+03, v4;
	v19 =	vsub.f32 $1.000000000e+00, v20  }
0x419: {  	v20 =	vtrunc.f32 v21;
	v14 =	vcvt.f32.s32 v14;
	v18 =	vadd.f32 $-1.000000000e+00, v18  }
0x41a: {  	v17 =	vtrunc.f32 v17;
	v20 =	vcvt.f32.s32 v20;
	v16 =	vmax.f32 v16, $2.150400000e+04  }
0x41b: {  	v15 =	vmax.f32 v15, $2.150400000e+04;
	v17 =	vcvt.f32.s32 v17;
	v9 =	vmul.f32 v18, v9  }
0x41c: {  	v21 =	vmul.f32 $6.400000000e+01, v19;
	v16 =	vmin.f32 v16, $2.252700000e+04;
	v11 =	vtrunc.f32 v11  }
0x41d: {  	v15 =	vmin.f32 v15, $2.252700000e+04;
	v11 =	vcvt.f32.s32 v11;
	v9 =	vsub.f32 $1.000000000e+00, v9  }
0x41e: {  	v22 =	vadd.s32 $0x800, v20;
	v12 =	vsub.f32 v16, v12;
	v21 =	vadd.f32 $2.201600000e+04, v21  }
0x41f: {  	v4 =	vsub.f32 v15, v4;
	v15 =	vadd.s32 $0x800, v14;
	v16 =	vmul.f32 $6.400000000e+01, v9  }
0x420: {  	v23 =	vadd.s32 $0x800, v17;
	v12 =	vtrunc.f32 v12;
	v21 =	vmax.f32 v21, $2.150400000e+04;
	[tilespmem:v14+s25+$0x0] =	vst.idx.add.f32.msk $0xffff, v1  }
0x421: {  	v4 =	vtrunc.f32 v4;
	v21 =	vmin.f32 v21, $2.252700000e+04;
	[tilespmem:v20+s25+$0x0] =	vst.idx.add.f32.msk $0xffff, v1;
	v16 =	vadd.f32 $2.201600000e+04, v16  }
0x422: {  	v18 =	vadd.s32 $0x800, v11;
	v12 =	vcvt.f32.s32 v12;
	v7 =	vsub.f32 v21, v7;
	[tilespmem:v17+s25+$0x0] =	vst.idx.add.f32.msk $0xffff, v1  }
0x423: {  	v13 =	vmul.f32 $1.024000000e+03, v13;
	v4 =	vcvt.f32.s32 v4;
	[tilespmem:v11+s25+$0x0] =	vst.idx.add.f32.msk $0xffff, v1;
	v11 =	vmax.f32 v16, $2.150400000e+04  }
0x424: {  	[tilespmem:v22+s25+$0x0] =	vst.idx.add.f32.msk $0xffff, v8;
	v7 =	vtrunc.f32 v7;
	v8 =	vmin.f32 v11, $2.252700000e+04  }
0x425: {  	[tilespmem:v23+s25+$0x0] =	vst.idx.add.f32.msk $0xffff, v6;
	v6 =	vadd.s32 $0x800, v4;
	v7 =	vcvt.f32.s32 v7;
	v8 =	vsub.f32 v8, v13  }
0x426: {  	[tilespmem:v15+s25+$0x0] =	vst.idx.add.f32.msk $0xffff, v2  }
0x427: {  	[tilespmem:v18+s25+$0x0] =	vst.idx.add.f32.msk $0xffff, v10;
	v10 =	vadd.s32 $0x800, v7;
	v8 =	vtrunc.f32 v8  }
0x428: {  	[tilespmem:v12+s25+$0x0] =	vst.idx.add.f32.msk $0xffff, v1;
	v11 =	vadd.s32 $0x800, v12;
	v2 =	vcvt.f32.s32 v8  }
0x429: {  	[tilespmem:v4+s25+$0x0] =	vst.idx.add.f32.msk $0xffff, v1  }
0x42a: {  	[tilespmem:v6+s25+$0x0] =	vst.idx.add.f32.msk $0xffff, v5;
	v4 =	vadd.s32 $0x800, v2  }
0x42b: {  	[tilespmem:v7+s25+$0x0] =	vst.idx.add.f32.msk $0xffff, v1  }
0x42c: {  	[tilespmem:v10+s25+$0x0] =	vst.idx.add.f32.msk $0xffff, v19  }
0x42d: {  	[tilespmem:v11+s25+$0x0] =	vst.idx.add.f32.msk $0xffff, v3  }
0x42e: {  	[tilespmem:v2+s25+$0x0] =	vst.idx.add.f32.msk $0xffff, v1  }
0x42f: {  	p0 =	seq.s32 s30, $0x3;
	s0 =	sadd.s32 s0, s18;
	[tilespmem:v4+s25+$0x0] =	vst.idx.add.f32.msk $0xffff, v9  }
0x430: {  	s0 =	smov.u32 @p0 s17;
	_ =	swait.ge [sflag:s26], $0x2000  }
0x431: {  	s0 =	sshrl.u32 s0, $0x3;
	[sflag:s26] =	ssyncset.done $0x0  }
0x432: {  	s0 =	sadd.s32 s4, s0;
	[sflag:s26] =	ssyncadd.s32 $0xFFFFE000  }
0x433: {  	[tilespmem:s21], [sflag:$0x2] =	stream.linear.gather [hbm4b:s0+s2], $0x2000, $0x38;
	[tilespmem:$0x1B000] =	vst v63  }
0x434: {  	v5 =	vld [tilespmem:s31+$0xFFFFFFD0]  }
0x435: {  	s0 =	simm.s32 $0x12040;
	v9 =	vld [tilespmem:s31+$0x0]  }
0x436: {  	v2 =	vld [tilespmem:s0+$0x0]  }
0x437: {  	v10 =	vld [tilespmem:s31+$0xFFFFFFE0]  }
0x438: {  	v11 =	vld [tilespmem:s31+$0xFFFFFFC0]  }
0x439: {  	v13 =	vld [tilespmem:s31+$0xFFFFFFA0];
	v4 =	vadd.f32 v5, v5  }
0x43a: {  	v12 =	vld [tilespmem:s31+$0xFFFFFFB0]  }
0x43b: {  	v3 =	vld [tilespmem:s0+$0xFFFFFFF0];
	v7 =	vadd.f32 $-1.000000000e+00, v4  }
0x43c: {  	v6 =	vld [tilespmem:s0+$0x30]  }
0x43d: {  	v8 =	vadd.f32 v9, v9;
	v15 =	vadd.f32 v11, v11;
	v4 =	vld [tilespmem:s31+$0xFFFFFF90];
	v2 =	vmul.f32 v7, v2  }
0x43e: {  	v14 =	vld [tilespmem:s0+$0x10];
	v17 =	vadd.f32 v10, v10;
	v18 =	vadd.f32 v13, v13  }
0x43f: {  	v21 =	vadd.f32 v12, v12;
	v2 =	vsub.f32 $1.000000000e+00, v2  }
0x440: {  	v11 =	vmul.f32 $1.024000000e+03, v11;
	v15 =	vadd.f32 $-1.000000000e+00, v15;
	v7 =	vadd.f32 $-1.000000000e+00, v8;
	v8 =	vld [tilespmem:s0+$0xFFFFFFD0]  }
0x441: {  	v18 =	vadd.f32 $-1.000000000e+00, v18;
	v17 =	vadd.f32 $-1.000000000e+00, v17;
	v20 =	vmul.f32 $6.400000000e+01, v2  }
0x442: {  	v16 =	vld [tilespmem:s0+$0xFFFFFFC0];
	v15 =	vmul.f32 v15, v3;
	v6 =	vmul.f32 v7, v6;
	v19 =	vadd.f32 v4, v4  }
0x443: {  	v14 =	vmul.f32 v17, v14;
	v17 =	vmul.f32 $1.024000000e+03, v10;
	v20 =	vadd.f32 $2.201600000e+04, v20  }
0x444: {  	v7 =	vmul.f32 $1.024000000e+03, v12;
	v3 =	vsub.f32 $1.000000000e+00, v6;
	v19 =	vadd.f32 $-1.000000000e+00, v19  }
0x445: {  	v18 =	vmul.f32 v18, v8;
	v8 =	vsub.f32 $1.000000000e+00, v15;
	v6 =	vmax.f32 v20, $2.150400000e+04  }
0x446: {  	v20 =	vmul.f32 $1.024000000e+03, v5;
	v15 =	vmin.f32 v6, $2.252700000e+04;
	v6 =	vsub.f32 $1.000000000e+00, v14  }
0x447: {  	v19 =	vmul.f32 v19, v16;
	v10 =	vsub.f32 $1.000000000e+00, v18;
	v12 =	vmul.f32 $6.400000000e+01, v8  }
0x448: {  	v22 =	vld [tilespmem:s0+$0xFFFFFFE0];
	v21 =	vadd.f32 $-1.000000000e+00, v21;
	v14 =	vsub.f32 v15, v20;
	v15 =	vmul.f32 $6.400000000e+01, v6  }
0x449: {  	v5 =	vsub.f32 $1.000000000e+00, v19;
	v19 =	vmul.f32 $6.400000000e+01, v10;
	v20 =	vadd.f32 $2.201600000e+04, v12  }
0x44a: {  	v16 =	vmul.f32 $6.400000000e+01, v3;
	v18 =	vmul.f32 $1.024000000e+03, v13;
	v13 =	vadd.f32 $2.201600000e+04, v15  }
0x44b: {  	v12 =	vmul.f32 $1.024000000e+03, v9;
	v19 =	vadd.f32 $2.201600000e+04, v19;
	v20 =	vmax.f32 v20, $2.150400000e+04  }
0x44c: {  	v15 =	vmul.f32 $6.400000000e+01, v5;
	v23 =	vmin.f32 v20, $2.252700000e+04;
	v24 =	vmax.f32 v13, $2.150400000e+04;
	v13 =	vld [tilespmem:s31+$0xFFFFFFF0]  }
0x44d: {  	s5 =	simm.s32 $0x0;
	s6 =	sadd.s32 $0x80, s31;
	v9 =	vld [tilespmem:s0+$0x20];
	v20 =	vmul.f32 v21, v22;
	v21 =	vsub.f32 v23, v11;
	v22 =	vmin.f32 v24, $2.252700000e+04  }
.LBB2_37:
0x44e: {  	v11 =	vld [tilespmem:s6+$0x0];
	s5 =	sadd.s32 $0x80, s5;
	v19 =	vmax.f32 v19, $2.150400000e+04;
	v17 =	vsub.f32 v22, v17;
	v16 =	vadd.f32 $2.201600000e+04, v16;
	s0 =	sadd.s32 $0x80, s0  }
0x44f: {  	v22 =	vld [tilespmem:s0+$0x20];
	p0 =	slt.u32 s5, $0x1F80;
	v19 =	vmin.f32 v19, $2.252700000e+04;
	v20 =	vsub.f32 $1.000000000e+00, v20;
	v21 =	vtrunc.f32 v21  }
0x450: {  	v23 =	vld [tilespmem:s0+$0xFFFFFFF0];
	v18 =	vsub.f32 v19, v18;
	v19 =	vcvt.f32.s32 v21;
	v17 =	vtrunc.f32 v17  }
0x451: {  	v16 =	vmax.f32 v16, $2.150400000e+04;
	v21 =	vld [tilespmem:s0+$0x10];
	v17 =	vcvt.f32.s32 v17;
	v24 =	vadd.f32 v13, v13  }
0x452: {  	v26 =	vmul.f32 $6.400000000e+01, v20;
	v25 =	vld [tilespmem:s0+$0x0];
	v18 =	vtrunc.f32 v18;
	v27 =	vadd.s32 $0x800, v19  }
0x453: {  	v28 =	vld [tilespmem:s0+$0xFFFFFFC0];
	v29 =	vadd.f32 v11, v11;
	v30 =	vadd.s32 $0x800, v17;
	v24 =	vadd.f32 $-1.000000000e+00, v24  }
0x454: {  	v16 =	vmin.f32 v16, $2.252700000e+04;
	v18 =	vcvt.f32.s32 v18;
	v26 =	vadd.f32 $2.201600000e+04, v26;
	v31 =	vld [tilespmem:s0+$0x30]  }
0x455: {  	v14 =	vtrunc.f32 v14;
	v32 =	vld [tilespmem:s6+$0xFFFFFFE0];
	v29 =	vadd.f32 $-1.000000000e+00, v29;
	v24 =	vmul.f32 v24, v9;
	v9 =	vmovc v22  }
0x456: {  	v14 =	vcvt.f32.s32 v14;
	v33 =	vadd.s32 $0x800, v18;
	v26 =	vmax.f32 v26, $2.150400000e+04;
	v22 =	vld [tilespmem:s6+$0xFFFFFFD0]  }
0x457: {  	v12 =	vsub.f32 v16, v12;
	v26 =	vmin.f32 v26, $2.252700000e+04;
	v34 =	vld [tilespmem:s6+$0xFFFFFFB0];
	v24 =	vsub.f32 $1.000000000e+00, v24  }
0x458: {  	v13 =	vmul.f32 $1.024000000e+03, v13;
	v7 =	vsub.f32 v26, v7;
	v26 =	vadd.s32 $0x800, v14;
	v16 =	vld [tilespmem:s0+$0xFFFFFFD0]  }
0x459: {  	v15 =	vadd.f32 $2.201600000e+04, v15;
	v29 =	vmul.f32 v29, v31;
	[tilespmem:v19+s25+$0x0] =	vst.idx.add.f32.msk $0xffff, v1;
	v19 =	vmul.f32 $6.400000000e+01, v24  }
0x45a: {  	v35 =	vmul.f32 $1.024000000e+03, v4;
	v4 =	vtrunc.f32 v7;
	v31 =	vld [tilespmem:s6+$0xFFFFFFC0]  }
0x45b: {  	v15 =	vmax.f32 v15, $2.150400000e+04;
	v36 =	vcvt.f32.s32 v4;
	v7 =	vadd.f32 v22, v22;
	[tilespmem:v17+s25+$0x0] =	vst.idx.add.f32.msk $0xffff, v1  }
0x45c: {  	v15 =	vmin.f32 v15, $2.252700000e+04;
	v12 =	vtrunc.f32 v12;
	v17 =	vadd.f32 $2.201600000e+04, v19;
	v4 =	vld [tilespmem:s6+$0xFFFFFF90]  }
0x45d: {  	v15 =	vsub.f32 v15, v35;
	v35 =	vadd.s32 $0x800, v36;
	v19 =	vld [tilespmem:s6+$0xFFFFFFA0];
	v37 =	vadd.f32 $-1.000000000e+00, v7  }
0x45e: {  	v12 =	vcvt.f32.s32 v12;
	v7 =	vmul.f32 $1.024000000e+03, v34;
	v17 =	vmax.f32 v17, $2.150400000e+04;
	[tilespmem:v18+s25+$0x0] =	vst.idx.add.f32.msk $0xffff, v1  }
0x45f: {  	v15 =	vtrunc.f32 v15;
	v18 =	vmul.f32 v37, v25;
	[tilespmem:v27+s25+$0x0] =	vst.idx.add.f32.msk $0xffff, v8;
	v8 =	vmin.f32 v17, $2.252700000e+04  }
0x460: {  	v15 =	vcvt.f32.s32 v15;
	v17 =	vadd.f32 v31, v31;
	[tilespmem:v33+s25+$0x0] =	vst.idx.add.f32.msk $0xffff, v10;
	v8 =	vsub.f32 v8, v13  }
0x461: {  	v13 =	vadd.f32 v32, v32;
	v10 =	vsub.f32 $1.000000000e+00, v18;
	[tilespmem:v14+s25+$0x0] =	vst.idx.add.f32.msk $0xffff, v1;
	v14 =	vadd.s32 $0x800, v12  }
0x462: {  	v25 =	vadd.s32 $0x800, v15;
	v17 =	vadd.f32 $-1.000000000e+00, v17;
	v18 =	vadd.f32 v19, v19;
	[tilespmem:v30+s25+$0x0] =	vst.idx.add.f32.msk $0xffff, v6  }
0x463: {  	v6 =	vadd.f32 v4, v4;
	v8 =	vtrunc.f32 v8;
	v27 =	vld [tilespmem:s0+$0xFFFFFFE0];
	v30 =	vmul.f32 $6.400000000e+01, v10  }
0x464: {  	v13 =	vadd.f32 $-1.000000000e+00, v13;
	v17 =	vmul.f32 v17, v23;
	v18 =	vadd.f32 $-1.000000000e+00, v18;
	[tilespmem:v12+s25+$0x0] =	vst.idx.add.f32.msk $0xffff, v1  }
0x465: {  	v23 =	vcvt.f32.s32 v8;
	v6 =	vadd.f32 $-1.000000000e+00, v6;
	v12 =	vadd.f32 $2.201600000e+04, v30;
	[tilespmem:v26+s25+$0x0] =	vst.idx.add.f32.msk $0xffff, v2;
	v2 =	vmovc v10  }
0x466: {  	v13 =	vmul.f32 v13, v21;
	v10 =	vmul.f32 v18, v16;
	v18 =	vsub.f32 $1.000000000e+00, v29;
	[tilespmem:v36+s25+$0x0] =	vst.idx.add.f32.msk $0xffff, v1  }
0x467: {  	v21 =	vmul.f32 v6, v28;
	v6 =	vmax.f32 v12, $2.150400000e+04;
	v12 =	vmul.f32 $1.024000000e+03, v22;
	[tilespmem:v15+s25+$0x0] =	vst.idx.add.f32.msk $0xffff, v1  }
0x468: {  	v8 =	vsub.f32 $1.000000000e+00, v17;
	v15 =	vmin.f32 v6, $2.252700000e+04;
	[tilespmem:v35+s25+$0x0] =	vst.idx.add.f32.msk $0xffff, v20;
	v20 =	vadd.s32 $0x800, v23  }
0x469: {  	v17 =	vmul.f32 $1.024000000e+03, v32;
	v6 =	vsub.f32 $1.000000000e+00, v13;
	v16 =	vmul.f32 $6.400000000e+01, v18;
	[tilespmem:v25+s25+$0x0] =	vst.idx.add.f32.msk $0xffff, v5  }
0x46a: {  	v22 =	vmul.f32 $6.400000000e+01, v8;
	v10 =	vsub.f32 $1.000000000e+00, v10;
	v13 =	vadd.f32 v34, v34;
	[tilespmem:v14+s25+$0x0] =	vst.idx.add.f32.msk $0xffff, v3;
	v3 =	vmovc v18  }
0x46b: {  	v5 =	vsub.f32 $1.000000000e+00, v21;
	v14 =	vsub.f32 v15, v12;
	v15 =	vmul.f32 $6.400000000e+01, v6;
	[tilespmem:v23+s25+$0x0] =	vst.idx.add.f32.msk $0xffff, v1  }
.Ltmp17:
0x46c: {  	v22 =	vadd.f32 $2.201600000e+04, v22;
	v21 =	vmul.f32 $6.400000000e+01, v10;
	v12 =	vmul.f32 $1.024000000e+03, v11;
	(pc) =	sbr.rel @p0 .LBB2_37-.Ltmp17, $4  }
0x46d: {  	v18 =	vmul.f32 $1.024000000e+03, v19;
	v11 =	vmul.f32 $1.024000000e+03, v31;
	v23 =	vadd.f32 $2.201600000e+04, v15;
	[tilespmem:v20+s25+$0x0] =	vst.idx.add.f32.msk $0xffff, v24  }
0x46e: {  	v19 =	vadd.f32 $2.201600000e+04, v21;
	v20 =	vadd.f32 $-1.000000000e+00, v13;
	v13 =	vmax.f32 v22, $2.150400000e+04  }
0x46f: {  	v15 =	vmul.f32 $6.400000000e+01, v5;
	v21 =	vmin.f32 v13, $2.252700000e+04;
	v22 =	vmax.f32 v23, $2.150400000e+04;
	v13 =	vld [tilespmem:s6+$0xFFFFFFF0]  }
0x470: {  	v20 =	vmul.f32 v20, v27;
	v21 =	vsub.f32 v21, v11;
	v22 =	vmin.f32 v22, $2.252700000e+04;
	s6 =	sadd.s32 $0x80, s6  }
0x471: {  	_ = 	snop  }
0x472: {  	v11 =	vmax.f32 v19, $2.150400000e+04  }
0x473: {  	v17 =	vsub.f32 v22, v17;
	v16 =	vadd.f32 $2.201600000e+04, v16;
	v14 =	vtrunc.f32 v14  }
0x474: {  	v15 =	vadd.f32 $2.201600000e+04, v15;
	v4 =	vmul.f32 $1.024000000e+03, v4;
	v51 =	vadd.f32 v13, v13  }
0x475: {  	v11 =	vmin.f32 v11, $2.252700000e+04;
	v49 =	vsub.f32 $1.000000000e+00, v20;
	v50 =	vtrunc.f32 v21  }
0x476: {  	v14 =	vcvt.f32.s32 v14;
	v11 =	vsub.f32 v11, v18;
	v18 =	vadd.f32 $-1.000000000e+00, v51  }
0x477: {  	v17 =	vtrunc.f32 v17;
	v20 =	vcvt.f32.s32 v50;
	v16 =	vmax.f32 v16, $2.150400000e+04  }
0x478: {  	v15 =	vmax.f32 v15, $2.150400000e+04;
	v17 =	vcvt.f32.s32 v17;
	v9 =	vmul.f32 v18, v9  }
0x479: {  	v52 =	vmul.f32 $6.400000000e+01, v49;
	v16 =	vmin.f32 v16, $2.252700000e+04;
	v15 =	vmin.f32 v15, $2.252700000e+04  }
0x47a: {  	v56 =	vadd.s32 $0x800, v14;
	v57 =	vmul.f32 $1.024000000e+03, v13;
	v9 =	vsub.f32 $1.000000000e+00, v9  }
0x47b: {  	v11 =	vtrunc.f32 v11;
	v53 =	vadd.s32 $0x800, v20;
	v12 =	vsub.f32 v16, v12  }
0x47c: {  	v4 =	vsub.f32 v15, v4;
	v21 =	vadd.f32 $2.201600000e+04, v52;
	v55 =	vmul.f32 $6.400000000e+01, v9  }
0x47d: {  	v11 =	vcvt.f32.s32 v11;
	v23 =	vadd.s32 $0x800, v17;
	v12 =	vtrunc.f32 v12;
	[tilespmem:v14+s25+$0x0] =	vst.idx.add.f32.msk $0xffff, v1  }
0x47e: {  	v4 =	vtrunc.f32 v4;
	v21 =	vmax.f32 v21, $2.150400000e+04;
	[tilespmem:v20+s25+$0x0] =	vst.idx.add.f32.msk $0xffff, v1;
	v16 =	vadd.f32 $2.201600000e+04, v55  }
0x47f: {  	v54 =	vadd.s32 $0x800, v11;
	v12 =	vcvt.f32.s32 v12;
	v21 =	vmin.f32 v21, $2.252700000e+04;
	[tilespmem:v56+s25+$0x0] =	vst.idx.add.f32.msk $0xffff, v2  }
0x480: {  	v4 =	vcvt.f32.s32 v4;
	v7 =	vsub.f32 v21, v7;
	[tilespmem:v17+s25+$0x0] =	vst.idx.add.f32.msk $0xffff, v1;
	v58 =	vmax.f32 v16, $2.150400000e+04  }
0x481: {  	[tilespmem:v53+s25+$0x0] =	vst.idx.add.f32.msk $0xffff, v8;
	v59 =	vmin.f32 v58, $2.252700000e+04  }
0x482: {  	v61 =	vadd.s32 $0x800, v4;
	[tilespmem:v23+s25+$0x0] =	vst.idx.add.f32.msk $0xffff, v6;
	v7 =	vtrunc.f32 v7;
	v8 =	vsub.f32 v59, v57  }
0x483: {  	v62 =	vadd.s32 $0x800, v12;
	[tilespmem:v11+s25+$0x0] =	vst.idx.add.f32.msk $0xffff, v1;
	v7 =	vcvt.f32.s32 v7  }
0x484: {  	[tilespmem:v54+s25+$0x0] =	vst.idx.add.f32.msk $0xffff, v10;
	v8 =	vtrunc.f32 v8  }
0x485: {  	[tilespmem:v12+s25+$0x0] =	vst.idx.add.f32.msk $0xffff, v1;
	v60 =	vadd.s32 $0x800, v7;
	v2 =	vcvt.f32.s32 v8  }
0x486: {  	s30 =	sadd.s32 $0x1, s30;
	[tilespmem:v4+s25+$0x0] =	vst.idx.add.f32.msk $0xffff, v1  }
0x487: {  	p0 =	sne.s32 s30, $0x4;
	[tilespmem:v61+s25+$0x0] =	vst.idx.add.f32.msk $0xffff, v5;
	v63 =	vadd.s32 $0x800, v2  }
.Ltmp18:
0x488: {  	[tilespmem:v62+s25+$0x0] =	vst.idx.add.f32.msk $0xffff, v3;
	(pc) =	sbr.rel @p0 .LBB2_34-.Ltmp18, $4  }
0x489: {  	[tilespmem:v7+s25+$0x0] =	vst.idx.add.f32.msk $0xffff, v1  }
0x48a: {  	[tilespmem:v60+s25+$0x0] =	vst.idx.add.f32.msk $0xffff, v49  }
0x48b: {  	[tilespmem:v2+s25+$0x0] =	vst.idx.add.f32.msk $0xffff, v1  }
0x48c: {  	s1 =	sadd.s32 $0x4000, s1;
	s31 =	sadd.s32 $0x4000, s31;
	[tilespmem:v63+s25+$0x0] =	vst.idx.add.f32.msk $0xffff, v9  }
0x48d: {  	s30 =	simm.s32 $0x0;
	s31 =	simm.s32 $0x40;
	s1 =	simm.s32 $0x2070  }
.LBB2_40:
0x48e: {  	s0 =	sshll.u32 s30, $0xE  }
0x48f: {  	s5 =	sor.u32 s17, s0  }
0x490: {  	_ =	swait.ge [sflag:s23], $0x2000;
	s5 =	sor.u32 $0x2000, s5  }
0x491: {  	[sflag:s23] =	ssyncset.done $0x0;
	s5 =	sshrl.u32 s5, $0x3  }
0x492: {  	[sflag:s23] =	ssyncadd.s32 $0xFFFFE000;
	s5 =	sadd.s32 s4, s5  }
0x493: {  	[tilespmem:s24], [sflag:$0x3] =	stream.linear.gather [hbm4b:s5+s2], $0x2000, $0x38;
	[tilespmem:$0x1B000] =	vst v63  }
0x494: {  	v5 =	vld [tilespmem:s31+$0x0]  }
0x495: {  	s5 =	simm.s32 $0x10040;
	v9 =	vld [tilespmem:s31+$0x30]  }
0x496: {  	v2 =	vld [tilespmem:s5+$0x0]  }
0x497: {  	v10 =	vld [tilespmem:s31+$0x10]  }
0x498: {  	v11 =	vld [tilespmem:s31+$0xFFFFFFF0]  }
0x499: {  	v13 =	vld [tilespmem:s31+$0xFFFFFFD0];
	v4 =	vadd.f32 v5, v5  }
0x49a: {  	v12 =	vld [tilespmem:s31+$0xFFFFFFE0]  }
0x49b: {  	v3 =	vld [tilespmem:s5+$0xFFFFFFF0];
	v7 =	vadd.f32 $-1.000000000e+00, v4  }
0x49c: {  	v6 =	vld [tilespmem:s5+$0x30]  }
0x49d: {  	v8 =	vadd.f32 v9, v9;
	v15 =	vadd.f32 v11, v11;
	v4 =	vld [tilespmem:s31+$0xFFFFFFC0];
	v2 =	vmul.f32 v7, v2  }
0x49e: {  	v14 =	vld [tilespmem:s5+$0x10];
	v17 =	vadd.f32 v10, v10;
	v18 =	vadd.f32 v13, v13  }
0x49f: {  	v21 =	vadd.f32 v12, v12;
	v2 =	vsub.f32 $1.000000000e+00, v2  }
0x4a0: {  	v11 =	vmul.f32 $1.024000000e+03, v11;
	v15 =	vadd.f32 $-1.000000000e+00, v15;
	v7 =	vadd.f32 $-1.000000000e+00, v8;
	v8 =	vld [tilespmem:s5+$0xFFFFFFD0]  }
0x4a1: {  	v18 =	vadd.f32 $-1.000000000e+00, v18;
	v17 =	vadd.f32 $-1.000000000e+00, v17;
	v20 =	vmul.f32 $6.400000000e+01, v2  }
0x4a2: {  	v16 =	vld [tilespmem:s5+$0xFFFFFFC0];
	v15 =	vmul.f32 v15, v3;
	v6 =	vmul.f32 v7, v6;
	v19 =	vadd.f32 v4, v4  }
0x4a3: {  	v14 =	vmul.f32 v17, v14;
	v17 =	vmul.f32 $1.024000000e+03, v10;
	v20 =	vadd.f32 $2.611200000e+04, v20  }
0x4a4: {  	v7 =	vmul.f32 $1.024000000e+03, v12;
	v3 =	vsub.f32 $1.000000000e+00, v6;
	v19 =	vadd.f32 $-1.000000000e+00, v19  }
0x4a5: {  	v18 =	vmul.f32 v18, v8;
	v8 =	vsub.f32 $1.000000000e+00, v15;
	v6 =	vmax.f32 v20, $2.560000000e+04  }
0x4a6: {  	v20 =	vmul.f32 $1.024000000e+03, v5;
	v15 =	vmin.f32 v6, $2.662300000e+04;
	v6 =	vsub.f32 $1.000000000e+00, v14  }
0x4a7: {  	v19 =	vmul.f32 v19, v16;
	v10 =	vsub.f32 $1.000000000e+00, v18;
	v12 =	vmul.f32 $6.400000000e+01, v8  }
0x4a8: {  	v22 =	vld [tilespmem:s5+$0xFFFFFFE0];
	v21 =	vadd.f32 $-1.000000000e+00, v21;
	v14 =	vsub.f32 v15, v20;
	v15 =	vmul.f32 $6.400000000e+01, v6  }
0x4a9: {  	v5 =	vsub.f32 $1.000000000e+00, v19;
	v19 =	vmul.f32 $6.400000000e+01, v10;
	v20 =	vadd.f32 $2.611200000e+04, v12  }
0x4aa: {  	v16 =	vmul.f32 $6.400000000e+01, v3;
	v18 =	vmul.f32 $1.024000000e+03, v13;
	v13 =	vadd.f32 $2.611200000e+04, v15  }
0x4ab: {  	v12 =	vmul.f32 $1.024000000e+03, v9;
	v19 =	vadd.f32 $2.611200000e+04, v19;
	v20 =	vmax.f32 v20, $2.560000000e+04  }
0x4ac: {  	v15 =	vmul.f32 $6.400000000e+01, v5;
	v23 =	vmin.f32 v20, $2.662300000e+04;
	v24 =	vmax.f32 v13, $2.560000000e+04;
	v13 =	vld [tilespmem:s31+$0x20]  }
0x4ad: {  	s6 =	simm.s32 $0x0;
	s19 =	sadd.s32 $0x80, s31;
	v9 =	vld [tilespmem:s5+$0x20];
	v20 =	vmul.f32 v21, v22;
	v21 =	vsub.f32 v23, v11;
	v22 =	vmin.f32 v24, $2.662300000e+04  }
.LBB2_41:
0x4ae: {  	v11 =	vld [tilespmem:s19+$0x30];
	s6 =	sadd.s32 $0x80, s6;
	v19 =	vmax.f32 v19, $2.560000000e+04;
	v17 =	vsub.f32 v22, v17;
	v16 =	vadd.f32 $2.611200000e+04, v16;
	s5 =	sadd.s32 $0x80, s5  }
0x4af: {  	v22 =	vld [tilespmem:s5+$0x20];
	p0 =	slt.u32 s6, $0x1F80;
	v19 =	vmin.f32 v19, $2.662300000e+04;
	v20 =	vsub.f32 $1.000000000e+00, v20;
	v21 =	vtrunc.f32 v21  }
0x4b0: {  	v23 =	vld [tilespmem:s5+$0xFFFFFFF0];
	v18 =	vsub.f32 v19, v18;
	v19 =	vcvt.f32.s32 v21;
	v17 =	vtrunc.f32 v17  }
0x4b1: {  	v16 =	vmax.f32 v16, $2.560000000e+04;
	v21 =	vld [tilespmem:s5+$0x10];
	v17 =	vcvt.f32.s32 v17;
	v24 =	vadd.f32 v13, v13  }
0x4b2: {  	v26 =	vmul.f32 $6.400000000e+01, v20;
	v25 =	vld [tilespmem:s5+$0x0];
	v18 =	vtrunc.f32 v18;
	v27 =	vadd.s32 $0x800, v19  }
0x4b3: {  	v28 =	vld [tilespmem:s5+$0xFFFFFFC0];
	v29 =	vadd.f32 v11, v11;
	v30 =	vadd.s32 $0x800, v17;
	v24 =	vadd.f32 $-1.000000000e+00, v24  }
0x4b4: {  	v16 =	vmin.f32 v16, $2.662300000e+04;
	v18 =	vcvt.f32.s32 v18;
	v26 =	vadd.f32 $2.611200000e+04, v26;
	v31 =	vld [tilespmem:s5+$0x30]  }
0x4b5: {  	v14 =	vtrunc.f32 v14;
	v32 =	vld [tilespmem:s19+$0x10];
	v29 =	vadd.f32 $-1.000000000e+00, v29;
	v24 =	vmul.f32 v24, v9;
	v9 =	vmovc v22  }
0x4b6: {  	v14 =	vcvt.f32.s32 v14;
	v33 =	vadd.s32 $0x800, v18;
	v26 =	vmax.f32 v26, $2.560000000e+04;
	v22 =	vld [tilespmem:s19+$0x0]  }
0x4b7: {  	v12 =	vsub.f32 v16, v12;
	v26 =	vmin.f32 v26, $2.662300000e+04;
	v34 =	vld [tilespmem:s19+$0xFFFFFFE0];
	v24 =	vsub.f32 $1.000000000e+00, v24  }
0x4b8: {  	v13 =	vmul.f32 $1.024000000e+03, v13;
	v7 =	vsub.f32 v26, v7;
	v26 =	vadd.s32 $0x800, v14;
	v16 =	vld [tilespmem:s5+$0xFFFFFFD0]  }
0x4b9: {  	v15 =	vadd.f32 $2.611200000e+04, v15;
	v29 =	vmul.f32 v29, v31;
	[tilespmem:v19+s25+$0x0] =	vst.idx.add.f32.msk $0xffff, v1;
	v19 =	vmul.f32 $6.400000000e+01, v24  }
0x4ba: {  	v35 =	vmul.f32 $1.024000000e+03, v4;
	v4 =	vtrunc.f32 v7;
	v31 =	vld [tilespmem:s19+$0xFFFFFFF0]  }
0x4bb: {  	v15 =	vmax.f32 v15, $2.560000000e+04;
	v36 =	vcvt.f32.s32 v4;
	v7 =	vadd.f32 v22, v22;
	[tilespmem:v17+s25+$0x0] =	vst.idx.add.f32.msk $0xffff, v1  }
0x4bc: {  	v15 =	vmin.f32 v15, $2.662300000e+04;
	v12 =	vtrunc.f32 v12;
	v17 =	vadd.f32 $2.611200000e+04, v19;
	v4 =	vld [tilespmem:s19+$0xFFFFFFC0]  }
0x4bd: {  	v15 =	vsub.f32 v15, v35;
	v35 =	vadd.s32 $0x800, v36;
	v19 =	vld [tilespmem:s19+$0xFFFFFFD0];
	v37 =	vadd.f32 $-1.000000000e+00, v7  }
0x4be: {  	v12 =	vcvt.f32.s32 v12;
	v7 =	vmul.f32 $1.024000000e+03, v34;
	v17 =	vmax.f32 v17, $2.560000000e+04;
	[tilespmem:v18+s25+$0x0] =	vst.idx.add.f32.msk $0xffff, v1  }
0x4bf: {  	v15 =	vtrunc.f32 v15;
	v18 =	vmul.f32 v37, v25;
	[tilespmem:v27+s25+$0x0] =	vst.idx.add.f32.msk $0xffff, v8;
	v8 =	vmin.f32 v17, $2.662300000e+04  }
0x4c0: {  	v15 =	vcvt.f32.s32 v15;
	v17 =	vadd.f32 v31, v31;
	[tilespmem:v33+s25+$0x0] =	vst.idx.add.f32.msk $0xffff, v10;
	v8 =	vsub.f32 v8, v13  }
0x4c1: {  	v13 =	vadd.f32 v32, v32;
	v10 =	vsub.f32 $1.000000000e+00, v18;
	[tilespmem:v14+s25+$0x0] =	vst.idx.add.f32.msk $0xffff, v1;
	v14 =	vadd.s32 $0x800, v12  }
0x4c2: {  	v25 =	vadd.s32 $0x800, v15;
	v17 =	vadd.f32 $-1.000000000e+00, v17;
	v18 =	vadd.f32 v19, v19;
	[tilespmem:v30+s25+$0x0] =	vst.idx.add.f32.msk $0xffff, v6  }
0x4c3: {  	v6 =	vadd.f32 v4, v4;
	v8 =	vtrunc.f32 v8;
	v27 =	vld [tilespmem:s5+$0xFFFFFFE0];
	v30 =	vmul.f32 $6.400000000e+01, v10  }
0x4c4: {  	v13 =	vadd.f32 $-1.000000000e+00, v13;
	v17 =	vmul.f32 v17, v23;
	v18 =	vadd.f32 $-1.000000000e+00, v18;
	[tilespmem:v12+s25+$0x0] =	vst.idx.add.f32.msk $0xffff, v1  }
0x4c5: {  	v23 =	vcvt.f32.s32 v8;
	v6 =	vadd.f32 $-1.000000000e+00, v6;
	v12 =	vadd.f32 $2.611200000e+04, v30;
	[tilespmem:v26+s25+$0x0] =	vst.idx.add.f32.msk $0xffff, v2;
	v2 =	vmovc v10  }
0x4c6: {  	v13 =	vmul.f32 v13, v21;
	v10 =	vmul.f32 v18, v16;
	v18 =	vsub.f32 $1.000000000e+00, v29;
	[tilespmem:v36+s25+$0x0] =	vst.idx.add.f32.msk $0xffff, v1  }
0x4c7: {  	v21 =	vmul.f32 v6, v28;
	v6 =	vmax.f32 v12, $2.560000000e+04;
	v12 =	vmul.f32 $1.024000000e+03, v22;
	[tilespmem:v15+s25+$0x0] =	vst.idx.add.f32.msk $0xffff, v1  }
0x4c8: {  	v8 =	vsub.f32 $1.000000000e+00, v17;
	v15 =	vmin.f32 v6, $2.662300000e+04;
	[tilespmem:v35+s25+$0x0] =	vst.idx.add.f32.msk $0xffff, v20;
	v20 =	vadd.s32 $0x800, v23  }
0x4c9: {  	v17 =	vmul.f32 $1.024000000e+03, v32;
	v6 =	vsub.f32 $1.000000000e+00, v13;
	v16 =	vmul.f32 $6.400000000e+01, v18;
	[tilespmem:v25+s25+$0x0] =	vst.idx.add.f32.msk $0xffff, v5  }
0x4ca: {  	v22 =	vmul.f32 $6.400000000e+01, v8;
	v10 =	vsub.f32 $1.000000000e+00, v10;
	v13 =	vadd.f32 v34, v34;
	[tilespmem:v14+s25+$0x0] =	vst.idx.add.f32.msk $0xffff, v3;
	v3 =	vmovc v18  }
0x4cb: {  	v5 =	vsub.f32 $1.000000000e+00, v21;
	v14 =	vsub.f32 v15, v12;
	v15 =	vmul.f32 $6.400000000e+01, v6;
	[tilespmem:v23+s25+$0x0] =	vst.idx.add.f32.msk $0xffff, v1  }
.Ltmp19:
0x4cc: {  	v22 =	vadd.f32 $2.611200000e+04, v22;
	v21 =	vmul.f32 $6.400000000e+01, v10;
	v12 =	vmul.f32 $1.024000000e+03, v11;
	(pc) =	sbr.rel @p0 .LBB2_41-.Ltmp19, $4  }
0x4cd: {  	v18 =	vmul.f32 $1.024000000e+03, v19;
	v11 =	vmul.f32 $1.024000000e+03, v31;
	v23 =	vadd.f32 $2.611200000e+04, v15;
	[tilespmem:v20+s25+$0x0] =	vst.idx.add.f32.msk $0xffff, v24  }
0x4ce: {  	v19 =	vadd.f32 $2.611200000e+04, v21;
	v20 =	vadd.f32 $-1.000000000e+00, v13;
	v13 =	vmax.f32 v22, $2.560000000e+04  }
0x4cf: {  	v15 =	vmul.f32 $6.400000000e+01, v5;
	v21 =	vmin.f32 v13, $2.662300000e+04;
	v22 =	vmax.f32 v23, $2.560000000e+04;
	v13 =	vld [tilespmem:s19+$0x20]  }
0x4d0: {  	v20 =	vmul.f32 v20, v27;
	v21 =	vsub.f32 v21, v11;
	v22 =	vmin.f32 v22, $2.662300000e+04;
	s19 =	sadd.s32 $0x80, s19  }
0x4d1: {  	_ = 	snop  }
0x4d2: {  	v11 =	vmax.f32 v19, $2.560000000e+04  }
0x4d3: {  	v17 =	vsub.f32 v22, v17;
	v16 =	vadd.f32 $2.611200000e+04, v16;
	v11 =	vmin.f32 v11, $2.662300000e+04  }
0x4d4: {  	v14 =	vtrunc.f32 v14;
	v11 =	vsub.f32 v11, v18;
	v18 =	vadd.f32 v13, v13  }
0x4d5: {  	v15 =	vadd.f32 $2.611200000e+04, v15;
	v4 =	vmul.f32 $1.024000000e+03, v4;
	v19 =	vsub.f32 $1.000000000e+00, v20  }
0x4d6: {  	v20 =	vtrunc.f32 v21;
	v14 =	vcvt.f32.s32 v14;
	v18 =	vadd.f32 $-1.000000000e+00, v18  }
0x4d7: {  	v17 =	vtrunc.f32 v17;
	v20 =	vcvt.f32.s32 v20;
	v16 =	vmax.f32 v16, $2.560000000e+04  }
0x4d8: {  	v15 =	vmax.f32 v15, $2.560000000e+04;
	v17 =	vcvt.f32.s32 v17;
	v9 =	vmul.f32 v18, v9  }
0x4d9: {  	v21 =	vmul.f32 $6.400000000e+01, v19;
	v16 =	vmin.f32 v16, $2.662300000e+04;
	v11 =	vtrunc.f32 v11  }
0x4da: {  	v15 =	vmin.f32 v15, $2.662300000e+04;
	v11 =	vcvt.f32.s32 v11;
	v9 =	vsub.f32 $1.000000000e+00, v9  }
0x4db: {  	v22 =	vadd.s32 $0x800, v20;
	v12 =	vsub.f32 v16, v12;
	v21 =	vadd.f32 $2.611200000e+04, v21  }
0x4dc: {  	v4 =	vsub.f32 v15, v4;
	v15 =	vadd.s32 $0x800, v14;
	v16 =	vmul.f32 $6.400000000e+01, v9  }
0x4dd: {  	v23 =	vadd.s32 $0x800, v17;
	v12 =	vtrunc.f32 v12;
	v21 =	vmax.f32 v21, $2.560000000e+04;
	[tilespmem:v14+s25+$0x0] =	vst.idx.add.f32.msk $0xffff, v1  }
0x4de: {  	v4 =	vtrunc.f32 v4;
	v21 =	vmin.f32 v21, $2.662300000e+04;
	[tilespmem:v20+s25+$0x0] =	vst.idx.add.f32.msk $0xffff, v1;
	v16 =	vadd.f32 $2.611200000e+04, v16  }
0x4df: {  	v18 =	vadd.s32 $0x800, v11;
	v12 =	vcvt.f32.s32 v12;
	v7 =	vsub.f32 v21, v7;
	[tilespmem:v17+s25+$0x0] =	vst.idx.add.f32.msk $0xffff, v1  }
0x4e0: {  	v13 =	vmul.f32 $1.024000000e+03, v13;
	v4 =	vcvt.f32.s32 v4;
	[tilespmem:v11+s25+$0x0] =	vst.idx.add.f32.msk $0xffff, v1;
	v11 =	vmax.f32 v16, $2.560000000e+04  }
0x4e1: {  	[tilespmem:v22+s25+$0x0] =	vst.idx.add.f32.msk $0xffff, v8;
	v7 =	vtrunc.f32 v7;
	v8 =	vmin.f32 v11, $2.662300000e+04  }
0x4e2: {  	[tilespmem:v23+s25+$0x0] =	vst.idx.add.f32.msk $0xffff, v6;
	v6 =	vadd.s32 $0x800, v4;
	v7 =	vcvt.f32.s32 v7;
	v8 =	vsub.f32 v8, v13  }
0x4e3: {  	[tilespmem:v15+s25+$0x0] =	vst.idx.add.f32.msk $0xffff, v2  }
0x4e4: {  	[tilespmem:v18+s25+$0x0] =	vst.idx.add.f32.msk $0xffff, v10;
	v10 =	vadd.s32 $0x800, v7;
	v8 =	vtrunc.f32 v8  }
0x4e5: {  	[tilespmem:v12+s25+$0x0] =	vst.idx.add.f32.msk $0xffff, v1;
	v11 =	vadd.s32 $0x800, v12;
	v2 =	vcvt.f32.s32 v8  }
0x4e6: {  	[tilespmem:v4+s25+$0x0] =	vst.idx.add.f32.msk $0xffff, v1  }
0x4e7: {  	[tilespmem:v6+s25+$0x0] =	vst.idx.add.f32.msk $0xffff, v5;
	v4 =	vadd.s32 $0x800, v2  }
0x4e8: {  	[tilespmem:v7+s25+$0x0] =	vst.idx.add.f32.msk $0xffff, v1  }
0x4e9: {  	[tilespmem:v10+s25+$0x0] =	vst.idx.add.f32.msk $0xffff, v19  }
0x4ea: {  	[tilespmem:v11+s25+$0x0] =	vst.idx.add.f32.msk $0xffff, v3  }
0x4eb: {  	p0 =	seq.s32 s30, $0x3;
	s0 =	sadd.s32 $0x4000, s0;
	[tilespmem:v2+s25+$0x0] =	vst.idx.add.f32.msk $0xffff, v1  }
0x4ec: {  	s0 =	simm.s32 @p0 $0x3;
	[tilespmem:v4+s25+$0x0] =	vst.idx.add.f32.msk $0xffff, v9  }
0x4ed: {  	s0 =	sadd.s32 s17, s0;
	_ =	swait.ge [sflag:s26], $0x2000  }
0x4ee: {  	s0 =	sshrl.u32 s0, $0x3;
	[sflag:s26] =	ssyncset.done $0x0  }
0x4ef: {  	s0 =	sadd.s32 s4, s0;
	[sflag:s26] =	ssyncadd.s32 $0xFFFFE000  }
0x4f0: {  	[tilespmem:s21], [sflag:$0x2] =	stream.linear.gather [hbm4b:s0+s2], $0x2000, $0x38;
	[tilespmem:$0x1B000] =	vst v63  }
0x4f1: {  	v5 =	vld [tilespmem:s1+$0xFFFFFFD0]  }
0x4f2: {  	s0 =	simm.s32 $0x12040;
	v9 =	vld [tilespmem:s1+$0x0]  }
0x4f3: {  	v2 =	vld [tilespmem:s0+$0x0]  }
0x4f4: {  	v10 =	vld [tilespmem:s1+$0xFFFFFFE0]  }
0x4f5: {  	v11 =	vld [tilespmem:s1+$0xFFFFFFC0]  }
0x4f6: {  	v13 =	vld [tilespmem:s1+$0xFFFFFFA0];
	v4 =	vadd.f32 v5, v5  }
0x4f7: {  	v12 =	vld [tilespmem:s1+$0xFFFFFFB0]  }
0x4f8: {  	v3 =	vld [tilespmem:s0+$0xFFFFFFF0];
	v7 =	vadd.f32 $-1.000000000e+00, v4  }
0x4f9: {  	v6 =	vld [tilespmem:s0+$0x30]  }
0x4fa: {  	v8 =	vadd.f32 v9, v9;
	v15 =	vadd.f32 v11, v11;
	v4 =	vld [tilespmem:s1+$0xFFFFFF90];
	v2 =	vmul.f32 v7, v2  }
0x4fb: {  	v14 =	vld [tilespmem:s0+$0x10];
	v17 =	vadd.f32 v10, v10;
	v18 =	vadd.f32 v13, v13  }
0x4fc: {  	v21 =	vadd.f32 v12, v12;
	v2 =	vsub.f32 $1.000000000e+00, v2  }
0x4fd: {  	v11 =	vmul.f32 $1.024000000e+03, v11;
	v15 =	vadd.f32 $-1.000000000e+00, v15;
	v7 =	vadd.f32 $-1.000000000e+00, v8;
	v8 =	vld [tilespmem:s0+$0xFFFFFFD0]  }
0x4fe: {  	v18 =	vadd.f32 $-1.000000000e+00, v18;
	v17 =	vadd.f32 $-1.000000000e+00, v17;
	v20 =	vmul.f32 $6.400000000e+01, v2  }
0x4ff: {  	v16 =	vld [tilespmem:s0+$0xFFFFFFC0];
	v15 =	vmul.f32 v15, v3;
	v6 =	vmul.f32 v7, v6;
	v19 =	vadd.f32 v4, v4  }
0x500: {  	v14 =	vmul.f32 v17, v14;
	v17 =	vmul.f32 $1.024000000e+03, v10;
	v20 =	vadd.f32 $2.611200000e+04, v20  }
0x501: {  	v7 =	vmul.f32 $1.024000000e+03, v12;
	v3 =	vsub.f32 $1.000000000e+00, v6;
	v19 =	vadd.f32 $-1.000000000e+00, v19  }
0x502: {  	v18 =	vmul.f32 v18, v8;
	v8 =	vsub.f32 $1.000000000e+00, v15;
	v6 =	vmax.f32 v20, $2.560000000e+04  }
0x503: {  	v20 =	vmul.f32 $1.024000000e+03, v5;
	v15 =	vmin.f32 v6, $2.662300000e+04;
	v6 =	vsub.f32 $1.000000000e+00, v14  }
0x504: {  	v19 =	vmul.f32 v19, v16;
	v10 =	vsub.f32 $1.000000000e+00, v18;
	v12 =	vmul.f32 $6.400000000e+01, v8  }
0x505: {  	v22 =	vld [tilespmem:s0+$0xFFFFFFE0];
	v21 =	vadd.f32 $-1.000000000e+00, v21;
	v14 =	vsub.f32 v15, v20;
	v15 =	vmul.f32 $6.400000000e+01, v6  }
0x506: {  	v5 =	vsub.f32 $1.000000000e+00, v19;
	v19 =	vmul.f32 $6.400000000e+01, v10;
	v20 =	vadd.f32 $2.611200000e+04, v12  }
0x507: {  	v16 =	vmul.f32 $6.400000000e+01, v3;
	v18 =	vmul.f32 $1.024000000e+03, v13;
	v13 =	vadd.f32 $2.611200000e+04, v15  }
0x508: {  	v12 =	vmul.f32 $1.024000000e+03, v9;
	v19 =	vadd.f32 $2.611200000e+04, v19;
	v20 =	vmax.f32 v20, $2.560000000e+04  }
0x509: {  	v15 =	vmul.f32 $6.400000000e+01, v5;
	v23 =	vmin.f32 v20, $2.662300000e+04;
	v24 =	vmax.f32 v13, $2.560000000e+04;
	v13 =	vld [tilespmem:s1+$0xFFFFFFF0]  }
0x50a: {  	s5 =	simm.s32 $0x0;
	s6 =	sadd.s32 $0x80, s1;
	v9 =	vld [tilespmem:s0+$0x20];
	v20 =	vmul.f32 v21, v22;
	v21 =	vsub.f32 v23, v11;
	v22 =	vmin.f32 v24, $2.662300000e+04  }
.LBB2_43:
0x50b: {  	v11 =	vld [tilespmem:s6+$0x0];
	s5 =	sadd.s32 $0x80, s5;
	v19 =	vmax.f32 v19, $2.560000000e+04;
	v17 =	vsub.f32 v22, v17;
	v16 =	vadd.f32 $2.611200000e+04, v16;
	s0 =	sadd.s32 $0x80, s0  }
0x50c: {  	v22 =	vld [tilespmem:s0+$0x20];
	p0 =	slt.u32 s5, $0x1F80;
	v19 =	vmin.f32 v19, $2.662300000e+04;
	v20 =	vsub.f32 $1.000000000e+00, v20;
	v21 =	vtrunc.f32 v21  }
0x50d: {  	v23 =	vld [tilespmem:s0+$0xFFFFFFF0];
	v18 =	vsub.f32 v19, v18;
	v19 =	vcvt.f32.s32 v21;
	v17 =	vtrunc.f32 v17  }
0x50e: {  	v16 =	vmax.f32 v16, $2.560000000e+04;
	v21 =	vld [tilespmem:s0+$0x10];
	v17 =	vcvt.f32.s32 v17;
	v24 =	vadd.f32 v13, v13  }
0x50f: {  	v26 =	vmul.f32 $6.400000000e+01, v20;
	v25 =	vld [tilespmem:s0+$0x0];
	v18 =	vtrunc.f32 v18;
	v27 =	vadd.s32 $0x800, v19  }
0x510: {  	v28 =	vld [tilespmem:s0+$0xFFFFFFC0];
	v29 =	vadd.f32 v11, v11;
	v30 =	vadd.s32 $0x800, v17;
	v24 =	vadd.f32 $-1.000000000e+00, v24  }
0x511: {  	v16 =	vmin.f32 v16, $2.662300000e+04;
	v18 =	vcvt.f32.s32 v18;
	v26 =	vadd.f32 $2.611200000e+04, v26;
	v31 =	vld [tilespmem:s0+$0x30]  }
0x512: {  	v14 =	vtrunc.f32 v14;
	v32 =	vld [tilespmem:s6+$0xFFFFFFE0];
	v29 =	vadd.f32 $-1.000000000e+00, v29;
	v24 =	vmul.f32 v24, v9;
	v9 =	vmovc v22  }
0x513: {  	v14 =	vcvt.f32.s32 v14;
	v33 =	vadd.s32 $0x800, v18;
	v26 =	vmax.f32 v26, $2.560000000e+04;
	v22 =	vld [tilespmem:s6+$0xFFFFFFD0]  }
0x514: {  	v12 =	vsub.f32 v16, v12;
	v26 =	vmin.f32 v26, $2.662300000e+04;
	v34 =	vld [tilespmem:s6+$0xFFFFFFB0];
	v24 =	vsub.f32 $1.000000000e+00, v24  }
0x515: {  	v13 =	vmul.f32 $1.024000000e+03, v13;
	v7 =	vsub.f32 v26, v7;
	v26 =	vadd.s32 $0x800, v14;
	v16 =	vld [tilespmem:s0+$0xFFFFFFD0]  }
0x516: {  	v15 =	vadd.f32 $2.611200000e+04, v15;
	v29 =	vmul.f32 v29, v31;
	[tilespmem:v19+s25+$0x0] =	vst.idx.add.f32.msk $0xffff, v1;
	v19 =	vmul.f32 $6.400000000e+01, v24  }
0x517: {  	v35 =	vmul.f32 $1.024000000e+03, v4;
	v4 =	vtrunc.f32 v7;
	v31 =	vld [tilespmem:s6+$0xFFFFFFC0]  }
0x518: {  	v15 =	vmax.f32 v15, $2.560000000e+04;
	v36 =	vcvt.f32.s32 v4;
	v7 =	vadd.f32 v22, v22;
	[tilespmem:v17+s25+$0x0] =	vst.idx.add.f32.msk $0xffff, v1  }
0x519: {  	v15 =	vmin.f32 v15, $2.662300000e+04;
	v12 =	vtrunc.f32 v12;
	v17 =	vadd.f32 $2.611200000e+04, v19;
	v4 =	vld [tilespmem:s6+$0xFFFFFF90]  }
0x51a: {  	v15 =	vsub.f32 v15, v35;
	v35 =	vadd.s32 $0x800, v36;
	v19 =	vld [tilespmem:s6+$0xFFFFFFA0];
	v37 =	vadd.f32 $-1.000000000e+00, v7  }
0x51b: {  	v12 =	vcvt.f32.s32 v12;
	v7 =	vmul.f32 $1.024000000e+03, v34;
	v17 =	vmax.f32 v17, $2.560000000e+04;
	[tilespmem:v18+s25+$0x0] =	vst.idx.add.f32.msk $0xffff, v1  }
0x51c: {  	v15 =	vtrunc.f32 v15;
	v18 =	vmul.f32 v37, v25;
	[tilespmem:v27+s25+$0x0] =	vst.idx.add.f32.msk $0xffff, v8;
	v8 =	vmin.f32 v17, $2.662300000e+04  }
0x51d: {  	v15 =	vcvt.f32.s32 v15;
	v17 =	vadd.f32 v31, v31;
	[tilespmem:v33+s25+$0x0] =	vst.idx.add.f32.msk $0xffff, v10;
	v8 =	vsub.f32 v8, v13  }
0x51e: {  	v13 =	vadd.f32 v32, v32;
	v10 =	vsub.f32 $1.000000000e+00, v18;
	[tilespmem:v14+s25+$0x0] =	vst.idx.add.f32.msk $0xffff, v1;
	v14 =	vadd.s32 $0x800, v12  }
0x51f: {  	v25 =	vadd.s32 $0x800, v15;
	v17 =	vadd.f32 $-1.000000000e+00, v17;
	v18 =	vadd.f32 v19, v19;
	[tilespmem:v30+s25+$0x0] =	vst.idx.add.f32.msk $0xffff, v6  }
0x520: {  	v6 =	vadd.f32 v4, v4;
	v8 =	vtrunc.f32 v8;
	v27 =	vld [tilespmem:s0+$0xFFFFFFE0];
	v30 =	vmul.f32 $6.400000000e+01, v10  }
0x521: {  	v13 =	vadd.f32 $-1.000000000e+00, v13;
	v17 =	vmul.f32 v17, v23;
	v18 =	vadd.f32 $-1.000000000e+00, v18;
	[tilespmem:v12+s25+$0x0] =	vst.idx.add.f32.msk $0xffff, v1  }
0x522: {  	v23 =	vcvt.f32.s32 v8;
	v6 =	vadd.f32 $-1.000000000e+00, v6;
	v12 =	vadd.f32 $2.611200000e+04, v30;
	[tilespmem:v26+s25+$0x0] =	vst.idx.add.f32.msk $0xffff, v2;
	v2 =	vmovc v10  }
0x523: {  	v13 =	vmul.f32 v13, v21;
	v10 =	vmul.f32 v18, v16;
	v18 =	vsub.f32 $1.000000000e+00, v29;
	[tilespmem:v36+s25+$0x0] =	vst.idx.add.f32.msk $0xffff, v1  }
0x524: {  	v21 =	vmul.f32 v6, v28;
	v6 =	vmax.f32 v12, $2.560000000e+04;
	v12 =	vmul.f32 $1.024000000e+03, v22;
	[tilespmem:v15+s25+$0x0] =	vst.idx.add.f32.msk $0xffff, v1  }
0x525: {  	v8 =	vsub.f32 $1.000000000e+00, v17;
	v15 =	vmin.f32 v6, $2.662300000e+04;
	[tilespmem:v35+s25+$0x0] =	vst.idx.add.f32.msk $0xffff, v20;
	v20 =	vadd.s32 $0x800, v23  }
0x526: {  	v17 =	vmul.f32 $1.024000000e+03, v32;
	v6 =	vsub.f32 $1.000000000e+00, v13;
	v16 =	vmul.f32 $6.400000000e+01, v18;
	[tilespmem:v25+s25+$0x0] =	vst.idx.add.f32.msk $0xffff, v5  }
0x527: {  	v22 =	vmul.f32 $6.400000000e+01, v8;
	v10 =	vsub.f32 $1.000000000e+00, v10;
	v13 =	vadd.f32 v34, v34;
	[tilespmem:v14+s25+$0x0] =	vst.idx.add.f32.msk $0xffff, v3;
	v3 =	vmovc v18  }
0x528: {  	v5 =	vsub.f32 $1.000000000e+00, v21;
	v14 =	vsub.f32 v15, v12;
	v15 =	vmul.f32 $6.400000000e+01, v6;
	[tilespmem:v23+s25+$0x0] =	vst.idx.add.f32.msk $0xffff, v1  }
.Ltmp20:
0x529: {  	v22 =	vadd.f32 $2.611200000e+04, v22;
	v21 =	vmul.f32 $6.400000000e+01, v10;
	v12 =	vmul.f32 $1.024000000e+03, v11;
	(pc) =	sbr.rel @p0 .LBB2_43-.Ltmp20, $4  }
0x52a: {  	v18 =	vmul.f32 $1.024000000e+03, v19;
	v11 =	vmul.f32 $1.024000000e+03, v31;
	v23 =	vadd.f32 $2.611200000e+04, v15;
	[tilespmem:v20+s25+$0x0] =	vst.idx.add.f32.msk $0xffff, v24  }
0x52b: {  	v19 =	vadd.f32 $2.611200000e+04, v21;
	v20 =	vadd.f32 $-1.000000000e+00, v13;
	v13 =	vmax.f32 v22, $2.560000000e+04  }
0x52c: {  	v15 =	vmul.f32 $6.400000000e+01, v5;
	v21 =	vmin.f32 v13, $2.662300000e+04;
	v22 =	vmax.f32 v23, $2.560000000e+04;
	v13 =	vld [tilespmem:s6+$0xFFFFFFF0]  }
0x52d: {  	v20 =	vmul.f32 v20, v27;
	v21 =	vsub.f32 v21, v11;
	v22 =	vmin.f32 v22, $2.662300000e+04;
	s6 =	sadd.s32 $0x80, s6  }
0x52e: {  	_ = 	snop  }
0x52f: {  	v11 =	vmax.f32 v19, $2.560000000e+04  }
0x530: {  	v17 =	vsub.f32 v22, v17;
	v16 =	vadd.f32 $2.611200000e+04, v16;
	v14 =	vtrunc.f32 v14  }
0x531: {  	v15 =	vadd.f32 $2.611200000e+04, v15;
	v4 =	vmul.f32 $1.024000000e+03, v4;
	v51 =	vadd.f32 v13, v13  }
0x532: {  	v11 =	vmin.f32 v11, $2.662300000e+04;
	v49 =	vsub.f32 $1.000000000e+00, v20;
	v50 =	vtrunc.f32 v21  }
0x533: {  	v14 =	vcvt.f32.s32 v14;
	v11 =	vsub.f32 v11, v18;
	v18 =	vadd.f32 $-1.000000000e+00, v51  }
0x534: {  	v17 =	vtrunc.f32 v17;
	v20 =	vcvt.f32.s32 v50;
	v16 =	vmax.f32 v16, $2.560000000e+04  }
0x535: {  	v15 =	vmax.f32 v15, $2.560000000e+04;
	v17 =	vcvt.f32.s32 v17;
	v9 =	vmul.f32 v18, v9  }
0x536: {  	v52 =	vmul.f32 $6.400000000e+01, v49;
	v16 =	vmin.f32 v16, $2.662300000e+04;
	v15 =	vmin.f32 v15, $2.662300000e+04  }
0x537: {  	v56 =	vadd.s32 $0x800, v14;
	v57 =	vmul.f32 $1.024000000e+03, v13;
	v9 =	vsub.f32 $1.000000000e+00, v9  }
0x538: {  	v11 =	vtrunc.f32 v11;
	v53 =	vadd.s32 $0x800, v20;
	v12 =	vsub.f32 v16, v12  }
0x539: {  	v4 =	vsub.f32 v15, v4;
	v21 =	vadd.f32 $2.611200000e+04, v52;
	v55 =	vmul.f32 $6.400000000e+01, v9  }
0x53a: {  	v11 =	vcvt.f32.s32 v11;
	v23 =	vadd.s32 $0x800, v17;
	v12 =	vtrunc.f32 v12;
	[tilespmem:v14+s25+$0x0] =	vst.idx.add.f32.msk $0xffff, v1  }
0x53b: {  	v4 =	vtrunc.f32 v4;
	v21 =	vmax.f32 v21, $2.560000000e+04;
	[tilespmem:v20+s25+$0x0] =	vst.idx.add.f32.msk $0xffff, v1;
	v16 =	vadd.f32 $2.611200000e+04, v55  }
0x53c: {  	v54 =	vadd.s32 $0x800, v11;
	v12 =	vcvt.f32.s32 v12;
	v21 =	vmin.f32 v21, $2.662300000e+04;
	[tilespmem:v56+s25+$0x0] =	vst.idx.add.f32.msk $0xffff, v2  }
0x53d: {  	v4 =	vcvt.f32.s32 v4;
	v7 =	vsub.f32 v21, v7;
	[tilespmem:v17+s25+$0x0] =	vst.idx.add.f32.msk $0xffff, v1;
	v58 =	vmax.f32 v16, $2.560000000e+04  }
0x53e: {  	[tilespmem:v53+s25+$0x0] =	vst.idx.add.f32.msk $0xffff, v8;
	v59 =	vmin.f32 v58, $2.662300000e+04  }
0x53f: {  	v61 =	vadd.s32 $0x800, v4;
	[tilespmem:v23+s25+$0x0] =	vst.idx.add.f32.msk $0xffff, v6;
	v7 =	vtrunc.f32 v7;
	v8 =	vsub.f32 v59, v57  }
0x540: {  	v62 =	vadd.s32 $0x800, v12;
	[tilespmem:v11+s25+$0x0] =	vst.idx.add.f32.msk $0xffff, v1;
	v7 =	vcvt.f32.s32 v7  }
0x541: {  	[tilespmem:v54+s25+$0x0] =	vst.idx.add.f32.msk $0xffff, v10;
	v8 =	vtrunc.f32 v8  }
0x542: {  	[tilespmem:v12+s25+$0x0] =	vst.idx.add.f32.msk $0xffff, v1;
	v60 =	vadd.s32 $0x800, v7;
	v2 =	vcvt.f32.s32 v8  }
0x543: {  	s30 =	sadd.s32 $0x1, s30;
	[tilespmem:v4+s25+$0x0] =	vst.idx.add.f32.msk $0xffff, v1  }
0x544: {  	p0 =	sne.s32 s30, $0x4;
	[tilespmem:v61+s25+$0x0] =	vst.idx.add.f32.msk $0xffff, v5;
	v63 =	vadd.s32 $0x800, v2  }
.Ltmp21:
0x545: {  	[tilespmem:v62+s25+$0x0] =	vst.idx.add.f32.msk $0xffff, v3;
	(pc) =	sbr.rel @p0 .LBB2_40-.Ltmp21, $4  }
0x546: {  	[tilespmem:v7+s25+$0x0] =	vst.idx.add.f32.msk $0xffff, v1  }
0x547: {  	[tilespmem:v60+s25+$0x0] =	vst.idx.add.f32.msk $0xffff, v49  }
0x548: {  	[tilespmem:v2+s25+$0x0] =	vst.idx.add.f32.msk $0xffff, v1  }
0x549: {  	s31 =	sadd.s32 $0x4000, s31;
	s1 =	sadd.s32 $0x4000, s1;
	[tilespmem:v63+s25+$0x0] =	vst.idx.add.f32.msk $0xffff, v9  }
0x54a: {  	_ =	swait.ge [sflag:s23], $0x2000;
	s29 =	sadd.s32 $0x1, s29  }
0x54b: {  	[sflag:s23] =	ssyncset.done $0x0;
	p0 =	sne.s32 s29, s20  }
.Ltmp22:
0x54c: {  	s0 =	rddreg [dreg:$0x4];
	[sflag:s23] =	ssyncadd.s32 $0xFFFFE000;
	(pc) =	sbr.rel @p0 .LBB2_1-.Ltmp22, $4  }
0x54d: {  	[hbm4b:s0+s2] =	stream.linear.scatter [tilespmem:s25], [sflag:$0x4], $0x7000, $0x38;
	[tilespmem:$0x1B000] =	vst v63  }
0x54e: {  	_ =	swait.ge [sflag:s28], $0x7000  }
0x54f: {  	[sflag:s28] =	ssyncset.done $0x0  }
0x550: {  	[sflag:s28] =	ssyncadd.s32 $0xFFFF9000  }
0x551: {  	_ =	sfence.sel $0x180000  }
0x552: {  	[bflag:$0x0] =	sbarrier.arrive $0xFFFF  }
0x553: {  	_ =	strace $0x9000004A  }
0x554: {  	s0 =	stileid.u32;
	[bflag:$0x2] =	sbarrier.arrive $0xFFFF  }
0x555: {  	p0 =	sne.s32 s0, $0x0;
	s0 =	rddreg [dreg:$0x1]  }
0x556: {  	s0 =	sadd.s32 @!p0 $0x100000, s0  }
0x557: {  	[sflag:s0] =	ssyncadd.tile.s32 @!p0 $0x1;
	_ =	shalt  }
.Lfunc_end2:
_tile_overlayer_lowered:
.L_overlay_start_2:
0x558: {  	(tag) =	ssettag $0x2  }
0x559: {  	s0 =	rddreg [dreg:$0x0];
	s2 =	stileid.u32  }
0x55a: {  	s1 =	rddreg [dreg:$0x1];
	p0 =	sne.s32 s2, $0x0  }
0x55b: {  	s3 =	rddreg [dreg:$0x2];
	[bflag:$0x3] =	sbarrier.arrive $0xFFFF;
	s2 =	simm.s32 @!p0 $0x1C04  }
0x55c: {  	[timem:s3], [sflag:s2] =	dma.local @!p0 [hbm:s0], s1  }
0x55d: {  	s0 =	simm.s32 @!p0 $0x4  }
0x55e: {  	_ =	swait.ge @!p0 [sflag:s0], s1  }
0x55f: {  	s1 =	ssub.s32 @!p0 $0x0, s1;
	[sflag:s0] =	ssyncset.done @!p0 $0x0  }
0x560: {  	[sflag:s0] =	ssyncadd.s32 @!p0 s1  }
0x561: {  	[bflag:$0x3] =	sbarrier.arrive $0xFFFF  }
0x562: {  	_ =	shalt  }

// kernel: sparse-core-data-format-call.cloned.1.call-start
scs
called_computation_lowered:
.L_overlay_start_0:
0x0: {  	s2 =	sld [smem:$0x3FD9]  }
0x1: {  	s3 =	sld [smem:$0x3FFE];
	_ =	sdelay $0x1  }
0x2: {  	s1 =	srdreg.scid  }
0x3: {  	s0 =	sand.u32 $0x1, s1  }
0x4: {  	s18 =	sshll.u32 s0, $0xA;
	s2 =	sadd.s32 s3, s2  }
0x5: {  	s2 =	sadd.s32 s2, s18  }
0x6: {  	[smem:$0x3FC6] =	sst s2  }
0x7: {  	_ = 	snop  }
0x8: {  	s2 =	sld [smem:$0x3FC9];
	(tm) =	ssettm $0x1  }
0x9: {  	s19 =	sld [smem:$0x3FFB];
	_ =	sdelay $0x3  }
0xa: {  	_ =	strace s19  }
0xb: {  	s3 =	sld [smem:$0x3FFC];
	_ =	sdelay $0x3  }
0xc: {  	_ =	strace s3  }
0xd: {  	s3 =	sld [smem:$0x3FFD];
	_ =	sdelay $0x3  }
0xe: {  	_ =	strace s3  }
0xf: {  	_ =	strace $0x8FFFFFFF  }
0x10: {  	s20 =	sld [smem:$0x3FDB];
	_ =	sdelay $0x1  }
0x11: {  	s4 =	simm.s32 $_scs_section_size  }
0x12: {  	s5 =	simm.s32 $_size__tile_overlayer_lowered;
	s6 =	simm.s32 $_tile_overlayer_lowered  }
0x13: {  	s23 =	simm.s32 $0x1BFF;
	s22 =	sshll.u32 s6, $0x1;
	s3 =	sadd.s32 s4, s20  }
0x14: {  	s7 =	simm.s32 $0x0;
	s21 =	sshll.u32 s5, $0x1;
	s5 =	sadd.s32 s22, s3  }
0x15: {  	[timem:s7], [sflag:s23] =	dma.local [hbm:s5], s21  }
0x16: {  	_ =	swait.ge [sflag:s23], s21  }
0x17: {  	s4 =	ssub.s32 $0x0, s21;
	[sflag:s23] =	ssyncset.done $0x0  }
0x18: {  	[sflag:s23] =	ssyncadd.s32 s4;
	_ =	sdelay $0x1  }
0x19: {  	s24 =	simm.s32 $0x1B8B  }
0x1a: {  	_ =	swait.ge [sflag:s24], $0x1  }
0x1b: {  	[sflag:s24] =	ssyncset.done $0x0  }
0x1c: {  	s26 =	simm.s32 $0x1B8E;
	s25 =	sld [smem:$0x3FFE];
	[sflag:s24] =	ssyncadd.s32 $0xFFFFFFFF  }
0x1d: {  	s27 =	simm.s32 $execute0_lowered;
	[smem:$0x3FD2] =	sst s26  }
0x1e: {  	s5 =	sshll.u32 s27, $0x1;
	_ =	strace $0x80000046;
	[dreg:$0x1] =	wrdreg $0xFFFFFFFF  }
0x1f: {  	s28 =	simm.s32 $_size_execute0_lowered;
	s3 =	sadd.s32 s3, s5;
	[dreg:$0x0] =	wrdreg $0x0  }
0x20: {  	s5 =	sshll.u32 s28, $0x1;
	[dreg:$0x2] =	wrdreg s3  }
0x21: {  	[dreg:$0x3] =	wrdreg s5  }
0x22: {  	[dreg:$0x4] =	wrdreg $0xC0  }
0x23: {  	_ =	task [dreg:s7], $0x5FFFF  }
0x24: {  	[dreg:$0x1] =	wrdreg $0xFFFFFFFF  }
0x25: {  	[dreg:$0x0] =	wrdreg $0x60  }
0x26: {  	[dreg:$0x2] =	wrdreg s2  }
0x27: {  	[dreg:$0x3] =	wrdreg s25  }
0x28: {  	[dreg:$0x4] =	wrdreg $0x9  }
0x29: {  	_ =	task.clear_ibuf [dreg:s7], $0x5FFFF;
	_ =	strace $0x90000046  }
0x2a: {  	s29 =	simm.s32 $0x9;
	_ =	strace $0x80000048  }
0x2b: {  	_ =	swait.ge [sflag:s29], $0x1  }
0x2c: {  	[sflag:s29] =	ssyncadd.s32 $0xFFFFFFFF  }
0x2d: {  	_ =	strace $0x90000048  }
0x2e: {  	_ =	sfence  }
0x2f: {  	s30 =	sld [smem:$0x0];
	_ =	sdelay $0x2  }
0x30: {  	s31 =	sshll.u32 s1, $0xD;
	s1 =	sshrl.u32 s1, $0x2  }
0x31: {  	s3 =	sand.u32 $0x4000, s31;
	s1 =	sadd.s32 s1, s30  }
0x32: {  	s0 =	sor.u32 s3, s0;
	s1 =	sshll.u32 s1, $0x11  }
0x33: {  	s0 =	sor.u32 s1, s0  }
0x34: {  	s0 =	sadd.s32 $0x8F2B, s0  }
0x35: {  	[sflag:s0] =	ssyncadd.remote.s32 $0x1  }
0x36: {  	_ =	sfence.sel $0xFFFF  }
0x37: {  	[dreg:$0x0] =	wrdreg $0xFFFFFFFF;
	(pc) =	sbr.abs _section_cstart, $3  }
0x38: {  	[dreg:$0x1] =	wrdreg $0xFFFFFFFF  }
0x39: {  	_ =	task.clear_ibuf [dreg:s7], $0x2FFFF;
	_ =	strace $0x9FFFFFFF  }
0x3a: {  	(tm) =	ssettm $0x7FFFFFFF  }
0x3b: {  	_ =	shalt  }
tec
execute0_lowered:
.L_overlay_start_1:
0x0: {  	(tag) =	ssettag $0x1  }
0x1: {  	s0 =	srdreg.scid  }
0x2: {  	s1 =	sshll.u32 s0, $0x4  }
0x3: {  	s2 =	rddreg [dreg:$0x0];
	s0 =	stileid.u32;
	s1 =	sand.u32 $0x10, s1  }
0x4: {  	s4 =	rddreg [dreg:$0x1];
	s7 =	simm.s32 $0x1;
	s1 =	sor.u32 s0, s1  }
0x5: {  	s8 =	simm.s32 $0x2;
	s9 =	simm.s32 $0x0;
	s3 =	sshll.u32 s1, $0x2  }
0x6: {  	s12 =	simm.s32 $0x0;
	s11 =	simm.s32 $0x0;
	s6 =	ssub.s32 $0xE00, s3  }
.Ltmp0:
0x7: {  	s4 =	sadd.s32 $0xA00, s4;
	s5 =	sand.u32 $0x7C, s6;
	(pc) =	sbr.rel .LBB1_1-.Ltmp0, $4  }
0x8: {  	s1 =	rddreg [dreg:$0x2];
	_ =	strace $0x80000047;
	p0 =	sne.s32 s5, $0x0  }
0x9: {  	s6 =	sshrl.u32 s6, $0x7;
	s5 =	simm.s32 $0x1;
	s7 =	simm.s32 @!p0 $0x0  }
0xa: {  	s10 =	smov.u32 s3;
	[sflag:s5] =	ssyncpa.u1 $0x0;
	s6 =	sadd.s32 s7, s6  }
0xb: {  	[sflag:s8] =	ssyncpa.u1 $0x0;
	s8 =	simm.s32 $0x0;
	s7 =	sadd.s32 $0x1, s6  }
.LBB1_9:
0xc: {  	s14 =	sadd.s32 $0x80, s10  }
0xd: {  	p1 =	sgt.s32 s14, $0xDFF  }
0xe: {  	s14 =	smov.u32 @p1 s3;
	p1 =	sne.s32 s11, s7  }
.Ltmp1:
0xf: {  	p0 =	slt.u32 s11, $0x2;
	(pc) =	sbr.rel @!p1 .LBB1_10-.Ltmp1, $4  }
0x10: {  	s13 =	simm.s32 @!p0 $0x2  }
0x11: {  	s15 =	sadd.s32 $0x1, s11;
	_ =	swait.ge @!p0 [sflag:s13], $0x4000  }
0x12: {  	s12 =	smov.u32 s10;
	s9 =	sadd.s32 $0x4000, s9;
	[sflag:s13] =	ssyncset.done @!p0 $0x0  }
0x13: {  	s11 =	smov.u32 s15;
	s10 =	smov.u32 s14;
	[sflag:s13] =	ssyncadd.s32 @!p0 $0xFFFFC000  }
.LBB1_1:
0x14: {  	p0 =	sge.u32 s11, s6  }
0x15: {  	s13 =	sxor.u32 @!p0 $0xFFFFFFFF, s11  }
0x16: {  	s31 =	sadd.s32 $0xFFFFFFFF, s11;
	s14 =	sshll.u32 @!p0 s10, $0x9;
	s13 =	sshll.u32 @!p0 s13, $0xE  }
0x17: {  	s15 =	simm.s32 @!p0 $0x0;
	s14 =	sadd.s32 @!p0 s2, s14;
	s13 =	sand.u32 @!p0 $0x4000, s13  }
0x18: {  	[tilespmem:s13], [sflag:$0x1] =	stream.linear.gather @!p0 [hbm4b:s14+s15], $0x4000, $0x38;
	[tilespmem:$0x10000] =	vst v63  }
0x19: {  	p0 =	sge.u32 s31, s6  }
.Ltmp2:
0x1a: {  	_ = 	snop;
	(pc) =	sbr.rel @p0 .LBB1_9-.Ltmp2, $1  }
0x1b: {  	_ =	sdelay $0x3  }
0x1c: {  	s14 =	sand.u32 $0x4000, s9  }
0x1d: {  	_ =	swait.ge [sflag:s5], $0x4000;
	s15 =	sshll.u32 s11, $0xE;
	s16 =	simm.s32 $0x0  }
0x1e: {  	s13 =	sor.u32 $0x40, s14;
	[sflag:s5] =	ssyncset.done $0x0;
	s15 =	sand.u32 $0x4000, s15  }
0x1f: {  	s14 =	sor.u32 $0x8040, s14;
	[sflag:s5] =	ssyncadd.s32 $0xFFFFC000;
	s15 =	sor.u32 $0x8000, s15  }
.LBB1_3:
0x20: {  	s17 =	smov.u32 s14;
	s18 =	smov.u32 s13;
	s19 =	simm.s32 $0x0  }
.LBB1_4:
0x21: {  	v0 =	vmov s17;
	v2 =	vld [tilespmem:s18+$0x30]  }
0x22: {  	v4 =	vld [tilespmem:s18+$0xFFFFFFD0]  }
0x23: {  	v6 =	vld [tilespmem:s18+$0xFFFFFFE0]  }
0x24: {  	v7 =	vld [tilespmem:s18+$0xFFFFFFF0]  }
0x25: {  	s20 =	simm.s32 $0x0;
	v1 =	vld [tilespmem:s18+$0x0]  }
0x26: {  	v3 =	vld [tilespmem:s18+$0x10];
	[tilespmem:v0+s20+$0x30 ss:$0x1] =	vst.idx.msk $0xffff, v2  }
0x27: {  	v5 =	vld [tilespmem:s18+$0x20];
	[tilespmem:v0+s20+$0xFFFFFFD0 ss:$0x1] =	vst.idx.msk $0xffff, v4  }
0x28: {  	s21 =	sadd.s32 $0x80, s18;
	v2 =	vld [tilespmem:s18+$0xFFFFFFC0];
	[tilespmem:v0+s20+$0xFFFFFFE0 ss:$0x1] =	vst.idx.msk $0xffff, v6  }
0x29: {  	s22 =	simm.s32 $0x800;
	s23 =	simm.s32 $0x1000;
	v4 =	vld [tilespmem:s21+$0x30];
	[tilespmem:v0+s20+$0xFFFFFFF0 ss:$0x1] =	vst.idx.msk $0xffff, v7  }
.LBB1_5:
0x2a: {  	p0 =	sne.s32 s23, $0x3800;
	v6 =	vld [tilespmem:s21+$0xFFFFFFD0];
	[tilespmem:v0+s20+$0x0 ss:$0x1] =	vst.idx.msk $0xffff, v1  }
0x2b: {  	v7 =	vld [tilespmem:s21+$0xFFFFFFE0];
	[tilespmem:v0+s20+$0x10 ss:$0x1] =	vst.idx.msk $0xffff, v3  }
0x2c: {  	v8 =	vld [tilespmem:s21+$0xFFFFFFF0];
	[tilespmem:v0+s20+$0x20 ss:$0x1] =	vst.idx.msk $0xffff, v5  }
.Ltmp3:
0x2d: {  	v1 =	vld [tilespmem:s21+$0x0];
	[tilespmem:v0+s20+$0xFFFFFFC0 ss:$0x1] =	vst.idx.msk $0xffff, v2;
	s20 =	sshra.s32 s22, $0x2;
	s22 =	smov.u32 s23;
	(pc) =	sbr.rel @p0 .LBB1_5-.Ltmp3, $4  }
0x2e: {  	v3 =	vld [tilespmem:s21+$0x10];
	[tilespmem:v0+s20+$0x30 ss:$0x1] =	vst.idx.msk $0xffff, v4  }
0x2f: {  	[tilespmem:v0+s20+$0xFFFFFFD0 ss:$0x1] =	vst.idx.msk $0xffff, v6;
	v5 =	vld [tilespmem:s21+$0x20]  }
0x30: {  	v2 =	vld [tilespmem:s21+$0xFFFFFFC0];
	[tilespmem:v0+s20+$0xFFFFFFE0 ss:$0x1] =	vst.idx.msk $0xffff, v7;
	s21 =	sadd.s32 $0x80, s21  }
0x31: {  	s23 =	sadd.s32 $0x800, s23;
	v4 =	vld [tilespmem:s21+$0x30];
	[tilespmem:v0+s20+$0xFFFFFFF0 ss:$0x1] =	vst.idx.msk $0xffff, v8  }
0x32: {  	_ =	sdelay $0x3  }
0x33: {  	v6 =	vld [tilespmem:s21+$0xFFFFFFD0];
	[tilespmem:v0+s20+$0x0 ss:$0x1] =	vst.idx.msk $0xffff, v1  }
0x34: {  	v58 =	vld [tilespmem:s21+$0xFFFFFFE0];
	[tilespmem:v0+s20+$0x10 ss:$0x1] =	vst.idx.msk $0xffff, v3  }
0x35: {  	v59 =	vld [tilespmem:s21+$0xFFFFFFF0];
	[tilespmem:v0+s20+$0x20 ss:$0x1] =	vst.idx.msk $0xffff, v5  }
0x36: {  	s22 =	sshra.s32 s22, $0x2;
	v60 =	vld [tilespmem:s21+$0x0];
	[tilespmem:v0+s20+$0xFFFFFFC0 ss:$0x1] =	vst.idx.msk $0xffff, v2  }
0x37: {  	v61 =	vld [tilespmem:s21+$0x10];
	[tilespmem:v0+s22+$0x30 ss:$0x1] =	vst.idx.msk $0xffff, v4  }
0x38: {  	v62 =	vld [tilespmem:s21+$0x20];
	s19 =	sadd.s32 $0x1, s19;
	[tilespmem:v0+s22+$0xFFFFFFD0 ss:$0x1] =	vst.idx.msk $0xffff, v6  }
0x39: {  	v63 =	vld [tilespmem:s21+$0xFFFFFFC0];
	p0 =	sne.s32 s19, $0x4;
	[tilespmem:v0+s22+$0xFFFFFFE0 ss:$0x1] =	vst.idx.msk $0xffff, v58  }
.Ltmp4:
0x3a: {  	[tilespmem:v0+s22+$0xFFFFFFF0 ss:$0x1] =	vst.idx.msk $0xffff, v59;
	(pc) =	sbr.rel @p0 .LBB1_4-.Ltmp4, $4  }
0x3b: {  	[tilespmem:v0+s22+$0x0 ss:$0x1] =	vst.idx.msk $0xffff, v60  }
0x3c: {  	[tilespmem:v0+s22+$0x10 ss:$0x1] =	vst.idx.msk $0xffff, v61  }
0x3d: {  	[tilespmem:v0+s22+$0x20 ss:$0x1] =	vst.idx.msk $0xffff, v62  }
0x3e: {  	s18 =	sadd.s32 $0x400, s18;
	s17 =	sadd.s32 $0x80, s17;
	[tilespmem:v0+s22+$0xFFFFFFC0 ss:$0x1] =	vst.idx.msk $0xffff, v63  }
0x3f: {  	s16 =	sadd.s32 $0x1, s16  }
0x40: {  	p0 =	sne.s32 s16, $0x4  }
.Ltmp5:
0x41: {  	_ = 	snop;
	(pc) =	sbr.rel @p0 .LBB1_3-.Ltmp5, $2  }
0x42: {  	_ =	sdelay $0x2  }
0x43: {  	s13 =	sadd.s32 $0x1000, s13;
	s14 =	sadd.s32 $0x1000, s14  }
.Ltmp6:
0x44: {  	(pc) =	sbr.rel .LBB1_9-.Ltmp6, $4  }
0x45: {  	_ = 	snop  }
0x46: {  	s12 =	sshll.u32 s12, $0x9  }
0x47: {  	s12 =	sadd.s32 s4, s12  }
0x48: {  	[hbm4b:s12+s8] =	stream.linear.scatter [tilespmem:s15], [sflag:$0x2], $0x4000, $0x38;
	[tilespmem:$0x10000] =	vst v63  }
.LBB1_10:
0x49: {  	_ =	sfence.sel $0x180000  }
0x4a: {  	s2 =	simm.s32 $0x1;
	[bflag:$0x0] =	sbarrier.arrive $0xFFFF  }
0x4b: {  	s31 =	simm.s32 $0x2;
	[sflag:s2] =	ssyncpa.u1 $0x1  }
0x4c: {  	[sflag:s31] =	ssyncpa.u1 $0x1  }
0x4d: {  	p0 =	sne.s32 s0, $0x0;
	_ =	strace $0x90000047  }
0x4e: {  	s0 =	sadd.s32 @!p0 $0x100000, s1;
	[bflag:$0x2] =	sbarrier.arrive $0xFFFF  }
0x4f: {  	[sflag:s0] =	ssyncadd.tile.s32 @!p0 $0x1;
	_ =	shalt  }
.Lfunc_end1:
_tile_overlayer_lowered:
.L_overlay_start_2:
0x50: {  	(tag) =	ssettag $0x2  }
0x51: {  	s0 =	rddreg [dreg:$0x0];
	s2 =	stileid.u32  }
0x52: {  	s1 =	rddreg [dreg:$0x1];
	p0 =	sne.s32 s2, $0x0  }
0x53: {  	s3 =	rddreg [dreg:$0x2];
	[bflag:$0x3] =	sbarrier.arrive $0xFFFF;
	s2 =	simm.s32 @!p0 $0x1C01  }
0x54: {  	[timem:s3], [sflag:s2] =	dma.local @!p0 [hbm:s0], s1  }
0x55: {  	s0 =	simm.s32 @!p0 $0x1  }
0x56: {  	_ =	swait.ge @!p0 [sflag:s0], s1  }
0x57: {  	s1 =	ssub.s32 @!p0 $0x0, s1;
	[sflag:s0] =	ssyncset.done @!p0 $0x0  }
0x58: {  	[sflag:s0] =	ssyncadd.s32 @!p0 s1  }
0x59: {  	[bflag:$0x3] =	sbarrier.arrive $0xFFFF  }
0x5a: {  	_ =	shalt  }

</sc_bundles>
